<compile_context>
chip_gen: v7x
topology: tpu7x:2x2x1
jax: 0.10.2.dev20260603
libtpu: 0.0.44.dev20260713+nightly
codegen_flags: <defaults>
</compile_context>

<pallas_src>
import functools

import jax
import jax.numpy as jnp
from jax import lax
from jax.experimental import pallas as pl
from jax.experimental.pallas import tpu as pltpu
from jax.experimental.pallas import tpu_sc as plsc

N_NODES = 10000
IN_DIM = 128
HID_DIM = 128
OUT_DIM = 16

NC = 2
NS = 16
NW = NC * NS
STRIPE = 640
NPAD = NS * STRIPE
BR = 2000


def _fill(ref, rows, cols, value):
    groups = cols // 16

    def body(t, carry):
        ref[t // groups, pl.ds((t % groups) * 16, 16)] = jnp.full(
            (16,), value, jnp.float32)
        return carry

    lax.fori_loop(0, rows * groups, body, 0)


def _zero_stripe(zref, rows, acc, s):
    d = zref.shape[-1]
    groups = d // 16

    def body(t, carry):
        zref[t // groups, pl.ds((t % groups) * 16, 16)] = jnp.zeros(
            (16,), jnp.float32)
        return carry

    lax.fori_loop(0, rows * groups, body, 0)
    for kk in range(STRIPE // rows):
        pltpu.sync_copy(zref, acc.at[pl.ds(s * STRIPE + kk * rows, rows)])


def _drain_stripe(acc, out_hbm, c, s, rows):
    for kk in range(STRIPE // rows):
        off = s * STRIPE + kk * rows
        pltpu.sync_copy(acc.at[pl.ds(off, rows)],
                        out_hbm.at[c, pl.ds(off, rows)])


def _edge_pipeline(z_hbm, src_v, dst_v, bufs, gsem, acc, n_blocks, nbuf):
    for b in range(nbuf):
        pltpu.async_copy(z_hbm.at[src_v.at[b]], bufs.at[b], gsem[b])

    def body(g, carry):
        for b in range(nbuf):
            j = g * nbuf + b
            pltpu.make_async_copy(
                z_hbm.at[src_v.at[j]], bufs.at[b], gsem[b]).wait()
            pltpu.sync_copy(bufs.at[b], acc.at[dst_v.at[j]], add=True)

            @pl.when(j + nbuf < n_blocks)
            def _():
                pltpu.async_copy(
                    z_hbm.at[src_v.at[j + nbuf]], bufs.at[b], gsem[b])
        return carry

    lax.fori_loop(0, n_blocks // nbuf, body, 0)


def _make_deg_kernel(n_blocks, k):
    mesh = plsc.VectorSubcoreMesh(core_axis_name="c", subcore_axis_name="s")

    @functools.partial(
        pl.kernel,
        mesh=mesh,
        out_type=jax.ShapeDtypeStruct((NC, NPAD, 16), jnp.float32),
        scratch_types=[
            pltpu.VMEM((n_blocks, k), jnp.int32),
            pltpu.VMEM((k, 16), jnp.float32),
            pltpu.VMEM_SHARED((NPAD, 16), jnp.float32),
        ],
        compiler_params=pltpu.CompilerParams(use_tc_tiling_on_sc=False),
    )
    def deg_kernel(dst_hbm, out_hbm, dst_v, ones_v, acc):
        c = lax.axis_index("c")
        s = lax.axis_index("s")
        wid = c * NS + s
        _zero_stripe(ones_v, k, acc, s)
        _fill(ones_v, k, 16, 1.0)
        pltpu.sync_copy(dst_hbm.at[wid], dst_v)
        plsc.subcore_barrier()

        def body(j, carry):
            pltpu.sync_copy(ones_v, acc.at[dst_v.at[j]], add=True)
            return carry

        lax.fori_loop(0, n_blocks, body, 0)
        plsc.subcore_barrier()
        _drain_stripe(acc, out_hbm, c, s, k)

    return deg_kernel


SLOW_CORE = 1


def _make_agg_kernel(nb_fast, nb_slow, d, k, nbuf, nbuf_slow=None, phases=1):
    nbuf_slow = nbuf if nbuf_slow is None else nbuf_slow
    nb_f = nb_fast // phases
    nb_s = nb_slow // phases
    assert nb_fast % phases == 0 and nb_slow % phases == 0
    assert nb_f % nbuf == 0 and nb_s % nbuf_slow == 0 and STRIPE % k == 0
    nb_max = max(nb_f, nb_s)
    mesh = plsc.VectorSubcoreMesh(core_axis_name="c", subcore_axis_name="s")

    @functools.partial(
        pl.kernel,
        mesh=mesh,
        out_type=jax.ShapeDtypeStruct((NC, NPAD, d), jnp.float32),
        scratch_types=[
            pltpu.VMEM((nb_max, k), jnp.int32),
            pltpu.VMEM((nb_max, k), jnp.int32),
            pltpu.VMEM((nbuf, k, d), jnp.float32),
            pltpu.VMEM_SHARED((NPAD, d), jnp.float32),
        ] + [pltpu.SemaphoreType.DMA] * nbuf,
        compiler_params=pltpu.CompilerParams(use_tc_tiling_on_sc=False),
    )
    def agg_kernel(z_hbm, srcf_hbm, dstf_hbm, srcs_hbm, dsts_hbm, out_hbm,
                   src_v, dst_v, bufs, acc, *gsem):
        c = lax.axis_index("c")
        s = lax.axis_index("s")
        _zero_stripe(bufs.at[0], k, acc, s)
        plsc.subcore_barrier()

        for p in range(phases):
            @pl.when(c != SLOW_CORE)
            def _():
                pltpu.sync_copy(srcf_hbm.at[s, pl.ds(p * nb_f, nb_f)],
                                src_v.at[pl.ds(0, nb_f)])
                pltpu.sync_copy(dstf_hbm.at[s, pl.ds(p * nb_f, nb_f)],
                                dst_v.at[pl.ds(0, nb_f)])
                _edge_pipeline(z_hbm, src_v, dst_v, bufs, gsem, acc,
                               nb_f, nbuf)

            @pl.when(c == SLOW_CORE)
            def _():
                pltpu.sync_copy(srcs_hbm.at[s, pl.ds(p * nb_s, nb_s)],
                                src_v.at[pl.ds(0, nb_s)])
                pltpu.sync_copy(dsts_hbm.at[s, pl.ds(p * nb_s, nb_s)],
                                dst_v.at[pl.ds(0, nb_s)])
                _edge_pipeline(z_hbm, src_v, dst_v, bufs, gsem, acc,
                               nb_s, nbuf_slow)

        plsc.subcore_barrier()
        _drain_stripe(acc, out_hbm, c, s, k)

    return agg_kernel


def _dinv_of(d0, d1):
    return lax.rsqrt(1.0 + d0[0][:, :1] + d1[0][:, :1])


def _mm1_body(x_ref, d0_ref, d1_ref, w_ref, o_ref):
    dinv = _dinv_of(d0_ref[...], d1_ref[...])
    y = jnp.dot(x_ref[...], w_ref[...], preferred_element_type=jnp.float32)
    o_ref[...] = y * dinv


def _fuse_body(p0_ref, p1_ref, z1_ref, d0_ref, d1_ref, b1_ref, w2_ref, o_ref):
    dinv = _dinv_of(d0_ref[...], d1_ref[...])
    h = dinv * (p0_ref[0] + p1_ref[0] + z1_ref[...]) + b1_ref[...]
    h = jnp.maximum(h, 0.0)
    y2 = jnp.dot(h, w2_ref[...], preferred_element_type=jnp.float32)
    o_ref[...] = y2 * dinv


def _fin_body(q0_ref, q1_ref, z2_ref, d0_ref, d1_ref, b2_ref, o_ref):
    dinv = _dinv_of(d0_ref[...], d1_ref[...])
    o_ref[...] = dinv * (q0_ref[0] + q1_ref[0] + z2_ref[...]) + b2_ref[...]


def _row_spec(cols):
    return pl.BlockSpec((BR, cols), lambda i: (i, 0))


def _part_spec(cols, which):
    if which == 0:
        return pl.BlockSpec((1, BR, cols), lambda i: (0, i, 0))
    return pl.BlockSpec((1, BR, cols), lambda i: (1, i, 0))


def _full_spec(rows, cols):
    return pl.BlockSpec((rows, cols), lambda i: (0, 0))


def _split_views(flat, nb_fast, nb_slow, k):
    cut = NS * nb_fast * k
    fast = flat[:cut].reshape(NS, nb_fast, k)
    slow = flat[cut:cut + NS * nb_slow * k].reshape(NS, nb_slow, k)
    return fast, slow


def kernel(x, edge_index, W1, b1, W2, b2):
    src = edge_index[0].astype(jnp.int32)
    dst = edge_index[1].astype(jnp.int32)
    e = src.shape[0]

    K1, NBUF1 = 64, 2
    NB1_FAST, NB1_SLOW = 236, 78
    K2, NBUF2 = 128, 4
    NB2_FAST, NB2_SLOW = 132, 28
    nbd = -(-e // (NW * K2))
    slots = NS * (NB2_FAST + NB2_SLOW) * K2
    src_p = jnp.concatenate([src, jnp.zeros((slots - e,), jnp.int32)])
    dst_p = jnp.concatenate([dst, jnp.full((slots - e,), N_NODES, jnp.int32)])
    src_1f, src_1s = _split_views(src_p, NB1_FAST, NB1_SLOW, K1)
    dst_1f, dst_1s = _split_views(dst_p, NB1_FAST, NB1_SLOW, K1)
    src_2f, src_2s = _split_views(src_p, NB2_FAST, NB2_SLOW, K2)
    dst_2f, dst_2s = _split_views(dst_p, NB2_FAST, NB2_SLOW, K2)
    dst_d = dst_p[:NW * nbd * K2].reshape(NW, nbd, K2)

    degp = _make_deg_kernel(nbd, K2)(dst_d)

    grid = (N_NODES // BR,)
    z1 = pl.pallas_call(
        _mm1_body,
        grid=grid,
        in_specs=[_row_spec(IN_DIM), _part_spec(16, 0), _part_spec(16, 1),
                  _full_spec(IN_DIM, HID_DIM)],
        out_specs=_row_spec(HID_DIM),
        out_shape=jax.ShapeDtypeStruct((N_NODES, HID_DIM), jnp.float32),
    )(x, degp, degp, W1)

    agg1 = _make_agg_kernel(NB1_FAST, NB1_SLOW, HID_DIM, K1, NBUF1)(
        z1, src_1f, dst_1f, src_1s, dst_1s)

    z2 = pl.pallas_call(
        _fuse_body,
        grid=grid,
        in_specs=[_part_spec(HID_DIM, 0), _part_spec(HID_DIM, 1),
                  _row_spec(HID_DIM), _part_spec(16, 0), _part_spec(16, 1),
                  _full_spec(1, HID_DIM), _full_spec(HID_DIM, OUT_DIM)],
        out_specs=_row_spec(OUT_DIM),
        out_shape=jax.ShapeDtypeStruct((N_NODES, OUT_DIM), jnp.float32),
    )(agg1, agg1, z1, degp, degp, b1.reshape(1, HID_DIM), W2)

    agg2 = _make_agg_kernel(NB2_FAST, NB2_SLOW, OUT_DIM, K2, NBUF2)(
        z2, src_2f, dst_2f, src_2s, dst_2s)

    out = pl.pallas_call(
        _fin_body,
        grid=grid,
        in_specs=[_part_spec(OUT_DIM, 0), _part_spec(OUT_DIM, 1),
                  _row_spec(OUT_DIM), _part_spec(16, 0), _part_spec(16, 1),
                  _full_spec(1, OUT_DIM)],
        out_specs=_row_spec(OUT_DIM),
        out_shape=jax.ShapeDtypeStruct((N_NODES, OUT_DIM), jnp.float32),
    )(agg2, agg2, z2, degp, degp, b2.reshape(1, OUT_DIM))

    return out

# --- scband reference (transcript-rebuilt; emitter-appended) ---
"""Pipeline reference for scband-gcnclassifier-58780922413863 (READ-ONLY COPY).

The authoritative reference and input builder live on the scoring server;
editing this copy changes nothing except your own understanding.
"""

import jax, jax.numpy as jnp
import numpy as np

N_NODES = 10000
N_EDGES = 320000
IN_DIM = 128
HID_DIM = 128
OUT_DIM = 16


def _gcn_conv(x, src, dst, W, b, num_nodes):
    # PyG-style GCNConv: add self-loops, symmetric normalization D^-1/2 (A+I) D^-1/2 x W + b
    loop = jnp.arange(num_nodes, dtype=src.dtype)
    src = jnp.concatenate([src, loop])
    dst = jnp.concatenate([dst, loop])
    x = x @ W
    deg = jnp.zeros((num_nodes,), dtype=x.dtype).at[dst].add(1.0)
    dinv = jnp.where(deg > 0, deg ** -0.5, 0.0)
    norm = dinv[src] * dinv[dst]
    msg = x[src] * norm[:, None]
    out = jnp.zeros((num_nodes, x.shape[1]), dtype=x.dtype).at[dst].add(msg)
    return out + b


def setup_inputs(seed: int = 0) -> dict:
    key = jax.random.key(seed)
    k1, k2, k3, k4, k5, k6 = jax.random.split(key, 6)
    x = jax.random.normal(k1, (N_NODES, IN_DIM), dtype=jnp.float32)
    edge_index = jax.random.randint(k2, (2, N_EDGES), 0, N_NODES, dtype=jnp.int64)
    s1 = (1.0 / IN_DIM) ** 0.5
    W1 = jax.random.uniform(k3, (IN_DIM, HID_DIM), dtype=jnp.float32, minval=-s1, maxval=s1)
    b1 = jnp.zeros((HID_DIM,), dtype=jnp.float32)
    s2 = (1.0 / HID_DIM) ** 0.5
    W2 = jax.random.uniform(k4, (HID_DIM, OUT_DIM), dtype=jnp.float32, minval=-s2, maxval=s2)
    b2 = jnp.zeros((OUT_DIM,), dtype=jnp.float32)
    return {"x": x, "edge_index": edge_index, "W1": W1, "b1": b1, "W2": W2, "b2": b2}


def reference(x, edge_index, W1, b1, W2, b2):
    src, dst = edge_index[0], edge_index[1]
    h = _gcn_conv(x, src, dst, W1, b1, N_NODES)
    h = jax.nn.relu(h)
    # dropout(p=0.5) is identity in eval mode (training=False)
    out = _gcn_conv(h, src, dst, W2, b2, N_NODES)
    return out

if __name__ == "__main__":
    import jax
    _d = setup_inputs()
    print(jax.jit(kernel)(*tuple(_d.values())))

</pallas_src>

<mosaic_0001>
#map = affine_map<(d0, d1) -> (0, 0, 0)>
module attributes {stable_mosaic.version = 14 : i64} {
  func.func @deg_kernel(%arg0: i32, %arg1: i32, %arg2: memref<32x79x128xi32, #tpu.memory_space<hbm>>, %arg3: memref<2x10240x16xf32, #tpu.memory_space<hbm>>, %arg4: memref<79x128xi32, #tpu.memory_space<vmem>>, %arg5: memref<128x16xf32, #tpu.memory_space<vmem>>, %arg6: memref<10240x16xf32, #tpu.memory_space<vmem_shared>>) attributes {dimension_semantics = [#tpu.dimension_semantics<core_parallel>, #tpu.dimension_semantics<subcore_parallel>], iteration_bounds = array<i64: 2, 16>, scalar_prefetch = 0 : i64, scratch_operands = 3 : i64, tpu.core_type = #tpu.core_type<sc_vector_subcore>, window_params = [{transform_indices = #map}, {transform_indices = #map}]} {
    %mul3A = arith.constant 16 : i32
    %mul3A_0 = arith.muli %arg0, %mul3A : i32
    %add3A = arith.addi %mul3A_0, %arg1 : i32
    %scan3A = arith.constant 0 : i32
    %scan3A_1 = arith.constant 0 : i32
    %scan3A_2 = arith.constant 128 : i32
    %scan3A_3 = arith.addi %scan3A_1, %scan3A_2 : i32
    %scan3A_4 = arith.constant 1 : i32
    scf.for %scan3A_59 = %scan3A_1 to %scan3A_3 step %scan3A_4  : i32 {
      %broadcast_in_dim3A = arith.constant 0.000000e+00 : f32
      %broadcast_in_dim3A_60 = vector.broadcast %broadcast_in_dim3A : f32 to vector<16xf32>
      %jit3A = arith.constant 1 : i32
      %div3A = arith.divsi %scan3A_59, %jit3A : i32
      %sign3A = arith.constant 0 : i32
      %sign3A_61 = arith.cmpi sgt, %scan3A_59, %sign3A : i32
      %sign3A_62 = arith.extui %sign3A_61 : i1 to i32
      %sign3A_63 = arith.constant 0 : i32
      %sign3A_64 = arith.cmpi slt, %scan3A_59, %sign3A_63 : i32
      %sign3A_65 = arith.extui %sign3A_64 : i1 to i32
      %sign3A_66 = arith.subi %sign3A_62, %sign3A_65 : i32
      %sign3A_67 = arith.constant 0 : i32
      %sign3A_68 = arith.cmpi sgt, %jit3A, %sign3A_67 : i32
      %sign3A_69 = arith.extui %sign3A_68 : i1 to i32
      %sign3A_70 = arith.constant 0 : i32
      %sign3A_71 = arith.cmpi slt, %jit3A, %sign3A_70 : i32
      %sign3A_72 = arith.extui %sign3A_71 : i1 to i32
      %sign3A_73 = arith.subi %sign3A_69, %sign3A_72 : i32
      %ne3A = arith.cmpi ne, %sign3A_66, %sign3A_73 : i32
      %rem3A = arith.remsi %scan3A_59, %jit3A : i32
      %ne3A_74 = arith.constant 0 : i32
      %ne3A_75 = arith.cmpi ne, %rem3A, %ne3A_74 : i32
      %and3A = arith.andi %ne3A, %ne3A_75 : i1
      %sub3A = arith.constant 1 : i32
      %sub3A_76 = arith.subi %div3A, %sub3A : i32
      %select_n3A = arith.select %and3A, %sub3A_76, %div3A : i32
      %jit3A_77 = arith.constant 1 : i32
      %eq3A = arith.constant 0 : i32
      %eq3A_78 = arith.cmpi eq, %jit3A_77, %eq3A : i32
      %jit3A_79 = arith.constant 1 : i32
      %select_n3A_80 = arith.select %eq3A_78, %jit3A_79, %jit3A_77 : i32
      %rem3A_81 = arith.remsi %scan3A_59, %select_n3A_80 : i32
      %ne3A_82 = arith.constant 0 : i32
      %ne3A_83 = arith.cmpi ne, %rem3A_81, %ne3A_82 : i32
      %lt3A = arith.constant 0 : i32
      %lt3A_84 = arith.cmpi slt, %rem3A_81, %lt3A : i32
      %lt3A_85 = arith.constant 0 : i32
      %lt3A_86 = arith.cmpi slt, %select_n3A_80, %lt3A_85 : i32
      %ne3A_87 = arith.xori %lt3A_84, %lt3A_86 : i1
      %and3A_88 = arith.andi %ne3A_87, %ne3A_83 : i1
      %add3A_89 = arith.addi %rem3A_81, %select_n3A_80 : i32
      %select_n3A_90 = arith.select %and3A_88, %add3A_89, %rem3A_81 : i32
      %mul3A_91 = arith.constant 16 : i32
      %mul3A_92 = arith.muli %select_n3A_90, %mul3A_91 : i32
      %swap3A = arith.index_cast %select_n3A : i32 to index
      %swap3A_93 = arith.index_cast %mul3A_92 : i32 to index
      %swap3A_94 = tpu.vector_load %arg5[%swap3A, %swap3A_93] {strides = array<i32>} : memref<128x16xf32, #tpu.memory_space<vmem>>, vector<1x16xf32>,
      %swap3A_95 = vector.shape_cast %swap3A_94 : vector<1x16xf32> to vector<16xf32>
      %swap3A_96 = vector.shape_cast %broadcast_in_dim3A_60 : vector<16xf32> to vector<1x16xf32>
      tpu.vector_store %arg5[%swap3A, %swap3A_93], %swap3A_96 {strides = array<i32>} : memref<128x16xf32, #tpu.memory_space<vmem>>, vector<1x16xf32>,
    }
    %scan3A_5 = arith.constant 128 : i32
    %mul3A_6 = arith.constant 640 : i32
    %mul3A_7 = arith.muli %arg1, %mul3A_6 : i32
    %add3A_8 = arith.constant 0 : i32
    %add3A_9 = arith.addi %mul3A_7, %add3A_8 : i32
    "tpu.region"() ({
      %run_scoped3A = tpu.sem_alloc : memref<!tpu.dma_semaphore, #tpu.memory_space<semaphore_mem>>
      %dma_start3A = arith.constant 0 : i32
      %dma_start3A_59 = tpu.memref_slice %arg6[%add3A_9, %dma_start3A] : memref<10240x16xf32, #tpu.memory_space<vmem_shared>> -> memref<128x16xf32, #tpu.memory_space<vmem_shared>>
      %dma_start3A_60 = arith.constant 0 : i32
      %dma_start3A_61 = tpu.memref_slice %arg6[%add3A_9, %dma_start3A_60] : memref<10240x16xf32, #tpu.memory_space<vmem_shared>> -> memref<128x16xf32, #tpu.memory_space<vmem_shared>>
      tpu.enqueue_dma source(%arg5 : memref<128x16xf32, #tpu.memory_space<vmem>>) target(%dma_start3A_61 : memref<128x16xf32, #tpu.memory_space<vmem_shared>>) target_semaphore(%run_scoped3A : memref<!tpu.dma_semaphore, #tpu.memory_space<semaphore_mem>>)
      %dma_wait3A = arith.constant 0 : i32
      %dma_wait3A_62 = tpu.memref_slice %arg6[%add3A_9, %dma_wait3A] : memref<10240x16xf32, #tpu.memory_space<vmem_shared>> -> memref<128x16xf32, #tpu.memory_space<vmem_shared>>
      %dma_wait3A_63 = arith.constant 0 : i32
      %dma_wait3A_64 = tpu.memref_slice %arg6[%add3A_9, %dma_wait3A_63] : memref<10240x16xf32, #tpu.memory_space<vmem_shared>> -> memref<128x16xf32, #tpu.memory_space<vmem_shared>>
      tpu.wait_dma2 semaphore(%run_scoped3A : memref<!tpu.dma_semaphore, #tpu.memory_space<semaphore_mem>>) src(%arg5 : memref<128x16xf32, #tpu.memory_space<vmem>>) dst(%dma_wait3A_64 : memref<128x16xf32, #tpu.memory_space<vmem_shared>>)
      tpu.yield
    }) : () -> ()
    %mul3A_10 = arith.constant 640 : i32
    %mul3A_11 = arith.muli %arg1, %mul3A_10 : i32
    %add3A_12 = arith.constant 128 : i32
    %add3A_13 = arith.addi %mul3A_11, %add3A_12 : i32
    "tpu.region"() ({
      %run_scoped3A = tpu.sem_alloc : memref<!tpu.dma_semaphore, #tpu.memory_space<semaphore_mem>>
      %dma_start3A = arith.constant 0 : i32
      %dma_start3A_59 = tpu.memref_slice %arg6[%add3A_13, %dma_start3A] : memref<10240x16xf32, #tpu.memory_space<vmem_shared>> -> memref<128x16xf32, #tpu.memory_space<vmem_shared>>
      %dma_start3A_60 = arith.constant 0 : i32
      %dma_start3A_61 = tpu.memref_slice %arg6[%add3A_13, %dma_start3A_60] : memref<10240x16xf32, #tpu.memory_space<vmem_shared>> -> memref<128x16xf32, #tpu.memory_space<vmem_shared>>
      tpu.enqueue_dma source(%arg5 : memref<128x16xf32, #tpu.memory_space<vmem>>) target(%dma_start3A_61 : memref<128x16xf32, #tpu.memory_space<vmem_shared>>) target_semaphore(%run_scoped3A : memref<!tpu.dma_semaphore, #tpu.memory_space<semaphore_mem>>)
      %dma_wait3A = arith.constant 0 : i32
      %dma_wait3A_62 = tpu.memref_slice %arg6[%add3A_13, %dma_wait3A] : memref<10240x16xf32, #tpu.memory_space<vmem_shared>> -> memref<128x16xf32, #tpu.memory_space<vmem_shared>>
      %dma_wait3A_63 = arith.constant 0 : i32
      %dma_wait3A_64 = tpu.memref_slice %arg6[%add3A_13, %dma_wait3A_63] : memref<10240x16xf32, #tpu.memory_space<vmem_shared>> -> memref<128x16xf32, #tpu.memory_space<vmem_shared>>
      tpu.wait_dma2 semaphore(%run_scoped3A : memref<!tpu.dma_semaphore, #tpu.memory_space<semaphore_mem>>) src(%arg5 : memref<128x16xf32, #tpu.memory_space<vmem>>) dst(%dma_wait3A_64 : memref<128x16xf32, #tpu.memory_space<vmem_shared>>)
      tpu.yield
    }) : () -> ()
    %mul3A_14 = arith.constant 640 : i32
    %mul3A_15 = arith.muli %arg1, %mul3A_14 : i32
    %add3A_16 = arith.constant 256 : i32
    %add3A_17 = arith.addi %mul3A_15, %add3A_16 : i32
    "tpu.region"() ({
      %run_scoped3A = tpu.sem_alloc : memref<!tpu.dma_semaphore, #tpu.memory_space<semaphore_mem>>
      %dma_start3A = arith.constant 0 : i32
      %dma_start3A_59 = tpu.memref_slice %arg6[%add3A_17, %dma_start3A] : memref<10240x16xf32, #tpu.memory_space<vmem_shared>> -> memref<128x16xf32, #tpu.memory_space<vmem_shared>>
      %dma_start3A_60 = arith.constant 0 : i32
      %dma_start3A_61 = tpu.memref_slice %arg6[%add3A_17, %dma_start3A_60] : memref<10240x16xf32, #tpu.memory_space<vmem_shared>> -> memref<128x16xf32, #tpu.memory_space<vmem_shared>>
      tpu.enqueue_dma source(%arg5 : memref<128x16xf32, #tpu.memory_space<vmem>>) target(%dma_start3A_61 : memref<128x16xf32, #tpu.memory_space<vmem_shared>>) target_semaphore(%run_scoped3A : memref<!tpu.dma_semaphore, #tpu.memory_space<semaphore_mem>>)
      %dma_wait3A = arith.constant 0 : i32
      %dma_wait3A_62 = tpu.memref_slice %arg6[%add3A_17, %dma_wait3A] : memref<10240x16xf32, #tpu.memory_space<vmem_shared>> -> memref<128x16xf32, #tpu.memory_space<vmem_shared>>
      %dma_wait3A_63 = arith.constant 0 : i32
      %dma_wait3A_64 = tpu.memref_slice %arg6[%add3A_17, %dma_wait3A_63] : memref<10240x16xf32, #tpu.memory_space<vmem_shared>> -> memref<128x16xf32, #tpu.memory_space<vmem_shared>>
      tpu.wait_dma2 semaphore(%run_scoped3A : memref<!tpu.dma_semaphore, #tpu.memory_space<semaphore_mem>>) src(%arg5 : memref<128x16xf32, #tpu.memory_space<vmem>>) dst(%dma_wait3A_64 : memref<128x16xf32, #tpu.memory_space<vmem_shared>>)
      tpu.yield
    }) : () -> ()
    %mul3A_18 = arith.constant 640 : i32
    %mul3A_19 = arith.muli %arg1, %mul3A_18 : i32
    %add3A_20 = arith.constant 384 : i32
    %add3A_21 = arith.addi %mul3A_19, %add3A_20 : i32
    "tpu.region"() ({
      %run_scoped3A = tpu.sem_alloc : memref<!tpu.dma_semaphore, #tpu.memory_space<semaphore_mem>>
      %dma_start3A = arith.constant 0 : i32
      %dma_start3A_59 = tpu.memref_slice %arg6[%add3A_21, %dma_start3A] : memref<10240x16xf32, #tpu.memory_space<vmem_shared>> -> memref<128x16xf32, #tpu.memory_space<vmem_shared>>
      %dma_start3A_60 = arith.constant 0 : i32
      %dma_start3A_61 = tpu.memref_slice %arg6[%add3A_21, %dma_start3A_60] : memref<10240x16xf32, #tpu.memory_space<vmem_shared>> -> memref<128x16xf32, #tpu.memory_space<vmem_shared>>
      tpu.enqueue_dma source(%arg5 : memref<128x16xf32, #tpu.memory_space<vmem>>) target(%dma_start3A_61 : memref<128x16xf32, #tpu.memory_space<vmem_shared>>) target_semaphore(%run_scoped3A : memref<!tpu.dma_semaphore, #tpu.memory_space<semaphore_mem>>)
      %dma_wait3A = arith.constant 0 : i32
      %dma_wait3A_62 = tpu.memref_slice %arg6[%add3A_21, %dma_wait3A] : memref<10240x16xf32, #tpu.memory_space<vmem_shared>> -> memref<128x16xf32, #tpu.memory_space<vmem_shared>>
      %dma_wait3A_63 = arith.constant 0 : i32
      %dma_wait3A_64 = tpu.memref_slice %arg6[%add3A_21, %dma_wait3A_63] : memref<10240x16xf32, #tpu.memory_space<vmem_shared>> -> memref<128x16xf32, #tpu.memory_space<vmem_shared>>
      tpu.wait_dma2 semaphore(%run_scoped3A : memref<!tpu.dma_semaphore, #tpu.memory_space<semaphore_mem>>) src(%arg5 : memref<128x16xf32, #tpu.memory_space<vmem>>) dst(%dma_wait3A_64 : memref<128x16xf32, #tpu.memory_space<vmem_shared>>)
      tpu.yield
    }) : () -> ()
    %mul3A_22 = arith.constant 640 : i32
    %mul3A_23 = arith.muli %arg1, %mul3A_22 : i32
    %add3A_24 = arith.constant 512 : i32
    %add3A_25 = arith.addi %mul3A_23, %add3A_24 : i32
    "tpu.region"() ({
      %run_scoped3A = tpu.sem_alloc : memref<!tpu.dma_semaphore, #tpu.memory_space<semaphore_mem>>
      %dma_start3A = arith.constant 0 : i32
      %dma_start3A_59 = tpu.memref_slice %arg6[%add3A_25, %dma_start3A] : memref<10240x16xf32, #tpu.memory_space<vmem_shared>> -> memref<128x16xf32, #tpu.memory_space<vmem_shared>>
      %dma_start3A_60 = arith.constant 0 : i32
      %dma_start3A_61 = tpu.memref_slice %arg6[%add3A_25, %dma_start3A_60] : memref<10240x16xf32, #tpu.memory_space<vmem_shared>> -> memref<128x16xf32, #tpu.memory_space<vmem_shared>>
      tpu.enqueue_dma source(%arg5 : memref<128x16xf32, #tpu.memory_space<vmem>>) target(%dma_start3A_61 : memref<128x16xf32, #tpu.memory_space<vmem_shared>>) target_semaphore(%run_scoped3A : memref<!tpu.dma_semaphore, #tpu.memory_space<semaphore_mem>>)
      %dma_wait3A = arith.constant 0 : i32
      %dma_wait3A_62 = tpu.memref_slice %arg6[%add3A_25, %dma_wait3A] : memref<10240x16xf32, #tpu.memory_space<vmem_shared>> -> memref<128x16xf32, #tpu.memory_space<vmem_shared>>
      %dma_wait3A_63 = arith.constant 0 : i32
      %dma_wait3A_64 = tpu.memref_slice %arg6[%add3A_25, %dma_wait3A_63] : memref<10240x16xf32, #tpu.memory_space<vmem_shared>> -> memref<128x16xf32, #tpu.memory_space<vmem_shared>>
      tpu.wait_dma2 semaphore(%run_scoped3A : memref<!tpu.dma_semaphore, #tpu.memory_space<semaphore_mem>>) src(%arg5 : memref<128x16xf32, #tpu.memory_space<vmem>>) dst(%dma_wait3A_64 : memref<128x16xf32, #tpu.memory_space<vmem_shared>>)
      tpu.yield
    }) : () -> ()
    %scan3A_26 = arith.constant 0 : i32
    %scan3A_27 = arith.constant 0 : i32
    %scan3A_28 = arith.constant 128 : i32
    %scan3A_29 = arith.addi %scan3A_27, %scan3A_28 : i32
    %scan3A_30 = arith.constant 1 : i32
    scf.for %scan3A_59 = %scan3A_27 to %scan3A_29 step %scan3A_30  : i32 {
      %broadcast_in_dim3A = arith.constant 1.000000e+00 : f32
      %broadcast_in_dim3A_60 = vector.broadcast %broadcast_in_dim3A : f32 to vector<16xf32>
      %jit3A = arith.constant 1 : i32
      %div3A = arith.divsi %scan3A_59, %jit3A : i32
      %sign3A = arith.constant 0 : i32
      %sign3A_61 = arith.cmpi sgt, %scan3A_59, %sign3A : i32
      %sign3A_62 = arith.extui %sign3A_61 : i1 to i32
      %sign3A_63 = arith.constant 0 : i32
      %sign3A_64 = arith.cmpi slt, %scan3A_59, %sign3A_63 : i32
      %sign3A_65 = arith.extui %sign3A_64 : i1 to i32
      %sign3A_66 = arith.subi %sign3A_62, %sign3A_65 : i32
      %sign3A_67 = arith.constant 0 : i32
      %sign3A_68 = arith.cmpi sgt, %jit3A, %sign3A_67 : i32
      %sign3A_69 = arith.extui %sign3A_68 : i1 to i32
      %sign3A_70 = arith.constant 0 : i32
      %sign3A_71 = arith.cmpi slt, %jit3A, %sign3A_70 : i32
      %sign3A_72 = arith.extui %sign3A_71 : i1 to i32
      %sign3A_73 = arith.subi %sign3A_69, %sign3A_72 : i32
      %ne3A = arith.cmpi ne, %sign3A_66, %sign3A_73 : i32
      %rem3A = arith.remsi %scan3A_59, %jit3A : i32
      %ne3A_74 = arith.constant 0 : i32
      %ne3A_75 = arith.cmpi ne, %rem3A, %ne3A_74 : i32
      %and3A = arith.andi %ne3A, %ne3A_75 : i1
      %sub3A = arith.constant 1 : i32
      %sub3A_76 = arith.subi %div3A, %sub3A : i32
      %select_n3A = arith.select %and3A, %sub3A_76, %div3A : i32
      %jit3A_77 = arith.constant 1 : i32
      %eq3A = arith.constant 0 : i32
      %eq3A_78 = arith.cmpi eq, %jit3A_77, %eq3A : i32
      %jit3A_79 = arith.constant 1 : i32
      %select_n3A_80 = arith.select %eq3A_78, %jit3A_79, %jit3A_77 : i32
      %rem3A_81 = arith.remsi %scan3A_59, %select_n3A_80 : i32
      %ne3A_82 = arith.constant 0 : i32
      %ne3A_83 = arith.cmpi ne, %rem3A_81, %ne3A_82 : i32
      %lt3A = arith.constant 0 : i32
      %lt3A_84 = arith.cmpi slt, %rem3A_81, %lt3A : i32
      %lt3A_85 = arith.constant 0 : i32
      %lt3A_86 = arith.cmpi slt, %select_n3A_80, %lt3A_85 : i32
      %ne3A_87 = arith.xori %lt3A_84, %lt3A_86 : i1
      %and3A_88 = arith.andi %ne3A_87, %ne3A_83 : i1
      %add3A_89 = arith.addi %rem3A_81, %select_n3A_80 : i32
      %select_n3A_90 = arith.select %and3A_88, %add3A_89, %rem3A_81 : i32
      %mul3A_91 = arith.constant 16 : i32
      %mul3A_92 = arith.muli %select_n3A_90, %mul3A_91 : i32
      %swap3A = arith.index_cast %select_n3A : i32 to index
      %swap3A_93 = arith.index_cast %mul3A_92 : i32 to index
      %swap3A_94 = tpu.vector_load %arg5[%swap3A, %swap3A_93] {strides = array<i32>} : memref<128x16xf32, #tpu.memory_space<vmem>>, vector<1x16xf32>,
      %swap3A_95 = vector.shape_cast %swap3A_94 : vector<1x16xf32> to vector<16xf32>
      %swap3A_96 = vector.shape_cast %broadcast_in_dim3A_60 : vector<16xf32> to vector<1x16xf32>
      tpu.vector_store %arg5[%swap3A, %swap3A_93], %swap3A_96 {strides = array<i32>} : memref<128x16xf32, #tpu.memory_space<vmem>>, vector<1x16xf32>,
    }
    %scan3A_31 = arith.constant 128 : i32
    "tpu.region"() ({
      %run_scoped3A = tpu.sem_alloc : memref<!tpu.dma_semaphore, #tpu.memory_space<semaphore_mem>>
      %dma_start3A = arith.constant 0 : i32
      %dma_start3A_59 = arith.constant 0 : i32
      %dma_start3A_60 = tpu.memref_slice %arg2[%add3A, %dma_start3A, %dma_start3A_59] : memref<32x79x128xi32, #tpu.memory_space<hbm>> -> memref<1x79x128xi32, #tpu.memory_space<hbm>>
      %dma_start3A_61 = tpu.memref_squeeze %dma_start3A_60 : memref<1x79x128xi32, #tpu.memory_space<hbm>> -> memref<79x128xi32, #tpu.memory_space<hbm>>
      %dma_start3A_62 = arith.constant 0 : i32
      %dma_start3A_63 = arith.constant 0 : i32
      %dma_start3A_64 = tpu.memref_slice %arg2[%add3A, %dma_start3A_62, %dma_start3A_63] : memref<32x79x128xi32, #tpu.memory_space<hbm>> -> memref<1x79x128xi32, #tpu.memory_space<hbm>>
      %dma_start3A_65 = tpu.memref_squeeze %dma_start3A_64 : memref<1x79x128xi32, #tpu.memory_space<hbm>> -> memref<79x128xi32, #tpu.memory_space<hbm>>
      tpu.enqueue_dma source(%dma_start3A_65 : memref<79x128xi32, #tpu.memory_space<hbm>>) target(%arg4 : memref<79x128xi32, #tpu.memory_space<vmem>>) target_semaphore(%run_scoped3A : memref<!tpu.dma_semaphore, #tpu.memory_space<semaphore_mem>>)
      %dma_wait3A = arith.constant 0 : i32
      %dma_wait3A_66 = arith.constant 0 : i32
      %dma_wait3A_67 = tpu.memref_slice %arg2[%add3A, %dma_wait3A, %dma_wait3A_66] : memref<32x79x128xi32, #tpu.memory_space<hbm>> -> memref<1x79x128xi32, #tpu.memory_space<hbm>>
      %dma_wait3A_68 = tpu.memref_squeeze %dma_wait3A_67 : memref<1x79x128xi32, #tpu.memory_space<hbm>> -> memref<79x128xi32, #tpu.memory_space<hbm>>
      %dma_wait3A_69 = arith.constant 0 : i32
      %dma_wait3A_70 = arith.constant 0 : i32
      %dma_wait3A_71 = tpu.memref_slice %arg2[%add3A, %dma_wait3A_69, %dma_wait3A_70] : memref<32x79x128xi32, #tpu.memory_space<hbm>> -> memref<1x79x128xi32, #tpu.memory_space<hbm>>
      %dma_wait3A_72 = tpu.memref_squeeze %dma_wait3A_71 : memref<1x79x128xi32, #tpu.memory_space<hbm>> -> memref<79x128xi32, #tpu.memory_space<hbm>>
      tpu.wait_dma2 semaphore(%run_scoped3A : memref<!tpu.dma_semaphore, #tpu.memory_space<semaphore_mem>>) src(%dma_wait3A_72 : memref<79x128xi32, #tpu.memory_space<hbm>>) dst(%arg4 : memref<79x128xi32, #tpu.memory_space<vmem>>)
      tpu.yield
    }) : () -> ()
    %barrier3A = arith.constant 0 : index
    tpu.barrier barrier_id(%barrier3A)
    %scan3A_32 = arith.constant 0 : i32
    %scan3A_33 = arith.constant 0 : i32
    %scan3A_34 = arith.constant 79 : i32
    %scan3A_35 = arith.addi %scan3A_33, %scan3A_34 : i32
    %scan3A_36 = arith.constant 1 : i32
    scf.for %scan3A_59 = %scan3A_33 to %scan3A_35 step %scan3A_36  : i32 {
      "tpu.region"() ({
        %run_scoped3A = tpu.sem_alloc : memref<!tpu.dma_semaphore, #tpu.memory_space<semaphore_mem>>
        %dma_start3A = arith.constant 0 : i32
        %dma_start3A_60 = tpu.memref_slice %arg4[%scan3A_59, %dma_start3A] : memref<79x128xi32, #tpu.memory_space<vmem>> -> memref<1x128xi32, #tpu.memory_space<vmem>>
        %dma_start3A_61 = tpu.memref_squeeze %dma_start3A_60 : memref<1x128xi32, #tpu.memory_space<vmem>> -> memref<128xi32, #tpu.memory_space<vmem>>
        %dma_start3A_62 = arith.constant 0 : i32
        %dma_start3A_63 = arith.constant 0 : i32
        %dma_start3A_64 = tpu.memref_slice %arg6[%dma_start3A_62, %dma_start3A_63] : memref<10240x16xf32, #tpu.memory_space<vmem_shared>> -> memref<10240x16xf32, #tpu.memory_space<vmem_shared>>
        tpu.enqueue_indirect_dma source(%arg5 : memref<128x16xf32, #tpu.memory_space<vmem>>) target(%dma_start3A_64 : memref<10240x16xf32, #tpu.memory_space<vmem_shared>>) offsets(%dma_start3A_61 : memref<128xi32, #tpu.memory_space<vmem>>) semaphore(%run_scoped3A : memref<!tpu.dma_semaphore, #tpu.memory_space<semaphore_mem>>) {add = true}
        %dma_wait3A = arith.constant 0 : i32
        %dma_wait3A_65 = tpu.memref_slice %arg4[%scan3A_59, %dma_wait3A] : memref<79x128xi32, #tpu.memory_space<vmem>> -> memref<1x128xi32, #tpu.memory_space<vmem>>
        %dma_wait3A_66 = tpu.memref_squeeze %dma_wait3A_65 : memref<1x128xi32, #tpu.memory_space<vmem>> -> memref<128xi32, #tpu.memory_space<vmem>>
        %dma_wait3A_67 = arith.constant 0 : i32
        %dma_wait3A_68 = arith.constant 0 : i32
        %dma_wait3A_69 = tpu.memref_slice %arg6[%dma_wait3A_67, %dma_wait3A_68] : memref<10240x16xf32, #tpu.memory_space<vmem_shared>> -> memref<10240x16xf32, #tpu.memory_space<vmem_shared>>
        tpu.wait_indirect_dma semaphore(%run_scoped3A : memref<!tpu.dma_semaphore, #tpu.memory_space<semaphore_mem>>) src(%arg5 : memref<128x16xf32, #tpu.memory_space<vmem>>) dst(%dma_wait3A_69 : memref<10240x16xf32, #tpu.memory_space<vmem_shared>>)
        tpu.yield
      }) : () -> ()
    }
    %scan3A_37 = arith.constant 79 : i32
    %barrier3A_38 = arith.constant 0 : index
    tpu.barrier barrier_id(%barrier3A_38)
    %mul3A_39 = arith.constant 640 : i32
    %mul3A_40 = arith.muli %arg1, %mul3A_39 : i32
    %add3A_41 = arith.constant 0 : i32
    %add3A_42 = arith.addi %mul3A_40, %add3A_41 : i32
    "tpu.region"() ({
      %run_scoped3A = tpu.sem_alloc : memref<!tpu.dma_semaphore, #tpu.memory_space<semaphore_mem>>
      %dma_start3A = arith.constant 0 : i32
      %dma_start3A_59 = tpu.memref_slice %arg3[%arg0, %add3A_42, %dma_start3A] : memref<2x10240x16xf32, #tpu.memory_space<hbm>> -> memref<1x128x16xf32, #tpu.memory_space<hbm>>
      %dma_start3A_60 = tpu.memref_squeeze %dma_start3A_59 : memref<1x128x16xf32, #tpu.memory_space<hbm>> -> memref<128x16xf32, #tpu.memory_space<hbm>>
      %dma_start3A_61 = arith.constant 0 : i32
      %dma_start3A_62 = tpu.memref_slice %arg6[%add3A_42, %dma_start3A_61] : memref<10240x16xf32, #tpu.memory_space<vmem_shared>> -> memref<128x16xf32, #tpu.memory_space<vmem_shared>>
      tpu.enqueue_dma source(%dma_start3A_62 : memref<128x16xf32, #tpu.memory_space<vmem_shared>>) target(%dma_start3A_60 : memref<128x16xf32, #tpu.memory_space<hbm>>) target_semaphore(%run_scoped3A : memref<!tpu.dma_semaphore, #tpu.memory_space<semaphore_mem>>)
      %dma_wait3A = arith.constant 0 : i32
      %dma_wait3A_63 = tpu.memref_slice %arg3[%arg0, %add3A_42, %dma_wait3A] : memref<2x10240x16xf32, #tpu.memory_space<hbm>> -> memref<1x128x16xf32, #tpu.memory_space<hbm>>
      %dma_wait3A_64 = tpu.memref_squeeze %dma_wait3A_63 : memref<1x128x16xf32, #tpu.memory_space<hbm>> -> memref<128x16xf32, #tpu.memory_space<hbm>>
      %dma_wait3A_65 = arith.constant 0 : i32
      %dma_wait3A_66 = tpu.memref_slice %arg6[%add3A_42, %dma_wait3A_65] : memref<10240x16xf32, #tpu.memory_space<vmem_shared>> -> memref<128x16xf32, #tpu.memory_space<vmem_shared>>
      tpu.wait_dma2 semaphore(%run_scoped3A : memref<!tpu.dma_semaphore, #tpu.memory_space<semaphore_mem>>) src(%dma_wait3A_66 : memref<128x16xf32, #tpu.memory_space<vmem_shared>>) dst(%dma_wait3A_64 : memref<128x16xf32, #tpu.memory_space<hbm>>)
      tpu.yield
    }) : () -> ()
    %mul3A_43 = arith.constant 640 : i32
    %mul3A_44 = arith.muli %arg1, %mul3A_43 : i32
    %add3A_45 = arith.constant 128 : i32
    %add3A_46 = arith.addi %mul3A_44, %add3A_45 : i32
    "tpu.region"() ({
      %run_scoped3A = tpu.sem_alloc : memref<!tpu.dma_semaphore, #tpu.memory_space<semaphore_mem>>
      %dma_start3A = arith.constant 0 : i32
      %dma_start3A_59 = tpu.memref_slice %arg3[%arg0, %add3A_46, %dma_start3A] : memref<2x10240x16xf32, #tpu.memory_space<hbm>> -> memref<1x128x16xf32, #tpu.memory_space<hbm>>
      %dma_start3A_60 = tpu.memref_squeeze %dma_start3A_59 : memref<1x128x16xf32, #tpu.memory_space<hbm>> -> memref<128x16xf32, #tpu.memory_space<hbm>>
      %dma_start3A_61 = arith.constant 0 : i32
      %dma_start3A_62 = tpu.memref_slice %arg6[%add3A_46, %dma_start3A_61] : memref<10240x16xf32, #tpu.memory_space<vmem_shared>> -> memref<128x16xf32, #tpu.memory_space<vmem_shared>>
      tpu.enqueue_dma source(%dma_start3A_62 : memref<128x16xf32, #tpu.memory_space<vmem_shared>>) target(%dma_start3A_60 : memref<128x16xf32, #tpu.memory_space<hbm>>) target_semaphore(%run_scoped3A : memref<!tpu.dma_semaphore, #tpu.memory_space<semaphore_mem>>)
      %dma_wait3A = arith.constant 0 : i32
      %dma_wait3A_63 = tpu.memref_slice %arg3[%arg0, %add3A_46, %dma_wait3A] : memref<2x10240x16xf32, #tpu.memory_space<hbm>> -> memref<1x128x16xf32, #tpu.memory_space<hbm>>
      %dma_wait3A_64 = tpu.memref_squeeze %dma_wait3A_63 : memref<1x128x16xf32, #tpu.memory_space<hbm>> -> memref<128x16xf32, #tpu.memory_space<hbm>>
      %dma_wait3A_65 = arith.constant 0 : i32
      %dma_wait3A_66 = tpu.memref_slice %arg6[%add3A_46, %dma_wait3A_65] : memref<10240x16xf32, #tpu.memory_space<vmem_shared>> -> memref<128x16xf32, #tpu.memory_space<vmem_shared>>
      tpu.wait_dma2 semaphore(%run_scoped3A : memref<!tpu.dma_semaphore, #tpu.memory_space<semaphore_mem>>) src(%dma_wait3A_66 : memref<128x16xf32, #tpu.memory_space<vmem_shared>>) dst(%dma_wait3A_64 : memref<128x16xf32, #tpu.memory_space<hbm>>)
      tpu.yield
    }) : () -> ()
    %mul3A_47 = arith.constant 640 : i32
    %mul3A_48 = arith.muli %arg1, %mul3A_47 : i32
    %add3A_49 = arith.constant 256 : i32
    %add3A_50 = arith.addi %mul3A_48, %add3A_49 : i32
    "tpu.region"() ({
      %run_scoped3A = tpu.sem_alloc : memref<!tpu.dma_semaphore, #tpu.memory_space<semaphore_mem>>
      %dma_start3A = arith.constant 0 : i32
      %dma_start3A_59 = tpu.memref_slice %arg3[%arg0, %add3A_50, %dma_start3A] : memref<2x10240x16xf32, #tpu.memory_space<hbm>> -> memref<1x128x16xf32, #tpu.memory_space<hbm>>
      %dma_start3A_60 = tpu.memref_squeeze %dma_start3A_59 : memref<1x128x16xf32, #tpu.memory_space<hbm>> -> memref<128x16xf32, #tpu.memory_space<hbm>>
      %dma_start3A_61 = arith.constant 0 : i32
      %dma_start3A_62 = tpu.memref_slice %arg6[%add3A_50, %dma_start3A_61] : memref<10240x16xf32, #tpu.memory_space<vmem_shared>> -> memref<128x16xf32, #tpu.memory_space<vmem_shared>>
      tpu.enqueue_dma source(%dma_start3A_62 : memref<128x16xf32, #tpu.memory_space<vmem_shared>>) target(%dma_start3A_60 : memref<128x16xf32, #tpu.memory_space<hbm>>) target_semaphore(%run_scoped3A : memref<!tpu.dma_semaphore, #tpu.memory_space<semaphore_mem>>)
      %dma_wait3A = arith.constant 0 : i32
      %dma_wait3A_63 = tpu.memref_slice %arg3[%arg0, %add3A_50, %dma_wait3A] : memref<2x10240x16xf32, #tpu.memory_space<hbm>> -> memref<1x128x16xf32, #tpu.memory_space<hbm>>
      %dma_wait3A_64 = tpu.memref_squeeze %dma_wait3A_63 : memref<1x128x16xf32, #tpu.memory_space<hbm>> -> memref<128x16xf32, #tpu.memory_space<hbm>>
      %dma_wait3A_65 = arith.constant 0 : i32
      %dma_wait3A_66 = tpu.memref_slice %arg6[%add3A_50, %dma_wait3A_65] : memref<10240x16xf32, #tpu.memory_space<vmem_shared>> -> memref<128x16xf32, #tpu.memory_space<vmem_shared>>
      tpu.wait_dma2 semaphore(%run_scoped3A : memref<!tpu.dma_semaphore, #tpu.memory_space<semaphore_mem>>) src(%dma_wait3A_66 : memref<128x16xf32, #tpu.memory_space<vmem_shared>>) dst(%dma_wait3A_64 : memref<128x16xf32, #tpu.memory_space<hbm>>)
      tpu.yield
    }) : () -> ()
    %mul3A_51 = arith.constant 640 : i32
    %mul3A_52 = arith.muli %arg1, %mul3A_51 : i32
    %add3A_53 = arith.constant 384 : i32
    %add3A_54 = arith.addi %mul3A_52, %add3A_53 : i32
    "tpu.region"() ({
      %run_scoped3A = tpu.sem_alloc : memref<!tpu.dma_semaphore, #tpu.memory_space<semaphore_mem>>
      %dma_start3A = arith.constant 0 : i32
      %dma_start3A_59 = tpu.memref_slice %arg3[%arg0, %add3A_54, %dma_start3A] : memref<2x10240x16xf32, #tpu.memory_space<hbm>> -> memref<1x128x16xf32, #tpu.memory_space<hbm>>
      %dma_start3A_60 = tpu.memref_squeeze %dma_start3A_59 : memref<1x128x16xf32, #tpu.memory_space<hbm>> -> memref<128x16xf32, #tpu.memory_space<hbm>>
      %dma_start3A_61 = arith.constant 0 : i32
      %dma_start3A_62 = tpu.memref_slice %arg6[%add3A_54, %dma_start3A_61] : memref<10240x16xf32, #tpu.memory_space<vmem_shared>> -> memref<128x16xf32, #tpu.memory_space<vmem_shared>>
      tpu.enqueue_dma source(%dma_start3A_62 : memref<128x16xf32, #tpu.memory_space<vmem_shared>>) target(%dma_start3A_60 : memref<128x16xf32, #tpu.memory_space<hbm>>) target_semaphore(%run_scoped3A : memref<!tpu.dma_semaphore, #tpu.memory_space<semaphore_mem>>)
      %dma_wait3A = arith.constant 0 : i32
      %dma_wait3A_63 = tpu.memref_slice %arg3[%arg0, %add3A_54, %dma_wait3A] : memref<2x10240x16xf32, #tpu.memory_space<hbm>> -> memref<1x128x16xf32, #tpu.memory_space<hbm>>
      %dma_wait3A_64 = tpu.memref_squeeze %dma_wait3A_63 : memref<1x128x16xf32, #tpu.memory_space<hbm>> -> memref<128x16xf32, #tpu.memory_space<hbm>>
      %dma_wait3A_65 = arith.constant 0 : i32
      %dma_wait3A_66 = tpu.memref_slice %arg6[%add3A_54, %dma_wait3A_65] : memref<10240x16xf32, #tpu.memory_space<vmem_shared>> -> memref<128x16xf32, #tpu.memory_space<vmem_shared>>
      tpu.wait_dma2 semaphore(%run_scoped3A : memref<!tpu.dma_semaphore, #tpu.memory_space<semaphore_mem>>) src(%dma_wait3A_66 : memref<128x16xf32, #tpu.memory_space<vmem_shared>>) dst(%dma_wait3A_64 : memref<128x16xf32, #tpu.memory_space<hbm>>)
      tpu.yield
    }) : () -> ()
    %mul3A_55 = arith.constant 640 : i32
    %mul3A_56 = arith.muli %arg1, %mul3A_55 : i32
    %add3A_57 = arith.constant 512 : i32
    %add3A_58 = arith.addi %mul3A_56, %add3A_57 : i32
    "tpu.region"() ({
      %run_scoped3A = tpu.sem_alloc : memref<!tpu.dma_semaphore, #tpu.memory_space<semaphore_mem>>
      %dma_start3A = arith.constant 0 : i32
      %dma_start3A_59 = tpu.memref_slice %arg3[%arg0, %add3A_58, %dma_start3A] : memref<2x10240x16xf32, #tpu.memory_space<hbm>> -> memref<1x128x16xf32, #tpu.memory_space<hbm>>
      %dma_start3A_60 = tpu.memref_squeeze %dma_start3A_59 : memref<1x128x16xf32, #tpu.memory_space<hbm>> -> memref<128x16xf32, #tpu.memory_space<hbm>>
      %dma_start3A_61 = arith.constant 0 : i32
      %dma_start3A_62 = tpu.memref_slice %arg6[%add3A_58, %dma_start3A_61] : memref<10240x16xf32, #tpu.memory_space<vmem_shared>> -> memref<128x16xf32, #tpu.memory_space<vmem_shared>>
      tpu.enqueue_dma source(%dma_start3A_62 : memref<128x16xf32, #tpu.memory_space<vmem_shared>>) target(%dma_start3A_60 : memref<128x16xf32, #tpu.memory_space<hbm>>) target_semaphore(%run_scoped3A : memref<!tpu.dma_semaphore, #tpu.memory_space<semaphore_mem>>)
      %dma_wait3A = arith.constant 0 : i32
      %dma_wait3A_63 = tpu.memref_slice %arg3[%arg0, %add3A_58, %dma_wait3A] : memref<2x10240x16xf32, #tpu.memory_space<hbm>> -> memref<1x128x16xf32, #tpu.memory_space<hbm>>
      %dma_wait3A_64 = tpu.memref_squeeze %dma_wait3A_63 : memref<1x128x16xf32, #tpu.memory_space<hbm>> -> memref<128x16xf32, #tpu.memory_space<hbm>>
      %dma_wait3A_65 = arith.constant 0 : i32
      %dma_wait3A_66 = tpu.memref_slice %arg6[%add3A_58, %dma_wait3A_65] : memref<10240x16xf32, #tpu.memory_space<vmem_shared>> -> memref<128x16xf32, #tpu.memory_space<vmem_shared>>
      tpu.wait_dma2 semaphore(%run_scoped3A : memref<!tpu.dma_semaphore, #tpu.memory_space<semaphore_mem>>) src(%dma_wait3A_66 : memref<128x16xf32, #tpu.memory_space<vmem_shared>>) dst(%dma_wait3A_64 : memref<128x16xf32, #tpu.memory_space<hbm>>)
      tpu.yield
    }) : () -> ()
    return
  }
}

#map = affine_map<(d0, d1) -> (0, 0)>
#map1 = affine_map<(d0, d1) -> (0, 0, 0)>
module attributes {stable_mosaic.version = 14 : i64} {
  func.func @agg_kernel(%arg0: i32, %arg1: i32, %arg2: memref<10000x16xf32, #tpu.memory_space<hbm>>, %arg3: memref<16x132x128xi32, #tpu.memory_space<hbm>>, %arg4: memref<16x132x128xi32, #tpu.memory_space<hbm>>, %arg5: memref<16x28x128xi32, #tpu.memory_space<hbm>>, %arg6: memref<16x28x128xi32, #tpu.memory_space<hbm>>, %arg7: memref<2x10240x16xf32, #tpu.memory_space<hbm>>, %arg8: memref<132x128xi32, #tpu.memory_space<vmem>>, %arg9: memref<132x128xi32, #tpu.memory_space<vmem>>, %arg10: memref<4x128x16xf32, #tpu.memory_space<vmem>>, %arg11: memref<10240x16xf32, #tpu.memory_space<vmem_shared>>, %arg12: memref<!tpu.dma_semaphore, #tpu.memory_space<semaphore_mem>>, %arg13: memref<!tpu.dma_semaphore, #tpu.memory_space<semaphore_mem>>, %arg14: memref<!tpu.dma_semaphore, #tpu.memory_space<semaphore_mem>>, %arg15: memref<!tpu.dma_semaphore, #tpu.memory_space<semaphore_mem>>) attributes {dimension_semantics = [#tpu.dimension_semantics<core_parallel>, #tpu.dimension_semantics<subcore_parallel>], iteration_bounds = array<i64: 2, 16>, scalar_prefetch = 0 : i64, scratch_operands = 8 : i64, tpu.core_type = #tpu.core_type<sc_vector_subcore>, window_params = [{transform_indices = #map}, {transform_indices = #map1}, {transform_indices = #map1}, {transform_indices = #map1}, {transform_indices = #map1}, {transform_indices = #map1}]} {
    %scan3A = arith.constant 0 : i32
    %scan3A_0 = arith.constant 0 : i32
    %scan3A_1 = arith.constant 0 : i32
    %scan3A_2 = arith.constant 128 : i32
    %scan3A_3 = arith.addi %scan3A_1, %scan3A_2 : i32
    %scan3A_4 = arith.constant 1 : i32
    scf.for %scan3A_55 = %scan3A_1 to %scan3A_3 step %scan3A_4  : i32 {
      %broadcast_in_dim3A = arith.constant 0.000000e+00 : f32
      %broadcast_in_dim3A_56 = vector.broadcast %broadcast_in_dim3A : f32 to vector<16xf32>
      %jit3A = arith.constant 1 : i32
      %div3A = arith.divsi %scan3A_55, %jit3A : i32
      %sign3A = arith.constant 0 : i32
      %sign3A_57 = arith.cmpi sgt, %scan3A_55, %sign3A : i32
      %sign3A_58 = arith.extui %sign3A_57 : i1 to i32
      %sign3A_59 = arith.constant 0 : i32
      %sign3A_60 = arith.cmpi slt, %scan3A_55, %sign3A_59 : i32
      %sign3A_61 = arith.extui %sign3A_60 : i1 to i32
      %sign3A_62 = arith.subi %sign3A_58, %sign3A_61 : i32
      %sign3A_63 = arith.constant 0 : i32
      %sign3A_64 = arith.cmpi sgt, %jit3A, %sign3A_63 : i32
      %sign3A_65 = arith.extui %sign3A_64 : i1 to i32
      %sign3A_66 = arith.constant 0 : i32
      %sign3A_67 = arith.cmpi slt, %jit3A, %sign3A_66 : i32
      %sign3A_68 = arith.extui %sign3A_67 : i1 to i32
      %sign3A_69 = arith.subi %sign3A_65, %sign3A_68 : i32
      %ne3A_70 = arith.cmpi ne, %sign3A_62, %sign3A_69 : i32
      %rem3A = arith.remsi %scan3A_55, %jit3A : i32
      %ne3A_71 = arith.constant 0 : i32
      %ne3A_72 = arith.cmpi ne, %rem3A, %ne3A_71 : i32
      %and3A = arith.andi %ne3A_70, %ne3A_72 : i1
      %sub3A = arith.constant 1 : i32
      %sub3A_73 = arith.subi %div3A, %sub3A : i32
      %select_n3A = arith.select %and3A, %sub3A_73, %div3A : i32
      %jit3A_74 = arith.constant 1 : i32
      %eq3A_75 = arith.constant 0 : i32
      %eq3A_76 = arith.cmpi eq, %jit3A_74, %eq3A_75 : i32
      %jit3A_77 = arith.constant 1 : i32
      %select_n3A_78 = arith.select %eq3A_76, %jit3A_77, %jit3A_74 : i32
      %rem3A_79 = arith.remsi %scan3A_55, %select_n3A_78 : i32
      %ne3A_80 = arith.constant 0 : i32
      %ne3A_81 = arith.cmpi ne, %rem3A_79, %ne3A_80 : i32
      %lt3A = arith.constant 0 : i32
      %lt3A_82 = arith.cmpi slt, %rem3A_79, %lt3A : i32
      %lt3A_83 = arith.constant 0 : i32
      %lt3A_84 = arith.cmpi slt, %select_n3A_78, %lt3A_83 : i32
      %ne3A_85 = arith.xori %lt3A_82, %lt3A_84 : i1
      %and3A_86 = arith.andi %ne3A_85, %ne3A_81 : i1
      %add3A_87 = arith.addi %rem3A_79, %select_n3A_78 : i32
      %select_n3A_88 = arith.select %and3A_86, %add3A_87, %rem3A_79 : i32
      %mul3A_89 = arith.constant 16 : i32
      %mul3A_90 = arith.muli %select_n3A_88, %mul3A_89 : i32
      %swap3A = arith.constant 0 : i32
      %swap3A_91 = arith.constant 0 : i32
      %swap3A_92 = tpu.memref_slice %arg10[%scan3A_0, %swap3A, %swap3A_91] : memref<4x128x16xf32, #tpu.memory_space<vmem>> -> memref<1x128x16xf32, #tpu.memory_space<vmem>>
      %swap3A_93 = tpu.memref_squeeze %swap3A_92 : memref<1x128x16xf32, #tpu.memory_space<vmem>> -> memref<128x16xf32, #tpu.memory_space<vmem>>
      %swap3A_94 = arith.index_cast %select_n3A : i32 to index
      %swap3A_95 = arith.index_cast %mul3A_90 : i32 to index
      %swap3A_96 = tpu.vector_load %swap3A_93[%swap3A_94, %swap3A_95] {strides = array<i32>} : memref<128x16xf32, #tpu.memory_space<vmem>>, vector<1x16xf32>,
      %swap3A_97 = vector.shape_cast %swap3A_96 : vector<1x16xf32> to vector<16xf32>
      %swap3A_98 = vector.shape_cast %broadcast_in_dim3A_56 : vector<16xf32> to vector<1x16xf32>
      tpu.vector_store %swap3A_93[%swap3A_94, %swap3A_95], %swap3A_98 {strides = array<i32>} : memref<128x16xf32, #tpu.memory_space<vmem>>, vector<1x16xf32>,
    }
    %scan3A_5 = arith.constant 128 : i32
    %mul3A = arith.constant 640 : i32
    %mul3A_6 = arith.muli %arg1, %mul3A : i32
    %add3A = arith.constant 0 : i32
    %add3A_7 = arith.addi %mul3A_6, %add3A : i32
    %run_scoped3A = arith.constant 0 : i32
    "tpu.region"() ({
      %run_scoped3A_55 = tpu.sem_alloc : memref<!tpu.dma_semaphore, #tpu.memory_space<semaphore_mem>>
      %dma_start3A = arith.constant 0 : i32
      %dma_start3A_56 = arith.constant 0 : i32
      %dma_start3A_57 = tpu.memref_slice %arg10[%run_scoped3A, %dma_start3A, %dma_start3A_56] : memref<4x128x16xf32, #tpu.memory_space<vmem>> -> memref<1x128x16xf32, #tpu.memory_space<vmem>>
      %dma_start3A_58 = tpu.memref_squeeze %dma_start3A_57 : memref<1x128x16xf32, #tpu.memory_space<vmem>> -> memref<128x16xf32, #tpu.memory_space<vmem>>
      %dma_start3A_59 = arith.constant 0 : i32
      %dma_start3A_60 = tpu.memref_slice %arg11[%add3A_7, %dma_start3A_59] : memref<10240x16xf32, #tpu.memory_space<vmem_shared>> -> memref<128x16xf32, #tpu.memory_space<vmem_shared>>
      %dma_start3A_61 = arith.constant 0 : i32
      %dma_start3A_62 = tpu.memref_slice %arg11[%add3A_7, %dma_start3A_61] : memref<10240x16xf32, #tpu.memory_space<vmem_shared>> -> memref<128x16xf32, #tpu.memory_space<vmem_shared>>
      %dma_start3A_63 = arith.constant 0 : i32
      %dma_start3A_64 = arith.constant 0 : i32
      %dma_start3A_65 = tpu.memref_slice %arg10[%run_scoped3A, %dma_start3A_63, %dma_start3A_64] : memref<4x128x16xf32, #tpu.memory_space<vmem>> -> memref<1x128x16xf32, #tpu.memory_space<vmem>>
      %dma_start3A_66 = tpu.memref_squeeze %dma_start3A_65 : memref<1x128x16xf32, #tpu.memory_space<vmem>> -> memref<128x16xf32, #tpu.memory_space<vmem>>
      tpu.enqueue_dma source(%dma_start3A_66 : memref<128x16xf32, #tpu.memory_space<vmem>>) target(%dma_start3A_62 : memref<128x16xf32, #tpu.memory_space<vmem_shared>>) target_semaphore(%run_scoped3A_55 : memref<!tpu.dma_semaphore, #tpu.memory_space<semaphore_mem>>)
      %dma_wait3A = arith.constant 0 : i32
      %dma_wait3A_67 = arith.constant 0 : i32
      %dma_wait3A_68 = tpu.memref_slice %arg10[%run_scoped3A, %dma_wait3A, %dma_wait3A_67] : memref<4x128x16xf32, #tpu.memory_space<vmem>> -> memref<1x128x16xf32, #tpu.memory_space<vmem>>
      %dma_wait3A_69 = tpu.memref_squeeze %dma_wait3A_68 : memref<1x128x16xf32, #tpu.memory_space<vmem>> -> memref<128x16xf32, #tpu.memory_space<vmem>>
      %dma_wait3A_70 = arith.constant 0 : i32
      %dma_wait3A_71 = tpu.memref_slice %arg11[%add3A_7, %dma_wait3A_70] : memref<10240x16xf32, #tpu.memory_space<vmem_shared>> -> memref<128x16xf32, #tpu.memory_space<vmem_shared>>
      %dma_wait3A_72 = arith.constant 0 : i32
      %dma_wait3A_73 = tpu.memref_slice %arg11[%add3A_7, %dma_wait3A_72] : memref<10240x16xf32, #tpu.memory_space<vmem_shared>> -> memref<128x16xf32, #tpu.memory_space<vmem_shared>>
      %dma_wait3A_74 = arith.constant 0 : i32
      %dma_wait3A_75 = arith.constant 0 : i32
      %dma_wait3A_76 = tpu.memref_slice %arg10[%run_scoped3A, %dma_wait3A_74, %dma_wait3A_75] : memref<4x128x16xf32, #tpu.memory_space<vmem>> -> memref<1x128x16xf32, #tpu.memory_space<vmem>>
      %dma_wait3A_77 = tpu.memref_squeeze %dma_wait3A_76 : memref<1x128x16xf32, #tpu.memory_space<vmem>> -> memref<128x16xf32, #tpu.memory_space<vmem>>
      tpu.wait_dma2 semaphore(%run_scoped3A_55 : memref<!tpu.dma_semaphore, #tpu.memory_space<semaphore_mem>>) src(%dma_wait3A_77 : memref<128x16xf32, #tpu.memory_space<vmem>>) dst(%dma_wait3A_73 : memref<128x16xf32, #tpu.memory_space<vmem_shared>>)
      tpu.yield
    }) : () -> ()
    %mul3A_8 = arith.constant 640 : i32
    %mul3A_9 = arith.muli %arg1, %mul3A_8 : i32
    %add3A_10 = arith.constant 128 : i32
    %add3A_11 = arith.addi %mul3A_9, %add3A_10 : i32
    %run_scoped3A_12 = arith.constant 0 : i32
    "tpu.region"() ({
      %run_scoped3A_55 = tpu.sem_alloc : memref<!tpu.dma_semaphore, #tpu.memory_space<semaphore_mem>>
      %dma_start3A = arith.constant 0 : i32
      %dma_start3A_56 = arith.constant 0 : i32
      %dma_start3A_57 = tpu.memref_slice %arg10[%run_scoped3A_12, %dma_start3A, %dma_start3A_56] : memref<4x128x16xf32, #tpu.memory_space<vmem>> -> memref<1x128x16xf32, #tpu.memory_space<vmem>>
      %dma_start3A_58 = tpu.memref_squeeze %dma_start3A_57 : memref<1x128x16xf32, #tpu.memory_space<vmem>> -> memref<128x16xf32, #tpu.memory_space<vmem>>
      %dma_start3A_59 = arith.constant 0 : i32
      %dma_start3A_60 = tpu.memref_slice %arg11[%add3A_11, %dma_start3A_59] : memref<10240x16xf32, #tpu.memory_space<vmem_shared>> -> memref<128x16xf32, #tpu.memory_space<vmem_shared>>
      %dma_start3A_61 = arith.constant 0 : i32
      %dma_start3A_62 = tpu.memref_slice %arg11[%add3A_11, %dma_start3A_61] : memref<10240x16xf32, #tpu.memory_space<vmem_shared>> -> memref<128x16xf32, #tpu.memory_space<vmem_shared>>
      %dma_start3A_63 = arith.constant 0 : i32
      %dma_start3A_64 = arith.constant 0 : i32
      %dma_start3A_65 = tpu.memref_slice %arg10[%run_scoped3A_12, %dma_start3A_63, %dma_start3A_64] : memref<4x128x16xf32, #tpu.memory_space<vmem>> -> memref<1x128x16xf32, #tpu.memory_space<vmem>>
      %dma_start3A_66 = tpu.memref_squeeze %dma_start3A_65 : memref<1x128x16xf32, #tpu.memory_space<vmem>> -> memref<128x16xf32, #tpu.memory_space<vmem>>
      tpu.enqueue_dma source(%dma_start3A_66 : memref<128x16xf32, #tpu.memory_space<vmem>>) target(%dma_start3A_62 : memref<128x16xf32, #tpu.memory_space<vmem_shared>>) target_semaphore(%run_scoped3A_55 : memref<!tpu.dma_semaphore, #tpu.memory_space<semaphore_mem>>)
      %dma_wait3A = arith.constant 0 : i32
      %dma_wait3A_67 = arith.constant 0 : i32
      %dma_wait3A_68 = tpu.memref_slice %arg10[%run_scoped3A_12, %dma_wait3A, %dma_wait3A_67] : memref<4x128x16xf32, #tpu.memory_space<vmem>> -> memref<1x128x16xf32, #tpu.memory_space<vmem>>
      %dma_wait3A_69 = tpu.memref_squeeze %dma_wait3A_68 : memref<1x128x16xf32, #tpu.memory_space<vmem>> -> memref<128x16xf32, #tpu.memory_space<vmem>>
      %dma_wait3A_70 = arith.constant 0 : i32
      %dma_wait3A_71 = tpu.memref_slice %arg11[%add3A_11, %dma_wait3A_70] : memref<10240x16xf32, #tpu.memory_space<vmem_shared>> -> memref<128x16xf32, #tpu.memory_space<vmem_shared>>
      %dma_wait3A_72 = arith.constant 0 : i32
      %dma_wait3A_73 = tpu.memref_slice %arg11[%add3A_11, %dma_wait3A_72] : memref<10240x16xf32, #tpu.memory_space<vmem_shared>> -> memref<128x16xf32, #tpu.memory_space<vmem_shared>>
      %dma_wait3A_74 = arith.constant 0 : i32
      %dma_wait3A_75 = arith.constant 0 : i32
      %dma_wait3A_76 = tpu.memref_slice %arg10[%run_scoped3A_12, %dma_wait3A_74, %dma_wait3A_75] : memref<4x128x16xf32, #tpu.memory_space<vmem>> -> memref<1x128x16xf32, #tpu.memory_space<vmem>>
      %dma_wait3A_77 = tpu.memref_squeeze %dma_wait3A_76 : memref<1x128x16xf32, #tpu.memory_space<vmem>> -> memref<128x16xf32, #tpu.memory_space<vmem>>
      tpu.wait_dma2 semaphore(%run_scoped3A_55 : memref<!tpu.dma_semaphore, #tpu.memory_space<semaphore_mem>>) src(%dma_wait3A_77 : memref<128x16xf32, #tpu.memory_space<vmem>>) dst(%dma_wait3A_73 : memref<128x16xf32, #tpu.memory_space<vmem_shared>>)
      tpu.yield
    }) : () -> ()
    %mul3A_13 = arith.constant 640 : i32
    %mul3A_14 = arith.muli %arg1, %mul3A_13 : i32
    %add3A_15 = arith.constant 256 : i32
    %add3A_16 = arith.addi %mul3A_14, %add3A_15 : i32
    %run_scoped3A_17 = arith.constant 0 : i32
    "tpu.region"() ({
      %run_scoped3A_55 = tpu.sem_alloc : memref<!tpu.dma_semaphore, #tpu.memory_space<semaphore_mem>>
      %dma_start3A = arith.constant 0 : i32
      %dma_start3A_56 = arith.constant 0 : i32
      %dma_start3A_57 = tpu.memref_slice %arg10[%run_scoped3A_17, %dma_start3A, %dma_start3A_56] : memref<4x128x16xf32, #tpu.memory_space<vmem>> -> memref<1x128x16xf32, #tpu.memory_space<vmem>>
      %dma_start3A_58 = tpu.memref_squeeze %dma_start3A_57 : memref<1x128x16xf32, #tpu.memory_space<vmem>> -> memref<128x16xf32, #tpu.memory_space<vmem>>
      %dma_start3A_59 = arith.constant 0 : i32
      %dma_start3A_60 = tpu.memref_slice %arg11[%add3A_16, %dma_start3A_59] : memref<10240x16xf32, #tpu.memory_space<vmem_shared>> -> memref<128x16xf32, #tpu.memory_space<vmem_shared>>
      %dma_start3A_61 = arith.constant 0 : i32
      %dma_start3A_62 = tpu.memref_slice %arg11[%add3A_16, %dma_start3A_61] : memref<10240x16xf32, #tpu.memory_space<vmem_shared>> -> memref<128x16xf32, #tpu.memory_space<vmem_shared>>
      %dma_start3A_63 = arith.constant 0 : i32
      %dma_start3A_64 = arith.constant 0 : i32
      %dma_start3A_65 = tpu.memref_slice %arg10[%run_scoped3A_17, %dma_start3A_63, %dma_start3A_64] : memref<4x128x16xf32, #tpu.memory_space<vmem>> -> memref<1x128x16xf32, #tpu.memory_space<vmem>>
      %dma_start3A_66 = tpu.memref_squeeze %dma_start3A_65 : memref<1x128x16xf32, #tpu.memory_space<vmem>> -> memref<128x16xf32, #tpu.memory_space<vmem>>
      tpu.enqueue_dma source(%dma_start3A_66 : memref<128x16xf32, #tpu.memory_space<vmem>>) target(%dma_start3A_62 : memref<128x16xf32, #tpu.memory_space<vmem_shared>>) target_semaphore(%run_scoped3A_55 : memref<!tpu.dma_semaphore, #tpu.memory_space<semaphore_mem>>)
      %dma_wait3A = arith.constant 0 : i32
      %dma_wait3A_67 = arith.constant 0 : i32
      %dma_wait3A_68 = tpu.memref_slice %arg10[%run_scoped3A_17, %dma_wait3A, %dma_wait3A_67] : memref<4x128x16xf32, #tpu.memory_space<vmem>> -> memref<1x128x16xf32, #tpu.memory_space<vmem>>
      %dma_wait3A_69 = tpu.memref_squeeze %dma_wait3A_68 : memref<1x128x16xf32, #tpu.memory_space<vmem>> -> memref<128x16xf32, #tpu.memory_space<vmem>>
      %dma_wait3A_70 = arith.constant 0 : i32
      %dma_wait3A_71 = tpu.memref_slice %arg11[%add3A_16, %dma_wait3A_70] : memref<10240x16xf32, #tpu.memory_space<vmem_shared>> -> memref<128x16xf32, #tpu.memory_space<vmem_shared>>
      %dma_wait3A_72 = arith.constant 0 : i32
      %dma_wait3A_73 = tpu.memref_slice %arg11[%add3A_16, %dma_wait3A_72] : memref<10240x16xf32, #tpu.memory_space<vmem_shared>> -> memref<128x16xf32, #tpu.memory_space<vmem_shared>>
      %dma_wait3A_74 = arith.constant 0 : i32
      %dma_wait3A_75 = arith.constant 0 : i32
      %dma_wait3A_76 = tpu.memref_slice %arg10[%run_scoped3A_17, %dma_wait3A_74, %dma_wait3A_75] : memref<4x128x16xf32, #tpu.memory_space<vmem>> -> memref<1x128x16xf32, #tpu.memory_space<vmem>>
      %dma_wait3A_77 = tpu.memref_squeeze %dma_wait3A_76 : memref<1x128x16xf32, #tpu.memory_space<vmem>> -> memref<128x16xf32, #tpu.memory_space<vmem>>
      tpu.wait_dma2 semaphore(%run_scoped3A_55 : memref<!tpu.dma_semaphore, #tpu.memory_space<semaphore_mem>>) src(%dma_wait3A_77 : memref<128x16xf32, #tpu.memory_space<vmem>>) dst(%dma_wait3A_73 : memref<128x16xf32, #tpu.memory_space<vmem_shared>>)
      tpu.yield
    }) : () -> ()
    %mul3A_18 = arith.constant 640 : i32
    %mul3A_19 = arith.muli %arg1, %mul3A_18 : i32
    %add3A_20 = arith.constant 384 : i32
    %add3A_21 = arith.addi %mul3A_19, %add3A_20 : i32
    %run_scoped3A_22 = arith.constant 0 : i32
    "tpu.region"() ({
      %run_scoped3A_55 = tpu.sem_alloc : memref<!tpu.dma_semaphore, #tpu.memory_space<semaphore_mem>>
      %dma_start3A = arith.constant 0 : i32
      %dma_start3A_56 = arith.constant 0 : i32
      %dma_start3A_57 = tpu.memref_slice %arg10[%run_scoped3A_22, %dma_start3A, %dma_start3A_56] : memref<4x128x16xf32, #tpu.memory_space<vmem>> -> memref<1x128x16xf32, #tpu.memory_space<vmem>>
      %dma_start3A_58 = tpu.memref_squeeze %dma_start3A_57 : memref<1x128x16xf32, #tpu.memory_space<vmem>> -> memref<128x16xf32, #tpu.memory_space<vmem>>
      %dma_start3A_59 = arith.constant 0 : i32
      %dma_start3A_60 = tpu.memref_slice %arg11[%add3A_21, %dma_start3A_59] : memref<10240x16xf32, #tpu.memory_space<vmem_shared>> -> memref<128x16xf32, #tpu.memory_space<vmem_shared>>
      %dma_start3A_61 = arith.constant 0 : i32
      %dma_start3A_62 = tpu.memref_slice %arg11[%add3A_21, %dma_start3A_61] : memref<10240x16xf32, #tpu.memory_space<vmem_shared>> -> memref<128x16xf32, #tpu.memory_space<vmem_shared>>
      %dma_start3A_63 = arith.constant 0 : i32
      %dma_start3A_64 = arith.constant 0 : i32
      %dma_start3A_65 = tpu.memref_slice %arg10[%run_scoped3A_22, %dma_start3A_63, %dma_start3A_64] : memref<4x128x16xf32, #tpu.memory_space<vmem>> -> memref<1x128x16xf32, #tpu.memory_space<vmem>>
      %dma_start3A_66 = tpu.memref_squeeze %dma_start3A_65 : memref<1x128x16xf32, #tpu.memory_space<vmem>> -> memref<128x16xf32, #tpu.memory_space<vmem>>
      tpu.enqueue_dma source(%dma_start3A_66 : memref<128x16xf32, #tpu.memory_space<vmem>>) target(%dma_start3A_62 : memref<128x16xf32, #tpu.memory_space<vmem_shared>>) target_semaphore(%run_scoped3A_55 : memref<!tpu.dma_semaphore, #tpu.memory_space<semaphore_mem>>)
      %dma_wait3A = arith.constant 0 : i32
      %dma_wait3A_67 = arith.constant 0 : i32
      %dma_wait3A_68 = tpu.memref_slice %arg10[%run_scoped3A_22, %dma_wait3A, %dma_wait3A_67] : memref<4x128x16xf32, #tpu.memory_space<vmem>> -> memref<1x128x16xf32, #tpu.memory_space<vmem>>
      %dma_wait3A_69 = tpu.memref_squeeze %dma_wait3A_68 : memref<1x128x16xf32, #tpu.memory_space<vmem>> -> memref<128x16xf32, #tpu.memory_space<vmem>>
      %dma_wait3A_70 = arith.constant 0 : i32
      %dma_wait3A_71 = tpu.memref_slice %arg11[%add3A_21, %dma_wait3A_70] : memref<10240x16xf32, #tpu.memory_space<vmem_shared>> -> memref<128x16xf32, #tpu.memory_space<vmem_shared>>
      %dma_wait3A_72 = arith.constant 0 : i32
      %dma_wait3A_73 = tpu.memref_slice %arg11[%add3A_21, %dma_wait3A_72] : memref<10240x16xf32, #tpu.memory_space<vmem_shared>> -> memref<128x16xf32, #tpu.memory_space<vmem_shared>>
      %dma_wait3A_74 = arith.constant 0 : i32
      %dma_wait3A_75 = arith.constant 0 : i32
      %dma_wait3A_76 = tpu.memref_slice %arg10[%run_scoped3A_22, %dma_wait3A_74, %dma_wait3A_75] : memref<4x128x16xf32, #tpu.memory_space<vmem>> -> memref<1x128x16xf32, #tpu.memory_space<vmem>>
      %dma_wait3A_77 = tpu.memref_squeeze %dma_wait3A_76 : memref<1x128x16xf32, #tpu.memory_space<vmem>> -> memref<128x16xf32, #tpu.memory_space<vmem>>
      tpu.wait_dma2 semaphore(%run_scoped3A_55 : memref<!tpu.dma_semaphore, #tpu.memory_space<semaphore_mem>>) src(%dma_wait3A_77 : memref<128x16xf32, #tpu.memory_space<vmem>>) dst(%dma_wait3A_73 : memref<128x16xf32, #tpu.memory_space<vmem_shared>>)
      tpu.yield
    }) : () -> ()
    %mul3A_23 = arith.constant 640 : i32
    %mul3A_24 = arith.muli %arg1, %mul3A_23 : i32
    %add3A_25 = arith.constant 512 : i32
    %add3A_26 = arith.addi %mul3A_24, %add3A_25 : i32
    %run_scoped3A_27 = arith.constant 0 : i32
    "tpu.region"() ({
      %run_scoped3A_55 = tpu.sem_alloc : memref<!tpu.dma_semaphore, #tpu.memory_space<semaphore_mem>>
      %dma_start3A = arith.constant 0 : i32
      %dma_start3A_56 = arith.constant 0 : i32
      %dma_start3A_57 = tpu.memref_slice %arg10[%run_scoped3A_27, %dma_start3A, %dma_start3A_56] : memref<4x128x16xf32, #tpu.memory_space<vmem>> -> memref<1x128x16xf32, #tpu.memory_space<vmem>>
      %dma_start3A_58 = tpu.memref_squeeze %dma_start3A_57 : memref<1x128x16xf32, #tpu.memory_space<vmem>> -> memref<128x16xf32, #tpu.memory_space<vmem>>
      %dma_start3A_59 = arith.constant 0 : i32
      %dma_start3A_60 = tpu.memref_slice %arg11[%add3A_26, %dma_start3A_59] : memref<10240x16xf32, #tpu.memory_space<vmem_shared>> -> memref<128x16xf32, #tpu.memory_space<vmem_shared>>
      %dma_start3A_61 = arith.constant 0 : i32
      %dma_start3A_62 = tpu.memref_slice %arg11[%add3A_26, %dma_start3A_61] : memref<10240x16xf32, #tpu.memory_space<vmem_shared>> -> memref<128x16xf32, #tpu.memory_space<vmem_shared>>
      %dma_start3A_63 = arith.constant 0 : i32
      %dma_start3A_64 = arith.constant 0 : i32
      %dma_start3A_65 = tpu.memref_slice %arg10[%run_scoped3A_27, %dma_start3A_63, %dma_start3A_64] : memref<4x128x16xf32, #tpu.memory_space<vmem>> -> memref<1x128x16xf32, #tpu.memory_space<vmem>>
      %dma_start3A_66 = tpu.memref_squeeze %dma_start3A_65 : memref<1x128x16xf32, #tpu.memory_space<vmem>> -> memref<128x16xf32, #tpu.memory_space<vmem>>
      tpu.enqueue_dma source(%dma_start3A_66 : memref<128x16xf32, #tpu.memory_space<vmem>>) target(%dma_start3A_62 : memref<128x16xf32, #tpu.memory_space<vmem_shared>>) target_semaphore(%run_scoped3A_55 : memref<!tpu.dma_semaphore, #tpu.memory_space<semaphore_mem>>)
      %dma_wait3A = arith.constant 0 : i32
      %dma_wait3A_67 = arith.constant 0 : i32
      %dma_wait3A_68 = tpu.memref_slice %arg10[%run_scoped3A_27, %dma_wait3A, %dma_wait3A_67] : memref<4x128x16xf32, #tpu.memory_space<vmem>> -> memref<1x128x16xf32, #tpu.memory_space<vmem>>
      %dma_wait3A_69 = tpu.memref_squeeze %dma_wait3A_68 : memref<1x128x16xf32, #tpu.memory_space<vmem>> -> memref<128x16xf32, #tpu.memory_space<vmem>>
      %dma_wait3A_70 = arith.constant 0 : i32
      %dma_wait3A_71 = tpu.memref_slice %arg11[%add3A_26, %dma_wait3A_70] : memref<10240x16xf32, #tpu.memory_space<vmem_shared>> -> memref<128x16xf32, #tpu.memory_space<vmem_shared>>
      %dma_wait3A_72 = arith.constant 0 : i32
      %dma_wait3A_73 = tpu.memref_slice %arg11[%add3A_26, %dma_wait3A_72] : memref<10240x16xf32, #tpu.memory_space<vmem_shared>> -> memref<128x16xf32, #tpu.memory_space<vmem_shared>>
      %dma_wait3A_74 = arith.constant 0 : i32
      %dma_wait3A_75 = arith.constant 0 : i32
      %dma_wait3A_76 = tpu.memref_slice %arg10[%run_scoped3A_27, %dma_wait3A_74, %dma_wait3A_75] : memref<4x128x16xf32, #tpu.memory_space<vmem>> -> memref<1x128x16xf32, #tpu.memory_space<vmem>>
      %dma_wait3A_77 = tpu.memref_squeeze %dma_wait3A_76 : memref<1x128x16xf32, #tpu.memory_space<vmem>> -> memref<128x16xf32, #tpu.memory_space<vmem>>
      tpu.wait_dma2 semaphore(%run_scoped3A_55 : memref<!tpu.dma_semaphore, #tpu.memory_space<semaphore_mem>>) src(%dma_wait3A_77 : memref<128x16xf32, #tpu.memory_space<vmem>>) dst(%dma_wait3A_73 : memref<128x16xf32, #tpu.memory_space<vmem_shared>>)
      tpu.yield
    }) : () -> ()
    %barrier3A = arith.constant 0 : index
    tpu.barrier barrier_id(%barrier3A)
    %ne3A = arith.constant 1 : i32
    %ne3A_28 = arith.cmpi ne, %arg0, %ne3A : i32
    %convert_element_type3A = arith.extui %ne3A_28 : i1 to i32
    %cond3A = arith.constant 0 : i32
    %cond3A_29 = arith.cmpi ne, %convert_element_type3A, %cond3A : i32
    scf.if %cond3A_29 {
      "tpu.region"() ({
        %run_scoped3A_108 = tpu.sem_alloc : memref<!tpu.dma_semaphore, #tpu.memory_space<semaphore_mem>>
        %dma_start3A_109 = arith.constant 0 : i32
        %dma_start3A_110 = arith.constant 0 : i32
        %dma_start3A_111 = tpu.memref_slice %arg8[%dma_start3A_109, %dma_start3A_110] : memref<132x128xi32, #tpu.memory_space<vmem>> -> memref<132x128xi32, #tpu.memory_space<vmem>>
        %dma_start3A_112 = arith.constant 0 : i32
        %dma_start3A_113 = arith.constant 0 : i32
        %dma_start3A_114 = tpu.memref_slice %arg3[%arg1, %dma_start3A_112, %dma_start3A_113] : memref<16x132x128xi32, #tpu.memory_space<hbm>> -> memref<1x132x128xi32, #tpu.memory_space<hbm>>
        %dma_start3A_115 = tpu.memref_squeeze %dma_start3A_114 : memref<1x132x128xi32, #tpu.memory_space<hbm>> -> memref<132x128xi32, #tpu.memory_space<hbm>>
        %dma_start3A_116 = arith.constant 0 : i32
        %dma_start3A_117 = arith.constant 0 : i32
        %dma_start3A_118 = tpu.memref_slice %arg8[%dma_start3A_116, %dma_start3A_117] : memref<132x128xi32, #tpu.memory_space<vmem>> -> memref<132x128xi32, #tpu.memory_space<vmem>>
        %dma_start3A_119 = arith.constant 0 : i32
        %dma_start3A_120 = arith.constant 0 : i32
        %dma_start3A_121 = tpu.memref_slice %arg3[%arg1, %dma_start3A_119, %dma_start3A_120] : memref<16x132x128xi32, #tpu.memory_space<hbm>> -> memref<1x132x128xi32, #tpu.memory_space<hbm>>
        %dma_start3A_122 = tpu.memref_squeeze %dma_start3A_121 : memref<1x132x128xi32, #tpu.memory_space<hbm>> -> memref<132x128xi32, #tpu.memory_space<hbm>>
        tpu.enqueue_dma source(%dma_start3A_122 : memref<132x128xi32, #tpu.memory_space<hbm>>) target(%dma_start3A_118 : memref<132x128xi32, #tpu.memory_space<vmem>>) target_semaphore(%run_scoped3A_108 : memref<!tpu.dma_semaphore, #tpu.memory_space<semaphore_mem>>)
        %dma_wait3A = arith.constant 0 : i32
        %dma_wait3A_123 = arith.constant 0 : i32
        %dma_wait3A_124 = tpu.memref_slice %arg8[%dma_wait3A, %dma_wait3A_123] : memref<132x128xi32, #tpu.memory_space<vmem>> -> memref<132x128xi32, #tpu.memory_space<vmem>>
        %dma_wait3A_125 = arith.constant 0 : i32
        %dma_wait3A_126 = arith.constant 0 : i32
        %dma_wait3A_127 = tpu.memref_slice %arg3[%arg1, %dma_wait3A_125, %dma_wait3A_126] : memref<16x132x128xi32, #tpu.memory_space<hbm>> -> memref<1x132x128xi32, #tpu.memory_space<hbm>>
        %dma_wait3A_128 = tpu.memref_squeeze %dma_wait3A_127 : memref<1x132x128xi32, #tpu.memory_space<hbm>> -> memref<132x128xi32, #tpu.memory_space<hbm>>
        %dma_wait3A_129 = arith.constant 0 : i32
        %dma_wait3A_130 = arith.constant 0 : i32
        %dma_wait3A_131 = tpu.memref_slice %arg8[%dma_wait3A_129, %dma_wait3A_130] : memref<132x128xi32, #tpu.memory_space<vmem>> -> memref<132x128xi32, #tpu.memory_space<vmem>>
        %dma_wait3A_132 = arith.constant 0 : i32
        %dma_wait3A_133 = arith.constant 0 : i32
        %dma_wait3A_134 = tpu.memref_slice %arg3[%arg1, %dma_wait3A_132, %dma_wait3A_133] : memref<16x132x128xi32, #tpu.memory_space<hbm>> -> memref<1x132x128xi32, #tpu.memory_space<hbm>>
        %dma_wait3A_135 = tpu.memref_squeeze %dma_wait3A_134 : memref<1x132x128xi32, #tpu.memory_space<hbm>> -> memref<132x128xi32, #tpu.memory_space<hbm>>
        tpu.wait_dma2 semaphore(%run_scoped3A_108 : memref<!tpu.dma_semaphore, #tpu.memory_space<semaphore_mem>>) src(%dma_wait3A_135 : memref<132x128xi32, #tpu.memory_space<hbm>>) dst(%dma_wait3A_131 : memref<132x128xi32, #tpu.memory_space<vmem>>)
        tpu.yield
      }) : () -> ()
      "tpu.region"() ({
        %run_scoped3A_108 = tpu.sem_alloc : memref<!tpu.dma_semaphore, #tpu.memory_space<semaphore_mem>>
        %dma_start3A_109 = arith.constant 0 : i32
        %dma_start3A_110 = arith.constant 0 : i32
        %dma_start3A_111 = tpu.memref_slice %arg9[%dma_start3A_109, %dma_start3A_110] : memref<132x128xi32, #tpu.memory_space<vmem>> -> memref<132x128xi32, #tpu.memory_space<vmem>>
        %dma_start3A_112 = arith.constant 0 : i32
        %dma_start3A_113 = arith.constant 0 : i32
        %dma_start3A_114 = tpu.memref_slice %arg4[%arg1, %dma_start3A_112, %dma_start3A_113] : memref<16x132x128xi32, #tpu.memory_space<hbm>> -> memref<1x132x128xi32, #tpu.memory_space<hbm>>
        %dma_start3A_115 = tpu.memref_squeeze %dma_start3A_114 : memref<1x132x128xi32, #tpu.memory_space<hbm>> -> memref<132x128xi32, #tpu.memory_space<hbm>>
        %dma_start3A_116 = arith.constant 0 : i32
        %dma_start3A_117 = arith.constant 0 : i32
        %dma_start3A_118 = tpu.memref_slice %arg9[%dma_start3A_116, %dma_start3A_117] : memref<132x128xi32, #tpu.memory_space<vmem>> -> memref<132x128xi32, #tpu.memory_space<vmem>>
        %dma_start3A_119 = arith.constant 0 : i32
        %dma_start3A_120 = arith.constant 0 : i32
        %dma_start3A_121 = tpu.memref_slice %arg4[%arg1, %dma_start3A_119, %dma_start3A_120] : memref<16x132x128xi32, #tpu.memory_space<hbm>> -> memref<1x132x128xi32, #tpu.memory_space<hbm>>
        %dma_start3A_122 = tpu.memref_squeeze %dma_start3A_121 : memref<1x132x128xi32, #tpu.memory_space<hbm>> -> memref<132x128xi32, #tpu.memory_space<hbm>>
        tpu.enqueue_dma source(%dma_start3A_122 : memref<132x128xi32, #tpu.memory_space<hbm>>) target(%dma_start3A_118 : memref<132x128xi32, #tpu.memory_space<vmem>>) target_semaphore(%run_scoped3A_108 : memref<!tpu.dma_semaphore, #tpu.memory_space<semaphore_mem>>)
        %dma_wait3A = arith.constant 0 : i32
        %dma_wait3A_123 = arith.constant 0 : i32
        %dma_wait3A_124 = tpu.memref_slice %arg9[%dma_wait3A, %dma_wait3A_123] : memref<132x128xi32, #tpu.memory_space<vmem>> -> memref<132x128xi32, #tpu.memory_space<vmem>>
        %dma_wait3A_125 = arith.constant 0 : i32
        %dma_wait3A_126 = arith.constant 0 : i32
        %dma_wait3A_127 = tpu.memref_slice %arg4[%arg1, %dma_wait3A_125, %dma_wait3A_126] : memref<16x132x128xi32, #tpu.memory_space<hbm>> -> memref<1x132x128xi32, #tpu.memory_space<hbm>>
        %dma_wait3A_128 = tpu.memref_squeeze %dma_wait3A_127 : memref<1x132x128xi32, #tpu.memory_space<hbm>> -> memref<132x128xi32, #tpu.memory_space<hbm>>
        %dma_wait3A_129 = arith.constant 0 : i32
        %dma_wait3A_130 = arith.constant 0 : i32
        %dma_wait3A_131 = tpu.memref_slice %arg9[%dma_wait3A_129, %dma_wait3A_130] : memref<132x128xi32, #tpu.memory_space<vmem>> -> memref<132x128xi32, #tpu.memory_space<vmem>>
        %dma_wait3A_132 = arith.constant 0 : i32
        %dma_wait3A_133 = arith.constant 0 : i32
        %dma_wait3A_134 = tpu.memref_slice %arg4[%arg1, %dma_wait3A_132, %dma_wait3A_133] : memref<16x132x128xi32, #tpu.memory_space<hbm>> -> memref<1x132x128xi32, #tpu.memory_space<hbm>>
        %dma_wait3A_135 = tpu.memref_squeeze %dma_wait3A_134 : memref<1x132x128xi32, #tpu.memory_space<hbm>> -> memref<132x128xi32, #tpu.memory_space<hbm>>
        tpu.wait_dma2 semaphore(%run_scoped3A_108 : memref<!tpu.dma_semaphore, #tpu.memory_space<semaphore_mem>>) src(%dma_wait3A_135 : memref<132x128xi32, #tpu.memory_space<hbm>>) dst(%dma_wait3A_131 : memref<132x128xi32, #tpu.memory_space<vmem>>)
        tpu.yield
      }) : () -> ()
      %dma_start3A = arith.constant 0 : i32
      %dma_start3A_55 = arith.constant 0 : i32
      %dma_start3A_56 = arith.constant 0 : i32
      %dma_start3A_57 = arith.constant 0 : i32
      %dma_start3A_58 = tpu.memref_slice %arg10[%dma_start3A_55, %dma_start3A_56, %dma_start3A_57] : memref<4x128x16xf32, #tpu.memory_space<vmem>> -> memref<1x128x16xf32, #tpu.memory_space<vmem>>
      %dma_start3A_59 = tpu.memref_squeeze %dma_start3A_58 : memref<1x128x16xf32, #tpu.memory_space<vmem>> -> memref<128x16xf32, #tpu.memory_space<vmem>>
      %dma_start3A_60 = arith.constant 0 : i32
      %dma_start3A_61 = tpu.memref_slice %arg8[%dma_start3A, %dma_start3A_60] : memref<132x128xi32, #tpu.memory_space<vmem>> -> memref<1x128xi32, #tpu.memory_space<vmem>>
      %dma_start3A_62 = tpu.memref_squeeze %dma_start3A_61 : memref<1x128xi32, #tpu.memory_space<vmem>> -> memref<128xi32, #tpu.memory_space<vmem>>
      %dma_start3A_63 = arith.constant 0 : i32
      %dma_start3A_64 = arith.constant 0 : i32
      %dma_start3A_65 = tpu.memref_slice %arg2[%dma_start3A_63, %dma_start3A_64] : memref<10000x16xf32, #tpu.memory_space<hbm>> -> memref<10000x16xf32, #tpu.memory_space<hbm>>
      tpu.enqueue_indirect_dma source(%dma_start3A_65 : memref<10000x16xf32, #tpu.memory_space<hbm>>) target(%dma_start3A_59 : memref<128x16xf32, #tpu.memory_space<vmem>>) offsets(%dma_start3A_62 : memref<128xi32, #tpu.memory_space<vmem>>) semaphore(%arg12 : memref<!tpu.dma_semaphore, #tpu.memory_space<semaphore_mem>>)
      %dma_start3A_66 = arith.constant 1 : i32
      %dma_start3A_67 = arith.constant 1 : i32
      %dma_start3A_68 = arith.constant 0 : i32
      %dma_start3A_69 = arith.constant 0 : i32
      %dma_start3A_70 = tpu.memref_slice %arg10[%dma_start3A_67, %dma_start3A_68, %dma_start3A_69] : memref<4x128x16xf32, #tpu.memory_space<vmem>> -> memref<1x128x16xf32, #tpu.memory_space<vmem>>
      %dma_start3A_71 = tpu.memref_squeeze %dma_start3A_70 : memref<1x128x16xf32, #tpu.memory_space<vmem>> -> memref<128x16xf32, #tpu.memory_space<vmem>>
      %dma_start3A_72 = arith.constant 0 : i32
      %dma_start3A_73 = tpu.memref_slice %arg8[%dma_start3A_66, %dma_start3A_72] : memref<132x128xi32, #tpu.memory_space<vmem>> -> memref<1x128xi32, #tpu.memory_space<vmem>>
      %dma_start3A_74 = tpu.memref_squeeze %dma_start3A_73 : memref<1x128xi32, #tpu.memory_space<vmem>> -> memref<128xi32, #tpu.memory_space<vmem>>
      %dma_start3A_75 = arith.constant 0 : i32
      %dma_start3A_76 = arith.constant 0 : i32
      %dma_start3A_77 = tpu.memref_slice %arg2[%dma_start3A_75, %dma_start3A_76] : memref<10000x16xf32, #tpu.memory_space<hbm>> -> memref<10000x16xf32, #tpu.memory_space<hbm>>
      tpu.enqueue_indirect_dma source(%dma_start3A_77 : memref<10000x16xf32, #tpu.memory_space<hbm>>) target(%dma_start3A_71 : memref<128x16xf32, #tpu.memory_space<vmem>>) offsets(%dma_start3A_74 : memref<128xi32, #tpu.memory_space<vmem>>) semaphore(%arg13 : memref<!tpu.dma_semaphore, #tpu.memory_space<semaphore_mem>>)
      %dma_start3A_78 = arith.constant 2 : i32
      %dma_start3A_79 = arith.constant 2 : i32
      %dma_start3A_80 = arith.constant 0 : i32
      %dma_start3A_81 = arith.constant 0 : i32
      %dma_start3A_82 = tpu.memref_slice %arg10[%dma_start3A_79, %dma_start3A_80, %dma_start3A_81] : memref<4x128x16xf32, #tpu.memory_space<vmem>> -> memref<1x128x16xf32, #tpu.memory_space<vmem>>
      %dma_start3A_83 = tpu.memref_squeeze %dma_start3A_82 : memref<1x128x16xf32, #tpu.memory_space<vmem>> -> memref<128x16xf32, #tpu.memory_space<vmem>>
      %dma_start3A_84 = arith.constant 0 : i32
      %dma_start3A_85 = tpu.memref_slice %arg8[%dma_start3A_78, %dma_start3A_84] : memref<132x128xi32, #tpu.memory_space<vmem>> -> memref<1x128xi32, #tpu.memory_space<vmem>>
      %dma_start3A_86 = tpu.memref_squeeze %dma_start3A_85 : memref<1x128xi32, #tpu.memory_space<vmem>> -> memref<128xi32, #tpu.memory_space<vmem>>
      %dma_start3A_87 = arith.constant 0 : i32
      %dma_start3A_88 = arith.constant 0 : i32
      %dma_start3A_89 = tpu.memref_slice %arg2[%dma_start3A_87, %dma_start3A_88] : memref<10000x16xf32, #tpu.memory_space<hbm>> -> memref<10000x16xf32, #tpu.memory_space<hbm>>
      tpu.enqueue_indirect_dma source(%dma_start3A_89 : memref<10000x16xf32, #tpu.memory_space<hbm>>) target(%dma_start3A_83 : memref<128x16xf32, #tpu.memory_space<vmem>>) offsets(%dma_start3A_86 : memref<128xi32, #tpu.memory_space<vmem>>) semaphore(%arg14 : memref<!tpu.dma_semaphore, #tpu.memory_space<semaphore_mem>>)
      %dma_start3A_90 = arith.constant 3 : i32
      %dma_start3A_91 = arith.constant 3 : i32
      %dma_start3A_92 = arith.constant 0 : i32
      %dma_start3A_93 = arith.constant 0 : i32
      %dma_start3A_94 = tpu.memref_slice %arg10[%dma_start3A_91, %dma_start3A_92, %dma_start3A_93] : memref<4x128x16xf32, #tpu.memory_space<vmem>> -> memref<1x128x16xf32, #tpu.memory_space<vmem>>
      %dma_start3A_95 = tpu.memref_squeeze %dma_start3A_94 : memref<1x128x16xf32, #tpu.memory_space<vmem>> -> memref<128x16xf32, #tpu.memory_space<vmem>>
      %dma_start3A_96 = arith.constant 0 : i32
      %dma_start3A_97 = tpu.memref_slice %arg8[%dma_start3A_90, %dma_start3A_96] : memref<132x128xi32, #tpu.memory_space<vmem>> -> memref<1x128xi32, #tpu.memory_space<vmem>>
      %dma_start3A_98 = tpu.memref_squeeze %dma_start3A_97 : memref<1x128xi32, #tpu.memory_space<vmem>> -> memref<128xi32, #tpu.memory_space<vmem>>
      %dma_start3A_99 = arith.constant 0 : i32
      %dma_start3A_100 = arith.constant 0 : i32
      %dma_start3A_101 = tpu.memref_slice %arg2[%dma_start3A_99, %dma_start3A_100] : memref<10000x16xf32, #tpu.memory_space<hbm>> -> memref<10000x16xf32, #tpu.memory_space<hbm>>
      tpu.enqueue_indirect_dma source(%dma_start3A_101 : memref<10000x16xf32, #tpu.memory_space<hbm>>) target(%dma_start3A_95 : memref<128x16xf32, #tpu.memory_space<vmem>>) offsets(%dma_start3A_98 : memref<128xi32, #tpu.memory_space<vmem>>) semaphore(%arg15 : memref<!tpu.dma_semaphore, #tpu.memory_space<semaphore_mem>>)
      %scan3A_102 = arith.constant 0 : i32
      %scan3A_103 = arith.constant 0 : i32
      %scan3A_104 = arith.constant 33 : i32
      %scan3A_105 = arith.addi %scan3A_103, %scan3A_104 : i32
      %scan3A_106 = arith.constant 1 : i32
      scf.for %scan3A_108 = %scan3A_103 to %scan3A_105 step %scan3A_106  : i32 {
        %mul3A_109 = arith.constant 4 : i32
        %mul3A_110 = arith.muli %scan3A_108, %mul3A_109 : i32
        %add3A_111 = arith.constant 0 : i32
        %add3A_112 = arith.addi %mul3A_110, %add3A_111 : i32
        %dma_wait3A = arith.constant 0 : i32
        %dma_wait3A_113 = arith.constant 0 : i32
        %dma_wait3A_114 = arith.constant 0 : i32
        %dma_wait3A_115 = tpu.memref_slice %arg10[%dma_wait3A, %dma_wait3A_113, %dma_wait3A_114] : memref<4x128x16xf32, #tpu.memory_space<vmem>> -> memref<1x128x16xf32, #tpu.memory_space<vmem>>
        %dma_wait3A_116 = tpu.memref_squeeze %dma_wait3A_115 : memref<1x128x16xf32, #tpu.memory_space<vmem>> -> memref<128x16xf32, #tpu.memory_space<vmem>>
        %dma_wait3A_117 = arith.constant 0 : i32
        %dma_wait3A_118 = tpu.memref_slice %arg8[%add3A_112, %dma_wait3A_117] : memref<132x128xi32, #tpu.memory_space<vmem>> -> memref<1x128xi32, #tpu.memory_space<vmem>>
        %dma_wait3A_119 = tpu.memref_squeeze %dma_wait3A_118 : memref<1x128xi32, #tpu.memory_space<vmem>> -> memref<128xi32, #tpu.memory_space<vmem>>
        %dma_wait3A_120 = arith.constant 0 : i32
        %dma_wait3A_121 = arith.constant 0 : i32
        %dma_wait3A_122 = tpu.memref_slice %arg2[%dma_wait3A_120, %dma_wait3A_121] : memref<10000x16xf32, #tpu.memory_space<hbm>> -> memref<10000x16xf32, #tpu.memory_space<hbm>>
        tpu.wait_indirect_dma semaphore(%arg12 : memref<!tpu.dma_semaphore, #tpu.memory_space<semaphore_mem>>) src(%dma_wait3A_122 : memref<10000x16xf32, #tpu.memory_space<hbm>>) dst(%dma_wait3A_116 : memref<128x16xf32, #tpu.memory_space<vmem>>)
        %run_scoped3A_123 = arith.constant 0 : i32
        "tpu.region"() ({
          %run_scoped3A_199 = tpu.sem_alloc : memref<!tpu.dma_semaphore, #tpu.memory_space<semaphore_mem>>
          %dma_start3A_200 = arith.constant 0 : i32
          %dma_start3A_201 = arith.constant 0 : i32
          %dma_start3A_202 = tpu.memref_slice %arg10[%run_scoped3A_123, %dma_start3A_200, %dma_start3A_201] : memref<4x128x16xf32, #tpu.memory_space<vmem>> -> memref<1x128x16xf32, #tpu.memory_space<vmem>>
          %dma_start3A_203 = tpu.memref_squeeze %dma_start3A_202 : memref<1x128x16xf32, #tpu.memory_space<vmem>> -> memref<128x16xf32, #tpu.memory_space<vmem>>
          %dma_start3A_204 = arith.constant 0 : i32
          %dma_start3A_205 = tpu.memref_slice %arg9[%add3A_112, %dma_start3A_204] : memref<132x128xi32, #tpu.memory_space<vmem>> -> memref<1x128xi32, #tpu.memory_space<vmem>>
          %dma_start3A_206 = tpu.memref_squeeze %dma_start3A_205 : memref<1x128xi32, #tpu.memory_space<vmem>> -> memref<128xi32, #tpu.memory_space<vmem>>
          %dma_start3A_207 = arith.constant 0 : i32
          %dma_start3A_208 = arith.constant 0 : i32
          %dma_start3A_209 = tpu.memref_slice %arg11[%dma_start3A_207, %dma_start3A_208] : memref<10240x16xf32, #tpu.memory_space<vmem_shared>> -> memref<10240x16xf32, #tpu.memory_space<vmem_shared>>
          tpu.enqueue_indirect_dma source(%dma_start3A_203 : memref<128x16xf32, #tpu.memory_space<vmem>>) target(%dma_start3A_209 : memref<10240x16xf32, #tpu.memory_space<vmem_shared>>) offsets(%dma_start3A_206 : memref<128xi32, #tpu.memory_space<vmem>>) semaphore(%run_scoped3A_199 : memref<!tpu.dma_semaphore, #tpu.memory_space<semaphore_mem>>) {add = true}
          %dma_wait3A_210 = arith.constant 0 : i32
          %dma_wait3A_211 = arith.constant 0 : i32
          %dma_wait3A_212 = tpu.memref_slice %arg10[%run_scoped3A_123, %dma_wait3A_210, %dma_wait3A_211] : memref<4x128x16xf32, #tpu.memory_space<vmem>> -> memref<1x128x16xf32, #tpu.memory_space<vmem>>
          %dma_wait3A_213 = tpu.memref_squeeze %dma_wait3A_212 : memref<1x128x16xf32, #tpu.memory_space<vmem>> -> memref<128x16xf32, #tpu.memory_space<vmem>>
          %dma_wait3A_214 = arith.constant 0 : i32
          %dma_wait3A_215 = tpu.memref_slice %arg9[%add3A_112, %dma_wait3A_214] : memref<132x128xi32, #tpu.memory_space<vmem>> -> memref<1x128xi32, #tpu.memory_space<vmem>>
          %dma_wait3A_216 = tpu.memref_squeeze %dma_wait3A_215 : memref<1x128xi32, #tpu.memory_space<vmem>> -> memref<128xi32, #tpu.memory_space<vmem>>
          %dma_wait3A_217 = arith.constant 0 : i32
          %dma_wait3A_218 = arith.constant 0 : i32
          %dma_wait3A_219 = tpu.memref_slice %arg11[%dma_wait3A_217, %dma_wait3A_218] : memref<10240x16xf32, #tpu.memory_space<vmem_shared>> -> memref<10240x16xf32, #tpu.memory_space<vmem_shared>>
          tpu.wait_indirect_dma semaphore(%run_scoped3A_199 : memref<!tpu.dma_semaphore, #tpu.memory_space<semaphore_mem>>) src(%dma_wait3A_213 : memref<128x16xf32, #tpu.memory_space<vmem>>) dst(%dma_wait3A_219 : memref<10240x16xf32, #tpu.memory_space<vmem_shared>>)
          tpu.yield
        }) : () -> ()
        %add3A_124 = arith.constant 4 : i32
        %add3A_125 = arith.addi %add3A_112, %add3A_124 : i32
        %lt3A = arith.constant 132 : i32
        %lt3A_126 = arith.cmpi slt, %add3A_125, %lt3A : i32
        %convert_element_type3A_127 = arith.extui %lt3A_126 : i1 to i32
        %cond3A_128 = arith.constant 0 : i32
        %cond3A_129 = arith.cmpi ne, %convert_element_type3A_127, %cond3A_128 : i32
        scf.if %cond3A_129 {
          %add3A_199 = arith.constant 4 : i32
          %add3A_200 = arith.addi %add3A_112, %add3A_199 : i32
          %dma_start3A_201 = arith.constant 0 : i32
          %dma_start3A_202 = arith.constant 0 : i32
          %dma_start3A_203 = arith.constant 0 : i32
          %dma_start3A_204 = tpu.memref_slice %arg10[%dma_start3A_201, %dma_start3A_202, %dma_start3A_203] : memref<4x128x16xf32, #tpu.memory_space<vmem>> -> memref<1x128x16xf32, #tpu.memory_space<vmem>>
          %dma_start3A_205 = tpu.memref_squeeze %dma_start3A_204 : memref<1x128x16xf32, #tpu.memory_space<vmem>> -> memref<128x16xf32, #tpu.memory_space<vmem>>
          %dma_start3A_206 = arith.constant 0 : i32
          %dma_start3A_207 = tpu.memref_slice %arg8[%add3A_200, %dma_start3A_206] : memref<132x128xi32, #tpu.memory_space<vmem>> -> memref<1x128xi32, #tpu.memory_space<vmem>>
          %dma_start3A_208 = tpu.memref_squeeze %dma_start3A_207 : memref<1x128xi32, #tpu.memory_space<vmem>> -> memref<128xi32, #tpu.memory_space<vmem>>
          %dma_start3A_209 = arith.constant 0 : i32
          %dma_start3A_210 = arith.constant 0 : i32
          %dma_start3A_211 = tpu.memref_slice %arg2[%dma_start3A_209, %dma_start3A_210] : memref<10000x16xf32, #tpu.memory_space<hbm>> -> memref<10000x16xf32, #tpu.memory_space<hbm>>
          tpu.enqueue_indirect_dma source(%dma_start3A_211 : memref<10000x16xf32, #tpu.memory_space<hbm>>) target(%dma_start3A_205 : memref<128x16xf32, #tpu.memory_space<vmem>>) offsets(%dma_start3A_208 : memref<128xi32, #tpu.memory_space<vmem>>) semaphore(%arg12 : memref<!tpu.dma_semaphore, #tpu.memory_space<semaphore_mem>>)
        } else {
        }
        %mul3A_130 = arith.constant 4 : i32
        %mul3A_131 = arith.muli %scan3A_108, %mul3A_130 : i32
        %add3A_132 = arith.constant 1 : i32
        %add3A_133 = arith.addi %mul3A_131, %add3A_132 : i32
        %dma_wait3A_134 = arith.constant 1 : i32
        %dma_wait3A_135 = arith.constant 0 : i32
        %dma_wait3A_136 = arith.constant 0 : i32
        %dma_wait3A_137 = tpu.memref_slice %arg10[%dma_wait3A_134, %dma_wait3A_135, %dma_wait3A_136] : memref<4x128x16xf32, #tpu.memory_space<vmem>> -> memref<1x128x16xf32, #tpu.memory_space<vmem>>
        %dma_wait3A_138 = tpu.memref_squeeze %dma_wait3A_137 : memref<1x128x16xf32, #tpu.memory_space<vmem>> -> memref<128x16xf32, #tpu.memory_space<vmem>>
        %dma_wait3A_139 = arith.constant 0 : i32
        %dma_wait3A_140 = tpu.memref_slice %arg8[%add3A_133, %dma_wait3A_139] : memref<132x128xi32, #tpu.memory_space<vmem>> -> memref<1x128xi32, #tpu.memory_space<vmem>>
        %dma_wait3A_141 = tpu.memref_squeeze %dma_wait3A_140 : memref<1x128xi32, #tpu.memory_space<vmem>> -> memref<128xi32, #tpu.memory_space<vmem>>
        %dma_wait3A_142 = arith.constant 0 : i32
        %dma_wait3A_143 = arith.constant 0 : i32
        %dma_wait3A_144 = tpu.memref_slice %arg2[%dma_wait3A_142, %dma_wait3A_143] : memref<10000x16xf32, #tpu.memory_space<hbm>> -> memref<10000x16xf32, #tpu.memory_space<hbm>>
        tpu.wait_indirect_dma semaphore(%arg13 : memref<!tpu.dma_semaphore, #tpu.memory_space<semaphore_mem>>) src(%dma_wait3A_144 : memref<10000x16xf32, #tpu.memory_space<hbm>>) dst(%dma_wait3A_138 : memref<128x16xf32, #tpu.memory_space<vmem>>)
        %run_scoped3A_145 = arith.constant 1 : i32
        "tpu.region"() ({
          %run_scoped3A_199 = tpu.sem_alloc : memref<!tpu.dma_semaphore, #tpu.memory_space<semaphore_mem>>
          %dma_start3A_200 = arith.constant 0 : i32
          %dma_start3A_201 = arith.constant 0 : i32
          %dma_start3A_202 = tpu.memref_slice %arg10[%run_scoped3A_145, %dma_start3A_200, %dma_start3A_201] : memref<4x128x16xf32, #tpu.memory_space<vmem>> -> memref<1x128x16xf32, #tpu.memory_space<vmem>>
          %dma_start3A_203 = tpu.memref_squeeze %dma_start3A_202 : memref<1x128x16xf32, #tpu.memory_space<vmem>> -> memref<128x16xf32, #tpu.memory_space<vmem>>
          %dma_start3A_204 = arith.constant 0 : i32
          %dma_start3A_205 = tpu.memref_slice %arg9[%add3A_133, %dma_start3A_204] : memref<132x128xi32, #tpu.memory_space<vmem>> -> memref<1x128xi32, #tpu.memory_space<vmem>>
          %dma_start3A_206 = tpu.memref_squeeze %dma_start3A_205 : memref<1x128xi32, #tpu.memory_space<vmem>> -> memref<128xi32, #tpu.memory_space<vmem>>
          %dma_start3A_207 = arith.constant 0 : i32
          %dma_start3A_208 = arith.constant 0 : i32
          %dma_start3A_209 = tpu.memref_slice %arg11[%dma_start3A_207, %dma_start3A_208] : memref<10240x16xf32, #tpu.memory_space<vmem_shared>> -> memref<10240x16xf32, #tpu.memory_space<vmem_shared>>
          tpu.enqueue_indirect_dma source(%dma_start3A_203 : memref<128x16xf32, #tpu.memory_space<vmem>>) target(%dma_start3A_209 : memref<10240x16xf32, #tpu.memory_space<vmem_shared>>) offsets(%dma_start3A_206 : memref<128xi32, #tpu.memory_space<vmem>>) semaphore(%run_scoped3A_199 : memref<!tpu.dma_semaphore, #tpu.memory_space<semaphore_mem>>) {add = true}
          %dma_wait3A_210 = arith.constant 0 : i32
          %dma_wait3A_211 = arith.constant 0 : i32
          %dma_wait3A_212 = tpu.memref_slice %arg10[%run_scoped3A_145, %dma_wait3A_210, %dma_wait3A_211] : memref<4x128x16xf32, #tpu.memory_space<vmem>> -> memref<1x128x16xf32, #tpu.memory_space<vmem>>
          %dma_wait3A_213 = tpu.memref_squeeze %dma_wait3A_212 : memref<1x128x16xf32, #tpu.memory_space<vmem>> -> memref<128x16xf32, #tpu.memory_space<vmem>>
          %dma_wait3A_214 = arith.constant 0 : i32
          %dma_wait3A_215 = tpu.memref_slice %arg9[%add3A_133, %dma_wait3A_214] : memref<132x128xi32, #tpu.memory_space<vmem>> -> memref<1x128xi32, #tpu.memory_space<vmem>>
          %dma_wait3A_216 = tpu.memref_squeeze %dma_wait3A_215 : memref<1x128xi32, #tpu.memory_space<vmem>> -> memref<128xi32, #tpu.memory_space<vmem>>
          %dma_wait3A_217 = arith.constant 0 : i32
          %dma_wait3A_218 = arith.constant 0 : i32
          %dma_wait3A_219 = tpu.memref_slice %arg11[%dma_wait3A_217, %dma_wait3A_218] : memref<10240x16xf32, #tpu.memory_space<vmem_shared>> -> memref<10240x16xf32, #tpu.memory_space<vmem_shared>>
          tpu.wait_indirect_dma semaphore(%run_scoped3A_199 : memref<!tpu.dma_semaphore, #tpu.memory_space<semaphore_mem>>) src(%dma_wait3A_213 : memref<128x16xf32, #tpu.memory_space<vmem>>) dst(%dma_wait3A_219 : memref<10240x16xf32, #tpu.memory_space<vmem_shared>>)
          tpu.yield
        }) : () -> ()
        %add3A_146 = arith.constant 4 : i32
        %add3A_147 = arith.addi %add3A_133, %add3A_146 : i32
        %lt3A_148 = arith.constant 132 : i32
        %lt3A_149 = arith.cmpi slt, %add3A_147, %lt3A_148 : i32
        %convert_element_type3A_150 = arith.extui %lt3A_149 : i1 to i32
        %cond3A_151 = arith.constant 0 : i32
        %cond3A_152 = arith.cmpi ne, %convert_element_type3A_150, %cond3A_151 : i32
        scf.if %cond3A_152 {
          %add3A_199 = arith.constant 4 : i32
          %add3A_200 = arith.addi %add3A_133, %add3A_199 : i32
          %dma_start3A_201 = arith.constant 1 : i32
          %dma_start3A_202 = arith.constant 0 : i32
          %dma_start3A_203 = arith.constant 0 : i32
          %dma_start3A_204 = tpu.memref_slice %arg10[%dma_start3A_201, %dma_start3A_202, %dma_start3A_203] : memref<4x128x16xf32, #tpu.memory_space<vmem>> -> memref<1x128x16xf32, #tpu.memory_space<vmem>>
          %dma_start3A_205 = tpu.memref_squeeze %dma_start3A_204 : memref<1x128x16xf32, #tpu.memory_space<vmem>> -> memref<128x16xf32, #tpu.memory_space<vmem>>
          %dma_start3A_206 = arith.constant 0 : i32
          %dma_start3A_207 = tpu.memref_slice %arg8[%add3A_200, %dma_start3A_206] : memref<132x128xi32, #tpu.memory_space<vmem>> -> memref<1x128xi32, #tpu.memory_space<vmem>>
          %dma_start3A_208 = tpu.memref_squeeze %dma_start3A_207 : memref<1x128xi32, #tpu.memory_space<vmem>> -> memref<128xi32, #tpu.memory_space<vmem>>
          %dma_start3A_209 = arith.constant 0 : i32
          %dma_start3A_210 = arith.constant 0 : i32
          %dma_start3A_211 = tpu.memref_slice %arg2[%dma_start3A_209, %dma_start3A_210] : memref<10000x16xf32, #tpu.memory_space<hbm>> -> memref<10000x16xf32, #tpu.memory_space<hbm>>
          tpu.enqueue_indirect_dma source(%dma_start3A_211 : memref<10000x16xf32, #tpu.memory_space<hbm>>) target(%dma_start3A_205 : memref<128x16xf32, #tpu.memory_space<vmem>>) offsets(%dma_start3A_208 : memref<128xi32, #tpu.memory_space<vmem>>) semaphore(%arg13 : memref<!tpu.dma_semaphore, #tpu.memory_space<semaphore_mem>>)
        } else {
        }
        %mul3A_153 = arith.constant 4 : i32
        %mul3A_154 = arith.muli %scan3A_108, %mul3A_153 : i32
        %add3A_155 = arith.constant 2 : i32
        %add3A_156 = arith.addi %mul3A_154, %add3A_155 : i32
        %dma_wait3A_157 = arith.constant 2 : i32
        %dma_wait3A_158 = arith.constant 0 : i32
        %dma_wait3A_159 = arith.constant 0 : i32
        %dma_wait3A_160 = tpu.memref_slice %arg10[%dma_wait3A_157, %dma_wait3A_158, %dma_wait3A_159] : memref<4x128x16xf32, #tpu.memory_space<vmem>> -> memref<1x128x16xf32, #tpu.memory_space<vmem>>
        %dma_wait3A_161 = tpu.memref_squeeze %dma_wait3A_160 : memref<1x128x16xf32, #tpu.memory_space<vmem>> -> memref<128x16xf32, #tpu.memory_space<vmem>>
        %dma_wait3A_162 = arith.constant 0 : i32
        %dma_wait3A_163 = tpu.memref_slice %arg8[%add3A_156, %dma_wait3A_162] : memref<132x128xi32, #tpu.memory_space<vmem>> -> memref<1x128xi32, #tpu.memory_space<vmem>>
        %dma_wait3A_164 = tpu.memref_squeeze %dma_wait3A_163 : memref<1x128xi32, #tpu.memory_space<vmem>> -> memref<128xi32, #tpu.memory_space<vmem>>
        %dma_wait3A_165 = arith.constant 0 : i32
        %dma_wait3A_166 = arith.constant 0 : i32
        %dma_wait3A_167 = tpu.memref_slice %arg2[%dma_wait3A_165, %dma_wait3A_166] : memref<10000x16xf32, #tpu.memory_space<hbm>> -> memref<10000x16xf32, #tpu.memory_space<hbm>>
        tpu.wait_indirect_dma semaphore(%arg14 : memref<!tpu.dma_semaphore, #tpu.memory_space<semaphore_mem>>) src(%dma_wait3A_167 : memref<10000x16xf32, #tpu.memory_space<hbm>>) dst(%dma_wait3A_161 : memref<128x16xf32, #tpu.memory_space<vmem>>)
        %run_scoped3A_168 = arith.constant 2 : i32
        "tpu.region"() ({
          %run_scoped3A_199 = tpu.sem_alloc : memref<!tpu.dma_semaphore, #tpu.memory_space<semaphore_mem>>
          %dma_start3A_200 = arith.constant 0 : i32
          %dma_start3A_201 = arith.constant 0 : i32
          %dma_start3A_202 = tpu.memref_slice %arg10[%run_scoped3A_168, %dma_start3A_200, %dma_start3A_201] : memref<4x128x16xf32, #tpu.memory_space<vmem>> -> memref<1x128x16xf32, #tpu.memory_space<vmem>>
          %dma_start3A_203 = tpu.memref_squeeze %dma_start3A_202 : memref<1x128x16xf32, #tpu.memory_space<vmem>> -> memref<128x16xf32, #tpu.memory_space<vmem>>
          %dma_start3A_204 = arith.constant 0 : i32
          %dma_start3A_205 = tpu.memref_slice %arg9[%add3A_156, %dma_start3A_204] : memref<132x128xi32, #tpu.memory_space<vmem>> -> memref<1x128xi32, #tpu.memory_space<vmem>>
          %dma_start3A_206 = tpu.memref_squeeze %dma_start3A_205 : memref<1x128xi32, #tpu.memory_space<vmem>> -> memref<128xi32, #tpu.memory_space<vmem>>
          %dma_start3A_207 = arith.constant 0 : i32
          %dma_start3A_208 = arith.constant 0 : i32
          %dma_start3A_209 = tpu.memref_slice %arg11[%dma_start3A_207, %dma_start3A_208] : memref<10240x16xf32, #tpu.memory_space<vmem_shared>> -> memref<10240x16xf32, #tpu.memory_space<vmem_shared>>
          tpu.enqueue_indirect_dma source(%dma_start3A_203 : memref<128x16xf32, #tpu.memory_space<vmem>>) target(%dma_start3A_209 : memref<10240x16xf32, #tpu.memory_space<vmem_shared>>) offsets(%dma_start3A_206 : memref<128xi32, #tpu.memory_space<vmem>>) semaphore(%run_scoped3A_199 : memref<!tpu.dma_semaphore, #tpu.memory_space<semaphore_mem>>) {add = true}
          %dma_wait3A_210 = arith.constant 0 : i32
          %dma_wait3A_211 = arith.constant 0 : i32
          %dma_wait3A_212 = tpu.memref_slice %arg10[%run_scoped3A_168, %dma_wait3A_210, %dma_wait3A_211] : memref<4x128x16xf32, #tpu.memory_space<vmem>> -> memref<1x128x16xf32, #tpu.memory_space<vmem>>
          %dma_wait3A_213 = tpu.memref_squeeze %dma_wait3A_212 : memref<1x128x16xf32, #tpu.memory_space<vmem>> -> memref<128x16xf32, #tpu.memory_space<vmem>>
          %dma_wait3A_214 = arith.constant 0 : i32
          %dma_wait3A_215 = tpu.memref_slice %arg9[%add3A_156, %dma_wait3A_214] : memref<132x128xi32, #tpu.memory_space<vmem>> -> memref<1x128xi32, #tpu.memory_space<vmem>>
          %dma_wait3A_216 = tpu.memref_squeeze %dma_wait3A_215 : memref<1x128xi32, #tpu.memory_space<vmem>> -> memref<128xi32, #tpu.memory_space<vmem>>
          %dma_wait3A_217 = arith.constant 0 : i32
          %dma_wait3A_218 = arith.constant 0 : i32
          %dma_wait3A_219 = tpu.memref_slice %arg11[%dma_wait3A_217, %dma_wait3A_218] : memref<10240x16xf32, #tpu.memory_space<vmem_shared>> -> memref<10240x16xf32, #tpu.memory_space<vmem_shared>>
          tpu.wait_indirect_dma semaphore(%run_scoped3A_199 : memref<!tpu.dma_semaphore, #tpu.memory_space<semaphore_mem>>) src(%dma_wait3A_213 : memref<128x16xf32, #tpu.memory_space<vmem>>) dst(%dma_wait3A_219 : memref<10240x16xf32, #tpu.memory_space<vmem_shared>>)
          tpu.yield
        }) : () -> ()
        %add3A_169 = arith.constant 4 : i32
        %add3A_170 = arith.addi %add3A_156, %add3A_169 : i32
        %lt3A_171 = arith.constant 132 : i32
        %lt3A_172 = arith.cmpi slt, %add3A_170, %lt3A_171 : i32
        %convert_element_type3A_173 = arith.extui %lt3A_172 : i1 to i32
        %cond3A_174 = arith.constant 0 : i32
        %cond3A_175 = arith.cmpi ne, %convert_element_type3A_173, %cond3A_174 : i32
        scf.if %cond3A_175 {
          %add3A_199 = arith.constant 4 : i32
          %add3A_200 = arith.addi %add3A_156, %add3A_199 : i32
          %dma_start3A_201 = arith.constant 2 : i32
          %dma_start3A_202 = arith.constant 0 : i32
          %dma_start3A_203 = arith.constant 0 : i32
          %dma_start3A_204 = tpu.memref_slice %arg10[%dma_start3A_201, %dma_start3A_202, %dma_start3A_203] : memref<4x128x16xf32, #tpu.memory_space<vmem>> -> memref<1x128x16xf32, #tpu.memory_space<vmem>>
          %dma_start3A_205 = tpu.memref_squeeze %dma_start3A_204 : memref<1x128x16xf32, #tpu.memory_space<vmem>> -> memref<128x16xf32, #tpu.memory_space<vmem>>
          %dma_start3A_206 = arith.constant 0 : i32
          %dma_start3A_207 = tpu.memref_slice %arg8[%add3A_200, %dma_start3A_206] : memref<132x128xi32, #tpu.memory_space<vmem>> -> memref<1x128xi32, #tpu.memory_space<vmem>>
          %dma_start3A_208 = tpu.memref_squeeze %dma_start3A_207 : memref<1x128xi32, #tpu.memory_space<vmem>> -> memref<128xi32, #tpu.memory_space<vmem>>
          %dma_start3A_209 = arith.constant 0 : i32
          %dma_start3A_210 = arith.constant 0 : i32
          %dma_start3A_211 = tpu.memref_slice %arg2[%dma_start3A_209, %dma_start3A_210] : memref<10000x16xf32, #tpu.memory_space<hbm>> -> memref<10000x16xf32, #tpu.memory_space<hbm>>
          tpu.enqueue_indirect_dma source(%dma_start3A_211 : memref<10000x16xf32, #tpu.memory_space<hbm>>) target(%dma_start3A_205 : memref<128x16xf32, #tpu.memory_space<vmem>>) offsets(%dma_start3A_208 : memref<128xi32, #tpu.memory_space<vmem>>) semaphore(%arg14 : memref<!tpu.dma_semaphore, #tpu.memory_space<semaphore_mem>>)
        } else {
        }
        %mul3A_176 = arith.constant 4 : i32
        %mul3A_177 = arith.muli %scan3A_108, %mul3A_176 : i32
        %add3A_178 = arith.constant 3 : i32
        %add3A_179 = arith.addi %mul3A_177, %add3A_178 : i32
        %dma_wait3A_180 = arith.constant 3 : i32
        %dma_wait3A_181 = arith.constant 0 : i32
        %dma_wait3A_182 = arith.constant 0 : i32
        %dma_wait3A_183 = tpu.memref_slice %arg10[%dma_wait3A_180, %dma_wait3A_181, %dma_wait3A_182] : memref<4x128x16xf32, #tpu.memory_space<vmem>> -> memref<1x128x16xf32, #tpu.memory_space<vmem>>
        %dma_wait3A_184 = tpu.memref_squeeze %dma_wait3A_183 : memref<1x128x16xf32, #tpu.memory_space<vmem>> -> memref<128x16xf32, #tpu.memory_space<vmem>>
        %dma_wait3A_185 = arith.constant 0 : i32
        %dma_wait3A_186 = tpu.memref_slice %arg8[%add3A_179, %dma_wait3A_185] : memref<132x128xi32, #tpu.memory_space<vmem>> -> memref<1x128xi32, #tpu.memory_space<vmem>>
        %dma_wait3A_187 = tpu.memref_squeeze %dma_wait3A_186 : memref<1x128xi32, #tpu.memory_space<vmem>> -> memref<128xi32, #tpu.memory_space<vmem>>
        %dma_wait3A_188 = arith.constant 0 : i32
        %dma_wait3A_189 = arith.constant 0 : i32
        %dma_wait3A_190 = tpu.memref_slice %arg2[%dma_wait3A_188, %dma_wait3A_189] : memref<10000x16xf32, #tpu.memory_space<hbm>> -> memref<10000x16xf32, #tpu.memory_space<hbm>>
        tpu.wait_indirect_dma semaphore(%arg15 : memref<!tpu.dma_semaphore, #tpu.memory_space<semaphore_mem>>) src(%dma_wait3A_190 : memref<10000x16xf32, #tpu.memory_space<hbm>>) dst(%dma_wait3A_184 : memref<128x16xf32, #tpu.memory_space<vmem>>)
        %run_scoped3A_191 = arith.constant 3 : i32
        "tpu.region"() ({
          %run_scoped3A_199 = tpu.sem_alloc : memref<!tpu.dma_semaphore, #tpu.memory_space<semaphore_mem>>
          %dma_start3A_200 = arith.constant 0 : i32
          %dma_start3A_201 = arith.constant 0 : i32
          %dma_start3A_202 = tpu.memref_slice %arg10[%run_scoped3A_191, %dma_start3A_200, %dma_start3A_201] : memref<4x128x16xf32, #tpu.memory_space<vmem>> -> memref<1x128x16xf32, #tpu.memory_space<vmem>>
          %dma_start3A_203 = tpu.memref_squeeze %dma_start3A_202 : memref<1x128x16xf32, #tpu.memory_space<vmem>> -> memref<128x16xf32, #tpu.memory_space<vmem>>
          %dma_start3A_204 = arith.constant 0 : i32
          %dma_start3A_205 = tpu.memref_slice %arg9[%add3A_179, %dma_start3A_204] : memref<132x128xi32, #tpu.memory_space<vmem>> -> memref<1x128xi32, #tpu.memory_space<vmem>>
          %dma_start3A_206 = tpu.memref_squeeze %dma_start3A_205 : memref<1x128xi32, #tpu.memory_space<vmem>> -> memref<128xi32, #tpu.memory_space<vmem>>
          %dma_start3A_207 = arith.constant 0 : i32
          %dma_start3A_208 = arith.constant 0 : i32
          %dma_start3A_209 = tpu.memref_slice %arg11[%dma_start3A_207, %dma_start3A_208] : memref<10240x16xf32, #tpu.memory_space<vmem_shared>> -> memref<10240x16xf32, #tpu.memory_space<vmem_shared>>
          tpu.enqueue_indirect_dma source(%dma_start3A_203 : memref<128x16xf32, #tpu.memory_space<vmem>>) target(%dma_start3A_209 : memref<10240x16xf32, #tpu.memory_space<vmem_shared>>) offsets(%dma_start3A_206 : memref<128xi32, #tpu.memory_space<vmem>>) semaphore(%run_scoped3A_199 : memref<!tpu.dma_semaphore, #tpu.memory_space<semaphore_mem>>) {add = true}
          %dma_wait3A_210 = arith.constant 0 : i32
          %dma_wait3A_211 = arith.constant 0 : i32
          %dma_wait3A_212 = tpu.memref_slice %arg10[%run_scoped3A_191, %dma_wait3A_210, %dma_wait3A_211] : memref<4x128x16xf32, #tpu.memory_space<vmem>> -> memref<1x128x16xf32, #tpu.memory_space<vmem>>
          %dma_wait3A_213 = tpu.memref_squeeze %dma_wait3A_212 : memref<1x128x16xf32, #tpu.memory_space<vmem>> -> memref<128x16xf32, #tpu.memory_space<vmem>>
          %dma_wait3A_214 = arith.constant 0 : i32
          %dma_wait3A_215 = tpu.memref_slice %arg9[%add3A_179, %dma_wait3A_214] : memref<132x128xi32, #tpu.memory_space<vmem>> -> memref<1x128xi32, #tpu.memory_space<vmem>>
          %dma_wait3A_216 = tpu.memref_squeeze %dma_wait3A_215 : memref<1x128xi32, #tpu.memory_space<vmem>> -> memref<128xi32, #tpu.memory_space<vmem>>
          %dma_wait3A_217 = arith.constant 0 : i32
          %dma_wait3A_218 = arith.constant 0 : i32
          %dma_wait3A_219 = tpu.memref_slice %arg11[%dma_wait3A_217, %dma_wait3A_218] : memref<10240x16xf32, #tpu.memory_space<vmem_shared>> -> memref<10240x16xf32, #tpu.memory_space<vmem_shared>>
          tpu.wait_indirect_dma semaphore(%run_scoped3A_199 : memref<!tpu.dma_semaphore, #tpu.memory_space<semaphore_mem>>) src(%dma_wait3A_213 : memref<128x16xf32, #tpu.memory_space<vmem>>) dst(%dma_wait3A_219 : memref<10240x16xf32, #tpu.memory_space<vmem_shared>>)
          tpu.yield
        }) : () -> ()
        %add3A_192 = arith.constant 4 : i32
        %add3A_193 = arith.addi %add3A_179, %add3A_192 : i32
        %lt3A_194 = arith.constant 132 : i32
        %lt3A_195 = arith.cmpi slt, %add3A_193, %lt3A_194 : i32
        %convert_element_type3A_196 = arith.extui %lt3A_195 : i1 to i32
        %cond3A_197 = arith.constant 0 : i32
        %cond3A_198 = arith.cmpi ne, %convert_element_type3A_196, %cond3A_197 : i32
        scf.if %cond3A_198 {
          %add3A_199 = arith.constant 4 : i32
          %add3A_200 = arith.addi %add3A_179, %add3A_199 : i32
          %dma_start3A_201 = arith.constant 3 : i32
          %dma_start3A_202 = arith.constant 0 : i32
          %dma_start3A_203 = arith.constant 0 : i32
          %dma_start3A_204 = tpu.memref_slice %arg10[%dma_start3A_201, %dma_start3A_202, %dma_start3A_203] : memref<4x128x16xf32, #tpu.memory_space<vmem>> -> memref<1x128x16xf32, #tpu.memory_space<vmem>>
          %dma_start3A_205 = tpu.memref_squeeze %dma_start3A_204 : memref<1x128x16xf32, #tpu.memory_space<vmem>> -> memref<128x16xf32, #tpu.memory_space<vmem>>
          %dma_start3A_206 = arith.constant 0 : i32
          %dma_start3A_207 = tpu.memref_slice %arg8[%add3A_200, %dma_start3A_206] : memref<132x128xi32, #tpu.memory_space<vmem>> -> memref<1x128xi32, #tpu.memory_space<vmem>>
          %dma_start3A_208 = tpu.memref_squeeze %dma_start3A_207 : memref<1x128xi32, #tpu.memory_space<vmem>> -> memref<128xi32, #tpu.memory_space<vmem>>
          %dma_start3A_209 = arith.constant 0 : i32
          %dma_start3A_210 = arith.constant 0 : i32
          %dma_start3A_211 = tpu.memref_slice %arg2[%dma_start3A_209, %dma_start3A_210] : memref<10000x16xf32, #tpu.memory_space<hbm>> -> memref<10000x16xf32, #tpu.memory_space<hbm>>
          tpu.enqueue_indirect_dma source(%dma_start3A_211 : memref<10000x16xf32, #tpu.memory_space<hbm>>) target(%dma_start3A_205 : memref<128x16xf32, #tpu.memory_space<vmem>>) offsets(%dma_start3A_208 : memref<128xi32, #tpu.memory_space<vmem>>) semaphore(%arg15 : memref<!tpu.dma_semaphore, #tpu.memory_space<semaphore_mem>>)
        } else {
        }
      }
      %scan3A_107 = arith.constant 33 : i32
    } else {
    }
    %eq3A = arith.constant 1 : i32
    %eq3A_30 = arith.cmpi eq, %arg0, %eq3A : i32
    %convert_element_type3A_31 = arith.extui %eq3A_30 : i1 to i32
    %cond3A_32 = arith.constant 0 : i32
    %cond3A_33 = arith.cmpi ne, %convert_element_type3A_31, %cond3A_32 : i32
    scf.if %cond3A_33 {
      "tpu.region"() ({
        %run_scoped3A_108 = tpu.sem_alloc : memref<!tpu.dma_semaphore, #tpu.memory_space<semaphore_mem>>
        %dma_start3A_109 = arith.constant 0 : i32
        %dma_start3A_110 = arith.constant 0 : i32
        %dma_start3A_111 = tpu.memref_slice %arg8[%dma_start3A_109, %dma_start3A_110] : memref<132x128xi32, #tpu.memory_space<vmem>> -> memref<28x128xi32, #tpu.memory_space<vmem>>
        %dma_start3A_112 = arith.constant 0 : i32
        %dma_start3A_113 = arith.constant 0 : i32
        %dma_start3A_114 = tpu.memref_slice %arg5[%arg1, %dma_start3A_112, %dma_start3A_113] : memref<16x28x128xi32, #tpu.memory_space<hbm>> -> memref<1x28x128xi32, #tpu.memory_space<hbm>>
        %dma_start3A_115 = tpu.memref_squeeze %dma_start3A_114 : memref<1x28x128xi32, #tpu.memory_space<hbm>> -> memref<28x128xi32, #tpu.memory_space<hbm>>
        %dma_start3A_116 = arith.constant 0 : i32
        %dma_start3A_117 = arith.constant 0 : i32
        %dma_start3A_118 = tpu.memref_slice %arg8[%dma_start3A_116, %dma_start3A_117] : memref<132x128xi32, #tpu.memory_space<vmem>> -> memref<28x128xi32, #tpu.memory_space<vmem>>
        %dma_start3A_119 = arith.constant 0 : i32
        %dma_start3A_120 = arith.constant 0 : i32
        %dma_start3A_121 = tpu.memref_slice %arg5[%arg1, %dma_start3A_119, %dma_start3A_120] : memref<16x28x128xi32, #tpu.memory_space<hbm>> -> memref<1x28x128xi32, #tpu.memory_space<hbm>>
        %dma_start3A_122 = tpu.memref_squeeze %dma_start3A_121 : memref<1x28x128xi32, #tpu.memory_space<hbm>> -> memref<28x128xi32, #tpu.memory_space<hbm>>
        tpu.enqueue_dma source(%dma_start3A_122 : memref<28x128xi32, #tpu.memory_space<hbm>>) target(%dma_start3A_118 : memref<28x128xi32, #tpu.memory_space<vmem>>) target_semaphore(%run_scoped3A_108 : memref<!tpu.dma_semaphore, #tpu.memory_space<semaphore_mem>>)
        %dma_wait3A = arith.constant 0 : i32
        %dma_wait3A_123 = arith.constant 0 : i32
        %dma_wait3A_124 = tpu.memref_slice %arg8[%dma_wait3A, %dma_wait3A_123] : memref<132x128xi32, #tpu.memory_space<vmem>> -> memref<28x128xi32, #tpu.memory_space<vmem>>
        %dma_wait3A_125 = arith.constant 0 : i32
        %dma_wait3A_126 = arith.constant 0 : i32
        %dma_wait3A_127 = tpu.memref_slice %arg5[%arg1, %dma_wait3A_125, %dma_wait3A_126] : memref<16x28x128xi32, #tpu.memory_space<hbm>> -> memref<1x28x128xi32, #tpu.memory_space<hbm>>
        %dma_wait3A_128 = tpu.memref_squeeze %dma_wait3A_127 : memref<1x28x128xi32, #tpu.memory_space<hbm>> -> memref<28x128xi32, #tpu.memory_space<hbm>>
        %dma_wait3A_129 = arith.constant 0 : i32
        %dma_wait3A_130 = arith.constant 0 : i32
        %dma_wait3A_131 = tpu.memref_slice %arg8[%dma_wait3A_129, %dma_wait3A_130] : memref<132x128xi32, #tpu.memory_space<vmem>> -> memref<28x128xi32, #tpu.memory_space<vmem>>
        %dma_wait3A_132 = arith.constant 0 : i32
        %dma_wait3A_133 = arith.constant 0 : i32
        %dma_wait3A_134 = tpu.memref_slice %arg5[%arg1, %dma_wait3A_132, %dma_wait3A_133] : memref<16x28x128xi32, #tpu.memory_space<hbm>> -> memref<1x28x128xi32, #tpu.memory_space<hbm>>
        %dma_wait3A_135 = tpu.memref_squeeze %dma_wait3A_134 : memref<1x28x128xi32, #tpu.memory_space<hbm>> -> memref<28x128xi32, #tpu.memory_space<hbm>>
        tpu.wait_dma2 semaphore(%run_scoped3A_108 : memref<!tpu.dma_semaphore, #tpu.memory_space<semaphore_mem>>) src(%dma_wait3A_135 : memref<28x128xi32, #tpu.memory_space<hbm>>) dst(%dma_wait3A_131 : memref<28x128xi32, #tpu.memory_space<vmem>>)
        tpu.yield
      }) : () -> ()
      "tpu.region"() ({
        %run_scoped3A_108 = tpu.sem_alloc : memref<!tpu.dma_semaphore, #tpu.memory_space<semaphore_mem>>
        %dma_start3A_109 = arith.constant 0 : i32
        %dma_start3A_110 = arith.constant 0 : i32
        %dma_start3A_111 = tpu.memref_slice %arg9[%dma_start3A_109, %dma_start3A_110] : memref<132x128xi32, #tpu.memory_space<vmem>> -> memref<28x128xi32, #tpu.memory_space<vmem>>
        %dma_start3A_112 = arith.constant 0 : i32
        %dma_start3A_113 = arith.constant 0 : i32
        %dma_start3A_114 = tpu.memref_slice %arg6[%arg1, %dma_start3A_112, %dma_start3A_113] : memref<16x28x128xi32, #tpu.memory_space<hbm>> -> memref<1x28x128xi32, #tpu.memory_space<hbm>>
        %dma_start3A_115 = tpu.memref_squeeze %dma_start3A_114 : memref<1x28x128xi32, #tpu.memory_space<hbm>> -> memref<28x128xi32, #tpu.memory_space<hbm>>
        %dma_start3A_116 = arith.constant 0 : i32
        %dma_start3A_117 = arith.constant 0 : i32
        %dma_start3A_118 = tpu.memref_slice %arg9[%dma_start3A_116, %dma_start3A_117] : memref<132x128xi32, #tpu.memory_space<vmem>> -> memref<28x128xi32, #tpu.memory_space<vmem>>
        %dma_start3A_119 = arith.constant 0 : i32
        %dma_start3A_120 = arith.constant 0 : i32
        %dma_start3A_121 = tpu.memref_slice %arg6[%arg1, %dma_start3A_119, %dma_start3A_120] : memref<16x28x128xi32, #tpu.memory_space<hbm>> -> memref<1x28x128xi32, #tpu.memory_space<hbm>>
        %dma_start3A_122 = tpu.memref_squeeze %dma_start3A_121 : memref<1x28x128xi32, #tpu.memory_space<hbm>> -> memref<28x128xi32, #tpu.memory_space<hbm>>
        tpu.enqueue_dma source(%dma_start3A_122 : memref<28x128xi32, #tpu.memory_space<hbm>>) target(%dma_start3A_118 : memref<28x128xi32, #tpu.memory_space<vmem>>) target_semaphore(%run_scoped3A_108 : memref<!tpu.dma_semaphore, #tpu.memory_space<semaphore_mem>>)
        %dma_wait3A = arith.constant 0 : i32
        %dma_wait3A_123 = arith.constant 0 : i32
        %dma_wait3A_124 = tpu.memref_slice %arg9[%dma_wait3A, %dma_wait3A_123] : memref<132x128xi32, #tpu.memory_space<vmem>> -> memref<28x128xi32, #tpu.memory_space<vmem>>
        %dma_wait3A_125 = arith.constant 0 : i32
        %dma_wait3A_126 = arith.constant 0 : i32
        %dma_wait3A_127 = tpu.memref_slice %arg6[%arg1, %dma_wait3A_125, %dma_wait3A_126] : memref<16x28x128xi32, #tpu.memory_space<hbm>> -> memref<1x28x128xi32, #tpu.memory_space<hbm>>
        %dma_wait3A_128 = tpu.memref_squeeze %dma_wait3A_127 : memref<1x28x128xi32, #tpu.memory_space<hbm>> -> memref<28x128xi32, #tpu.memory_space<hbm>>
        %dma_wait3A_129 = arith.constant 0 : i32
        %dma_wait3A_130 = arith.constant 0 : i32
        %dma_wait3A_131 = tpu.memref_slice %arg9[%dma_wait3A_129, %dma_wait3A_130] : memref<132x128xi32, #tpu.memory_space<vmem>> -> memref<28x128xi32, #tpu.memory_space<vmem>>
        %dma_wait3A_132 = arith.constant 0 : i32
        %dma_wait3A_133 = arith.constant 0 : i32
        %dma_wait3A_134 = tpu.memref_slice %arg6[%arg1, %dma_wait3A_132, %dma_wait3A_133] : memref<16x28x128xi32, #tpu.memory_space<hbm>> -> memref<1x28x128xi32, #tpu.memory_space<hbm>>
        %dma_wait3A_135 = tpu.memref_squeeze %dma_wait3A_134 : memref<1x28x128xi32, #tpu.memory_space<hbm>> -> memref<28x128xi32, #tpu.memory_space<hbm>>
        tpu.wait_dma2 semaphore(%run_scoped3A_108 : memref<!tpu.dma_semaphore, #tpu.memory_space<semaphore_mem>>) src(%dma_wait3A_135 : memref<28x128xi32, #tpu.memory_space<hbm>>) dst(%dma_wait3A_131 : memref<28x128xi32, #tpu.memory_space<vmem>>)
        tpu.yield
      }) : () -> ()
      %dma_start3A = arith.constant 0 : i32
      %dma_start3A_55 = arith.constant 0 : i32
      %dma_start3A_56 = arith.constant 0 : i32
      %dma_start3A_57 = arith.constant 0 : i32
      %dma_start3A_58 = tpu.memref_slice %arg10[%dma_start3A_55, %dma_start3A_56, %dma_start3A_57] : memref<4x128x16xf32, #tpu.memory_space<vmem>> -> memref<1x128x16xf32, #tpu.memory_space<vmem>>
      %dma_start3A_59 = tpu.memref_squeeze %dma_start3A_58 : memref<1x128x16xf32, #tpu.memory_space<vmem>> -> memref<128x16xf32, #tpu.memory_space<vmem>>
      %dma_start3A_60 = arith.constant 0 : i32
      %dma_start3A_61 = tpu.memref_slice %arg8[%dma_start3A, %dma_start3A_60] : memref<132x128xi32, #tpu.memory_space<vmem>> -> memref<1x128xi32, #tpu.memory_space<vmem>>
      %dma_start3A_62 = tpu.memref_squeeze %dma_start3A_61 : memref<1x128xi32, #tpu.memory_space<vmem>> -> memref<128xi32, #tpu.memory_space<vmem>>
      %dma_start3A_63 = arith.constant 0 : i32
      %dma_start3A_64 = arith.constant 0 : i32
      %dma_start3A_65 = tpu.memref_slice %arg2[%dma_start3A_63, %dma_start3A_64] : memref<10000x16xf32, #tpu.memory_space<hbm>> -> memref<10000x16xf32, #tpu.memory_space<hbm>>
      tpu.enqueue_indirect_dma source(%dma_start3A_65 : memref<10000x16xf32, #tpu.memory_space<hbm>>) target(%dma_start3A_59 : memref<128x16xf32, #tpu.memory_space<vmem>>) offsets(%dma_start3A_62 : memref<128xi32, #tpu.memory_space<vmem>>) semaphore(%arg12 : memref<!tpu.dma_semaphore, #tpu.memory_space<semaphore_mem>>)
      %dma_start3A_66 = arith.constant 1 : i32
      %dma_start3A_67 = arith.constant 1 : i32
      %dma_start3A_68 = arith.constant 0 : i32
      %dma_start3A_69 = arith.constant 0 : i32
      %dma_start3A_70 = tpu.memref_slice %arg10[%dma_start3A_67, %dma_start3A_68, %dma_start3A_69] : memref<4x128x16xf32, #tpu.memory_space<vmem>> -> memref<1x128x16xf32, #tpu.memory_space<vmem>>
      %dma_start3A_71 = tpu.memref_squeeze %dma_start3A_70 : memref<1x128x16xf32, #tpu.memory_space<vmem>> -> memref<128x16xf32, #tpu.memory_space<vmem>>
      %dma_start3A_72 = arith.constant 0 : i32
      %dma_start3A_73 = tpu.memref_slice %arg8[%dma_start3A_66, %dma_start3A_72] : memref<132x128xi32, #tpu.memory_space<vmem>> -> memref<1x128xi32, #tpu.memory_space<vmem>>
      %dma_start3A_74 = tpu.memref_squeeze %dma_start3A_73 : memref<1x128xi32, #tpu.memory_space<vmem>> -> memref<128xi32, #tpu.memory_space<vmem>>
      %dma_start3A_75 = arith.constant 0 : i32
      %dma_start3A_76 = arith.constant 0 : i32
      %dma_start3A_77 = tpu.memref_slice %arg2[%dma_start3A_75, %dma_start3A_76] : memref<10000x16xf32, #tpu.memory_space<hbm>> -> memref<10000x16xf32, #tpu.memory_space<hbm>>
      tpu.enqueue_indirect_dma source(%dma_start3A_77 : memref<10000x16xf32, #tpu.memory_space<hbm>>) target(%dma_start3A_71 : memref<128x16xf32, #tpu.memory_space<vmem>>) offsets(%dma_start3A_74 : memref<128xi32, #tpu.memory_space<vmem>>) semaphore(%arg13 : memref<!tpu.dma_semaphore, #tpu.memory_space<semaphore_mem>>)
      %dma_start3A_78 = arith.constant 2 : i32
      %dma_start3A_79 = arith.constant 2 : i32
      %dma_start3A_80 = arith.constant 0 : i32
      %dma_start3A_81 = arith.constant 0 : i32
      %dma_start3A_82 = tpu.memref_slice %arg10[%dma_start3A_79, %dma_start3A_80, %dma_start3A_81] : memref<4x128x16xf32, #tpu.memory_space<vmem>> -> memref<1x128x16xf32, #tpu.memory_space<vmem>>
      %dma_start3A_83 = tpu.memref_squeeze %dma_start3A_82 : memref<1x128x16xf32, #tpu.memory_space<vmem>> -> memref<128x16xf32, #tpu.memory_space<vmem>>
      %dma_start3A_84 = arith.constant 0 : i32
      %dma_start3A_85 = tpu.memref_slice %arg8[%dma_start3A_78, %dma_start3A_84] : memref<132x128xi32, #tpu.memory_space<vmem>> -> memref<1x128xi32, #tpu.memory_space<vmem>>
      %dma_start3A_86 = tpu.memref_squeeze %dma_start3A_85 : memref<1x128xi32, #tpu.memory_space<vmem>> -> memref<128xi32, #tpu.memory_space<vmem>>
      %dma_start3A_87 = arith.constant 0 : i32
      %dma_start3A_88 = arith.constant 0 : i32
      %dma_start3A_89 = tpu.memref_slice %arg2[%dma_start3A_87, %dma_start3A_88] : memref<10000x16xf32, #tpu.memory_space<hbm>> -> memref<10000x16xf32, #tpu.memory_space<hbm>>
      tpu.enqueue_indirect_dma source(%dma_start3A_89 : memref<10000x16xf32, #tpu.memory_space<hbm>>) target(%dma_start3A_83 : memref<128x16xf32, #tpu.memory_space<vmem>>) offsets(%dma_start3A_86 : memref<128xi32, #tpu.memory_space<vmem>>) semaphore(%arg14 : memref<!tpu.dma_semaphore, #tpu.memory_space<semaphore_mem>>)
      %dma_start3A_90 = arith.constant 3 : i32
      %dma_start3A_91 = arith.constant 3 : i32
      %dma_start3A_92 = arith.constant 0 : i32
      %dma_start3A_93 = arith.constant 0 : i32
      %dma_start3A_94 = tpu.memref_slice %arg10[%dma_start3A_91, %dma_start3A_92, %dma_start3A_93] : memref<4x128x16xf32, #tpu.memory_space<vmem>> -> memref<1x128x16xf32, #tpu.memory_space<vmem>>
      %dma_start3A_95 = tpu.memref_squeeze %dma_start3A_94 : memref<1x128x16xf32, #tpu.memory_space<vmem>> -> memref<128x16xf32, #tpu.memory_space<vmem>>
      %dma_start3A_96 = arith.constant 0 : i32
      %dma_start3A_97 = tpu.memref_slice %arg8[%dma_start3A_90, %dma_start3A_96] : memref<132x128xi32, #tpu.memory_space<vmem>> -> memref<1x128xi32, #tpu.memory_space<vmem>>
      %dma_start3A_98 = tpu.memref_squeeze %dma_start3A_97 : memref<1x128xi32, #tpu.memory_space<vmem>> -> memref<128xi32, #tpu.memory_space<vmem>>
      %dma_start3A_99 = arith.constant 0 : i32
      %dma_start3A_100 = arith.constant 0 : i32
      %dma_start3A_101 = tpu.memref_slice %arg2[%dma_start3A_99, %dma_start3A_100] : memref<10000x16xf32, #tpu.memory_space<hbm>> -> memref<10000x16xf32, #tpu.memory_space<hbm>>
      tpu.enqueue_indirect_dma source(%dma_start3A_101 : memref<10000x16xf32, #tpu.memory_space<hbm>>) target(%dma_start3A_95 : memref<128x16xf32, #tpu.memory_space<vmem>>) offsets(%dma_start3A_98 : memref<128xi32, #tpu.memory_space<vmem>>) semaphore(%arg15 : memref<!tpu.dma_semaphore, #tpu.memory_space<semaphore_mem>>)
      %scan3A_102 = arith.constant 0 : i32
      %scan3A_103 = arith.constant 0 : i32
      %scan3A_104 = arith.constant 7 : i32
      %scan3A_105 = arith.addi %scan3A_103, %scan3A_104 : i32
      %scan3A_106 = arith.constant 1 : i32
      scf.for %scan3A_108 = %scan3A_103 to %scan3A_105 step %scan3A_106  : i32 {
        %mul3A_109 = arith.constant 4 : i32
        %mul3A_110 = arith.muli %scan3A_108, %mul3A_109 : i32
        %add3A_111 = arith.constant 0 : i32
        %add3A_112 = arith.addi %mul3A_110, %add3A_111 : i32
        %dma_wait3A = arith.constant 0 : i32
        %dma_wait3A_113 = arith.constant 0 : i32
        %dma_wait3A_114 = arith.constant 0 : i32
        %dma_wait3A_115 = tpu.memref_slice %arg10[%dma_wait3A, %dma_wait3A_113, %dma_wait3A_114] : memref<4x128x16xf32, #tpu.memory_space<vmem>> -> memref<1x128x16xf32, #tpu.memory_space<vmem>>
        %dma_wait3A_116 = tpu.memref_squeeze %dma_wait3A_115 : memref<1x128x16xf32, #tpu.memory_space<vmem>> -> memref<128x16xf32, #tpu.memory_space<vmem>>
        %dma_wait3A_117 = arith.constant 0 : i32
        %dma_wait3A_118 = tpu.memref_slice %arg8[%add3A_112, %dma_wait3A_117] : memref<132x128xi32, #tpu.memory_space<vmem>> -> memref<1x128xi32, #tpu.memory_space<vmem>>
        %dma_wait3A_119 = tpu.memref_squeeze %dma_wait3A_118 : memref<1x128xi32, #tpu.memory_space<vmem>> -> memref<128xi32, #tpu.memory_space<vmem>>
        %dma_wait3A_120 = arith.constant 0 : i32
        %dma_wait3A_121 = arith.constant 0 : i32
        %dma_wait3A_122 = tpu.memref_slice %arg2[%dma_wait3A_120, %dma_wait3A_121] : memref<10000x16xf32, #tpu.memory_space<hbm>> -> memref<10000x16xf32, #tpu.memory_space<hbm>>
        tpu.wait_indirect_dma semaphore(%arg12 : memref<!tpu.dma_semaphore, #tpu.memory_space<semaphore_mem>>) src(%dma_wait3A_122 : memref<10000x16xf32, #tpu.memory_space<hbm>>) dst(%dma_wait3A_116 : memref<128x16xf32, #tpu.memory_space<vmem>>)
        %run_scoped3A_123 = arith.constant 0 : i32
        "tpu.region"() ({
          %run_scoped3A_199 = tpu.sem_alloc : memref<!tpu.dma_semaphore, #tpu.memory_space<semaphore_mem>>
          %dma_start3A_200 = arith.constant 0 : i32
          %dma_start3A_201 = arith.constant 0 : i32
          %dma_start3A_202 = tpu.memref_slice %arg10[%run_scoped3A_123, %dma_start3A_200, %dma_start3A_201] : memref<4x128x16xf32, #tpu.memory_space<vmem>> -> memref<1x128x16xf32, #tpu.memory_space<vmem>>
          %dma_start3A_203 = tpu.memref_squeeze %dma_start3A_202 : memref<1x128x16xf32, #tpu.memory_space<vmem>> -> memref<128x16xf32, #tpu.memory_space<vmem>>
          %dma_start3A_204 = arith.constant 0 : i32
          %dma_start3A_205 = tpu.memref_slice %arg9[%add3A_112, %dma_start3A_204] : memref<132x128xi32, #tpu.memory_space<vmem>> -> memref<1x128xi32, #tpu.memory_space<vmem>>
          %dma_start3A_206 = tpu.memref_squeeze %dma_start3A_205 : memref<1x128xi32, #tpu.memory_space<vmem>> -> memref<128xi32, #tpu.memory_space<vmem>>
          %dma_start3A_207 = arith.constant 0 : i32
          %dma_start3A_208 = arith.constant 0 : i32
          %dma_start3A_209 = tpu.memref_slice %arg11[%dma_start3A_207, %dma_start3A_208] : memref<10240x16xf32, #tpu.memory_space<vmem_shared>> -> memref<10240x16xf32, #tpu.memory_space<vmem_shared>>
          tpu.enqueue_indirect_dma source(%dma_start3A_203 : memref<128x16xf32, #tpu.memory_space<vmem>>) target(%dma_start3A_209 : memref<10240x16xf32, #tpu.memory_space<vmem_shared>>) offsets(%dma_start3A_206 : memref<128xi32, #tpu.memory_space<vmem>>) semaphore(%run_scoped3A_199 : memref<!tpu.dma_semaphore, #tpu.memory_space<semaphore_mem>>) {add = true}
          %dma_wait3A_210 = arith.constant 0 : i32
          %dma_wait3A_211 = arith.constant 0 : i32
          %dma_wait3A_212 = tpu.memref_slice %arg10[%run_scoped3A_123, %dma_wait3A_210, %dma_wait3A_211] : memref<4x128x16xf32, #tpu.memory_space<vmem>> -> memref<1x128x16xf32, #tpu.memory_space<vmem>>
          %dma_wait3A_213 = tpu.memref_squeeze %dma_wait3A_212 : memref<1x128x16xf32, #tpu.memory_space<vmem>> -> memref<128x16xf32, #tpu.memory_space<vmem>>
          %dma_wait3A_214 = arith.constant 0 : i32
          %dma_wait3A_215 = tpu.memref_slice %arg9[%add3A_112, %dma_wait3A_214] : memref<132x128xi32, #tpu.memory_space<vmem>> -> memref<1x128xi32, #tpu.memory_space<vmem>>
          %dma_wait3A_216 = tpu.memref_squeeze %dma_wait3A_215 : memref<1x128xi32, #tpu.memory_space<vmem>> -> memref<128xi32, #tpu.memory_space<vmem>>
          %dma_wait3A_217 = arith.constant 0 : i32
          %dma_wait3A_218 = arith.constant 0 : i32
          %dma_wait3A_219 = tpu.memref_slice %arg11[%dma_wait3A_217, %dma_wait3A_218] : memref<10240x16xf32, #tpu.memory_space<vmem_shared>> -> memref<10240x16xf32, #tpu.memory_space<vmem_shared>>
          tpu.wait_indirect_dma semaphore(%run_scoped3A_199 : memref<!tpu.dma_semaphore, #tpu.memory_space<semaphore_mem>>) src(%dma_wait3A_213 : memref<128x16xf32, #tpu.memory_space<vmem>>) dst(%dma_wait3A_219 : memref<10240x16xf32, #tpu.memory_space<vmem_shared>>)
          tpu.yield
        }) : () -> ()
        %add3A_124 = arith.constant 4 : i32
        %add3A_125 = arith.addi %add3A_112, %add3A_124 : i32
        %lt3A = arith.constant 28 : i32
        %lt3A_126 = arith.cmpi slt, %add3A_125, %lt3A : i32
        %convert_element_type3A_127 = arith.extui %lt3A_126 : i1 to i32
        %cond3A_128 = arith.constant 0 : i32
        %cond3A_129 = arith.cmpi ne, %convert_element_type3A_127, %cond3A_128 : i32
        scf.if %cond3A_129 {
          %add3A_199 = arith.constant 4 : i32
          %add3A_200 = arith.addi %add3A_112, %add3A_199 : i32
          %dma_start3A_201 = arith.constant 0 : i32
          %dma_start3A_202 = arith.constant 0 : i32
          %dma_start3A_203 = arith.constant 0 : i32
          %dma_start3A_204 = tpu.memref_slice %arg10[%dma_start3A_201, %dma_start3A_202, %dma_start3A_203] : memref<4x128x16xf32, #tpu.memory_space<vmem>> -> memref<1x128x16xf32, #tpu.memory_space<vmem>>
          %dma_start3A_205 = tpu.memref_squeeze %dma_start3A_204 : memref<1x128x16xf32, #tpu.memory_space<vmem>> -> memref<128x16xf32, #tpu.memory_space<vmem>>
          %dma_start3A_206 = arith.constant 0 : i32
          %dma_start3A_207 = tpu.memref_slice %arg8[%add3A_200, %dma_start3A_206] : memref<132x128xi32, #tpu.memory_space<vmem>> -> memref<1x128xi32, #tpu.memory_space<vmem>>
          %dma_start3A_208 = tpu.memref_squeeze %dma_start3A_207 : memref<1x128xi32, #tpu.memory_space<vmem>> -> memref<128xi32, #tpu.memory_space<vmem>>
          %dma_start3A_209 = arith.constant 0 : i32
          %dma_start3A_210 = arith.constant 0 : i32
          %dma_start3A_211 = tpu.memref_slice %arg2[%dma_start3A_209, %dma_start3A_210] : memref<10000x16xf32, #tpu.memory_space<hbm>> -> memref<10000x16xf32, #tpu.memory_space<hbm>>
          tpu.enqueue_indirect_dma source(%dma_start3A_211 : memref<10000x16xf32, #tpu.memory_space<hbm>>) target(%dma_start3A_205 : memref<128x16xf32, #tpu.memory_space<vmem>>) offsets(%dma_start3A_208 : memref<128xi32, #tpu.memory_space<vmem>>) semaphore(%arg12 : memref<!tpu.dma_semaphore, #tpu.memory_space<semaphore_mem>>)
        } else {
        }
        %mul3A_130 = arith.constant 4 : i32
        %mul3A_131 = arith.muli %scan3A_108, %mul3A_130 : i32
        %add3A_132 = arith.constant 1 : i32
        %add3A_133 = arith.addi %mul3A_131, %add3A_132 : i32
        %dma_wait3A_134 = arith.constant 1 : i32
        %dma_wait3A_135 = arith.constant 0 : i32
        %dma_wait3A_136 = arith.constant 0 : i32
        %dma_wait3A_137 = tpu.memref_slice %arg10[%dma_wait3A_134, %dma_wait3A_135, %dma_wait3A_136] : memref<4x128x16xf32, #tpu.memory_space<vmem>> -> memref<1x128x16xf32, #tpu.memory_space<vmem>>
        %dma_wait3A_138 = tpu.memref_squeeze %dma_wait3A_137 : memref<1x128x16xf32, #tpu.memory_space<vmem>> -> memref<128x16xf32, #tpu.memory_space<vmem>>
        %dma_wait3A_139 = arith.constant 0 : i32
        %dma_wait3A_140 = tpu.memref_slice %arg8[%add3A_133, %dma_wait3A_139] : memref<132x128xi32, #tpu.memory_space<vmem>> -> memref<1x128xi32, #tpu.memory_space<vmem>>
        %dma_wait3A_141 = tpu.memref_squeeze %dma_wait3A_140 : memref<1x128xi32, #tpu.memory_space<vmem>> -> memref<128xi32, #tpu.memory_space<vmem>>
        %dma_wait3A_142 = arith.constant 0 : i32
        %dma_wait3A_143 = arith.constant 0 : i32
        %dma_wait3A_144 = tpu.memref_slice %arg2[%dma_wait3A_142, %dma_wait3A_143] : memref<10000x16xf32, #tpu.memory_space<hbm>> -> memref<10000x16xf32, #tpu.memory_space<hbm>>
        tpu.wait_indirect_dma semaphore(%arg13 : memref<!tpu.dma_semaphore, #tpu.memory_space<semaphore_mem>>) src(%dma_wait3A_144 : memref<10000x16xf32, #tpu.memory_space<hbm>>) dst(%dma_wait3A_138 : memref<128x16xf32, #tpu.memory_space<vmem>>)
        %run_scoped3A_145 = arith.constant 1 : i32
        "tpu.region"() ({
          %run_scoped3A_199 = tpu.sem_alloc : memref<!tpu.dma_semaphore, #tpu.memory_space<semaphore_mem>>
          %dma_start3A_200 = arith.constant 0 : i32
          %dma_start3A_201 = arith.constant 0 : i32
          %dma_start3A_202 = tpu.memref_slice %arg10[%run_scoped3A_145, %dma_start3A_200, %dma_start3A_201] : memref<4x128x16xf32, #tpu.memory_space<vmem>> -> memref<1x128x16xf32, #tpu.memory_space<vmem>>
          %dma_start3A_203 = tpu.memref_squeeze %dma_start3A_202 : memref<1x128x16xf32, #tpu.memory_space<vmem>> -> memref<128x16xf32, #tpu.memory_space<vmem>>
          %dma_start3A_204 = arith.constant 0 : i32
          %dma_start3A_205 = tpu.memref_slice %arg9[%add3A_133, %dma_start3A_204] : memref<132x128xi32, #tpu.memory_space<vmem>> -> memref<1x128xi32, #tpu.memory_space<vmem>>
          %dma_start3A_206 = tpu.memref_squeeze %dma_start3A_205 : memref<1x128xi32, #tpu.memory_space<vmem>> -> memref<128xi32, #tpu.memory_space<vmem>>
          %dma_start3A_207 = arith.constant 0 : i32
          %dma_start3A_208 = arith.constant 0 : i32
          %dma_start3A_209 = tpu.memref_slice %arg11[%dma_start3A_207, %dma_start3A_208] : memref<10240x16xf32, #tpu.memory_space<vmem_shared>> -> memref<10240x16xf32, #tpu.memory_space<vmem_shared>>
          tpu.enqueue_indirect_dma source(%dma_start3A_203 : memref<128x16xf32, #tpu.memory_space<vmem>>) target(%dma_start3A_209 : memref<10240x16xf32, #tpu.memory_space<vmem_shared>>) offsets(%dma_start3A_206 : memref<128xi32, #tpu.memory_space<vmem>>) semaphore(%run_scoped3A_199 : memref<!tpu.dma_semaphore, #tpu.memory_space<semaphore_mem>>) {add = true}
          %dma_wait3A_210 = arith.constant 0 : i32
          %dma_wait3A_211 = arith.constant 0 : i32
          %dma_wait3A_212 = tpu.memref_slice %arg10[%run_scoped3A_145, %dma_wait3A_210, %dma_wait3A_211] : memref<4x128x16xf32, #tpu.memory_space<vmem>> -> memref<1x128x16xf32, #tpu.memory_space<vmem>>
          %dma_wait3A_213 = tpu.memref_squeeze %dma_wait3A_212 : memref<1x128x16xf32, #tpu.memory_space<vmem>> -> memref<128x16xf32, #tpu.memory_space<vmem>>
          %dma_wait3A_214 = arith.constant 0 : i32
          %dma_wait3A_215 = tpu.memref_slice %arg9[%add3A_133, %dma_wait3A_214] : memref<132x128xi32, #tpu.memory_space<vmem>> -> memref<1x128xi32, #tpu.memory_space<vmem>>
          %dma_wait3A_216 = tpu.memref_squeeze %dma_wait3A_215 : memref<1x128xi32, #tpu.memory_space<vmem>> -> memref<128xi32, #tpu.memory_space<vmem>>
          %dma_wait3A_217 = arith.constant 0 : i32
          %dma_wait3A_218 = arith.constant 0 : i32
          %dma_wait3A_219 = tpu.memref_slice %arg11[%dma_wait3A_217, %dma_wait3A_218] : memref<10240x16xf32, #tpu.memory_space<vmem_shared>> -> memref<10240x16xf32, #tpu.memory_space<vmem_shared>>
          tpu.wait_indirect_dma semaphore(%run_scoped3A_199 : memref<!tpu.dma_semaphore, #tpu.memory_space<semaphore_mem>>) src(%dma_wait3A_213 : memref<128x16xf32, #tpu.memory_space<vmem>>) dst(%dma_wait3A_219 : memref<10240x16xf32, #tpu.memory_space<vmem_shared>>)
          tpu.yield
        }) : () -> ()
        %add3A_146 = arith.constant 4 : i32
        %add3A_147 = arith.addi %add3A_133, %add3A_146 : i32
        %lt3A_148 = arith.constant 28 : i32
        %lt3A_149 = arith.cmpi slt, %add3A_147, %lt3A_148 : i32
        %convert_element_type3A_150 = arith.extui %lt3A_149 : i1 to i32
        %cond3A_151 = arith.constant 0 : i32
        %cond3A_152 = arith.cmpi ne, %convert_element_type3A_150, %cond3A_151 : i32
        scf.if %cond3A_152 {
          %add3A_199 = arith.constant 4 : i32
          %add3A_200 = arith.addi %add3A_133, %add3A_199 : i32
          %dma_start3A_201 = arith.constant 1 : i32
          %dma_start3A_202 = arith.constant 0 : i32
          %dma_start3A_203 = arith.constant 0 : i32
          %dma_start3A_204 = tpu.memref_slice %arg10[%dma_start3A_201, %dma_start3A_202, %dma_start3A_203] : memref<4x128x16xf32, #tpu.memory_space<vmem>> -> memref<1x128x16xf32, #tpu.memory_space<vmem>>
          %dma_start3A_205 = tpu.memref_squeeze %dma_start3A_204 : memref<1x128x16xf32, #tpu.memory_space<vmem>> -> memref<128x16xf32, #tpu.memory_space<vmem>>
          %dma_start3A_206 = arith.constant 0 : i32
          %dma_start3A_207 = tpu.memref_slice %arg8[%add3A_200, %dma_start3A_206] : memref<132x128xi32, #tpu.memory_space<vmem>> -> memref<1x128xi32, #tpu.memory_space<vmem>>
          %dma_start3A_208 = tpu.memref_squeeze %dma_start3A_207 : memref<1x128xi32, #tpu.memory_space<vmem>> -> memref<128xi32, #tpu.memory_space<vmem>>
          %dma_start3A_209 = arith.constant 0 : i32
          %dma_start3A_210 = arith.constant 0 : i32
          %dma_start3A_211 = tpu.memref_slice %arg2[%dma_start3A_209, %dma_start3A_210] : memref<10000x16xf32, #tpu.memory_space<hbm>> -> memref<10000x16xf32, #tpu.memory_space<hbm>>
          tpu.enqueue_indirect_dma source(%dma_start3A_211 : memref<10000x16xf32, #tpu.memory_space<hbm>>) target(%dma_start3A_205 : memref<128x16xf32, #tpu.memory_space<vmem>>) offsets(%dma_start3A_208 : memref<128xi32, #tpu.memory_space<vmem>>) semaphore(%arg13 : memref<!tpu.dma_semaphore, #tpu.memory_space<semaphore_mem>>)
        } else {
        }
        %mul3A_153 = arith.constant 4 : i32
        %mul3A_154 = arith.muli %scan3A_108, %mul3A_153 : i32
        %add3A_155 = arith.constant 2 : i32
        %add3A_156 = arith.addi %mul3A_154, %add3A_155 : i32
        %dma_wait3A_157 = arith.constant 2 : i32
        %dma_wait3A_158 = arith.constant 0 : i32
        %dma_wait3A_159 = arith.constant 0 : i32
        %dma_wait3A_160 = tpu.memref_slice %arg10[%dma_wait3A_157, %dma_wait3A_158, %dma_wait3A_159] : memref<4x128x16xf32, #tpu.memory_space<vmem>> -> memref<1x128x16xf32, #tpu.memory_space<vmem>>
        %dma_wait3A_161 = tpu.memref_squeeze %dma_wait3A_160 : memref<1x128x16xf32, #tpu.memory_space<vmem>> -> memref<128x16xf32, #tpu.memory_space<vmem>>
        %dma_wait3A_162 = arith.constant 0 : i32
        %dma_wait3A_163 = tpu.memref_slice %arg8[%add3A_156, %dma_wait3A_162] : memref<132x128xi32, #tpu.memory_space<vmem>> -> memref<1x128xi32, #tpu.memory_space<vmem>>
        %dma_wait3A_164 = tpu.memref_squeeze %dma_wait3A_163 : memref<1x128xi32, #tpu.memory_space<vmem>> -> memref<128xi32, #tpu.memory_space<vmem>>
        %dma_wait3A_165 = arith.constant 0 : i32
        %dma_wait3A_166 = arith.constant 0 : i32
        %dma_wait3A_167 = tpu.memref_slice %arg2[%dma_wait3A_165, %dma_wait3A_166] : memref<10000x16xf32, #tpu.memory_space<hbm>> -> memref<10000x16xf32, #tpu.memory_space<hbm>>
        tpu.wait_indirect_dma semaphore(%arg14 : memref<!tpu.dma_semaphore, #tpu.memory_space<semaphore_mem>>) src(%dma_wait3A_167 : memref<10000x16xf32, #tpu.memory_space<hbm>>) dst(%dma_wait3A_161 : memref<128x16xf32, #tpu.memory_space<vmem>>)
        %run_scoped3A_168 = arith.constant 2 : i32
        "tpu.region"() ({
          %run_scoped3A_199 = tpu.sem_alloc : memref<!tpu.dma_semaphore, #tpu.memory_space<semaphore_mem>>
          %dma_start3A_200 = arith.constant 0 : i32
          %dma_start3A_201 = arith.constant 0 : i32
          %dma_start3A_202 = tpu.memref_slice %arg10[%run_scoped3A_168, %dma_start3A_200, %dma_start3A_201] : memref<4x128x16xf32, #tpu.memory_space<vmem>> -> memref<1x128x16xf32, #tpu.memory_space<vmem>>
          %dma_start3A_203 = tpu.memref_squeeze %dma_start3A_202 : memref<1x128x16xf32, #tpu.memory_space<vmem>> -> memref<128x16xf32, #tpu.memory_space<vmem>>
          %dma_start3A_204 = arith.constant 0 : i32
          %dma_start3A_205 = tpu.memref_slice %arg9[%add3A_156, %dma_start3A_204] : memref<132x128xi32, #tpu.memory_space<vmem>> -> memref<1x128xi32, #tpu.memory_space<vmem>>
          %dma_start3A_206 = tpu.memref_squeeze %dma_start3A_205 : memref<1x128xi32, #tpu.memory_space<vmem>> -> memref<128xi32, #tpu.memory_space<vmem>>
          %dma_start3A_207 = arith.constant 0 : i32
          %dma_start3A_208 = arith.constant 0 : i32
          %dma_start3A_209 = tpu.memref_slice %arg11[%dma_start3A_207, %dma_start3A_208] : memref<10240x16xf32, #tpu.memory_space<vmem_shared>> -> memref<10240x16xf32, #tpu.memory_space<vmem_shared>>
          tpu.enqueue_indirect_dma source(%dma_start3A_203 : memref<128x16xf32, #tpu.memory_space<vmem>>) target(%dma_start3A_209 : memref<10240x16xf32, #tpu.memory_space<vmem_shared>>) offsets(%dma_start3A_206 : memref<128xi32, #tpu.memory_space<vmem>>) semaphore(%run_scoped3A_199 : memref<!tpu.dma_semaphore, #tpu.memory_space<semaphore_mem>>) {add = true}
          %dma_wait3A_210 = arith.constant 0 : i32
          %dma_wait3A_211 = arith.constant 0 : i32
          %dma_wait3A_212 = tpu.memref_slice %arg10[%run_scoped3A_168, %dma_wait3A_210, %dma_wait3A_211] : memref<4x128x16xf32, #tpu.memory_space<vmem>> -> memref<1x128x16xf32, #tpu.memory_space<vmem>>
          %dma_wait3A_213 = tpu.memref_squeeze %dma_wait3A_212 : memref<1x128x16xf32, #tpu.memory_space<vmem>> -> memref<128x16xf32, #tpu.memory_space<vmem>>
          %dma_wait3A_214 = arith.constant 0 : i32
          %dma_wait3A_215 = tpu.memref_slice %arg9[%add3A_156, %dma_wait3A_214] : memref<132x128xi32, #tpu.memory_space<vmem>> -> memref<1x128xi32, #tpu.memory_space<vmem>>
          %dma_wait3A_216 = tpu.memref_squeeze %dma_wait3A_215 : memref<1x128xi32, #tpu.memory_space<vmem>> -> memref<128xi32, #tpu.memory_space<vmem>>
          %dma_wait3A_217 = arith.constant 0 : i32
          %dma_wait3A_218 = arith.constant 0 : i32
          %dma_wait3A_219 = tpu.memref_slice %arg11[%dma_wait3A_217, %dma_wait3A_218] : memref<10240x16xf32, #tpu.memory_space<vmem_shared>> -> memref<10240x16xf32, #tpu.memory_space<vmem_shared>>
          tpu.wait_indirect_dma semaphore(%run_scoped3A_199 : memref<!tpu.dma_semaphore, #tpu.memory_space<semaphore_mem>>) src(%dma_wait3A_213 : memref<128x16xf32, #tpu.memory_space<vmem>>) dst(%dma_wait3A_219 : memref<10240x16xf32, #tpu.memory_space<vmem_shared>>)
          tpu.yield
        }) : () -> ()
        %add3A_169 = arith.constant 4 : i32
        %add3A_170 = arith.addi %add3A_156, %add3A_169 : i32
        %lt3A_171 = arith.constant 28 : i32
        %lt3A_172 = arith.cmpi slt, %add3A_170, %lt3A_171 : i32
        %convert_element_type3A_173 = arith.extui %lt3A_172 : i1 to i32
        %cond3A_174 = arith.constant 0 : i32
        %cond3A_175 = arith.cmpi ne, %convert_element_type3A_173, %cond3A_174 : i32
        scf.if %cond3A_175 {
          %add3A_199 = arith.constant 4 : i32
          %add3A_200 = arith.addi %add3A_156, %add3A_199 : i32
          %dma_start3A_201 = arith.constant 2 : i32
          %dma_start3A_202 = arith.constant 0 : i32
          %dma_start3A_203 = arith.constant 0 : i32
          %dma_start3A_204 = tpu.memref_slice %arg10[%dma_start3A_201, %dma_start3A_202, %dma_start3A_203] : memref<4x128x16xf32, #tpu.memory_space<vmem>> -> memref<1x128x16xf32, #tpu.memory_space<vmem>>
          %dma_start3A_205 = tpu.memref_squeeze %dma_start3A_204 : memref<1x128x16xf32, #tpu.memory_space<vmem>> -> memref<128x16xf32, #tpu.memory_space<vmem>>
          %dma_start3A_206 = arith.constant 0 : i32
          %dma_start3A_207 = tpu.memref_slice %arg8[%add3A_200, %dma_start3A_206] : memref<132x128xi32, #tpu.memory_space<vmem>> -> memref<1x128xi32, #tpu.memory_space<vmem>>
          %dma_start3A_208 = tpu.memref_squeeze %dma_start3A_207 : memref<1x128xi32, #tpu.memory_space<vmem>> -> memref<128xi32, #tpu.memory_space<vmem>>
          %dma_start3A_209 = arith.constant 0 : i32
          %dma_start3A_210 = arith.constant 0 : i32
          %dma_start3A_211 = tpu.memref_slice %arg2[%dma_start3A_209, %dma_start3A_210] : memref<10000x16xf32, #tpu.memory_space<hbm>> -> memref<10000x16xf32, #tpu.memory_space<hbm>>
          tpu.enqueue_indirect_dma source(%dma_start3A_211 : memref<10000x16xf32, #tpu.memory_space<hbm>>) target(%dma_start3A_205 : memref<128x16xf32, #tpu.memory_space<vmem>>) offsets(%dma_start3A_208 : memref<128xi32, #tpu.memory_space<vmem>>) semaphore(%arg14 : memref<!tpu.dma_semaphore, #tpu.memory_space<semaphore_mem>>)
        } else {
        }
        %mul3A_176 = arith.constant 4 : i32
        %mul3A_177 = arith.muli %scan3A_108, %mul3A_176 : i32
        %add3A_178 = arith.constant 3 : i32
        %add3A_179 = arith.addi %mul3A_177, %add3A_178 : i32
        %dma_wait3A_180 = arith.constant 3 : i32
        %dma_wait3A_181 = arith.constant 0 : i32
        %dma_wait3A_182 = arith.constant 0 : i32
        %dma_wait3A_183 = tpu.memref_slice %arg10[%dma_wait3A_180, %dma_wait3A_181, %dma_wait3A_182] : memref<4x128x16xf32, #tpu.memory_space<vmem>> -> memref<1x128x16xf32, #tpu.memory_space<vmem>>
        %dma_wait3A_184 = tpu.memref_squeeze %dma_wait3A_183 : memref<1x128x16xf32, #tpu.memory_space<vmem>> -> memref<128x16xf32, #tpu.memory_space<vmem>>
        %dma_wait3A_185 = arith.constant 0 : i32
        %dma_wait3A_186 = tpu.memref_slice %arg8[%add3A_179, %dma_wait3A_185] : memref<132x128xi32, #tpu.memory_space<vmem>> -> memref<1x128xi32, #tpu.memory_space<vmem>>
        %dma_wait3A_187 = tpu.memref_squeeze %dma_wait3A_186 : memref<1x128xi32, #tpu.memory_space<vmem>> -> memref<128xi32, #tpu.memory_space<vmem>>
        %dma_wait3A_188 = arith.constant 0 : i32
        %dma_wait3A_189 = arith.constant 0 : i32
        %dma_wait3A_190 = tpu.memref_slice %arg2[%dma_wait3A_188, %dma_wait3A_189] : memref<10000x16xf32, #tpu.memory_space<hbm>> -> memref<10000x16xf32, #tpu.memory_space<hbm>>
        tpu.wait_indirect_dma semaphore(%arg15 : memref<!tpu.dma_semaphore, #tpu.memory_space<semaphore_mem>>) src(%dma_wait3A_190 : memref<10000x16xf32, #tpu.memory_space<hbm>>) dst(%dma_wait3A_184 : memref<128x16xf32, #tpu.memory_space<vmem>>)
        %run_scoped3A_191 = arith.constant 3 : i32
        "tpu.region"() ({
          %run_scoped3A_199 = tpu.sem_alloc : memref<!tpu.dma_semaphore, #tpu.memory_space<semaphore_mem>>
          %dma_start3A_200 = arith.constant 0 : i32
          %dma_start3A_201 = arith.constant 0 : i32
          %dma_start3A_202 = tpu.memref_slice %arg10[%run_scoped3A_191, %dma_start3A_200, %dma_start3A_201] : memref<4x128x16xf32, #tpu.memory_space<vmem>> -> memref<1x128x16xf32, #tpu.memory_space<vmem>>
          %dma_start3A_203 = tpu.memref_squeeze %dma_start3A_202 : memref<1x128x16xf32, #tpu.memory_space<vmem>> -> memref<128x16xf32, #tpu.memory_space<vmem>>
          %dma_start3A_204 = arith.constant 0 : i32
          %dma_start3A_205 = tpu.memref_slice %arg9[%add3A_179, %dma_start3A_204] : memref<132x128xi32, #tpu.memory_space<vmem>> -> memref<1x128xi32, #tpu.memory_space<vmem>>
          %dma_start3A_206 = tpu.memref_squeeze %dma_start3A_205 : memref<1x128xi32, #tpu.memory_space<vmem>> -> memref<128xi32, #tpu.memory_space<vmem>>
          %dma_start3A_207 = arith.constant 0 : i32
          %dma_start3A_208 = arith.constant 0 : i32
          %dma_start3A_209 = tpu.memref_slice %arg11[%dma_start3A_207, %dma_start3A_208] : memref<10240x16xf32, #tpu.memory_space<vmem_shared>> -> memref<10240x16xf32, #tpu.memory_space<vmem_shared>>
          tpu.enqueue_indirect_dma source(%dma_start3A_203 : memref<128x16xf32, #tpu.memory_space<vmem>>) target(%dma_start3A_209 : memref<10240x16xf32, #tpu.memory_space<vmem_shared>>) offsets(%dma_start3A_206 : memref<128xi32, #tpu.memory_space<vmem>>) semaphore(%run_scoped3A_199 : memref<!tpu.dma_semaphore, #tpu.memory_space<semaphore_mem>>) {add = true}
          %dma_wait3A_210 = arith.constant 0 : i32
          %dma_wait3A_211 = arith.constant 0 : i32
          %dma_wait3A_212 = tpu.memref_slice %arg10[%run_scoped3A_191, %dma_wait3A_210, %dma_wait3A_211] : memref<4x128x16xf32, #tpu.memory_space<vmem>> -> memref<1x128x16xf32, #tpu.memory_space<vmem>>
          %dma_wait3A_213 = tpu.memref_squeeze %dma_wait3A_212 : memref<1x128x16xf32, #tpu.memory_space<vmem>> -> memref<128x16xf32, #tpu.memory_space<vmem>>
          %dma_wait3A_214 = arith.constant 0 : i32
          %dma_wait3A_215 = tpu.memref_slice %arg9[%add3A_179, %dma_wait3A_214] : memref<132x128xi32, #tpu.memory_space<vmem>> -> memref<1x128xi32, #tpu.memory_space<vmem>>
          %dma_wait3A_216 = tpu.memref_squeeze %dma_wait3A_215 : memref<1x128xi32, #tpu.memory_space<vmem>> -> memref<128xi32, #tpu.memory_space<vmem>>
          %dma_wait3A_217 = arith.constant 0 : i32
          %dma_wait3A_218 = arith.constant 0 : i32
          %dma_wait3A_219 = tpu.memref_slice %arg11[%dma_wait3A_217, %dma_wait3A_218] : memref<10240x16xf32, #tpu.memory_space<vmem_shared>> -> memref<10240x16xf32, #tpu.memory_space<vmem_shared>>
          tpu.wait_indirect_dma semaphore(%run_scoped3A_199 : memref<!tpu.dma_semaphore, #tpu.memory_space<semaphore_mem>>) src(%dma_wait3A_213 : memref<128x16xf32, #tpu.memory_space<vmem>>) dst(%dma_wait3A_219 : memref<10240x16xf32, #tpu.memory_space<vmem_shared>>)
          tpu.yield
        }) : () -> ()
        %add3A_192 = arith.constant 4 : i32
        %add3A_193 = arith.addi %add3A_179, %add3A_192 : i32
        %lt3A_194 = arith.constant 28 : i32
        %lt3A_195 = arith.cmpi slt, %add3A_193, %lt3A_194 : i32
        %convert_element_type3A_196 = arith.extui %lt3A_195 : i1 to i32
        %cond3A_197 = arith.constant 0 : i32
        %cond3A_198 = arith.cmpi ne, %convert_element_type3A_196, %cond3A_197 : i32
        scf.if %cond3A_198 {
          %add3A_199 = arith.constant 4 : i32
          %add3A_200 = arith.addi %add3A_179, %add3A_199 : i32
          %dma_start3A_201 = arith.constant 3 : i32
          %dma_start3A_202 = arith.constant 0 : i32
          %dma_start3A_203 = arith.constant 0 : i32
          %dma_start3A_204 = tpu.memref_slice %arg10[%dma_start3A_201, %dma_start3A_202, %dma_start3A_203] : memref<4x128x16xf32, #tpu.memory_space<vmem>> -> memref<1x128x16xf32, #tpu.memory_space<vmem>>
          %dma_start3A_205 = tpu.memref_squeeze %dma_start3A_204 : memref<1x128x16xf32, #tpu.memory_space<vmem>> -> memref<128x16xf32, #tpu.memory_space<vmem>>
          %dma_start3A_206 = arith.constant 0 : i32
          %dma_start3A_207 = tpu.memref_slice %arg8[%add3A_200, %dma_start3A_206] : memref<132x128xi32, #tpu.memory_space<vmem>> -> memref<1x128xi32, #tpu.memory_space<vmem>>
          %dma_start3A_208 = tpu.memref_squeeze %dma_start3A_207 : memref<1x128xi32, #tpu.memory_space<vmem>> -> memref<128xi32, #tpu.memory_space<vmem>>
          %dma_start3A_209 = arith.constant 0 : i32
          %dma_start3A_210 = arith.constant 0 : i32
          %dma_start3A_211 = tpu.memref_slice %arg2[%dma_start3A_209, %dma_start3A_210] : memref<10000x16xf32, #tpu.memory_space<hbm>> -> memref<10000x16xf32, #tpu.memory_space<hbm>>
          tpu.enqueue_indirect_dma source(%dma_start3A_211 : memref<10000x16xf32, #tpu.memory_space<hbm>>) target(%dma_start3A_205 : memref<128x16xf32, #tpu.memory_space<vmem>>) offsets(%dma_start3A_208 : memref<128xi32, #tpu.memory_space<vmem>>) semaphore(%arg15 : memref<!tpu.dma_semaphore, #tpu.memory_space<semaphore_mem>>)
        } else {
        }
      }
      %scan3A_107 = arith.constant 7 : i32
    } else {
    }
    %barrier3A_34 = arith.constant 0 : index
    tpu.barrier barrier_id(%barrier3A_34)
    %mul3A_35 = arith.constant 640 : i32
    %mul3A_36 = arith.muli %arg1, %mul3A_35 : i32
    %add3A_37 = arith.constant 0 : i32
    %add3A_38 = arith.addi %mul3A_36, %add3A_37 : i32
    "tpu.region"() ({
      %run_scoped3A_55 = tpu.sem_alloc : memref<!tpu.dma_semaphore, #tpu.memory_space<semaphore_mem>>
      %dma_start3A = arith.constant 0 : i32
      %dma_start3A_56 = tpu.memref_slice %arg7[%arg0, %add3A_38, %dma_start3A] : memref<2x10240x16xf32, #tpu.memory_space<hbm>> -> memref<1x128x16xf32, #tpu.memory_space<hbm>>
      %dma_start3A_57 = tpu.memref_squeeze %dma_start3A_56 : memref<1x128x16xf32, #tpu.memory_space<hbm>> -> memref<128x16xf32, #tpu.memory_space<hbm>>
      %dma_start3A_58 = arith.constant 0 : i32
      %dma_start3A_59 = tpu.memref_slice %arg11[%add3A_38, %dma_start3A_58] : memref<10240x16xf32, #tpu.memory_space<vmem_shared>> -> memref<128x16xf32, #tpu.memory_space<vmem_shared>>
      tpu.enqueue_dma source(%dma_start3A_59 : memref<128x16xf32, #tpu.memory_space<vmem_shared>>) target(%dma_start3A_57 : memref<128x16xf32, #tpu.memory_space<hbm>>) target_semaphore(%run_scoped3A_55 : memref<!tpu.dma_semaphore, #tpu.memory_space<semaphore_mem>>)
      %dma_wait3A = arith.constant 0 : i32
      %dma_wait3A_60 = tpu.memref_slice %arg7[%arg0, %add3A_38, %dma_wait3A] : memref<2x10240x16xf32, #tpu.memory_space<hbm>> -> memref<1x128x16xf32, #tpu.memory_space<hbm>>
      %dma_wait3A_61 = tpu.memref_squeeze %dma_wait3A_60 : memref<1x128x16xf32, #tpu.memory_space<hbm>> -> memref<128x16xf32, #tpu.memory_space<hbm>>
      %dma_wait3A_62 = arith.constant 0 : i32
      %dma_wait3A_63 = tpu.memref_slice %arg11[%add3A_38, %dma_wait3A_62] : memref<10240x16xf32, #tpu.memory_space<vmem_shared>> -> memref<128x16xf32, #tpu.memory_space<vmem_shared>>
      tpu.wait_dma2 semaphore(%run_scoped3A_55 : memref<!tpu.dma_semaphore, #tpu.memory_space<semaphore_mem>>) src(%dma_wait3A_63 : memref<128x16xf32, #tpu.memory_space<vmem_shared>>) dst(%dma_wait3A_61 : memref<128x16xf32, #tpu.memory_space<hbm>>)
      tpu.yield
    }) : () -> ()
    %mul3A_39 = arith.constant 640 : i32
    %mul3A_40 = arith.muli %arg1, %mul3A_39 : i32
    %add3A_41 = arith.constant 128 : i32
    %add3A_42 = arith.addi %mul3A_40, %add3A_41 : i32
    "tpu.region"() ({
      %run_scoped3A_55 = tpu.sem_alloc : memref<!tpu.dma_semaphore, #tpu.memory_space<semaphore_mem>>
      %dma_start3A = arith.constant 0 : i32
      %dma_start3A_56 = tpu.memref_slice %arg7[%arg0, %add3A_42, %dma_start3A] : memref<2x10240x16xf32, #tpu.memory_space<hbm>> -> memref<1x128x16xf32, #tpu.memory_space<hbm>>
      %dma_start3A_57 = tpu.memref_squeeze %dma_start3A_56 : memref<1x128x16xf32, #tpu.memory_space<hbm>> -> memref<128x16xf32, #tpu.memory_space<hbm>>
      %dma_start3A_58 = arith.constant 0 : i32
      %dma_start3A_59 = tpu.memref_slice %arg11[%add3A_42, %dma_start3A_58] : memref<10240x16xf32, #tpu.memory_space<vmem_shared>> -> memref<128x16xf32, #tpu.memory_space<vmem_shared>>
      tpu.enqueue_dma source(%dma_start3A_59 : memref<128x16xf32, #tpu.memory_space<vmem_shared>>) target(%dma_start3A_57 : memref<128x16xf32, #tpu.memory_space<hbm>>) target_semaphore(%run_scoped3A_55 : memref<!tpu.dma_semaphore, #tpu.memory_space<semaphore_mem>>)
      %dma_wait3A = arith.constant 0 : i32
      %dma_wait3A_60 = tpu.memref_slice %arg7[%arg0, %add3A_42, %dma_wait3A] : memref<2x10240x16xf32, #tpu.memory_space<hbm>> -> memref<1x128x16xf32, #tpu.memory_space<hbm>>
      %dma_wait3A_61 = tpu.memref_squeeze %dma_wait3A_60 : memref<1x128x16xf32, #tpu.memory_space<hbm>> -> memref<128x16xf32, #tpu.memory_space<hbm>>
      %dma_wait3A_62 = arith.constant 0 : i32
      %dma_wait3A_63 = tpu.memref_slice %arg11[%add3A_42, %dma_wait3A_62] : memref<10240x16xf32, #tpu.memory_space<vmem_shared>> -> memref<128x16xf32, #tpu.memory_space<vmem_shared>>
      tpu.wait_dma2 semaphore(%run_scoped3A_55 : memref<!tpu.dma_semaphore, #tpu.memory_space<semaphore_mem>>) src(%dma_wait3A_63 : memref<128x16xf32, #tpu.memory_space<vmem_shared>>) dst(%dma_wait3A_61 : memref<128x16xf32, #tpu.memory_space<hbm>>)
      tpu.yield
    }) : () -> ()
    %mul3A_43 = arith.constant 640 : i32
    %mul3A_44 = arith.muli %arg1, %mul3A_43 : i32
    %add3A_45 = arith.constant 256 : i32
    %add3A_46 = arith.addi %mul3A_44, %add3A_45 : i32
    "tpu.region"() ({
      %run_scoped3A_55 = tpu.sem_alloc : memref<!tpu.dma_semaphore, #tpu.memory_space<semaphore_mem>>
      %dma_start3A = arith.constant 0 : i32
      %dma_start3A_56 = tpu.memref_slice %arg7[%arg0, %add3A_46, %dma_start3A] : memref<2x10240x16xf32, #tpu.memory_space<hbm>> -> memref<1x128x16xf32, #tpu.memory_space<hbm>>
      %dma_start3A_57 = tpu.memref_squeeze %dma_start3A_56 : memref<1x128x16xf32, #tpu.memory_space<hbm>> -> memref<128x16xf32, #tpu.memory_space<hbm>>
      %dma_start3A_58 = arith.constant 0 : i32
      %dma_start3A_59 = tpu.memref_slice %arg11[%add3A_46, %dma_start3A_58] : memref<10240x16xf32, #tpu.memory_space<vmem_shared>> -> memref<128x16xf32, #tpu.memory_space<vmem_shared>>
      tpu.enqueue_dma source(%dma_start3A_59 : memref<128x16xf32, #tpu.memory_space<vmem_shared>>) target(%dma_start3A_57 : memref<128x16xf32, #tpu.memory_space<hbm>>) target_semaphore(%run_scoped3A_55 : memref<!tpu.dma_semaphore, #tpu.memory_space<semaphore_mem>>)
      %dma_wait3A = arith.constant 0 : i32
      %dma_wait3A_60 = tpu.memref_slice %arg7[%arg0, %add3A_46, %dma_wait3A] : memref<2x10240x16xf32, #tpu.memory_space<hbm>> -> memref<1x128x16xf32, #tpu.memory_space<hbm>>
      %dma_wait3A_61 = tpu.memref_squeeze %dma_wait3A_60 : memref<1x128x16xf32, #tpu.memory_space<hbm>> -> memref<128x16xf32, #tpu.memory_space<hbm>>
      %dma_wait3A_62 = arith.constant 0 : i32
      %dma_wait3A_63 = tpu.memref_slice %arg11[%add3A_46, %dma_wait3A_62] : memref<10240x16xf32, #tpu.memory_space<vmem_shared>> -> memref<128x16xf32, #tpu.memory_space<vmem_shared>>
      tpu.wait_dma2 semaphore(%run_scoped3A_55 : memref<!tpu.dma_semaphore, #tpu.memory_space<semaphore_mem>>) src(%dma_wait3A_63 : memref<128x16xf32, #tpu.memory_space<vmem_shared>>) dst(%dma_wait3A_61 : memref<128x16xf32, #tpu.memory_space<hbm>>)
      tpu.yield
    }) : () -> ()
    %mul3A_47 = arith.constant 640 : i32
    %mul3A_48 = arith.muli %arg1, %mul3A_47 : i32
    %add3A_49 = arith.constant 384 : i32
    %add3A_50 = arith.addi %mul3A_48, %add3A_49 : i32
    "tpu.region"() ({
      %run_scoped3A_55 = tpu.sem_alloc : memref<!tpu.dma_semaphore, #tpu.memory_space<semaphore_mem>>
      %dma_start3A = arith.constant 0 : i32
      %dma_start3A_56 = tpu.memref_slice %arg7[%arg0, %add3A_50, %dma_start3A] : memref<2x10240x16xf32, #tpu.memory_space<hbm>> -> memref<1x128x16xf32, #tpu.memory_space<hbm>>
      %dma_start3A_57 = tpu.memref_squeeze %dma_start3A_56 : memref<1x128x16xf32, #tpu.memory_space<hbm>> -> memref<128x16xf32, #tpu.memory_space<hbm>>
      %dma_start3A_58 = arith.constant 0 : i32
      %dma_start3A_59 = tpu.memref_slice %arg11[%add3A_50, %dma_start3A_58] : memref<10240x16xf32, #tpu.memory_space<vmem_shared>> -> memref<128x16xf32, #tpu.memory_space<vmem_shared>>
      tpu.enqueue_dma source(%dma_start3A_59 : memref<128x16xf32, #tpu.memory_space<vmem_shared>>) target(%dma_start3A_57 : memref<128x16xf32, #tpu.memory_space<hbm>>) target_semaphore(%run_scoped3A_55 : memref<!tpu.dma_semaphore, #tpu.memory_space<semaphore_mem>>)
      %dma_wait3A = arith.constant 0 : i32
      %dma_wait3A_60 = tpu.memref_slice %arg7[%arg0, %add3A_50, %dma_wait3A] : memref<2x10240x16xf32, #tpu.memory_space<hbm>> -> memref<1x128x16xf32, #tpu.memory_space<hbm>>
      %dma_wait3A_61 = tpu.memref_squeeze %dma_wait3A_60 : memref<1x128x16xf32, #tpu.memory_space<hbm>> -> memref<128x16xf32, #tpu.memory_space<hbm>>
      %dma_wait3A_62 = arith.constant 0 : i32
      %dma_wait3A_63 = tpu.memref_slice %arg11[%add3A_50, %dma_wait3A_62] : memref<10240x16xf32, #tpu.memory_space<vmem_shared>> -> memref<128x16xf32, #tpu.memory_space<vmem_shared>>
      tpu.wait_dma2 semaphore(%run_scoped3A_55 : memref<!tpu.dma_semaphore, #tpu.memory_space<semaphore_mem>>) src(%dma_wait3A_63 : memref<128x16xf32, #tpu.memory_space<vmem_shared>>) dst(%dma_wait3A_61 : memref<128x16xf32, #tpu.memory_space<hbm>>)
      tpu.yield
    }) : () -> ()
    %mul3A_51 = arith.constant 640 : i32
    %mul3A_52 = arith.muli %arg1, %mul3A_51 : i32
    %add3A_53 = arith.constant 512 : i32
    %add3A_54 = arith.addi %mul3A_52, %add3A_53 : i32
    "tpu.region"() ({
      %run_scoped3A_55 = tpu.sem_alloc : memref<!tpu.dma_semaphore, #tpu.memory_space<semaphore_mem>>
      %dma_start3A = arith.constant 0 : i32
      %dma_start3A_56 = tpu.memref_slice %arg7[%arg0, %add3A_54, %dma_start3A] : memref<2x10240x16xf32, #tpu.memory_space<hbm>> -> memref<1x128x16xf32, #tpu.memory_space<hbm>>
      %dma_start3A_57 = tpu.memref_squeeze %dma_start3A_56 : memref<1x128x16xf32, #tpu.memory_space<hbm>> -> memref<128x16xf32, #tpu.memory_space<hbm>>
      %dma_start3A_58 = arith.constant 0 : i32
      %dma_start3A_59 = tpu.memref_slice %arg11[%add3A_54, %dma_start3A_58] : memref<10240x16xf32, #tpu.memory_space<vmem_shared>> -> memref<128x16xf32, #tpu.memory_space<vmem_shared>>
      tpu.enqueue_dma source(%dma_start3A_59 : memref<128x16xf32, #tpu.memory_space<vmem_shared>>) target(%dma_start3A_57 : memref<128x16xf32, #tpu.memory_space<hbm>>) target_semaphore(%run_scoped3A_55 : memref<!tpu.dma_semaphore, #tpu.memory_space<semaphore_mem>>)
      %dma_wait3A = arith.constant 0 : i32
      %dma_wait3A_60 = tpu.memref_slice %arg7[%arg0, %add3A_54, %dma_wait3A] : memref<2x10240x16xf32, #tpu.memory_space<hbm>> -> memref<1x128x16xf32, #tpu.memory_space<hbm>>
      %dma_wait3A_61 = tpu.memref_squeeze %dma_wait3A_60 : memref<1x128x16xf32, #tpu.memory_space<hbm>> -> memref<128x16xf32, #tpu.memory_space<hbm>>
      %dma_wait3A_62 = arith.constant 0 : i32
      %dma_wait3A_63 = tpu.memref_slice %arg11[%add3A_54, %dma_wait3A_62] : memref<10240x16xf32, #tpu.memory_space<vmem_shared>> -> memref<128x16xf32, #tpu.memory_space<vmem_shared>>
      tpu.wait_dma2 semaphore(%run_scoped3A_55 : memref<!tpu.dma_semaphore, #tpu.memory_space<semaphore_mem>>) src(%dma_wait3A_63 : memref<128x16xf32, #tpu.memory_space<vmem_shared>>) dst(%dma_wait3A_61 : memref<128x16xf32, #tpu.memory_space<hbm>>)
      tpu.yield
    }) : () -> ()
    return
  }
}

#map = affine_map<(d0, d1) -> (0, 0)>
#map1 = affine_map<(d0, d1) -> (0, 0, 0)>
module attributes {stable_mosaic.version = 14 : i64} {
  func.func @agg_kernel(%arg0: i32, %arg1: i32, %arg2: memref<10000x128xf32, #tpu.memory_space<hbm>>, %arg3: memref<16x236x64xi32, #tpu.memory_space<hbm>>, %arg4: memref<16x236x64xi32, #tpu.memory_space<hbm>>, %arg5: memref<16x78x64xi32, #tpu.memory_space<hbm>>, %arg6: memref<16x78x64xi32, #tpu.memory_space<hbm>>, %arg7: memref<2x10240x128xf32, #tpu.memory_space<hbm>>, %arg8: memref<236x64xi32, #tpu.memory_space<vmem>>, %arg9: memref<236x64xi32, #tpu.memory_space<vmem>>, %arg10: memref<2x64x128xf32, #tpu.memory_space<vmem>>, %arg11: memref<10240x128xf32, #tpu.memory_space<vmem_shared>>, %arg12: memref<!tpu.dma_semaphore, #tpu.memory_space<semaphore_mem>>, %arg13: memref<!tpu.dma_semaphore, #tpu.memory_space<semaphore_mem>>) attributes {dimension_semantics = [#tpu.dimension_semantics<core_parallel>, #tpu.dimension_semantics<subcore_parallel>], iteration_bounds = array<i64: 2, 16>, scalar_prefetch = 0 : i64, scratch_operands = 6 : i64, tpu.core_type = #tpu.core_type<sc_vector_subcore>, window_params = [{transform_indices = #map}, {transform_indices = #map1}, {transform_indices = #map1}, {transform_indices = #map1}, {transform_indices = #map1}, {transform_indices = #map1}]} {
    %scan3A = arith.constant 0 : i32
    %scan3A_0 = arith.constant 0 : i32
    %scan3A_1 = arith.constant 0 : i32
    %scan3A_2 = arith.constant 512 : i32
    %scan3A_3 = arith.addi %scan3A_1, %scan3A_2 : i32
    %scan3A_4 = arith.constant 1 : i32
    scf.for %scan3A_100 = %scan3A_1 to %scan3A_3 step %scan3A_4  : i32 {
      %broadcast_in_dim3A = arith.constant 0.000000e+00 : f32
      %broadcast_in_dim3A_101 = vector.broadcast %broadcast_in_dim3A : f32 to vector<16xf32>
      %jit3A = arith.constant 8 : i32
      %div3A = arith.divsi %scan3A_100, %jit3A : i32
      %sign3A = arith.constant 0 : i32
      %sign3A_102 = arith.cmpi sgt, %scan3A_100, %sign3A : i32
      %sign3A_103 = arith.extui %sign3A_102 : i1 to i32
      %sign3A_104 = arith.constant 0 : i32
      %sign3A_105 = arith.cmpi slt, %scan3A_100, %sign3A_104 : i32
      %sign3A_106 = arith.extui %sign3A_105 : i1 to i32
      %sign3A_107 = arith.subi %sign3A_103, %sign3A_106 : i32
      %sign3A_108 = arith.constant 0 : i32
      %sign3A_109 = arith.cmpi sgt, %jit3A, %sign3A_108 : i32
      %sign3A_110 = arith.extui %sign3A_109 : i1 to i32
      %sign3A_111 = arith.constant 0 : i32
      %sign3A_112 = arith.cmpi slt, %jit3A, %sign3A_111 : i32
      %sign3A_113 = arith.extui %sign3A_112 : i1 to i32
      %sign3A_114 = arith.subi %sign3A_110, %sign3A_113 : i32
      %ne3A_115 = arith.cmpi ne, %sign3A_107, %sign3A_114 : i32
      %rem3A = arith.remsi %scan3A_100, %jit3A : i32
      %ne3A_116 = arith.constant 0 : i32
      %ne3A_117 = arith.cmpi ne, %rem3A, %ne3A_116 : i32
      %and3A = arith.andi %ne3A_115, %ne3A_117 : i1
      %sub3A = arith.constant 1 : i32
      %sub3A_118 = arith.subi %div3A, %sub3A : i32
      %select_n3A = arith.select %and3A, %sub3A_118, %div3A : i32
      %jit3A_119 = arith.constant 8 : i32
      %eq3A_120 = arith.constant 0 : i32
      %eq3A_121 = arith.cmpi eq, %jit3A_119, %eq3A_120 : i32
      %jit3A_122 = arith.constant 1 : i32
      %select_n3A_123 = arith.select %eq3A_121, %jit3A_122, %jit3A_119 : i32
      %rem3A_124 = arith.remsi %scan3A_100, %select_n3A_123 : i32
      %ne3A_125 = arith.constant 0 : i32
      %ne3A_126 = arith.cmpi ne, %rem3A_124, %ne3A_125 : i32
      %lt3A = arith.constant 0 : i32
      %lt3A_127 = arith.cmpi slt, %rem3A_124, %lt3A : i32
      %lt3A_128 = arith.constant 0 : i32
      %lt3A_129 = arith.cmpi slt, %select_n3A_123, %lt3A_128 : i32
      %ne3A_130 = arith.xori %lt3A_127, %lt3A_129 : i1
      %and3A_131 = arith.andi %ne3A_130, %ne3A_126 : i1
      %add3A_132 = arith.addi %rem3A_124, %select_n3A_123 : i32
      %select_n3A_133 = arith.select %and3A_131, %add3A_132, %rem3A_124 : i32
      %mul3A_134 = arith.constant 16 : i32
      %mul3A_135 = arith.muli %select_n3A_133, %mul3A_134 : i32
      %swap3A = arith.constant 0 : i32
      %swap3A_136 = arith.constant 0 : i32
      %swap3A_137 = tpu.memref_slice %arg10[%scan3A_0, %swap3A, %swap3A_136] : memref<2x64x128xf32, #tpu.memory_space<vmem>> -> memref<1x64x128xf32, #tpu.memory_space<vmem>>
      %swap3A_138 = tpu.memref_squeeze %swap3A_137 : memref<1x64x128xf32, #tpu.memory_space<vmem>> -> memref<64x128xf32, #tpu.memory_space<vmem>>
      %swap3A_139 = arith.index_cast %select_n3A : i32 to index
      %swap3A_140 = arith.index_cast %mul3A_135 : i32 to index
      %swap3A_141 = tpu.vector_load %swap3A_138[%swap3A_139, %swap3A_140] {strides = array<i32>} : memref<64x128xf32, #tpu.memory_space<vmem>>, vector<1x16xf32>,
      %swap3A_142 = vector.shape_cast %swap3A_141 : vector<1x16xf32> to vector<16xf32>
      %swap3A_143 = vector.shape_cast %broadcast_in_dim3A_101 : vector<16xf32> to vector<1x16xf32>
      tpu.vector_store %swap3A_138[%swap3A_139, %swap3A_140], %swap3A_143 {strides = array<i32>} : memref<64x128xf32, #tpu.memory_space<vmem>>, vector<1x16xf32>,
    }
    %scan3A_5 = arith.constant 512 : i32
    %mul3A = arith.constant 640 : i32
    %mul3A_6 = arith.muli %arg1, %mul3A : i32
    %add3A = arith.constant 0 : i32
    %add3A_7 = arith.addi %mul3A_6, %add3A : i32
    %run_scoped3A = arith.constant 0 : i32
    "tpu.region"() ({
      %run_scoped3A_100 = tpu.sem_alloc : memref<!tpu.dma_semaphore, #tpu.memory_space<semaphore_mem>>
      %dma_start3A = arith.constant 0 : i32
      %dma_start3A_101 = arith.constant 0 : i32
      %dma_start3A_102 = tpu.memref_slice %arg10[%run_scoped3A, %dma_start3A, %dma_start3A_101] : memref<2x64x128xf32, #tpu.memory_space<vmem>> -> memref<1x64x128xf32, #tpu.memory_space<vmem>>
      %dma_start3A_103 = tpu.memref_squeeze %dma_start3A_102 : memref<1x64x128xf32, #tpu.memory_space<vmem>> -> memref<64x128xf32, #tpu.memory_space<vmem>>
      %dma_start3A_104 = arith.constant 0 : i32
      %dma_start3A_105 = tpu.memref_slice %arg11[%add3A_7, %dma_start3A_104] : memref<10240x128xf32, #tpu.memory_space<vmem_shared>> -> memref<64x128xf32, #tpu.memory_space<vmem_shared>>
      %dma_start3A_106 = arith.constant 0 : i32
      %dma_start3A_107 = tpu.memref_slice %arg11[%add3A_7, %dma_start3A_106] : memref<10240x128xf32, #tpu.memory_space<vmem_shared>> -> memref<64x128xf32, #tpu.memory_space<vmem_shared>>
      %dma_start3A_108 = arith.constant 0 : i32
      %dma_start3A_109 = arith.constant 0 : i32
      %dma_start3A_110 = tpu.memref_slice %arg10[%run_scoped3A, %dma_start3A_108, %dma_start3A_109] : memref<2x64x128xf32, #tpu.memory_space<vmem>> -> memref<1x64x128xf32, #tpu.memory_space<vmem>>
      %dma_start3A_111 = tpu.memref_squeeze %dma_start3A_110 : memref<1x64x128xf32, #tpu.memory_space<vmem>> -> memref<64x128xf32, #tpu.memory_space<vmem>>
      tpu.enqueue_dma source(%dma_start3A_111 : memref<64x128xf32, #tpu.memory_space<vmem>>) target(%dma_start3A_107 : memref<64x128xf32, #tpu.memory_space<vmem_shared>>) target_semaphore(%run_scoped3A_100 : memref<!tpu.dma_semaphore, #tpu.memory_space<semaphore_mem>>)
      %dma_wait3A = arith.constant 0 : i32
      %dma_wait3A_112 = arith.constant 0 : i32
      %dma_wait3A_113 = tpu.memref_slice %arg10[%run_scoped3A, %dma_wait3A, %dma_wait3A_112] : memref<2x64x128xf32, #tpu.memory_space<vmem>> -> memref<1x64x128xf32, #tpu.memory_space<vmem>>
      %dma_wait3A_114 = tpu.memref_squeeze %dma_wait3A_113 : memref<1x64x128xf32, #tpu.memory_space<vmem>> -> memref<64x128xf32, #tpu.memory_space<vmem>>
      %dma_wait3A_115 = arith.constant 0 : i32
      %dma_wait3A_116 = tpu.memref_slice %arg11[%add3A_7, %dma_wait3A_115] : memref<10240x128xf32, #tpu.memory_space<vmem_shared>> -> memref<64x128xf32, #tpu.memory_space<vmem_shared>>
      %dma_wait3A_117 = arith.constant 0 : i32
      %dma_wait3A_118 = tpu.memref_slice %arg11[%add3A_7, %dma_wait3A_117] : memref<10240x128xf32, #tpu.memory_space<vmem_shared>> -> memref<64x128xf32, #tpu.memory_space<vmem_shared>>
      %dma_wait3A_119 = arith.constant 0 : i32
      %dma_wait3A_120 = arith.constant 0 : i32
      %dma_wait3A_121 = tpu.memref_slice %arg10[%run_scoped3A, %dma_wait3A_119, %dma_wait3A_120] : memref<2x64x128xf32, #tpu.memory_space<vmem>> -> memref<1x64x128xf32, #tpu.memory_space<vmem>>
      %dma_wait3A_122 = tpu.memref_squeeze %dma_wait3A_121 : memref<1x64x128xf32, #tpu.memory_space<vmem>> -> memref<64x128xf32, #tpu.memory_space<vmem>>
      tpu.wait_dma2 semaphore(%run_scoped3A_100 : memref<!tpu.dma_semaphore, #tpu.memory_space<semaphore_mem>>) src(%dma_wait3A_122 : memref<64x128xf32, #tpu.memory_space<vmem>>) dst(%dma_wait3A_118 : memref<64x128xf32, #tpu.memory_space<vmem_shared>>)
      tpu.yield
    }) : () -> ()
    %mul3A_8 = arith.constant 640 : i32
    %mul3A_9 = arith.muli %arg1, %mul3A_8 : i32
    %add3A_10 = arith.constant 64 : i32
    %add3A_11 = arith.addi %mul3A_9, %add3A_10 : i32
    %run_scoped3A_12 = arith.constant 0 : i32
    "tpu.region"() ({
      %run_scoped3A_100 = tpu.sem_alloc : memref<!tpu.dma_semaphore, #tpu.memory_space<semaphore_mem>>
      %dma_start3A = arith.constant 0 : i32
      %dma_start3A_101 = arith.constant 0 : i32
      %dma_start3A_102 = tpu.memref_slice %arg10[%run_scoped3A_12, %dma_start3A, %dma_start3A_101] : memref<2x64x128xf32, #tpu.memory_space<vmem>> -> memref<1x64x128xf32, #tpu.memory_space<vmem>>
      %dma_start3A_103 = tpu.memref_squeeze %dma_start3A_102 : memref<1x64x128xf32, #tpu.memory_space<vmem>> -> memref<64x128xf32, #tpu.memory_space<vmem>>
      %dma_start3A_104 = arith.constant 0 : i32
      %dma_start3A_105 = tpu.memref_slice %arg11[%add3A_11, %dma_start3A_104] : memref<10240x128xf32, #tpu.memory_space<vmem_shared>> -> memref<64x128xf32, #tpu.memory_space<vmem_shared>>
      %dma_start3A_106 = arith.constant 0 : i32
      %dma_start3A_107 = tpu.memref_slice %arg11[%add3A_11, %dma_start3A_106] : memref<10240x128xf32, #tpu.memory_space<vmem_shared>> -> memref<64x128xf32, #tpu.memory_space<vmem_shared>>
      %dma_start3A_108 = arith.constant 0 : i32
      %dma_start3A_109 = arith.constant 0 : i32
      %dma_start3A_110 = tpu.memref_slice %arg10[%run_scoped3A_12, %dma_start3A_108, %dma_start3A_109] : memref<2x64x128xf32, #tpu.memory_space<vmem>> -> memref<1x64x128xf32, #tpu.memory_space<vmem>>
      %dma_start3A_111 = tpu.memref_squeeze %dma_start3A_110 : memref<1x64x128xf32, #tpu.memory_space<vmem>> -> memref<64x128xf32, #tpu.memory_space<vmem>>
      tpu.enqueue_dma source(%dma_start3A_111 : memref<64x128xf32, #tpu.memory_space<vmem>>) target(%dma_start3A_107 : memref<64x128xf32, #tpu.memory_space<vmem_shared>>) target_semaphore(%run_scoped3A_100 : memref<!tpu.dma_semaphore, #tpu.memory_space<semaphore_mem>>)
      %dma_wait3A = arith.constant 0 : i32
      %dma_wait3A_112 = arith.constant 0 : i32
      %dma_wait3A_113 = tpu.memref_slice %arg10[%run_scoped3A_12, %dma_wait3A, %dma_wait3A_112] : memref<2x64x128xf32, #tpu.memory_space<vmem>> -> memref<1x64x128xf32, #tpu.memory_space<vmem>>
      %dma_wait3A_114 = tpu.memref_squeeze %dma_wait3A_113 : memref<1x64x128xf32, #tpu.memory_space<vmem>> -> memref<64x128xf32, #tpu.memory_space<vmem>>
      %dma_wait3A_115 = arith.constant 0 : i32
      %dma_wait3A_116 = tpu.memref_slice %arg11[%add3A_11, %dma_wait3A_115] : memref<10240x128xf32, #tpu.memory_space<vmem_shared>> -> memref<64x128xf32, #tpu.memory_space<vmem_shared>>
      %dma_wait3A_117 = arith.constant 0 : i32
      %dma_wait3A_118 = tpu.memref_slice %arg11[%add3A_11, %dma_wait3A_117] : memref<10240x128xf32, #tpu.memory_space<vmem_shared>> -> memref<64x128xf32, #tpu.memory_space<vmem_shared>>
      %dma_wait3A_119 = arith.constant 0 : i32
      %dma_wait3A_120 = arith.constant 0 : i32
      %dma_wait3A_121 = tpu.memref_slice %arg10[%run_scoped3A_12, %dma_wait3A_119, %dma_wait3A_120] : memref<2x64x128xf32, #tpu.memory_space<vmem>> -> memref<1x64x128xf32, #tpu.memory_space<vmem>>
      %dma_wait3A_122 = tpu.memref_squeeze %dma_wait3A_121 : memref<1x64x128xf32, #tpu.memory_space<vmem>> -> memref<64x128xf32, #tpu.memory_space<vmem>>
      tpu.wait_dma2 semaphore(%run_scoped3A_100 : memref<!tpu.dma_semaphore, #tpu.memory_space<semaphore_mem>>) src(%dma_wait3A_122 : memref<64x128xf32, #tpu.memory_space<vmem>>) dst(%dma_wait3A_118 : memref<64x128xf32, #tpu.memory_space<vmem_shared>>)
      tpu.yield
    }) : () -> ()
    %mul3A_13 = arith.constant 640 : i32
    %mul3A_14 = arith.muli %arg1, %mul3A_13 : i32
    %add3A_15 = arith.constant 128 : i32
    %add3A_16 = arith.addi %mul3A_14, %add3A_15 : i32
    %run_scoped3A_17 = arith.constant 0 : i32
    "tpu.region"() ({
      %run_scoped3A_100 = tpu.sem_alloc : memref<!tpu.dma_semaphore, #tpu.memory_space<semaphore_mem>>
      %dma_start3A = arith.constant 0 : i32
      %dma_start3A_101 = arith.constant 0 : i32
      %dma_start3A_102 = tpu.memref_slice %arg10[%run_scoped3A_17, %dma_start3A, %dma_start3A_101] : memref<2x64x128xf32, #tpu.memory_space<vmem>> -> memref<1x64x128xf32, #tpu.memory_space<vmem>>
      %dma_start3A_103 = tpu.memref_squeeze %dma_start3A_102 : memref<1x64x128xf32, #tpu.memory_space<vmem>> -> memref<64x128xf32, #tpu.memory_space<vmem>>
      %dma_start3A_104 = arith.constant 0 : i32
      %dma_start3A_105 = tpu.memref_slice %arg11[%add3A_16, %dma_start3A_104] : memref<10240x128xf32, #tpu.memory_space<vmem_shared>> -> memref<64x128xf32, #tpu.memory_space<vmem_shared>>
      %dma_start3A_106 = arith.constant 0 : i32
      %dma_start3A_107 = tpu.memref_slice %arg11[%add3A_16, %dma_start3A_106] : memref<10240x128xf32, #tpu.memory_space<vmem_shared>> -> memref<64x128xf32, #tpu.memory_space<vmem_shared>>
      %dma_start3A_108 = arith.constant 0 : i32
      %dma_start3A_109 = arith.constant 0 : i32
      %dma_start3A_110 = tpu.memref_slice %arg10[%run_scoped3A_17, %dma_start3A_108, %dma_start3A_109] : memref<2x64x128xf32, #tpu.memory_space<vmem>> -> memref<1x64x128xf32, #tpu.memory_space<vmem>>
      %dma_start3A_111 = tpu.memref_squeeze %dma_start3A_110 : memref<1x64x128xf32, #tpu.memory_space<vmem>> -> memref<64x128xf32, #tpu.memory_space<vmem>>
      tpu.enqueue_dma source(%dma_start3A_111 : memref<64x128xf32, #tpu.memory_space<vmem>>) target(%dma_start3A_107 : memref<64x128xf32, #tpu.memory_space<vmem_shared>>) target_semaphore(%run_scoped3A_100 : memref<!tpu.dma_semaphore, #tpu.memory_space<semaphore_mem>>)
      %dma_wait3A = arith.constant 0 : i32
      %dma_wait3A_112 = arith.constant 0 : i32
      %dma_wait3A_113 = tpu.memref_slice %arg10[%run_scoped3A_17, %dma_wait3A, %dma_wait3A_112] : memref<2x64x128xf32, #tpu.memory_space<vmem>> -> memref<1x64x128xf32, #tpu.memory_space<vmem>>
      %dma_wait3A_114 = tpu.memref_squeeze %dma_wait3A_113 : memref<1x64x128xf32, #tpu.memory_space<vmem>> -> memref<64x128xf32, #tpu.memory_space<vmem>>
      %dma_wait3A_115 = arith.constant 0 : i32
      %dma_wait3A_116 = tpu.memref_slice %arg11[%add3A_16, %dma_wait3A_115] : memref<10240x128xf32, #tpu.memory_space<vmem_shared>> -> memref<64x128xf32, #tpu.memory_space<vmem_shared>>
      %dma_wait3A_117 = arith.constant 0 : i32
      %dma_wait3A_118 = tpu.memref_slice %arg11[%add3A_16, %dma_wait3A_117] : memref<10240x128xf32, #tpu.memory_space<vmem_shared>> -> memref<64x128xf32, #tpu.memory_space<vmem_shared>>
      %dma_wait3A_119 = arith.constant 0 : i32
      %dma_wait3A_120 = arith.constant 0 : i32
      %dma_wait3A_121 = tpu.memref_slice %arg10[%run_scoped3A_17, %dma_wait3A_119, %dma_wait3A_120] : memref<2x64x128xf32, #tpu.memory_space<vmem>> -> memref<1x64x128xf32, #tpu.memory_space<vmem>>
      %dma_wait3A_122 = tpu.memref_squeeze %dma_wait3A_121 : memref<1x64x128xf32, #tpu.memory_space<vmem>> -> memref<64x128xf32, #tpu.memory_space<vmem>>
      tpu.wait_dma2 semaphore(%run_scoped3A_100 : memref<!tpu.dma_semaphore, #tpu.memory_space<semaphore_mem>>) src(%dma_wait3A_122 : memref<64x128xf32, #tpu.memory_space<vmem>>) dst(%dma_wait3A_118 : memref<64x128xf32, #tpu.memory_space<vmem_shared>>)
      tpu.yield
    }) : () -> ()
    %mul3A_18 = arith.constant 640 : i32
    %mul3A_19 = arith.muli %arg1, %mul3A_18 : i32
    %add3A_20 = arith.constant 192 : i32
    %add3A_21 = arith.addi %mul3A_19, %add3A_20 : i32
    %run_scoped3A_22 = arith.constant 0 : i32
    "tpu.region"() ({
      %run_scoped3A_100 = tpu.sem_alloc : memref<!tpu.dma_semaphore, #tpu.memory_space<semaphore_mem>>
      %dma_start3A = arith.constant 0 : i32
      %dma_start3A_101 = arith.constant 0 : i32
      %dma_start3A_102 = tpu.memref_slice %arg10[%run_scoped3A_22, %dma_start3A, %dma_start3A_101] : memref<2x64x128xf32, #tpu.memory_space<vmem>> -> memref<1x64x128xf32, #tpu.memory_space<vmem>>
      %dma_start3A_103 = tpu.memref_squeeze %dma_start3A_102 : memref<1x64x128xf32, #tpu.memory_space<vmem>> -> memref<64x128xf32, #tpu.memory_space<vmem>>
      %dma_start3A_104 = arith.constant 0 : i32
      %dma_start3A_105 = tpu.memref_slice %arg11[%add3A_21, %dma_start3A_104] : memref<10240x128xf32, #tpu.memory_space<vmem_shared>> -> memref<64x128xf32, #tpu.memory_space<vmem_shared>>
      %dma_start3A_106 = arith.constant 0 : i32
      %dma_start3A_107 = tpu.memref_slice %arg11[%add3A_21, %dma_start3A_106] : memref<10240x128xf32, #tpu.memory_space<vmem_shared>> -> memref<64x128xf32, #tpu.memory_space<vmem_shared>>
      %dma_start3A_108 = arith.constant 0 : i32
      %dma_start3A_109 = arith.constant 0 : i32
      %dma_start3A_110 = tpu.memref_slice %arg10[%run_scoped3A_22, %dma_start3A_108, %dma_start3A_109] : memref<2x64x128xf32, #tpu.memory_space<vmem>> -> memref<1x64x128xf32, #tpu.memory_space<vmem>>
      %dma_start3A_111 = tpu.memref_squeeze %dma_start3A_110 : memref<1x64x128xf32, #tpu.memory_space<vmem>> -> memref<64x128xf32, #tpu.memory_space<vmem>>
      tpu.enqueue_dma source(%dma_start3A_111 : memref<64x128xf32, #tpu.memory_space<vmem>>) target(%dma_start3A_107 : memref<64x128xf32, #tpu.memory_space<vmem_shared>>) target_semaphore(%run_scoped3A_100 : memref<!tpu.dma_semaphore, #tpu.memory_space<semaphore_mem>>)
      %dma_wait3A = arith.constant 0 : i32
      %dma_wait3A_112 = arith.constant 0 : i32
      %dma_wait3A_113 = tpu.memref_slice %arg10[%run_scoped3A_22, %dma_wait3A, %dma_wait3A_112] : memref<2x64x128xf32, #tpu.memory_space<vmem>> -> memref<1x64x128xf32, #tpu.memory_space<vmem>>
      %dma_wait3A_114 = tpu.memref_squeeze %dma_wait3A_113 : memref<1x64x128xf32, #tpu.memory_space<vmem>> -> memref<64x128xf32, #tpu.memory_space<vmem>>
      %dma_wait3A_115 = arith.constant 0 : i32
      %dma_wait3A_116 = tpu.memref_slice %arg11[%add3A_21, %dma_wait3A_115] : memref<10240x128xf32, #tpu.memory_space<vmem_shared>> -> memref<64x128xf32, #tpu.memory_space<vmem_shared>>
      %dma_wait3A_117 = arith.constant 0 : i32
      %dma_wait3A_118 = tpu.memref_slice %arg11[%add3A_21, %dma_wait3A_117] : memref<10240x128xf32, #tpu.memory_space<vmem_shared>> -> memref<64x128xf32, #tpu.memory_space<vmem_shared>>
      %dma_wait3A_119 = arith.constant 0 : i32
      %dma_wait3A_120 = arith.constant 0 : i32
      %dma_wait3A_121 = tpu.memref_slice %arg10[%run_scoped3A_22, %dma_wait3A_119, %dma_wait3A_120] : memref<2x64x128xf32, #tpu.memory_space<vmem>> -> memref<1x64x128xf32, #tpu.memory_space<vmem>>
      %dma_wait3A_122 = tpu.memref_squeeze %dma_wait3A_121 : memref<1x64x128xf32, #tpu.memory_space<vmem>> -> memref<64x128xf32, #tpu.memory_space<vmem>>
      tpu.wait_dma2 semaphore(%run_scoped3A_100 : memref<!tpu.dma_semaphore, #tpu.memory_space<semaphore_mem>>) src(%dma_wait3A_122 : memref<64x128xf32, #tpu.memory_space<vmem>>) dst(%dma_wait3A_118 : memref<64x128xf32, #tpu.memory_space<vmem_shared>>)
      tpu.yield
    }) : () -> ()
    %mul3A_23 = arith.constant 640 : i32
    %mul3A_24 = arith.muli %arg1, %mul3A_23 : i32
    %add3A_25 = arith.constant 256 : i32
    %add3A_26 = arith.addi %mul3A_24, %add3A_25 : i32
    %run_scoped3A_27 = arith.constant 0 : i32
    "tpu.region"() ({
      %run_scoped3A_100 = tpu.sem_alloc : memref<!tpu.dma_semaphore, #tpu.memory_space<semaphore_mem>>
      %dma_start3A = arith.constant 0 : i32
      %dma_start3A_101 = arith.constant 0 : i32
      %dma_start3A_102 = tpu.memref_slice %arg10[%run_scoped3A_27, %dma_start3A, %dma_start3A_101] : memref<2x64x128xf32, #tpu.memory_space<vmem>> -> memref<1x64x128xf32, #tpu.memory_space<vmem>>
      %dma_start3A_103 = tpu.memref_squeeze %dma_start3A_102 : memref<1x64x128xf32, #tpu.memory_space<vmem>> -> memref<64x128xf32, #tpu.memory_space<vmem>>
      %dma_start3A_104 = arith.constant 0 : i32
      %dma_start3A_105 = tpu.memref_slice %arg11[%add3A_26, %dma_start3A_104] : memref<10240x128xf32, #tpu.memory_space<vmem_shared>> -> memref<64x128xf32, #tpu.memory_space<vmem_shared>>
      %dma_start3A_106 = arith.constant 0 : i32
      %dma_start3A_107 = tpu.memref_slice %arg11[%add3A_26, %dma_start3A_106] : memref<10240x128xf32, #tpu.memory_space<vmem_shared>> -> memref<64x128xf32, #tpu.memory_space<vmem_shared>>
      %dma_start3A_108 = arith.constant 0 : i32
      %dma_start3A_109 = arith.constant 0 : i32
      %dma_start3A_110 = tpu.memref_slice %arg10[%run_scoped3A_27, %dma_start3A_108, %dma_start3A_109] : memref<2x64x128xf32, #tpu.memory_space<vmem>> -> memref<1x64x128xf32, #tpu.memory_space<vmem>>
      %dma_start3A_111 = tpu.memref_squeeze %dma_start3A_110 : memref<1x64x128xf32, #tpu.memory_space<vmem>> -> memref<64x128xf32, #tpu.memory_space<vmem>>
      tpu.enqueue_dma source(%dma_start3A_111 : memref<64x128xf32, #tpu.memory_space<vmem>>) target(%dma_start3A_107 : memref<64x128xf32, #tpu.memory_space<vmem_shared>>) target_semaphore(%run_scoped3A_100 : memref<!tpu.dma_semaphore, #tpu.memory_space<semaphore_mem>>)
      %dma_wait3A = arith.constant 0 : i32
      %dma_wait3A_112 = arith.constant 0 : i32
      %dma_wait3A_113 = tpu.memref_slice %arg10[%run_scoped3A_27, %dma_wait3A, %dma_wait3A_112] : memref<2x64x128xf32, #tpu.memory_space<vmem>> -> memref<1x64x128xf32, #tpu.memory_space<vmem>>
      %dma_wait3A_114 = tpu.memref_squeeze %dma_wait3A_113 : memref<1x64x128xf32, #tpu.memory_space<vmem>> -> memref<64x128xf32, #tpu.memory_space<vmem>>
      %dma_wait3A_115 = arith.constant 0 : i32
      %dma_wait3A_116 = tpu.memref_slice %arg11[%add3A_26, %dma_wait3A_115] : memref<10240x128xf32, #tpu.memory_space<vmem_shared>> -> memref<64x128xf32, #tpu.memory_space<vmem_shared>>
      %dma_wait3A_117 = arith.constant 0 : i32
      %dma_wait3A_118 = tpu.memref_slice %arg11[%add3A_26, %dma_wait3A_117] : memref<10240x128xf32, #tpu.memory_space<vmem_shared>> -> memref<64x128xf32, #tpu.memory_space<vmem_shared>>
      %dma_wait3A_119 = arith.constant 0 : i32
      %dma_wait3A_120 = arith.constant 0 : i32
      %dma_wait3A_121 = tpu.memref_slice %arg10[%run_scoped3A_27, %dma_wait3A_119, %dma_wait3A_120] : memref<2x64x128xf32, #tpu.memory_space<vmem>> -> memref<1x64x128xf32, #tpu.memory_space<vmem>>
      %dma_wait3A_122 = tpu.memref_squeeze %dma_wait3A_121 : memref<1x64x128xf32, #tpu.memory_space<vmem>> -> memref<64x128xf32, #tpu.memory_space<vmem>>
      tpu.wait_dma2 semaphore(%run_scoped3A_100 : memref<!tpu.dma_semaphore, #tpu.memory_space<semaphore_mem>>) src(%dma_wait3A_122 : memref<64x128xf32, #tpu.memory_space<vmem>>) dst(%dma_wait3A_118 : memref<64x128xf32, #tpu.memory_space<vmem_shared>>)
      tpu.yield
    }) : () -> ()
    %mul3A_28 = arith.constant 640 : i32
    %mul3A_29 = arith.muli %arg1, %mul3A_28 : i32
    %add3A_30 = arith.constant 320 : i32
    %add3A_31 = arith.addi %mul3A_29, %add3A_30 : i32
    %run_scoped3A_32 = arith.constant 0 : i32
    "tpu.region"() ({
      %run_scoped3A_100 = tpu.sem_alloc : memref<!tpu.dma_semaphore, #tpu.memory_space<semaphore_mem>>
      %dma_start3A = arith.constant 0 : i32
      %dma_start3A_101 = arith.constant 0 : i32
      %dma_start3A_102 = tpu.memref_slice %arg10[%run_scoped3A_32, %dma_start3A, %dma_start3A_101] : memref<2x64x128xf32, #tpu.memory_space<vmem>> -> memref<1x64x128xf32, #tpu.memory_space<vmem>>
      %dma_start3A_103 = tpu.memref_squeeze %dma_start3A_102 : memref<1x64x128xf32, #tpu.memory_space<vmem>> -> memref<64x128xf32, #tpu.memory_space<vmem>>
      %dma_start3A_104 = arith.constant 0 : i32
      %dma_start3A_105 = tpu.memref_slice %arg11[%add3A_31, %dma_start3A_104] : memref<10240x128xf32, #tpu.memory_space<vmem_shared>> -> memref<64x128xf32, #tpu.memory_space<vmem_shared>>
      %dma_start3A_106 = arith.constant 0 : i32
      %dma_start3A_107 = tpu.memref_slice %arg11[%add3A_31, %dma_start3A_106] : memref<10240x128xf32, #tpu.memory_space<vmem_shared>> -> memref<64x128xf32, #tpu.memory_space<vmem_shared>>
      %dma_start3A_108 = arith.constant 0 : i32
      %dma_start3A_109 = arith.constant 0 : i32
      %dma_start3A_110 = tpu.memref_slice %arg10[%run_scoped3A_32, %dma_start3A_108, %dma_start3A_109] : memref<2x64x128xf32, #tpu.memory_space<vmem>> -> memref<1x64x128xf32, #tpu.memory_space<vmem>>
      %dma_start3A_111 = tpu.memref_squeeze %dma_start3A_110 : memref<1x64x128xf32, #tpu.memory_space<vmem>> -> memref<64x128xf32, #tpu.memory_space<vmem>>
      tpu.enqueue_dma source(%dma_start3A_111 : memref<64x128xf32, #tpu.memory_space<vmem>>) target(%dma_start3A_107 : memref<64x128xf32, #tpu.memory_space<vmem_shared>>) target_semaphore(%run_scoped3A_100 : memref<!tpu.dma_semaphore, #tpu.memory_space<semaphore_mem>>)
      %dma_wait3A = arith.constant 0 : i32
      %dma_wait3A_112 = arith.constant 0 : i32
      %dma_wait3A_113 = tpu.memref_slice %arg10[%run_scoped3A_32, %dma_wait3A, %dma_wait3A_112] : memref<2x64x128xf32, #tpu.memory_space<vmem>> -> memref<1x64x128xf32, #tpu.memory_space<vmem>>
      %dma_wait3A_114 = tpu.memref_squeeze %dma_wait3A_113 : memref<1x64x128xf32, #tpu.memory_space<vmem>> -> memref<64x128xf32, #tpu.memory_space<vmem>>
      %dma_wait3A_115 = arith.constant 0 : i32
      %dma_wait3A_116 = tpu.memref_slice %arg11[%add3A_31, %dma_wait3A_115] : memref<10240x128xf32, #tpu.memory_space<vmem_shared>> -> memref<64x128xf32, #tpu.memory_space<vmem_shared>>
      %dma_wait3A_117 = arith.constant 0 : i32
      %dma_wait3A_118 = tpu.memref_slice %arg11[%add3A_31, %dma_wait3A_117] : memref<10240x128xf32, #tpu.memory_space<vmem_shared>> -> memref<64x128xf32, #tpu.memory_space<vmem_shared>>
      %dma_wait3A_119 = arith.constant 0 : i32
      %dma_wait3A_120 = arith.constant 0 : i32
      %dma_wait3A_121 = tpu.memref_slice %arg10[%run_scoped3A_32, %dma_wait3A_119, %dma_wait3A_120] : memref<2x64x128xf32, #tpu.memory_space<vmem>> -> memref<1x64x128xf32, #tpu.memory_space<vmem>>
      %dma_wait3A_122 = tpu.memref_squeeze %dma_wait3A_121 : memref<1x64x128xf32, #tpu.memory_space<vmem>> -> memref<64x128xf32, #tpu.memory_space<vmem>>
      tpu.wait_dma2 semaphore(%run_scoped3A_100 : memref<!tpu.dma_semaphore, #tpu.memory_space<semaphore_mem>>) src(%dma_wait3A_122 : memref<64x128xf32, #tpu.memory_space<vmem>>) dst(%dma_wait3A_118 : memref<64x128xf32, #tpu.memory_space<vmem_shared>>)
      tpu.yield
    }) : () -> ()
    %mul3A_33 = arith.constant 640 : i32
    %mul3A_34 = arith.muli %arg1, %mul3A_33 : i32
    %add3A_35 = arith.constant 384 : i32
    %add3A_36 = arith.addi %mul3A_34, %add3A_35 : i32
    %run_scoped3A_37 = arith.constant 0 : i32
    "tpu.region"() ({
      %run_scoped3A_100 = tpu.sem_alloc : memref<!tpu.dma_semaphore, #tpu.memory_space<semaphore_mem>>
      %dma_start3A = arith.constant 0 : i32
      %dma_start3A_101 = arith.constant 0 : i32
      %dma_start3A_102 = tpu.memref_slice %arg10[%run_scoped3A_37, %dma_start3A, %dma_start3A_101] : memref<2x64x128xf32, #tpu.memory_space<vmem>> -> memref<1x64x128xf32, #tpu.memory_space<vmem>>
      %dma_start3A_103 = tpu.memref_squeeze %dma_start3A_102 : memref<1x64x128xf32, #tpu.memory_space<vmem>> -> memref<64x128xf32, #tpu.memory_space<vmem>>
      %dma_start3A_104 = arith.constant 0 : i32
      %dma_start3A_105 = tpu.memref_slice %arg11[%add3A_36, %dma_start3A_104] : memref<10240x128xf32, #tpu.memory_space<vmem_shared>> -> memref<64x128xf32, #tpu.memory_space<vmem_shared>>
      %dma_start3A_106 = arith.constant 0 : i32
      %dma_start3A_107 = tpu.memref_slice %arg11[%add3A_36, %dma_start3A_106] : memref<10240x128xf32, #tpu.memory_space<vmem_shared>> -> memref<64x128xf32, #tpu.memory_space<vmem_shared>>
      %dma_start3A_108 = arith.constant 0 : i32
      %dma_start3A_109 = arith.constant 0 : i32
      %dma_start3A_110 = tpu.memref_slice %arg10[%run_scoped3A_37, %dma_start3A_108, %dma_start3A_109] : memref<2x64x128xf32, #tpu.memory_space<vmem>> -> memref<1x64x128xf32, #tpu.memory_space<vmem>>
      %dma_start3A_111 = tpu.memref_squeeze %dma_start3A_110 : memref<1x64x128xf32, #tpu.memory_space<vmem>> -> memref<64x128xf32, #tpu.memory_space<vmem>>
      tpu.enqueue_dma source(%dma_start3A_111 : memref<64x128xf32, #tpu.memory_space<vmem>>) target(%dma_start3A_107 : memref<64x128xf32, #tpu.memory_space<vmem_shared>>) target_semaphore(%run_scoped3A_100 : memref<!tpu.dma_semaphore, #tpu.memory_space<semaphore_mem>>)
      %dma_wait3A = arith.constant 0 : i32
      %dma_wait3A_112 = arith.constant 0 : i32
      %dma_wait3A_113 = tpu.memref_slice %arg10[%run_scoped3A_37, %dma_wait3A, %dma_wait3A_112] : memref<2x64x128xf32, #tpu.memory_space<vmem>> -> memref<1x64x128xf32, #tpu.memory_space<vmem>>
      %dma_wait3A_114 = tpu.memref_squeeze %dma_wait3A_113 : memref<1x64x128xf32, #tpu.memory_space<vmem>> -> memref<64x128xf32, #tpu.memory_space<vmem>>
      %dma_wait3A_115 = arith.constant 0 : i32
      %dma_wait3A_116 = tpu.memref_slice %arg11[%add3A_36, %dma_wait3A_115] : memref<10240x128xf32, #tpu.memory_space<vmem_shared>> -> memref<64x128xf32, #tpu.memory_space<vmem_shared>>
      %dma_wait3A_117 = arith.constant 0 : i32
      %dma_wait3A_118 = tpu.memref_slice %arg11[%add3A_36, %dma_wait3A_117] : memref<10240x128xf32, #tpu.memory_space<vmem_shared>> -> memref<64x128xf32, #tpu.memory_space<vmem_shared>>
      %dma_wait3A_119 = arith.constant 0 : i32
      %dma_wait3A_120 = arith.constant 0 : i32
      %dma_wait3A_121 = tpu.memref_slice %arg10[%run_scoped3A_37, %dma_wait3A_119, %dma_wait3A_120] : memref<2x64x128xf32, #tpu.memory_space<vmem>> -> memref<1x64x128xf32, #tpu.memory_space<vmem>>
      %dma_wait3A_122 = tpu.memref_squeeze %dma_wait3A_121 : memref<1x64x128xf32, #tpu.memory_space<vmem>> -> memref<64x128xf32, #tpu.memory_space<vmem>>
      tpu.wait_dma2 semaphore(%run_scoped3A_100 : memref<!tpu.dma_semaphore, #tpu.memory_space<semaphore_mem>>) src(%dma_wait3A_122 : memref<64x128xf32, #tpu.memory_space<vmem>>) dst(%dma_wait3A_118 : memref<64x128xf32, #tpu.memory_space<vmem_shared>>)
      tpu.yield
    }) : () -> ()
    %mul3A_38 = arith.constant 640 : i32
    %mul3A_39 = arith.muli %arg1, %mul3A_38 : i32
    %add3A_40 = arith.constant 448 : i32
    %add3A_41 = arith.addi %mul3A_39, %add3A_40 : i32
    %run_scoped3A_42 = arith.constant 0 : i32
    "tpu.region"() ({
      %run_scoped3A_100 = tpu.sem_alloc : memref<!tpu.dma_semaphore, #tpu.memory_space<semaphore_mem>>
      %dma_start3A = arith.constant 0 : i32
      %dma_start3A_101 = arith.constant 0 : i32
      %dma_start3A_102 = tpu.memref_slice %arg10[%run_scoped3A_42, %dma_start3A, %dma_start3A_101] : memref<2x64x128xf32, #tpu.memory_space<vmem>> -> memref<1x64x128xf32, #tpu.memory_space<vmem>>
      %dma_start3A_103 = tpu.memref_squeeze %dma_start3A_102 : memref<1x64x128xf32, #tpu.memory_space<vmem>> -> memref<64x128xf32, #tpu.memory_space<vmem>>
      %dma_start3A_104 = arith.constant 0 : i32
      %dma_start3A_105 = tpu.memref_slice %arg11[%add3A_41, %dma_start3A_104] : memref<10240x128xf32, #tpu.memory_space<vmem_shared>> -> memref<64x128xf32, #tpu.memory_space<vmem_shared>>
      %dma_start3A_106 = arith.constant 0 : i32
      %dma_start3A_107 = tpu.memref_slice %arg11[%add3A_41, %dma_start3A_106] : memref<10240x128xf32, #tpu.memory_space<vmem_shared>> -> memref<64x128xf32, #tpu.memory_space<vmem_shared>>
      %dma_start3A_108 = arith.constant 0 : i32
      %dma_start3A_109 = arith.constant 0 : i32
      %dma_start3A_110 = tpu.memref_slice %arg10[%run_scoped3A_42, %dma_start3A_108, %dma_start3A_109] : memref<2x64x128xf32, #tpu.memory_space<vmem>> -> memref<1x64x128xf32, #tpu.memory_space<vmem>>
      %dma_start3A_111 = tpu.memref_squeeze %dma_start3A_110 : memref<1x64x128xf32, #tpu.memory_space<vmem>> -> memref<64x128xf32, #tpu.memory_space<vmem>>
      tpu.enqueue_dma source(%dma_start3A_111 : memref<64x128xf32, #tpu.memory_space<vmem>>) target(%dma_start3A_107 : memref<64x128xf32, #tpu.memory_space<vmem_shared>>) target_semaphore(%run_scoped3A_100 : memref<!tpu.dma_semaphore, #tpu.memory_space<semaphore_mem>>)
      %dma_wait3A = arith.constant 0 : i32
      %dma_wait3A_112 = arith.constant 0 : i32
      %dma_wait3A_113 = tpu.memref_slice %arg10[%run_scoped3A_42, %dma_wait3A, %dma_wait3A_112] : memref<2x64x128xf32, #tpu.memory_space<vmem>> -> memref<1x64x128xf32, #tpu.memory_space<vmem>>
      %dma_wait3A_114 = tpu.memref_squeeze %dma_wait3A_113 : memref<1x64x128xf32, #tpu.memory_space<vmem>> -> memref<64x128xf32, #tpu.memory_space<vmem>>
      %dma_wait3A_115 = arith.constant 0 : i32
      %dma_wait3A_116 = tpu.memref_slice %arg11[%add3A_41, %dma_wait3A_115] : memref<10240x128xf32, #tpu.memory_space<vmem_shared>> -> memref<64x128xf32, #tpu.memory_space<vmem_shared>>
      %dma_wait3A_117 = arith.constant 0 : i32
      %dma_wait3A_118 = tpu.memref_slice %arg11[%add3A_41, %dma_wait3A_117] : memref<10240x128xf32, #tpu.memory_space<vmem_shared>> -> memref<64x128xf32, #tpu.memory_space<vmem_shared>>
      %dma_wait3A_119 = arith.constant 0 : i32
      %dma_wait3A_120 = arith.constant 0 : i32
      %dma_wait3A_121 = tpu.memref_slice %arg10[%run_scoped3A_42, %dma_wait3A_119, %dma_wait3A_120] : memref<2x64x128xf32, #tpu.memory_space<vmem>> -> memref<1x64x128xf32, #tpu.memory_space<vmem>>
      %dma_wait3A_122 = tpu.memref_squeeze %dma_wait3A_121 : memref<1x64x128xf32, #tpu.memory_space<vmem>> -> memref<64x128xf32, #tpu.memory_space<vmem>>
      tpu.wait_dma2 semaphore(%run_scoped3A_100 : memref<!tpu.dma_semaphore, #tpu.memory_space<semaphore_mem>>) src(%dma_wait3A_122 : memref<64x128xf32, #tpu.memory_space<vmem>>) dst(%dma_wait3A_118 : memref<64x128xf32, #tpu.memory_space<vmem_shared>>)
      tpu.yield
    }) : () -> ()
    %mul3A_43 = arith.constant 640 : i32
    %mul3A_44 = arith.muli %arg1, %mul3A_43 : i32
    %add3A_45 = arith.constant 512 : i32
    %add3A_46 = arith.addi %mul3A_44, %add3A_45 : i32
    %run_scoped3A_47 = arith.constant 0 : i32
    "tpu.region"() ({
      %run_scoped3A_100 = tpu.sem_alloc : memref<!tpu.dma_semaphore, #tpu.memory_space<semaphore_mem>>
      %dma_start3A = arith.constant 0 : i32
      %dma_start3A_101 = arith.constant 0 : i32
      %dma_start3A_102 = tpu.memref_slice %arg10[%run_scoped3A_47, %dma_start3A, %dma_start3A_101] : memref<2x64x128xf32, #tpu.memory_space<vmem>> -> memref<1x64x128xf32, #tpu.memory_space<vmem>>
      %dma_start3A_103 = tpu.memref_squeeze %dma_start3A_102 : memref<1x64x128xf32, #tpu.memory_space<vmem>> -> memref<64x128xf32, #tpu.memory_space<vmem>>
      %dma_start3A_104 = arith.constant 0 : i32
      %dma_start3A_105 = tpu.memref_slice %arg11[%add3A_46, %dma_start3A_104] : memref<10240x128xf32, #tpu.memory_space<vmem_shared>> -> memref<64x128xf32, #tpu.memory_space<vmem_shared>>
      %dma_start3A_106 = arith.constant 0 : i32
      %dma_start3A_107 = tpu.memref_slice %arg11[%add3A_46, %dma_start3A_106] : memref<10240x128xf32, #tpu.memory_space<vmem_shared>> -> memref<64x128xf32, #tpu.memory_space<vmem_shared>>
      %dma_start3A_108 = arith.constant 0 : i32
      %dma_start3A_109 = arith.constant 0 : i32
      %dma_start3A_110 = tpu.memref_slice %arg10[%run_scoped3A_47, %dma_start3A_108, %dma_start3A_109] : memref<2x64x128xf32, #tpu.memory_space<vmem>> -> memref<1x64x128xf32, #tpu.memory_space<vmem>>
      %dma_start3A_111 = tpu.memref_squeeze %dma_start3A_110 : memref<1x64x128xf32, #tpu.memory_space<vmem>> -> memref<64x128xf32, #tpu.memory_space<vmem>>
      tpu.enqueue_dma source(%dma_start3A_111 : memref<64x128xf32, #tpu.memory_space<vmem>>) target(%dma_start3A_107 : memref<64x128xf32, #tpu.memory_space<vmem_shared>>) target_semaphore(%run_scoped3A_100 : memref<!tpu.dma_semaphore, #tpu.memory_space<semaphore_mem>>)
      %dma_wait3A = arith.constant 0 : i32
      %dma_wait3A_112 = arith.constant 0 : i32
      %dma_wait3A_113 = tpu.memref_slice %arg10[%run_scoped3A_47, %dma_wait3A, %dma_wait3A_112] : memref<2x64x128xf32, #tpu.memory_space<vmem>> -> memref<1x64x128xf32, #tpu.memory_space<vmem>>
      %dma_wait3A_114 = tpu.memref_squeeze %dma_wait3A_113 : memref<1x64x128xf32, #tpu.memory_space<vmem>> -> memref<64x128xf32, #tpu.memory_space<vmem>>
      %dma_wait3A_115 = arith.constant 0 : i32
      %dma_wait3A_116 = tpu.memref_slice %arg11[%add3A_46, %dma_wait3A_115] : memref<10240x128xf32, #tpu.memory_space<vmem_shared>> -> memref<64x128xf32, #tpu.memory_space<vmem_shared>>
      %dma_wait3A_117 = arith.constant 0 : i32
      %dma_wait3A_118 = tpu.memref_slice %arg11[%add3A_46, %dma_wait3A_117] : memref<10240x128xf32, #tpu.memory_space<vmem_shared>> -> memref<64x128xf32, #tpu.memory_space<vmem_shared>>
      %dma_wait3A_119 = arith.constant 0 : i32
      %dma_wait3A_120 = arith.constant 0 : i32
      %dma_wait3A_121 = tpu.memref_slice %arg10[%run_scoped3A_47, %dma_wait3A_119, %dma_wait3A_120] : memref<2x64x128xf32, #tpu.memory_space<vmem>> -> memref<1x64x128xf32, #tpu.memory_space<vmem>>
      %dma_wait3A_122 = tpu.memref_squeeze %dma_wait3A_121 : memref<1x64x128xf32, #tpu.memory_space<vmem>> -> memref<64x128xf32, #tpu.memory_space<vmem>>
      tpu.wait_dma2 semaphore(%run_scoped3A_100 : memref<!tpu.dma_semaphore, #tpu.memory_space<semaphore_mem>>) src(%dma_wait3A_122 : memref<64x128xf32, #tpu.memory_space<vmem>>) dst(%dma_wait3A_118 : memref<64x128xf32, #tpu.memory_space<vmem_shared>>)
      tpu.yield
    }) : () -> ()
    %mul3A_48 = arith.constant 640 : i32
    %mul3A_49 = arith.muli %arg1, %mul3A_48 : i32
    %add3A_50 = arith.constant 576 : i32
    %add3A_51 = arith.addi %mul3A_49, %add3A_50 : i32
    %run_scoped3A_52 = arith.constant 0 : i32
    "tpu.region"() ({
      %run_scoped3A_100 = tpu.sem_alloc : memref<!tpu.dma_semaphore, #tpu.memory_space<semaphore_mem>>
      %dma_start3A = arith.constant 0 : i32
      %dma_start3A_101 = arith.constant 0 : i32
      %dma_start3A_102 = tpu.memref_slice %arg10[%run_scoped3A_52, %dma_start3A, %dma_start3A_101] : memref<2x64x128xf32, #tpu.memory_space<vmem>> -> memref<1x64x128xf32, #tpu.memory_space<vmem>>
      %dma_start3A_103 = tpu.memref_squeeze %dma_start3A_102 : memref<1x64x128xf32, #tpu.memory_space<vmem>> -> memref<64x128xf32, #tpu.memory_space<vmem>>
      %dma_start3A_104 = arith.constant 0 : i32
      %dma_start3A_105 = tpu.memref_slice %arg11[%add3A_51, %dma_start3A_104] : memref<10240x128xf32, #tpu.memory_space<vmem_shared>> -> memref<64x128xf32, #tpu.memory_space<vmem_shared>>
      %dma_start3A_106 = arith.constant 0 : i32
      %dma_start3A_107 = tpu.memref_slice %arg11[%add3A_51, %dma_start3A_106] : memref<10240x128xf32, #tpu.memory_space<vmem_shared>> -> memref<64x128xf32, #tpu.memory_space<vmem_shared>>
      %dma_start3A_108 = arith.constant 0 : i32
      %dma_start3A_109 = arith.constant 0 : i32
      %dma_start3A_110 = tpu.memref_slice %arg10[%run_scoped3A_52, %dma_start3A_108, %dma_start3A_109] : memref<2x64x128xf32, #tpu.memory_space<vmem>> -> memref<1x64x128xf32, #tpu.memory_space<vmem>>
      %dma_start3A_111 = tpu.memref_squeeze %dma_start3A_110 : memref<1x64x128xf32, #tpu.memory_space<vmem>> -> memref<64x128xf32, #tpu.memory_space<vmem>>
      tpu.enqueue_dma source(%dma_start3A_111 : memref<64x128xf32, #tpu.memory_space<vmem>>) target(%dma_start3A_107 : memref<64x128xf32, #tpu.memory_space<vmem_shared>>) target_semaphore(%run_scoped3A_100 : memref<!tpu.dma_semaphore, #tpu.memory_space<semaphore_mem>>)
      %dma_wait3A = arith.constant 0 : i32
      %dma_wait3A_112 = arith.constant 0 : i32
      %dma_wait3A_113 = tpu.memref_slice %arg10[%run_scoped3A_52, %dma_wait3A, %dma_wait3A_112] : memref<2x64x128xf32, #tpu.memory_space<vmem>> -> memref<1x64x128xf32, #tpu.memory_space<vmem>>
      %dma_wait3A_114 = tpu.memref_squeeze %dma_wait3A_113 : memref<1x64x128xf32, #tpu.memory_space<vmem>> -> memref<64x128xf32, #tpu.memory_space<vmem>>
      %dma_wait3A_115 = arith.constant 0 : i32
      %dma_wait3A_116 = tpu.memref_slice %arg11[%add3A_51, %dma_wait3A_115] : memref<10240x128xf32, #tpu.memory_space<vmem_shared>> -> memref<64x128xf32, #tpu.memory_space<vmem_shared>>
      %dma_wait3A_117 = arith.constant 0 : i32
      %dma_wait3A_118 = tpu.memref_slice %arg11[%add3A_51, %dma_wait3A_117] : memref<10240x128xf32, #tpu.memory_space<vmem_shared>> -> memref<64x128xf32, #tpu.memory_space<vmem_shared>>
      %dma_wait3A_119 = arith.constant 0 : i32
      %dma_wait3A_120 = arith.constant 0 : i32
      %dma_wait3A_121 = tpu.memref_slice %arg10[%run_scoped3A_52, %dma_wait3A_119, %dma_wait3A_120] : memref<2x64x128xf32, #tpu.memory_space<vmem>> -> memref<1x64x128xf32, #tpu.memory_space<vmem>>
      %dma_wait3A_122 = tpu.memref_squeeze %dma_wait3A_121 : memref<1x64x128xf32, #tpu.memory_space<vmem>> -> memref<64x128xf32, #tpu.memory_space<vmem>>
      tpu.wait_dma2 semaphore(%run_scoped3A_100 : memref<!tpu.dma_semaphore, #tpu.memory_space<semaphore_mem>>) src(%dma_wait3A_122 : memref<64x128xf32, #tpu.memory_space<vmem>>) dst(%dma_wait3A_118 : memref<64x128xf32, #tpu.memory_space<vmem_shared>>)
      tpu.yield
    }) : () -> ()
    %barrier3A = arith.constant 0 : index
    tpu.barrier barrier_id(%barrier3A)
    %ne3A = arith.constant 1 : i32
    %ne3A_53 = arith.cmpi ne, %arg0, %ne3A : i32
    %convert_element_type3A = arith.extui %ne3A_53 : i1 to i32
    %cond3A = arith.constant 0 : i32
    %cond3A_54 = arith.cmpi ne, %convert_element_type3A, %cond3A : i32
    scf.if %cond3A_54 {
      "tpu.region"() ({
        %run_scoped3A_129 = tpu.sem_alloc : memref<!tpu.dma_semaphore, #tpu.memory_space<semaphore_mem>>
        %dma_start3A_130 = arith.constant 0 : i32
        %dma_start3A_131 = arith.constant 0 : i32
        %dma_start3A_132 = tpu.memref_slice %arg8[%dma_start3A_130, %dma_start3A_131] : memref<236x64xi32, #tpu.memory_space<vmem>> -> memref<236x64xi32, #tpu.memory_space<vmem>>
        %dma_start3A_133 = arith.constant 0 : i32
        %dma_start3A_134 = arith.constant 0 : i32
        %dma_start3A_135 = tpu.memref_slice %arg3[%arg1, %dma_start3A_133, %dma_start3A_134] : memref<16x236x64xi32, #tpu.memory_space<hbm>> -> memref<1x236x64xi32, #tpu.memory_space<hbm>>
        %dma_start3A_136 = tpu.memref_squeeze %dma_start3A_135 : memref<1x236x64xi32, #tpu.memory_space<hbm>> -> memref<236x64xi32, #tpu.memory_space<hbm>>
        %dma_start3A_137 = arith.constant 0 : i32
        %dma_start3A_138 = arith.constant 0 : i32
        %dma_start3A_139 = tpu.memref_slice %arg8[%dma_start3A_137, %dma_start3A_138] : memref<236x64xi32, #tpu.memory_space<vmem>> -> memref<236x64xi32, #tpu.memory_space<vmem>>
        %dma_start3A_140 = arith.constant 0 : i32
        %dma_start3A_141 = arith.constant 0 : i32
        %dma_start3A_142 = tpu.memref_slice %arg3[%arg1, %dma_start3A_140, %dma_start3A_141] : memref<16x236x64xi32, #tpu.memory_space<hbm>> -> memref<1x236x64xi32, #tpu.memory_space<hbm>>
        %dma_start3A_143 = tpu.memref_squeeze %dma_start3A_142 : memref<1x236x64xi32, #tpu.memory_space<hbm>> -> memref<236x64xi32, #tpu.memory_space<hbm>>
        tpu.enqueue_dma source(%dma_start3A_143 : memref<236x64xi32, #tpu.memory_space<hbm>>) target(%dma_start3A_139 : memref<236x64xi32, #tpu.memory_space<vmem>>) target_semaphore(%run_scoped3A_129 : memref<!tpu.dma_semaphore, #tpu.memory_space<semaphore_mem>>)
        %dma_wait3A = arith.constant 0 : i32
        %dma_wait3A_144 = arith.constant 0 : i32
        %dma_wait3A_145 = tpu.memref_slice %arg8[%dma_wait3A, %dma_wait3A_144] : memref<236x64xi32, #tpu.memory_space<vmem>> -> memref<236x64xi32, #tpu.memory_space<vmem>>
        %dma_wait3A_146 = arith.constant 0 : i32
        %dma_wait3A_147 = arith.constant 0 : i32
        %dma_wait3A_148 = tpu.memref_slice %arg3[%arg1, %dma_wait3A_146, %dma_wait3A_147] : memref<16x236x64xi32, #tpu.memory_space<hbm>> -> memref<1x236x64xi32, #tpu.memory_space<hbm>>
        %dma_wait3A_149 = tpu.memref_squeeze %dma_wait3A_148 : memref<1x236x64xi32, #tpu.memory_space<hbm>> -> memref<236x64xi32, #tpu.memory_space<hbm>>
        %dma_wait3A_150 = arith.constant 0 : i32
        %dma_wait3A_151 = arith.constant 0 : i32
        %dma_wait3A_152 = tpu.memref_slice %arg8[%dma_wait3A_150, %dma_wait3A_151] : memref<236x64xi32, #tpu.memory_space<vmem>> -> memref<236x64xi32, #tpu.memory_space<vmem>>
        %dma_wait3A_153 = arith.constant 0 : i32
        %dma_wait3A_154 = arith.constant 0 : i32
        %dma_wait3A_155 = tpu.memref_slice %arg3[%arg1, %dma_wait3A_153, %dma_wait3A_154] : memref<16x236x64xi32, #tpu.memory_space<hbm>> -> memref<1x236x64xi32, #tpu.memory_space<hbm>>
        %dma_wait3A_156 = tpu.memref_squeeze %dma_wait3A_155 : memref<1x236x64xi32, #tpu.memory_space<hbm>> -> memref<236x64xi32, #tpu.memory_space<hbm>>
        tpu.wait_dma2 semaphore(%run_scoped3A_129 : memref<!tpu.dma_semaphore, #tpu.memory_space<semaphore_mem>>) src(%dma_wait3A_156 : memref<236x64xi32, #tpu.memory_space<hbm>>) dst(%dma_wait3A_152 : memref<236x64xi32, #tpu.memory_space<vmem>>)
        tpu.yield
      }) : () -> ()
      "tpu.region"() ({
        %run_scoped3A_129 = tpu.sem_alloc : memref<!tpu.dma_semaphore, #tpu.memory_space<semaphore_mem>>
        %dma_start3A_130 = arith.constant 0 : i32
        %dma_start3A_131 = arith.constant 0 : i32
        %dma_start3A_132 = tpu.memref_slice %arg9[%dma_start3A_130, %dma_start3A_131] : memref<236x64xi32, #tpu.memory_space<vmem>> -> memref<236x64xi32, #tpu.memory_space<vmem>>
        %dma_start3A_133 = arith.constant 0 : i32
        %dma_start3A_134 = arith.constant 0 : i32
        %dma_start3A_135 = tpu.memref_slice %arg4[%arg1, %dma_start3A_133, %dma_start3A_134] : memref<16x236x64xi32, #tpu.memory_space<hbm>> -> memref<1x236x64xi32, #tpu.memory_space<hbm>>
        %dma_start3A_136 = tpu.memref_squeeze %dma_start3A_135 : memref<1x236x64xi32, #tpu.memory_space<hbm>> -> memref<236x64xi32, #tpu.memory_space<hbm>>
        %dma_start3A_137 = arith.constant 0 : i32
        %dma_start3A_138 = arith.constant 0 : i32
        %dma_start3A_139 = tpu.memref_slice %arg9[%dma_start3A_137, %dma_start3A_138] : memref<236x64xi32, #tpu.memory_space<vmem>> -> memref<236x64xi32, #tpu.memory_space<vmem>>
        %dma_start3A_140 = arith.constant 0 : i32
        %dma_start3A_141 = arith.constant 0 : i32
        %dma_start3A_142 = tpu.memref_slice %arg4[%arg1, %dma_start3A_140, %dma_start3A_141] : memref<16x236x64xi32, #tpu.memory_space<hbm>> -> memref<1x236x64xi32, #tpu.memory_space<hbm>>
        %dma_start3A_143 = tpu.memref_squeeze %dma_start3A_142 : memref<1x236x64xi32, #tpu.memory_space<hbm>> -> memref<236x64xi32, #tpu.memory_space<hbm>>
        tpu.enqueue_dma source(%dma_start3A_143 : memref<236x64xi32, #tpu.memory_space<hbm>>) target(%dma_start3A_139 : memref<236x64xi32, #tpu.memory_space<vmem>>) target_semaphore(%run_scoped3A_129 : memref<!tpu.dma_semaphore, #tpu.memory_space<semaphore_mem>>)
        %dma_wait3A = arith.constant 0 : i32
        %dma_wait3A_144 = arith.constant 0 : i32
        %dma_wait3A_145 = tpu.memref_slice %arg9[%dma_wait3A, %dma_wait3A_144] : memref<236x64xi32, #tpu.memory_space<vmem>> -> memref<236x64xi32, #tpu.memory_space<vmem>>
        %dma_wait3A_146 = arith.constant 0 : i32
        %dma_wait3A_147 = arith.constant 0 : i32
        %dma_wait3A_148 = tpu.memref_slice %arg4[%arg1, %dma_wait3A_146, %dma_wait3A_147] : memref<16x236x64xi32, #tpu.memory_space<hbm>> -> memref<1x236x64xi32, #tpu.memory_space<hbm>>
        %dma_wait3A_149 = tpu.memref_squeeze %dma_wait3A_148 : memref<1x236x64xi32, #tpu.memory_space<hbm>> -> memref<236x64xi32, #tpu.memory_space<hbm>>
        %dma_wait3A_150 = arith.constant 0 : i32
        %dma_wait3A_151 = arith.constant 0 : i32
        %dma_wait3A_152 = tpu.memref_slice %arg9[%dma_wait3A_150, %dma_wait3A_151] : memref<236x64xi32, #tpu.memory_space<vmem>> -> memref<236x64xi32, #tpu.memory_space<vmem>>
        %dma_wait3A_153 = arith.constant 0 : i32
        %dma_wait3A_154 = arith.constant 0 : i32
        %dma_wait3A_155 = tpu.memref_slice %arg4[%arg1, %dma_wait3A_153, %dma_wait3A_154] : memref<16x236x64xi32, #tpu.memory_space<hbm>> -> memref<1x236x64xi32, #tpu.memory_space<hbm>>
        %dma_wait3A_156 = tpu.memref_squeeze %dma_wait3A_155 : memref<1x236x64xi32, #tpu.memory_space<hbm>> -> memref<236x64xi32, #tpu.memory_space<hbm>>
        tpu.wait_dma2 semaphore(%run_scoped3A_129 : memref<!tpu.dma_semaphore, #tpu.memory_space<semaphore_mem>>) src(%dma_wait3A_156 : memref<236x64xi32, #tpu.memory_space<hbm>>) dst(%dma_wait3A_152 : memref<236x64xi32, #tpu.memory_space<vmem>>)
        tpu.yield
      }) : () -> ()
      %dma_start3A = arith.constant 0 : i32
      %dma_start3A_100 = arith.constant 0 : i32
      %dma_start3A_101 = arith.constant 0 : i32
      %dma_start3A_102 = arith.constant 0 : i32
      %dma_start3A_103 = tpu.memref_slice %arg10[%dma_start3A_100, %dma_start3A_101, %dma_start3A_102] : memref<2x64x128xf32, #tpu.memory_space<vmem>> -> memref<1x64x128xf32, #tpu.memory_space<vmem>>
      %dma_start3A_104 = tpu.memref_squeeze %dma_start3A_103 : memref<1x64x128xf32, #tpu.memory_space<vmem>> -> memref<64x128xf32, #tpu.memory_space<vmem>>
      %dma_start3A_105 = arith.constant 0 : i32
      %dma_start3A_106 = tpu.memref_slice %arg8[%dma_start3A, %dma_start3A_105] : memref<236x64xi32, #tpu.memory_space<vmem>> -> memref<1x64xi32, #tpu.memory_space<vmem>>
      %dma_start3A_107 = tpu.memref_squeeze %dma_start3A_106 : memref<1x64xi32, #tpu.memory_space<vmem>> -> memref<64xi32, #tpu.memory_space<vmem>>
      %dma_start3A_108 = arith.constant 0 : i32
      %dma_start3A_109 = arith.constant 0 : i32
      %dma_start3A_110 = tpu.memref_slice %arg2[%dma_start3A_108, %dma_start3A_109] : memref<10000x128xf32, #tpu.memory_space<hbm>> -> memref<10000x128xf32, #tpu.memory_space<hbm>>
      tpu.enqueue_indirect_dma source(%dma_start3A_110 : memref<10000x128xf32, #tpu.memory_space<hbm>>) target(%dma_start3A_104 : memref<64x128xf32, #tpu.memory_space<vmem>>) offsets(%dma_start3A_107 : memref<64xi32, #tpu.memory_space<vmem>>) semaphore(%arg12 : memref<!tpu.dma_semaphore, #tpu.memory_space<semaphore_mem>>)
      %dma_start3A_111 = arith.constant 1 : i32
      %dma_start3A_112 = arith.constant 1 : i32
      %dma_start3A_113 = arith.constant 0 : i32
      %dma_start3A_114 = arith.constant 0 : i32
      %dma_start3A_115 = tpu.memref_slice %arg10[%dma_start3A_112, %dma_start3A_113, %dma_start3A_114] : memref<2x64x128xf32, #tpu.memory_space<vmem>> -> memref<1x64x128xf32, #tpu.memory_space<vmem>>
      %dma_start3A_116 = tpu.memref_squeeze %dma_start3A_115 : memref<1x64x128xf32, #tpu.memory_space<vmem>> -> memref<64x128xf32, #tpu.memory_space<vmem>>
      %dma_start3A_117 = arith.constant 0 : i32
      %dma_start3A_118 = tpu.memref_slice %arg8[%dma_start3A_111, %dma_start3A_117] : memref<236x64xi32, #tpu.memory_space<vmem>> -> memref<1x64xi32, #tpu.memory_space<vmem>>
      %dma_start3A_119 = tpu.memref_squeeze %dma_start3A_118 : memref<1x64xi32, #tpu.memory_space<vmem>> -> memref<64xi32, #tpu.memory_space<vmem>>
      %dma_start3A_120 = arith.constant 0 : i32
      %dma_start3A_121 = arith.constant 0 : i32
      %dma_start3A_122 = tpu.memref_slice %arg2[%dma_start3A_120, %dma_start3A_121] : memref<10000x128xf32, #tpu.memory_space<hbm>> -> memref<10000x128xf32, #tpu.memory_space<hbm>>
      tpu.enqueue_indirect_dma source(%dma_start3A_122 : memref<10000x128xf32, #tpu.memory_space<hbm>>) target(%dma_start3A_116 : memref<64x128xf32, #tpu.memory_space<vmem>>) offsets(%dma_start3A_119 : memref<64xi32, #tpu.memory_space<vmem>>) semaphore(%arg13 : memref<!tpu.dma_semaphore, #tpu.memory_space<semaphore_mem>>)
      %scan3A_123 = arith.constant 0 : i32
      %scan3A_124 = arith.constant 0 : i32
      %scan3A_125 = arith.constant 118 : i32
      %scan3A_126 = arith.addi %scan3A_124, %scan3A_125 : i32
      %scan3A_127 = arith.constant 1 : i32
      scf.for %scan3A_129 = %scan3A_124 to %scan3A_126 step %scan3A_127  : i32 {
        %mul3A_130 = arith.constant 2 : i32
        %mul3A_131 = arith.muli %scan3A_129, %mul3A_130 : i32
        %add3A_132 = arith.constant 0 : i32
        %add3A_133 = arith.addi %mul3A_131, %add3A_132 : i32
        %dma_wait3A = arith.constant 0 : i32
        %dma_wait3A_134 = arith.constant 0 : i32
        %dma_wait3A_135 = arith.constant 0 : i32
        %dma_wait3A_136 = tpu.memref_slice %arg10[%dma_wait3A, %dma_wait3A_134, %dma_wait3A_135] : memref<2x64x128xf32, #tpu.memory_space<vmem>> -> memref<1x64x128xf32, #tpu.memory_space<vmem>>
        %dma_wait3A_137 = tpu.memref_squeeze %dma_wait3A_136 : memref<1x64x128xf32, #tpu.memory_space<vmem>> -> memref<64x128xf32, #tpu.memory_space<vmem>>
        %dma_wait3A_138 = arith.constant 0 : i32
        %dma_wait3A_139 = tpu.memref_slice %arg8[%add3A_133, %dma_wait3A_138] : memref<236x64xi32, #tpu.memory_space<vmem>> -> memref<1x64xi32, #tpu.memory_space<vmem>>
        %dma_wait3A_140 = tpu.memref_squeeze %dma_wait3A_139 : memref<1x64xi32, #tpu.memory_space<vmem>> -> memref<64xi32, #tpu.memory_space<vmem>>
        %dma_wait3A_141 = arith.constant 0 : i32
        %dma_wait3A_142 = arith.constant 0 : i32
        %dma_wait3A_143 = tpu.memref_slice %arg2[%dma_wait3A_141, %dma_wait3A_142] : memref<10000x128xf32, #tpu.memory_space<hbm>> -> memref<10000x128xf32, #tpu.memory_space<hbm>>
        tpu.wait_indirect_dma semaphore(%arg12 : memref<!tpu.dma_semaphore, #tpu.memory_space<semaphore_mem>>) src(%dma_wait3A_143 : memref<10000x128xf32, #tpu.memory_space<hbm>>) dst(%dma_wait3A_137 : memref<64x128xf32, #tpu.memory_space<vmem>>)
        %run_scoped3A_144 = arith.constant 0 : i32
        "tpu.region"() ({
          %run_scoped3A_174 = tpu.sem_alloc : memref<!tpu.dma_semaphore, #tpu.memory_space<semaphore_mem>>
          %dma_start3A_175 = arith.constant 0 : i32
          %dma_start3A_176 = arith.constant 0 : i32
          %dma_start3A_177 = tpu.memref_slice %arg10[%run_scoped3A_144, %dma_start3A_175, %dma_start3A_176] : memref<2x64x128xf32, #tpu.memory_space<vmem>> -> memref<1x64x128xf32, #tpu.memory_space<vmem>>
          %dma_start3A_178 = tpu.memref_squeeze %dma_start3A_177 : memref<1x64x128xf32, #tpu.memory_space<vmem>> -> memref<64x128xf32, #tpu.memory_space<vmem>>
          %dma_start3A_179 = arith.constant 0 : i32
          %dma_start3A_180 = tpu.memref_slice %arg9[%add3A_133, %dma_start3A_179] : memref<236x64xi32, #tpu.memory_space<vmem>> -> memref<1x64xi32, #tpu.memory_space<vmem>>
          %dma_start3A_181 = tpu.memref_squeeze %dma_start3A_180 : memref<1x64xi32, #tpu.memory_space<vmem>> -> memref<64xi32, #tpu.memory_space<vmem>>
          %dma_start3A_182 = arith.constant 0 : i32
          %dma_start3A_183 = arith.constant 0 : i32
          %dma_start3A_184 = tpu.memref_slice %arg11[%dma_start3A_182, %dma_start3A_183] : memref<10240x128xf32, #tpu.memory_space<vmem_shared>> -> memref<10240x128xf32, #tpu.memory_space<vmem_shared>>
          tpu.enqueue_indirect_dma source(%dma_start3A_178 : memref<64x128xf32, #tpu.memory_space<vmem>>) target(%dma_start3A_184 : memref<10240x128xf32, #tpu.memory_space<vmem_shared>>) offsets(%dma_start3A_181 : memref<64xi32, #tpu.memory_space<vmem>>) semaphore(%run_scoped3A_174 : memref<!tpu.dma_semaphore, #tpu.memory_space<semaphore_mem>>) {add = true}
          %dma_wait3A_185 = arith.constant 0 : i32
          %dma_wait3A_186 = arith.constant 0 : i32
          %dma_wait3A_187 = tpu.memref_slice %arg10[%run_scoped3A_144, %dma_wait3A_185, %dma_wait3A_186] : memref<2x64x128xf32, #tpu.memory_space<vmem>> -> memref<1x64x128xf32, #tpu.memory_space<vmem>>
          %dma_wait3A_188 = tpu.memref_squeeze %dma_wait3A_187 : memref<1x64x128xf32, #tpu.memory_space<vmem>> -> memref<64x128xf32, #tpu.memory_space<vmem>>
          %dma_wait3A_189 = arith.constant 0 : i32
          %dma_wait3A_190 = tpu.memref_slice %arg9[%add3A_133, %dma_wait3A_189] : memref<236x64xi32, #tpu.memory_space<vmem>> -> memref<1x64xi32, #tpu.memory_space<vmem>>
          %dma_wait3A_191 = tpu.memref_squeeze %dma_wait3A_190 : memref<1x64xi32, #tpu.memory_space<vmem>> -> memref<64xi32, #tpu.memory_space<vmem>>
          %dma_wait3A_192 = arith.constant 0 : i32
          %dma_wait3A_193 = arith.constant 0 : i32
          %dma_wait3A_194 = tpu.memref_slice %arg11[%dma_wait3A_192, %dma_wait3A_193] : memref<10240x128xf32, #tpu.memory_space<vmem_shared>> -> memref<10240x128xf32, #tpu.memory_space<vmem_shared>>
          tpu.wait_indirect_dma semaphore(%run_scoped3A_174 : memref<!tpu.dma_semaphore, #tpu.memory_space<semaphore_mem>>) src(%dma_wait3A_188 : memref<64x128xf32, #tpu.memory_space<vmem>>) dst(%dma_wait3A_194 : memref<10240x128xf32, #tpu.memory_space<vmem_shared>>)
          tpu.yield
        }) : () -> ()
        %add3A_145 = arith.constant 2 : i32
        %add3A_146 = arith.addi %add3A_133, %add3A_145 : i32
        %lt3A = arith.constant 236 : i32
        %lt3A_147 = arith.cmpi slt, %add3A_146, %lt3A : i32
        %convert_element_type3A_148 = arith.extui %lt3A_147 : i1 to i32
        %cond3A_149 = arith.constant 0 : i32
        %cond3A_150 = arith.cmpi ne, %convert_element_type3A_148, %cond3A_149 : i32
        scf.if %cond3A_150 {
          %add3A_174 = arith.constant 2 : i32
          %add3A_175 = arith.addi %add3A_133, %add3A_174 : i32
          %dma_start3A_176 = arith.constant 0 : i32
          %dma_start3A_177 = arith.constant 0 : i32
          %dma_start3A_178 = arith.constant 0 : i32
          %dma_start3A_179 = tpu.memref_slice %arg10[%dma_start3A_176, %dma_start3A_177, %dma_start3A_178] : memref<2x64x128xf32, #tpu.memory_space<vmem>> -> memref<1x64x128xf32, #tpu.memory_space<vmem>>
          %dma_start3A_180 = tpu.memref_squeeze %dma_start3A_179 : memref<1x64x128xf32, #tpu.memory_space<vmem>> -> memref<64x128xf32, #tpu.memory_space<vmem>>
          %dma_start3A_181 = arith.constant 0 : i32
          %dma_start3A_182 = tpu.memref_slice %arg8[%add3A_175, %dma_start3A_181] : memref<236x64xi32, #tpu.memory_space<vmem>> -> memref<1x64xi32, #tpu.memory_space<vmem>>
          %dma_start3A_183 = tpu.memref_squeeze %dma_start3A_182 : memref<1x64xi32, #tpu.memory_space<vmem>> -> memref<64xi32, #tpu.memory_space<vmem>>
          %dma_start3A_184 = arith.constant 0 : i32
          %dma_start3A_185 = arith.constant 0 : i32
          %dma_start3A_186 = tpu.memref_slice %arg2[%dma_start3A_184, %dma_start3A_185] : memref<10000x128xf32, #tpu.memory_space<hbm>> -> memref<10000x128xf32, #tpu.memory_space<hbm>>
          tpu.enqueue_indirect_dma source(%dma_start3A_186 : memref<10000x128xf32, #tpu.memory_space<hbm>>) target(%dma_start3A_180 : memref<64x128xf32, #tpu.memory_space<vmem>>) offsets(%dma_start3A_183 : memref<64xi32, #tpu.memory_space<vmem>>) semaphore(%arg12 : memref<!tpu.dma_semaphore, #tpu.memory_space<semaphore_mem>>)
        } else {
        }
        %mul3A_151 = arith.constant 2 : i32
        %mul3A_152 = arith.muli %scan3A_129, %mul3A_151 : i32
        %add3A_153 = arith.constant 1 : i32
        %add3A_154 = arith.addi %mul3A_152, %add3A_153 : i32
        %dma_wait3A_155 = arith.constant 1 : i32
        %dma_wait3A_156 = arith.constant 0 : i32
        %dma_wait3A_157 = arith.constant 0 : i32
        %dma_wait3A_158 = tpu.memref_slice %arg10[%dma_wait3A_155, %dma_wait3A_156, %dma_wait3A_157] : memref<2x64x128xf32, #tpu.memory_space<vmem>> -> memref<1x64x128xf32, #tpu.memory_space<vmem>>
        %dma_wait3A_159 = tpu.memref_squeeze %dma_wait3A_158 : memref<1x64x128xf32, #tpu.memory_space<vmem>> -> memref<64x128xf32, #tpu.memory_space<vmem>>
        %dma_wait3A_160 = arith.constant 0 : i32
        %dma_wait3A_161 = tpu.memref_slice %arg8[%add3A_154, %dma_wait3A_160] : memref<236x64xi32, #tpu.memory_space<vmem>> -> memref<1x64xi32, #tpu.memory_space<vmem>>
        %dma_wait3A_162 = tpu.memref_squeeze %dma_wait3A_161 : memref<1x64xi32, #tpu.memory_space<vmem>> -> memref<64xi32, #tpu.memory_space<vmem>>
        %dma_wait3A_163 = arith.constant 0 : i32
        %dma_wait3A_164 = arith.constant 0 : i32
        %dma_wait3A_165 = tpu.memref_slice %arg2[%dma_wait3A_163, %dma_wait3A_164] : memref<10000x128xf32, #tpu.memory_space<hbm>> -> memref<10000x128xf32, #tpu.memory_space<hbm>>
        tpu.wait_indirect_dma semaphore(%arg13 : memref<!tpu.dma_semaphore, #tpu.memory_space<semaphore_mem>>) src(%dma_wait3A_165 : memref<10000x128xf32, #tpu.memory_space<hbm>>) dst(%dma_wait3A_159 : memref<64x128xf32, #tpu.memory_space<vmem>>)
        %run_scoped3A_166 = arith.constant 1 : i32
        "tpu.region"() ({
          %run_scoped3A_174 = tpu.sem_alloc : memref<!tpu.dma_semaphore, #tpu.memory_space<semaphore_mem>>
          %dma_start3A_175 = arith.constant 0 : i32
          %dma_start3A_176 = arith.constant 0 : i32
          %dma_start3A_177 = tpu.memref_slice %arg10[%run_scoped3A_166, %dma_start3A_175, %dma_start3A_176] : memref<2x64x128xf32, #tpu.memory_space<vmem>> -> memref<1x64x128xf32, #tpu.memory_space<vmem>>
          %dma_start3A_178 = tpu.memref_squeeze %dma_start3A_177 : memref<1x64x128xf32, #tpu.memory_space<vmem>> -> memref<64x128xf32, #tpu.memory_space<vmem>>
          %dma_start3A_179 = arith.constant 0 : i32
          %dma_start3A_180 = tpu.memref_slice %arg9[%add3A_154, %dma_start3A_179] : memref<236x64xi32, #tpu.memory_space<vmem>> -> memref<1x64xi32, #tpu.memory_space<vmem>>
          %dma_start3A_181 = tpu.memref_squeeze %dma_start3A_180 : memref<1x64xi32, #tpu.memory_space<vmem>> -> memref<64xi32, #tpu.memory_space<vmem>>
          %dma_start3A_182 = arith.constant 0 : i32
          %dma_start3A_183 = arith.constant 0 : i32
          %dma_start3A_184 = tpu.memref_slice %arg11[%dma_start3A_182, %dma_start3A_183] : memref<10240x128xf32, #tpu.memory_space<vmem_shared>> -> memref<10240x128xf32, #tpu.memory_space<vmem_shared>>
          tpu.enqueue_indirect_dma source(%dma_start3A_178 : memref<64x128xf32, #tpu.memory_space<vmem>>) target(%dma_start3A_184 : memref<10240x128xf32, #tpu.memory_space<vmem_shared>>) offsets(%dma_start3A_181 : memref<64xi32, #tpu.memory_space<vmem>>) semaphore(%run_scoped3A_174 : memref<!tpu.dma_semaphore, #tpu.memory_space<semaphore_mem>>) {add = true}
          %dma_wait3A_185 = arith.constant 0 : i32
          %dma_wait3A_186 = arith.constant 0 : i32
          %dma_wait3A_187 = tpu.memref_slice %arg10[%run_scoped3A_166, %dma_wait3A_185, %dma_wait3A_186] : memref<2x64x128xf32, #tpu.memory_space<vmem>> -> memref<1x64x128xf32, #tpu.memory_space<vmem>>
          %dma_wait3A_188 = tpu.memref_squeeze %dma_wait3A_187 : memref<1x64x128xf32, #tpu.memory_space<vmem>> -> memref<64x128xf32, #tpu.memory_space<vmem>>
          %dma_wait3A_189 = arith.constant 0 : i32
          %dma_wait3A_190 = tpu.memref_slice %arg9[%add3A_154, %dma_wait3A_189] : memref<236x64xi32, #tpu.memory_space<vmem>> -> memref<1x64xi32, #tpu.memory_space<vmem>>
          %dma_wait3A_191 = tpu.memref_squeeze %dma_wait3A_190 : memref<1x64xi32, #tpu.memory_space<vmem>> -> memref<64xi32, #tpu.memory_space<vmem>>
          %dma_wait3A_192 = arith.constant 0 : i32
          %dma_wait3A_193 = arith.constant 0 : i32
          %dma_wait3A_194 = tpu.memref_slice %arg11[%dma_wait3A_192, %dma_wait3A_193] : memref<10240x128xf32, #tpu.memory_space<vmem_shared>> -> memref<10240x128xf32, #tpu.memory_space<vmem_shared>>
          tpu.wait_indirect_dma semaphore(%run_scoped3A_174 : memref<!tpu.dma_semaphore, #tpu.memory_space<semaphore_mem>>) src(%dma_wait3A_188 : memref<64x128xf32, #tpu.memory_space<vmem>>) dst(%dma_wait3A_194 : memref<10240x128xf32, #tpu.memory_space<vmem_shared>>)
          tpu.yield
        }) : () -> ()
        %add3A_167 = arith.constant 2 : i32
        %add3A_168 = arith.addi %add3A_154, %add3A_167 : i32
        %lt3A_169 = arith.constant 236 : i32
        %lt3A_170 = arith.cmpi slt, %add3A_168, %lt3A_169 : i32
        %convert_element_type3A_171 = arith.extui %lt3A_170 : i1 to i32
        %cond3A_172 = arith.constant 0 : i32
        %cond3A_173 = arith.cmpi ne, %convert_element_type3A_171, %cond3A_172 : i32
        scf.if %cond3A_173 {
          %add3A_174 = arith.constant 2 : i32
          %add3A_175 = arith.addi %add3A_154, %add3A_174 : i32
          %dma_start3A_176 = arith.constant 1 : i32
          %dma_start3A_177 = arith.constant 0 : i32
          %dma_start3A_178 = arith.constant 0 : i32
          %dma_start3A_179 = tpu.memref_slice %arg10[%dma_start3A_176, %dma_start3A_177, %dma_start3A_178] : memref<2x64x128xf32, #tpu.memory_space<vmem>> -> memref<1x64x128xf32, #tpu.memory_space<vmem>>
          %dma_start3A_180 = tpu.memref_squeeze %dma_start3A_179 : memref<1x64x128xf32, #tpu.memory_space<vmem>> -> memref<64x128xf32, #tpu.memory_space<vmem>>
          %dma_start3A_181 = arith.constant 0 : i32
          %dma_start3A_182 = tpu.memref_slice %arg8[%add3A_175, %dma_start3A_181] : memref<236x64xi32, #tpu.memory_space<vmem>> -> memref<1x64xi32, #tpu.memory_space<vmem>>
          %dma_start3A_183 = tpu.memref_squeeze %dma_start3A_182 : memref<1x64xi32, #tpu.memory_space<vmem>> -> memref<64xi32, #tpu.memory_space<vmem>>
          %dma_start3A_184 = arith.constant 0 : i32
          %dma_start3A_185 = arith.constant 0 : i32
          %dma_start3A_186 = tpu.memref_slice %arg2[%dma_start3A_184, %dma_start3A_185] : memref<10000x128xf32, #tpu.memory_space<hbm>> -> memref<10000x128xf32, #tpu.memory_space<hbm>>
          tpu.enqueue_indirect_dma source(%dma_start3A_186 : memref<10000x128xf32, #tpu.memory_space<hbm>>) target(%dma_start3A_180 : memref<64x128xf32, #tpu.memory_space<vmem>>) offsets(%dma_start3A_183 : memref<64xi32, #tpu.memory_space<vmem>>) semaphore(%arg13 : memref<!tpu.dma_semaphore, #tpu.memory_space<semaphore_mem>>)
        } else {
        }
      }
      %scan3A_128 = arith.constant 118 : i32
    } else {
    }
    %eq3A = arith.constant 1 : i32
    %eq3A_55 = arith.cmpi eq, %arg0, %eq3A : i32
    %convert_element_type3A_56 = arith.extui %eq3A_55 : i1 to i32
    %cond3A_57 = arith.constant 0 : i32
    %cond3A_58 = arith.cmpi ne, %convert_element_type3A_56, %cond3A_57 : i32
    scf.if %cond3A_58 {
      "tpu.region"() ({
        %run_scoped3A_129 = tpu.sem_alloc : memref<!tpu.dma_semaphore, #tpu.memory_space<semaphore_mem>>
        %dma_start3A_130 = arith.constant 0 : i32
        %dma_start3A_131 = arith.constant 0 : i32
        %dma_start3A_132 = tpu.memref_slice %arg8[%dma_start3A_130, %dma_start3A_131] : memref<236x64xi32, #tpu.memory_space<vmem>> -> memref<78x64xi32, #tpu.memory_space<vmem>>
        %dma_start3A_133 = arith.constant 0 : i32
        %dma_start3A_134 = arith.constant 0 : i32
        %dma_start3A_135 = tpu.memref_slice %arg5[%arg1, %dma_start3A_133, %dma_start3A_134] : memref<16x78x64xi32, #tpu.memory_space<hbm>> -> memref<1x78x64xi32, #tpu.memory_space<hbm>>
        %dma_start3A_136 = tpu.memref_squeeze %dma_start3A_135 : memref<1x78x64xi32, #tpu.memory_space<hbm>> -> memref<78x64xi32, #tpu.memory_space<hbm>>
        %dma_start3A_137 = arith.constant 0 : i32
        %dma_start3A_138 = arith.constant 0 : i32
        %dma_start3A_139 = tpu.memref_slice %arg8[%dma_start3A_137, %dma_start3A_138] : memref<236x64xi32, #tpu.memory_space<vmem>> -> memref<78x64xi32, #tpu.memory_space<vmem>>
        %dma_start3A_140 = arith.constant 0 : i32
        %dma_start3A_141 = arith.constant 0 : i32
        %dma_start3A_142 = tpu.memref_slice %arg5[%arg1, %dma_start3A_140, %dma_start3A_141] : memref<16x78x64xi32, #tpu.memory_space<hbm>> -> memref<1x78x64xi32, #tpu.memory_space<hbm>>
        %dma_start3A_143 = tpu.memref_squeeze %dma_start3A_142 : memref<1x78x64xi32, #tpu.memory_space<hbm>> -> memref<78x64xi32, #tpu.memory_space<hbm>>
        tpu.enqueue_dma source(%dma_start3A_143 : memref<78x64xi32, #tpu.memory_space<hbm>>) target(%dma_start3A_139 : memref<78x64xi32, #tpu.memory_space<vmem>>) target_semaphore(%run_scoped3A_129 : memref<!tpu.dma_semaphore, #tpu.memory_space<semaphore_mem>>)
        %dma_wait3A = arith.constant 0 : i32
        %dma_wait3A_144 = arith.constant 0 : i32
        %dma_wait3A_145 = tpu.memref_slice %arg8[%dma_wait3A, %dma_wait3A_144] : memref<236x64xi32, #tpu.memory_space<vmem>> -> memref<78x64xi32, #tpu.memory_space<vmem>>
        %dma_wait3A_146 = arith.constant 0 : i32
        %dma_wait3A_147 = arith.constant 0 : i32
        %dma_wait3A_148 = tpu.memref_slice %arg5[%arg1, %dma_wait3A_146, %dma_wait3A_147] : memref<16x78x64xi32, #tpu.memory_space<hbm>> -> memref<1x78x64xi32, #tpu.memory_space<hbm>>
        %dma_wait3A_149 = tpu.memref_squeeze %dma_wait3A_148 : memref<1x78x64xi32, #tpu.memory_space<hbm>> -> memref<78x64xi32, #tpu.memory_space<hbm>>
        %dma_wait3A_150 = arith.constant 0 : i32
        %dma_wait3A_151 = arith.constant 0 : i32
        %dma_wait3A_152 = tpu.memref_slice %arg8[%dma_wait3A_150, %dma_wait3A_151] : memref<236x64xi32, #tpu.memory_space<vmem>> -> memref<78x64xi32, #tpu.memory_space<vmem>>
        %dma_wait3A_153 = arith.constant 0 : i32
        %dma_wait3A_154 = arith.constant 0 : i32
        %dma_wait3A_155 = tpu.memref_slice %arg5[%arg1, %dma_wait3A_153, %dma_wait3A_154] : memref<16x78x64xi32, #tpu.memory_space<hbm>> -> memref<1x78x64xi32, #tpu.memory_space<hbm>>
        %dma_wait3A_156 = tpu.memref_squeeze %dma_wait3A_155 : memref<1x78x64xi32, #tpu.memory_space<hbm>> -> memref<78x64xi32, #tpu.memory_space<hbm>>
        tpu.wait_dma2 semaphore(%run_scoped3A_129 : memref<!tpu.dma_semaphore, #tpu.memory_space<semaphore_mem>>) src(%dma_wait3A_156 : memref<78x64xi32, #tpu.memory_space<hbm>>) dst(%dma_wait3A_152 : memref<78x64xi32, #tpu.memory_space<vmem>>)
        tpu.yield
      }) : () -> ()
      "tpu.region"() ({
        %run_scoped3A_129 = tpu.sem_alloc : memref<!tpu.dma_semaphore, #tpu.memory_space<semaphore_mem>>
        %dma_start3A_130 = arith.constant 0 : i32
        %dma_start3A_131 = arith.constant 0 : i32
        %dma_start3A_132 = tpu.memref_slice %arg9[%dma_start3A_130, %dma_start3A_131] : memref<236x64xi32, #tpu.memory_space<vmem>> -> memref<78x64xi32, #tpu.memory_space<vmem>>
        %dma_start3A_133 = arith.constant 0 : i32
        %dma_start3A_134 = arith.constant 0 : i32
        %dma_start3A_135 = tpu.memref_slice %arg6[%arg1, %dma_start3A_133, %dma_start3A_134] : memref<16x78x64xi32, #tpu.memory_space<hbm>> -> memref<1x78x64xi32, #tpu.memory_space<hbm>>
        %dma_start3A_136 = tpu.memref_squeeze %dma_start3A_135 : memref<1x78x64xi32, #tpu.memory_space<hbm>> -> memref<78x64xi32, #tpu.memory_space<hbm>>
        %dma_start3A_137 = arith.constant 0 : i32
        %dma_start3A_138 = arith.constant 0 : i32
        %dma_start3A_139 = tpu.memref_slice %arg9[%dma_start3A_137, %dma_start3A_138] : memref<236x64xi32, #tpu.memory_space<vmem>> -> memref<78x64xi32, #tpu.memory_space<vmem>>
        %dma_start3A_140 = arith.constant 0 : i32
        %dma_start3A_141 = arith.constant 0 : i32
        %dma_start3A_142 = tpu.memref_slice %arg6[%arg1, %dma_start3A_140, %dma_start3A_141] : memref<16x78x64xi32, #tpu.memory_space<hbm>> -> memref<1x78x64xi32, #tpu.memory_space<hbm>>
        %dma_start3A_143 = tpu.memref_squeeze %dma_start3A_142 : memref<1x78x64xi32, #tpu.memory_space<hbm>> -> memref<78x64xi32, #tpu.memory_space<hbm>>
        tpu.enqueue_dma source(%dma_start3A_143 : memref<78x64xi32, #tpu.memory_space<hbm>>) target(%dma_start3A_139 : memref<78x64xi32, #tpu.memory_space<vmem>>) target_semaphore(%run_scoped3A_129 : memref<!tpu.dma_semaphore, #tpu.memory_space<semaphore_mem>>)
        %dma_wait3A = arith.constant 0 : i32
        %dma_wait3A_144 = arith.constant 0 : i32
        %dma_wait3A_145 = tpu.memref_slice %arg9[%dma_wait3A, %dma_wait3A_144] : memref<236x64xi32, #tpu.memory_space<vmem>> -> memref<78x64xi32, #tpu.memory_space<vmem>>
        %dma_wait3A_146 = arith.constant 0 : i32
        %dma_wait3A_147 = arith.constant 0 : i32
        %dma_wait3A_148 = tpu.memref_slice %arg6[%arg1, %dma_wait3A_146, %dma_wait3A_147] : memref<16x78x64xi32, #tpu.memory_space<hbm>> -> memref<1x78x64xi32, #tpu.memory_space<hbm>>
        %dma_wait3A_149 = tpu.memref_squeeze %dma_wait3A_148 : memref<1x78x64xi32, #tpu.memory_space<hbm>> -> memref<78x64xi32, #tpu.memory_space<hbm>>
        %dma_wait3A_150 = arith.constant 0 : i32
        %dma_wait3A_151 = arith.constant 0 : i32
        %dma_wait3A_152 = tpu.memref_slice %arg9[%dma_wait3A_150, %dma_wait3A_151] : memref<236x64xi32, #tpu.memory_space<vmem>> -> memref<78x64xi32, #tpu.memory_space<vmem>>
        %dma_wait3A_153 = arith.constant 0 : i32
        %dma_wait3A_154 = arith.constant 0 : i32
        %dma_wait3A_155 = tpu.memref_slice %arg6[%arg1, %dma_wait3A_153, %dma_wait3A_154] : memref<16x78x64xi32, #tpu.memory_space<hbm>> -> memref<1x78x64xi32, #tpu.memory_space<hbm>>
        %dma_wait3A_156 = tpu.memref_squeeze %dma_wait3A_155 : memref<1x78x64xi32, #tpu.memory_space<hbm>> -> memref<78x64xi32, #tpu.memory_space<hbm>>
        tpu.wait_dma2 semaphore(%run_scoped3A_129 : memref<!tpu.dma_semaphore, #tpu.memory_space<semaphore_mem>>) src(%dma_wait3A_156 : memref<78x64xi32, #tpu.memory_space<hbm>>) dst(%dma_wait3A_152 : memref<78x64xi32, #tpu.memory_space<vmem>>)
        tpu.yield
      }) : () -> ()
      %dma_start3A = arith.constant 0 : i32
      %dma_start3A_100 = arith.constant 0 : i32
      %dma_start3A_101 = arith.constant 0 : i32
      %dma_start3A_102 = arith.constant 0 : i32
      %dma_start3A_103 = tpu.memref_slice %arg10[%dma_start3A_100, %dma_start3A_101, %dma_start3A_102] : memref<2x64x128xf32, #tpu.memory_space<vmem>> -> memref<1x64x128xf32, #tpu.memory_space<vmem>>
      %dma_start3A_104 = tpu.memref_squeeze %dma_start3A_103 : memref<1x64x128xf32, #tpu.memory_space<vmem>> -> memref<64x128xf32, #tpu.memory_space<vmem>>
      %dma_start3A_105 = arith.constant 0 : i32
      %dma_start3A_106 = tpu.memref_slice %arg8[%dma_start3A, %dma_start3A_105] : memref<236x64xi32, #tpu.memory_space<vmem>> -> memref<1x64xi32, #tpu.memory_space<vmem>>
      %dma_start3A_107 = tpu.memref_squeeze %dma_start3A_106 : memref<1x64xi32, #tpu.memory_space<vmem>> -> memref<64xi32, #tpu.memory_space<vmem>>
      %dma_start3A_108 = arith.constant 0 : i32
      %dma_start3A_109 = arith.constant 0 : i32
      %dma_start3A_110 = tpu.memref_slice %arg2[%dma_start3A_108, %dma_start3A_109] : memref<10000x128xf32, #tpu.memory_space<hbm>> -> memref<10000x128xf32, #tpu.memory_space<hbm>>
      tpu.enqueue_indirect_dma source(%dma_start3A_110 : memref<10000x128xf32, #tpu.memory_space<hbm>>) target(%dma_start3A_104 : memref<64x128xf32, #tpu.memory_space<vmem>>) offsets(%dma_start3A_107 : memref<64xi32, #tpu.memory_space<vmem>>) semaphore(%arg12 : memref<!tpu.dma_semaphore, #tpu.memory_space<semaphore_mem>>)
      %dma_start3A_111 = arith.constant 1 : i32
      %dma_start3A_112 = arith.constant 1 : i32
      %dma_start3A_113 = arith.constant 0 : i32
      %dma_start3A_114 = arith.constant 0 : i32
      %dma_start3A_115 = tpu.memref_slice %arg10[%dma_start3A_112, %dma_start3A_113, %dma_start3A_114] : memref<2x64x128xf32, #tpu.memory_space<vmem>> -> memref<1x64x128xf32, #tpu.memory_space<vmem>>
      %dma_start3A_116 = tpu.memref_squeeze %dma_start3A_115 : memref<1x64x128xf32, #tpu.memory_space<vmem>> -> memref<64x128xf32, #tpu.memory_space<vmem>>
      %dma_start3A_117 = arith.constant 0 : i32
      %dma_start3A_118 = tpu.memref_slice %arg8[%dma_start3A_111, %dma_start3A_117] : memref<236x64xi32, #tpu.memory_space<vmem>> -> memref<1x64xi32, #tpu.memory_space<vmem>>
      %dma_start3A_119 = tpu.memref_squeeze %dma_start3A_118 : memref<1x64xi32, #tpu.memory_space<vmem>> -> memref<64xi32, #tpu.memory_space<vmem>>
      %dma_start3A_120 = arith.constant 0 : i32
      %dma_start3A_121 = arith.constant 0 : i32
      %dma_start3A_122 = tpu.memref_slice %arg2[%dma_start3A_120, %dma_start3A_121] : memref<10000x128xf32, #tpu.memory_space<hbm>> -> memref<10000x128xf32, #tpu.memory_space<hbm>>
      tpu.enqueue_indirect_dma source(%dma_start3A_122 : memref<10000x128xf32, #tpu.memory_space<hbm>>) target(%dma_start3A_116 : memref<64x128xf32, #tpu.memory_space<vmem>>) offsets(%dma_start3A_119 : memref<64xi32, #tpu.memory_space<vmem>>) semaphore(%arg13 : memref<!tpu.dma_semaphore, #tpu.memory_space<semaphore_mem>>)
      %scan3A_123 = arith.constant 0 : i32
      %scan3A_124 = arith.constant 0 : i32
      %scan3A_125 = arith.constant 39 : i32
      %scan3A_126 = arith.addi %scan3A_124, %scan3A_125 : i32
      %scan3A_127 = arith.constant 1 : i32
      scf.for %scan3A_129 = %scan3A_124 to %scan3A_126 step %scan3A_127  : i32 {
        %mul3A_130 = arith.constant 2 : i32
        %mul3A_131 = arith.muli %scan3A_129, %mul3A_130 : i32
        %add3A_132 = arith.constant 0 : i32
        %add3A_133 = arith.addi %mul3A_131, %add3A_132 : i32
        %dma_wait3A = arith.constant 0 : i32
        %dma_wait3A_134 = arith.constant 0 : i32
        %dma_wait3A_135 = arith.constant 0 : i32
        %dma_wait3A_136 = tpu.memref_slice %arg10[%dma_wait3A, %dma_wait3A_134, %dma_wait3A_135] : memref<2x64x128xf32, #tpu.memory_space<vmem>> -> memref<1x64x128xf32, #tpu.memory_space<vmem>>
        %dma_wait3A_137 = tpu.memref_squeeze %dma_wait3A_136 : memref<1x64x128xf32, #tpu.memory_space<vmem>> -> memref<64x128xf32, #tpu.memory_space<vmem>>
        %dma_wait3A_138 = arith.constant 0 : i32
        %dma_wait3A_139 = tpu.memref_slice %arg8[%add3A_133, %dma_wait3A_138] : memref<236x64xi32, #tpu.memory_space<vmem>> -> memref<1x64xi32, #tpu.memory_space<vmem>>
        %dma_wait3A_140 = tpu.memref_squeeze %dma_wait3A_139 : memref<1x64xi32, #tpu.memory_space<vmem>> -> memref<64xi32, #tpu.memory_space<vmem>>
        %dma_wait3A_141 = arith.constant 0 : i32
        %dma_wait3A_142 = arith.constant 0 : i32
        %dma_wait3A_143 = tpu.memref_slice %arg2[%dma_wait3A_141, %dma_wait3A_142] : memref<10000x128xf32, #tpu.memory_space<hbm>> -> memref<10000x128xf32, #tpu.memory_space<hbm>>
        tpu.wait_indirect_dma semaphore(%arg12 : memref<!tpu.dma_semaphore, #tpu.memory_space<semaphore_mem>>) src(%dma_wait3A_143 : memref<10000x128xf32, #tpu.memory_space<hbm>>) dst(%dma_wait3A_137 : memref<64x128xf32, #tpu.memory_space<vmem>>)
        %run_scoped3A_144 = arith.constant 0 : i32
        "tpu.region"() ({
          %run_scoped3A_174 = tpu.sem_alloc : memref<!tpu.dma_semaphore, #tpu.memory_space<semaphore_mem>>
          %dma_start3A_175 = arith.constant 0 : i32
          %dma_start3A_176 = arith.constant 0 : i32
          %dma_start3A_177 = tpu.memref_slice %arg10[%run_scoped3A_144, %dma_start3A_175, %dma_start3A_176] : memref<2x64x128xf32, #tpu.memory_space<vmem>> -> memref<1x64x128xf32, #tpu.memory_space<vmem>>
          %dma_start3A_178 = tpu.memref_squeeze %dma_start3A_177 : memref<1x64x128xf32, #tpu.memory_space<vmem>> -> memref<64x128xf32, #tpu.memory_space<vmem>>
          %dma_start3A_179 = arith.constant 0 : i32
          %dma_start3A_180 = tpu.memref_slice %arg9[%add3A_133, %dma_start3A_179] : memref<236x64xi32, #tpu.memory_space<vmem>> -> memref<1x64xi32, #tpu.memory_space<vmem>>
          %dma_start3A_181 = tpu.memref_squeeze %dma_start3A_180 : memref<1x64xi32, #tpu.memory_space<vmem>> -> memref<64xi32, #tpu.memory_space<vmem>>
          %dma_start3A_182 = arith.constant 0 : i32
          %dma_start3A_183 = arith.constant 0 : i32
          %dma_start3A_184 = tpu.memref_slice %arg11[%dma_start3A_182, %dma_start3A_183] : memref<10240x128xf32, #tpu.memory_space<vmem_shared>> -> memref<10240x128xf32, #tpu.memory_space<vmem_shared>>
          tpu.enqueue_indirect_dma source(%dma_start3A_178 : memref<64x128xf32, #tpu.memory_space<vmem>>) target(%dma_start3A_184 : memref<10240x128xf32, #tpu.memory_space<vmem_shared>>) offsets(%dma_start3A_181 : memref<64xi32, #tpu.memory_space<vmem>>) semaphore(%run_scoped3A_174 : memref<!tpu.dma_semaphore, #tpu.memory_space<semaphore_mem>>) {add = true}
          %dma_wait3A_185 = arith.constant 0 : i32
          %dma_wait3A_186 = arith.constant 0 : i32
          %dma_wait3A_187 = tpu.memref_slice %arg10[%run_scoped3A_144, %dma_wait3A_185, %dma_wait3A_186] : memref<2x64x128xf32, #tpu.memory_space<vmem>> -> memref<1x64x128xf32, #tpu.memory_space<vmem>>
          %dma_wait3A_188 = tpu.memref_squeeze %dma_wait3A_187 : memref<1x64x128xf32, #tpu.memory_space<vmem>> -> memref<64x128xf32, #tpu.memory_space<vmem>>
          %dma_wait3A_189 = arith.constant 0 : i32
          %dma_wait3A_190 = tpu.memref_slice %arg9[%add3A_133, %dma_wait3A_189] : memref<236x64xi32, #tpu.memory_space<vmem>> -> memref<1x64xi32, #tpu.memory_space<vmem>>
          %dma_wait3A_191 = tpu.memref_squeeze %dma_wait3A_190 : memref<1x64xi32, #tpu.memory_space<vmem>> -> memref<64xi32, #tpu.memory_space<vmem>>
          %dma_wait3A_192 = arith.constant 0 : i32
          %dma_wait3A_193 = arith.constant 0 : i32
          %dma_wait3A_194 = tpu.memref_slice %arg11[%dma_wait3A_192, %dma_wait3A_193] : memref<10240x128xf32, #tpu.memory_space<vmem_shared>> -> memref<10240x128xf32, #tpu.memory_space<vmem_shared>>
          tpu.wait_indirect_dma semaphore(%run_scoped3A_174 : memref<!tpu.dma_semaphore, #tpu.memory_space<semaphore_mem>>) src(%dma_wait3A_188 : memref<64x128xf32, #tpu.memory_space<vmem>>) dst(%dma_wait3A_194 : memref<10240x128xf32, #tpu.memory_space<vmem_shared>>)
          tpu.yield
        }) : () -> ()
        %add3A_145 = arith.constant 2 : i32
        %add3A_146 = arith.addi %add3A_133, %add3A_145 : i32
        %lt3A = arith.constant 78 : i32
        %lt3A_147 = arith.cmpi slt, %add3A_146, %lt3A : i32
        %convert_element_type3A_148 = arith.extui %lt3A_147 : i1 to i32
        %cond3A_149 = arith.constant 0 : i32
        %cond3A_150 = arith.cmpi ne, %convert_element_type3A_148, %cond3A_149 : i32
        scf.if %cond3A_150 {
          %add3A_174 = arith.constant 2 : i32
          %add3A_175 = arith.addi %add3A_133, %add3A_174 : i32
          %dma_start3A_176 = arith.constant 0 : i32
          %dma_start3A_177 = arith.constant 0 : i32
          %dma_start3A_178 = arith.constant 0 : i32
          %dma_start3A_179 = tpu.memref_slice %arg10[%dma_start3A_176, %dma_start3A_177, %dma_start3A_178] : memref<2x64x128xf32, #tpu.memory_space<vmem>> -> memref<1x64x128xf32, #tpu.memory_space<vmem>>
          %dma_start3A_180 = tpu.memref_squeeze %dma_start3A_179 : memref<1x64x128xf32, #tpu.memory_space<vmem>> -> memref<64x128xf32, #tpu.memory_space<vmem>>
          %dma_start3A_181 = arith.constant 0 : i32
          %dma_start3A_182 = tpu.memref_slice %arg8[%add3A_175, %dma_start3A_181] : memref<236x64xi32, #tpu.memory_space<vmem>> -> memref<1x64xi32, #tpu.memory_space<vmem>>
          %dma_start3A_183 = tpu.memref_squeeze %dma_start3A_182 : memref<1x64xi32, #tpu.memory_space<vmem>> -> memref<64xi32, #tpu.memory_space<vmem>>
          %dma_start3A_184 = arith.constant 0 : i32
          %dma_start3A_185 = arith.constant 0 : i32
          %dma_start3A_186 = tpu.memref_slice %arg2[%dma_start3A_184, %dma_start3A_185] : memref<10000x128xf32, #tpu.memory_space<hbm>> -> memref<10000x128xf32, #tpu.memory_space<hbm>>
          tpu.enqueue_indirect_dma source(%dma_start3A_186 : memref<10000x128xf32, #tpu.memory_space<hbm>>) target(%dma_start3A_180 : memref<64x128xf32, #tpu.memory_space<vmem>>) offsets(%dma_start3A_183 : memref<64xi32, #tpu.memory_space<vmem>>) semaphore(%arg12 : memref<!tpu.dma_semaphore, #tpu.memory_space<semaphore_mem>>)
        } else {
        }
        %mul3A_151 = arith.constant 2 : i32
        %mul3A_152 = arith.muli %scan3A_129, %mul3A_151 : i32
        %add3A_153 = arith.constant 1 : i32
        %add3A_154 = arith.addi %mul3A_152, %add3A_153 : i32
        %dma_wait3A_155 = arith.constant 1 : i32
        %dma_wait3A_156 = arith.constant 0 : i32
        %dma_wait3A_157 = arith.constant 0 : i32
        %dma_wait3A_158 = tpu.memref_slice %arg10[%dma_wait3A_155, %dma_wait3A_156, %dma_wait3A_157] : memref<2x64x128xf32, #tpu.memory_space<vmem>> -> memref<1x64x128xf32, #tpu.memory_space<vmem>>
        %dma_wait3A_159 = tpu.memref_squeeze %dma_wait3A_158 : memref<1x64x128xf32, #tpu.memory_space<vmem>> -> memref<64x128xf32, #tpu.memory_space<vmem>>
        %dma_wait3A_160 = arith.constant 0 : i32
        %dma_wait3A_161 = tpu.memref_slice %arg8[%add3A_154, %dma_wait3A_160] : memref<236x64xi32, #tpu.memory_space<vmem>> -> memref<1x64xi32, #tpu.memory_space<vmem>>
        %dma_wait3A_162 = tpu.memref_squeeze %dma_wait3A_161 : memref<1x64xi32, #tpu.memory_space<vmem>> -> memref<64xi32, #tpu.memory_space<vmem>>
        %dma_wait3A_163 = arith.constant 0 : i32
        %dma_wait3A_164 = arith.constant 0 : i32
        %dma_wait3A_165 = tpu.memref_slice %arg2[%dma_wait3A_163, %dma_wait3A_164] : memref<10000x128xf32, #tpu.memory_space<hbm>> -> memref<10000x128xf32, #tpu.memory_space<hbm>>
        tpu.wait_indirect_dma semaphore(%arg13 : memref<!tpu.dma_semaphore, #tpu.memory_space<semaphore_mem>>) src(%dma_wait3A_165 : memref<10000x128xf32, #tpu.memory_space<hbm>>) dst(%dma_wait3A_159 : memref<64x128xf32, #tpu.memory_space<vmem>>)
        %run_scoped3A_166 = arith.constant 1 : i32
        "tpu.region"() ({
          %run_scoped3A_174 = tpu.sem_alloc : memref<!tpu.dma_semaphore, #tpu.memory_space<semaphore_mem>>
          %dma_start3A_175 = arith.constant 0 : i32
          %dma_start3A_176 = arith.constant 0 : i32
          %dma_start3A_177 = tpu.memref_slice %arg10[%run_scoped3A_166, %dma_start3A_175, %dma_start3A_176] : memref<2x64x128xf32, #tpu.memory_space<vmem>> -> memref<1x64x128xf32, #tpu.memory_space<vmem>>
          %dma_start3A_178 = tpu.memref_squeeze %dma_start3A_177 : memref<1x64x128xf32, #tpu.memory_space<vmem>> -> memref<64x128xf32, #tpu.memory_space<vmem>>
          %dma_start3A_179 = arith.constant 0 : i32
          %dma_start3A_180 = tpu.memref_slice %arg9[%add3A_154, %dma_start3A_179] : memref<236x64xi32, #tpu.memory_space<vmem>> -> memref<1x64xi32, #tpu.memory_space<vmem>>
          %dma_start3A_181 = tpu.memref_squeeze %dma_start3A_180 : memref<1x64xi32, #tpu.memory_space<vmem>> -> memref<64xi32, #tpu.memory_space<vmem>>
          %dma_start3A_182 = arith.constant 0 : i32
          %dma_start3A_183 = arith.constant 0 : i32
          %dma_start3A_184 = tpu.memref_slice %arg11[%dma_start3A_182, %dma_start3A_183] : memref<10240x128xf32, #tpu.memory_space<vmem_shared>> -> memref<10240x128xf32, #tpu.memory_space<vmem_shared>>
          tpu.enqueue_indirect_dma source(%dma_start3A_178 : memref<64x128xf32, #tpu.memory_space<vmem>>) target(%dma_start3A_184 : memref<10240x128xf32, #tpu.memory_space<vmem_shared>>) offsets(%dma_start3A_181 : memref<64xi32, #tpu.memory_space<vmem>>) semaphore(%run_scoped3A_174 : memref<!tpu.dma_semaphore, #tpu.memory_space<semaphore_mem>>) {add = true}
          %dma_wait3A_185 = arith.constant 0 : i32
          %dma_wait3A_186 = arith.constant 0 : i32
          %dma_wait3A_187 = tpu.memref_slice %arg10[%run_scoped3A_166, %dma_wait3A_185, %dma_wait3A_186] : memref<2x64x128xf32, #tpu.memory_space<vmem>> -> memref<1x64x128xf32, #tpu.memory_space<vmem>>
          %dma_wait3A_188 = tpu.memref_squeeze %dma_wait3A_187 : memref<1x64x128xf32, #tpu.memory_space<vmem>> -> memref<64x128xf32, #tpu.memory_space<vmem>>
          %dma_wait3A_189 = arith.constant 0 : i32
          %dma_wait3A_190 = tpu.memref_slice %arg9[%add3A_154, %dma_wait3A_189] : memref<236x64xi32, #tpu.memory_space<vmem>> -> memref<1x64xi32, #tpu.memory_space<vmem>>
          %dma_wait3A_191 = tpu.memref_squeeze %dma_wait3A_190 : memref<1x64xi32, #tpu.memory_space<vmem>> -> memref<64xi32, #tpu.memory_space<vmem>>
          %dma_wait3A_192 = arith.constant 0 : i32
          %dma_wait3A_193 = arith.constant 0 : i32
          %dma_wait3A_194 = tpu.memref_slice %arg11[%dma_wait3A_192, %dma_wait3A_193] : memref<10240x128xf32, #tpu.memory_space<vmem_shared>> -> memref<10240x128xf32, #tpu.memory_space<vmem_shared>>
          tpu.wait_indirect_dma semaphore(%run_scoped3A_174 : memref<!tpu.dma_semaphore, #tpu.memory_space<semaphore_mem>>) src(%dma_wait3A_188 : memref<64x128xf32, #tpu.memory_space<vmem>>) dst(%dma_wait3A_194 : memref<10240x128xf32, #tpu.memory_space<vmem_shared>>)
          tpu.yield
        }) : () -> ()
        %add3A_167 = arith.constant 2 : i32
        %add3A_168 = arith.addi %add3A_154, %add3A_167 : i32
        %lt3A_169 = arith.constant 78 : i32
        %lt3A_170 = arith.cmpi slt, %add3A_168, %lt3A_169 : i32
        %convert_element_type3A_171 = arith.extui %lt3A_170 : i1 to i32
        %cond3A_172 = arith.constant 0 : i32
        %cond3A_173 = arith.cmpi ne, %convert_element_type3A_171, %cond3A_172 : i32
        scf.if %cond3A_173 {
          %add3A_174 = arith.constant 2 : i32
          %add3A_175 = arith.addi %add3A_154, %add3A_174 : i32
          %dma_start3A_176 = arith.constant 1 : i32
          %dma_start3A_177 = arith.constant 0 : i32
          %dma_start3A_178 = arith.constant 0 : i32
          %dma_start3A_179 = tpu.memref_slice %arg10[%dma_start3A_176, %dma_start3A_177, %dma_start3A_178] : memref<2x64x128xf32, #tpu.memory_space<vmem>> -> memref<1x64x128xf32, #tpu.memory_space<vmem>>
          %dma_start3A_180 = tpu.memref_squeeze %dma_start3A_179 : memref<1x64x128xf32, #tpu.memory_space<vmem>> -> memref<64x128xf32, #tpu.memory_space<vmem>>
          %dma_start3A_181 = arith.constant 0 : i32
          %dma_start3A_182 = tpu.memref_slice %arg8[%add3A_175, %dma_start3A_181] : memref<236x64xi32, #tpu.memory_space<vmem>> -> memref<1x64xi32, #tpu.memory_space<vmem>>
          %dma_start3A_183 = tpu.memref_squeeze %dma_start3A_182 : memref<1x64xi32, #tpu.memory_space<vmem>> -> memref<64xi32, #tpu.memory_space<vmem>>
          %dma_start3A_184 = arith.constant 0 : i32
          %dma_start3A_185 = arith.constant 0 : i32
          %dma_start3A_186 = tpu.memref_slice %arg2[%dma_start3A_184, %dma_start3A_185] : memref<10000x128xf32, #tpu.memory_space<hbm>> -> memref<10000x128xf32, #tpu.memory_space<hbm>>
          tpu.enqueue_indirect_dma source(%dma_start3A_186 : memref<10000x128xf32, #tpu.memory_space<hbm>>) target(%dma_start3A_180 : memref<64x128xf32, #tpu.memory_space<vmem>>) offsets(%dma_start3A_183 : memref<64xi32, #tpu.memory_space<vmem>>) semaphore(%arg13 : memref<!tpu.dma_semaphore, #tpu.memory_space<semaphore_mem>>)
        } else {
        }
      }
      %scan3A_128 = arith.constant 39 : i32
    } else {
    }
    %barrier3A_59 = arith.constant 0 : index
    tpu.barrier barrier_id(%barrier3A_59)
    %mul3A_60 = arith.constant 640 : i32
    %mul3A_61 = arith.muli %arg1, %mul3A_60 : i32
    %add3A_62 = arith.constant 0 : i32
    %add3A_63 = arith.addi %mul3A_61, %add3A_62 : i32
    "tpu.region"() ({
      %run_scoped3A_100 = tpu.sem_alloc : memref<!tpu.dma_semaphore, #tpu.memory_space<semaphore_mem>>
      %dma_start3A = arith.constant 0 : i32
      %dma_start3A_101 = tpu.memref_slice %arg7[%arg0, %add3A_63, %dma_start3A] : memref<2x10240x128xf32, #tpu.memory_space<hbm>> -> memref<1x64x128xf32, #tpu.memory_space<hbm>>
      %dma_start3A_102 = tpu.memref_squeeze %dma_start3A_101 : memref<1x64x128xf32, #tpu.memory_space<hbm>> -> memref<64x128xf32, #tpu.memory_space<hbm>>
      %dma_start3A_103 = arith.constant 0 : i32
      %dma_start3A_104 = tpu.memref_slice %arg11[%add3A_63, %dma_start3A_103] : memref<10240x128xf32, #tpu.memory_space<vmem_shared>> -> memref<64x128xf32, #tpu.memory_space<vmem_shared>>
      tpu.enqueue_dma source(%dma_start3A_104 : memref<64x128xf32, #tpu.memory_space<vmem_shared>>) target(%dma_start3A_102 : memref<64x128xf32, #tpu.memory_space<hbm>>) target_semaphore(%run_scoped3A_100 : memref<!tpu.dma_semaphore, #tpu.memory_space<semaphore_mem>>)
      %dma_wait3A = arith.constant 0 : i32
      %dma_wait3A_105 = tpu.memref_slice %arg7[%arg0, %add3A_63, %dma_wait3A] : memref<2x10240x128xf32, #tpu.memory_space<hbm>> -> memref<1x64x128xf32, #tpu.memory_space<hbm>>
      %dma_wait3A_106 = tpu.memref_squeeze %dma_wait3A_105 : memref<1x64x128xf32, #tpu.memory_space<hbm>> -> memref<64x128xf32, #tpu.memory_space<hbm>>
      %dma_wait3A_107 = arith.constant 0 : i32
      %dma_wait3A_108 = tpu.memref_slice %arg11[%add3A_63, %dma_wait3A_107] : memref<10240x128xf32, #tpu.memory_space<vmem_shared>> -> memref<64x128xf32, #tpu.memory_space<vmem_shared>>
      tpu.wait_dma2 semaphore(%run_scoped3A_100 : memref<!tpu.dma_semaphore, #tpu.memory_space<semaphore_mem>>) src(%dma_wait3A_108 : memref<64x128xf32, #tpu.memory_space<vmem_shared>>) dst(%dma_wait3A_106 : memref<64x128xf32, #tpu.memory_space<hbm>>)
      tpu.yield
    }) : () -> ()
    %mul3A_64 = arith.constant 640 : i32
    %mul3A_65 = arith.muli %arg1, %mul3A_64 : i32
    %add3A_66 = arith.constant 64 : i32
    %add3A_67 = arith.addi %mul3A_65, %add3A_66 : i32
    "tpu.region"() ({
      %run_scoped3A_100 = tpu.sem_alloc : memref<!tpu.dma_semaphore, #tpu.memory_space<semaphore_mem>>
      %dma_start3A = arith.constant 0 : i32
      %dma_start3A_101 = tpu.memref_slice %arg7[%arg0, %add3A_67, %dma_start3A] : memref<2x10240x128xf32, #tpu.memory_space<hbm>> -> memref<1x64x128xf32, #tpu.memory_space<hbm>>
      %dma_start3A_102 = tpu.memref_squeeze %dma_start3A_101 : memref<1x64x128xf32, #tpu.memory_space<hbm>> -> memref<64x128xf32, #tpu.memory_space<hbm>>
      %dma_start3A_103 = arith.constant 0 : i32
      %dma_start3A_104 = tpu.memref_slice %arg11[%add3A_67, %dma_start3A_103] : memref<10240x128xf32, #tpu.memory_space<vmem_shared>> -> memref<64x128xf32, #tpu.memory_space<vmem_shared>>
      tpu.enqueue_dma source(%dma_start3A_104 : memref<64x128xf32, #tpu.memory_space<vmem_shared>>) target(%dma_start3A_102 : memref<64x128xf32, #tpu.memory_space<hbm>>) target_semaphore(%run_scoped3A_100 : memref<!tpu.dma_semaphore, #tpu.memory_space<semaphore_mem>>)
      %dma_wait3A = arith.constant 0 : i32
      %dma_wait3A_105 = tpu.memref_slice %arg7[%arg0, %add3A_67, %dma_wait3A] : memref<2x10240x128xf32, #tpu.memory_space<hbm>> -> memref<1x64x128xf32, #tpu.memory_space<hbm>>
      %dma_wait3A_106 = tpu.memref_squeeze %dma_wait3A_105 : memref<1x64x128xf32, #tpu.memory_space<hbm>> -> memref<64x128xf32, #tpu.memory_space<hbm>>
      %dma_wait3A_107 = arith.constant 0 : i32
      %dma_wait3A_108 = tpu.memref_slice %arg11[%add3A_67, %dma_wait3A_107] : memref<10240x128xf32, #tpu.memory_space<vmem_shared>> -> memref<64x128xf32, #tpu.memory_space<vmem_shared>>
      tpu.wait_dma2 semaphore(%run_scoped3A_100 : memref<!tpu.dma_semaphore, #tpu.memory_space<semaphore_mem>>) src(%dma_wait3A_108 : memref<64x128xf32, #tpu.memory_space<vmem_shared>>) dst(%dma_wait3A_106 : memref<64x128xf32, #tpu.memory_space<hbm>>)
      tpu.yield
    }) : () -> ()
    %mul3A_68 = arith.constant 640 : i32
    %mul3A_69 = arith.muli %arg1, %mul3A_68 : i32
    %add3A_70 = arith.constant 128 : i32
    %add3A_71 = arith.addi %mul3A_69, %add3A_70 : i32
    "tpu.region"() ({
      %run_scoped3A_100 = tpu.sem_alloc : memref<!tpu.dma_semaphore, #tpu.memory_space<semaphore_mem>>
      %dma_start3A = arith.constant 0 : i32
      %dma_start3A_101 = tpu.memref_slice %arg7[%arg0, %add3A_71, %dma_start3A] : memref<2x10240x128xf32, #tpu.memory_space<hbm>> -> memref<1x64x128xf32, #tpu.memory_space<hbm>>
      %dma_start3A_102 = tpu.memref_squeeze %dma_start3A_101 : memref<1x64x128xf32, #tpu.memory_space<hbm>> -> memref<64x128xf32, #tpu.memory_space<hbm>>
      %dma_start3A_103 = arith.constant 0 : i32
      %dma_start3A_104 = tpu.memref_slice %arg11[%add3A_71, %dma_start3A_103] : memref<10240x128xf32, #tpu.memory_space<vmem_shared>> -> memref<64x128xf32, #tpu.memory_space<vmem_shared>>
      tpu.enqueue_dma source(%dma_start3A_104 : memref<64x128xf32, #tpu.memory_space<vmem_shared>>) target(%dma_start3A_102 : memref<64x128xf32, #tpu.memory_space<hbm>>) target_semaphore(%run_scoped3A_100 : memref<!tpu.dma_semaphore, #tpu.memory_space<semaphore_mem>>)
      %dma_wait3A = arith.constant 0 : i32
      %dma_wait3A_105 = tpu.memref_slice %arg7[%arg0, %add3A_71, %dma_wait3A] : memref<2x10240x128xf32, #tpu.memory_space<hbm>> -> memref<1x64x128xf32, #tpu.memory_space<hbm>>
      %dma_wait3A_106 = tpu.memref_squeeze %dma_wait3A_105 : memref<1x64x128xf32, #tpu.memory_space<hbm>> -> memref<64x128xf32, #tpu.memory_space<hbm>>
      %dma_wait3A_107 = arith.constant 0 : i32
      %dma_wait3A_108 = tpu.memref_slice %arg11[%add3A_71, %dma_wait3A_107] : memref<10240x128xf32, #tpu.memory_space<vmem_shared>> -> memref<64x128xf32, #tpu.memory_space<vmem_shared>>
      tpu.wait_dma2 semaphore(%run_scoped3A_100 : memref<!tpu.dma_semaphore, #tpu.memory_space<semaphore_mem>>) src(%dma_wait3A_108 : memref<64x128xf32, #tpu.memory_space<vmem_shared>>) dst(%dma_wait3A_106 : memref<64x128xf32, #tpu.memory_space<hbm>>)
      tpu.yield
    }) : () -> ()
    %mul3A_72 = arith.constant 640 : i32
    %mul3A_73 = arith.muli %arg1, %mul3A_72 : i32
    %add3A_74 = arith.constant 192 : i32
    %add3A_75 = arith.addi %mul3A_73, %add3A_74 : i32
    "tpu.region"() ({
      %run_scoped3A_100 = tpu.sem_alloc : memref<!tpu.dma_semaphore, #tpu.memory_space<semaphore_mem>>
      %dma_start3A = arith.constant 0 : i32
      %dma_start3A_101 = tpu.memref_slice %arg7[%arg0, %add3A_75, %dma_start3A] : memref<2x10240x128xf32, #tpu.memory_space<hbm>> -> memref<1x64x128xf32, #tpu.memory_space<hbm>>
      %dma_start3A_102 = tpu.memref_squeeze %dma_start3A_101 : memref<1x64x128xf32, #tpu.memory_space<hbm>> -> memref<64x128xf32, #tpu.memory_space<hbm>>
      %dma_start3A_103 = arith.constant 0 : i32
      %dma_start3A_104 = tpu.memref_slice %arg11[%add3A_75, %dma_start3A_103] : memref<10240x128xf32, #tpu.memory_space<vmem_shared>> -> memref<64x128xf32, #tpu.memory_space<vmem_shared>>
      tpu.enqueue_dma source(%dma_start3A_104 : memref<64x128xf32, #tpu.memory_space<vmem_shared>>) target(%dma_start3A_102 : memref<64x128xf32, #tpu.memory_space<hbm>>) target_semaphore(%run_scoped3A_100 : memref<!tpu.dma_semaphore, #tpu.memory_space<semaphore_mem>>)
      %dma_wait3A = arith.constant 0 : i32
      %dma_wait3A_105 = tpu.memref_slice %arg7[%arg0, %add3A_75, %dma_wait3A] : memref<2x10240x128xf32, #tpu.memory_space<hbm>> -> memref<1x64x128xf32, #tpu.memory_space<hbm>>
      %dma_wait3A_106 = tpu.memref_squeeze %dma_wait3A_105 : memref<1x64x128xf32, #tpu.memory_space<hbm>> -> memref<64x128xf32, #tpu.memory_space<hbm>>
      %dma_wait3A_107 = arith.constant 0 : i32
      %dma_wait3A_108 = tpu.memref_slice %arg11[%add3A_75, %dma_wait3A_107] : memref<10240x128xf32, #tpu.memory_space<vmem_shared>> -> memref<64x128xf32, #tpu.memory_space<vmem_shared>>
      tpu.wait_dma2 semaphore(%run_scoped3A_100 : memref<!tpu.dma_semaphore, #tpu.memory_space<semaphore_mem>>) src(%dma_wait3A_108 : memref<64x128xf32, #tpu.memory_space<vmem_shared>>) dst(%dma_wait3A_106 : memref<64x128xf32, #tpu.memory_space<hbm>>)
      tpu.yield
    }) : () -> ()
    %mul3A_76 = arith.constant 640 : i32
    %mul3A_77 = arith.muli %arg1, %mul3A_76 : i32
    %add3A_78 = arith.constant 256 : i32
    %add3A_79 = arith.addi %mul3A_77, %add3A_78 : i32
    "tpu.region"() ({
      %run_scoped3A_100 = tpu.sem_alloc : memref<!tpu.dma_semaphore, #tpu.memory_space<semaphore_mem>>
      %dma_start3A = arith.constant 0 : i32
      %dma_start3A_101 = tpu.memref_slice %arg7[%arg0, %add3A_79, %dma_start3A] : memref<2x10240x128xf32, #tpu.memory_space<hbm>> -> memref<1x64x128xf32, #tpu.memory_space<hbm>>
      %dma_start3A_102 = tpu.memref_squeeze %dma_start3A_101 : memref<1x64x128xf32, #tpu.memory_space<hbm>> -> memref<64x128xf32, #tpu.memory_space<hbm>>
      %dma_start3A_103 = arith.constant 0 : i32
      %dma_start3A_104 = tpu.memref_slice %arg11[%add3A_79, %dma_start3A_103] : memref<10240x128xf32, #tpu.memory_space<vmem_shared>> -> memref<64x128xf32, #tpu.memory_space<vmem_shared>>
      tpu.enqueue_dma source(%dma_start3A_104 : memref<64x128xf32, #tpu.memory_space<vmem_shared>>) target(%dma_start3A_102 : memref<64x128xf32, #tpu.memory_space<hbm>>) target_semaphore(%run_scoped3A_100 : memref<!tpu.dma_semaphore, #tpu.memory_space<semaphore_mem>>)
      %dma_wait3A = arith.constant 0 : i32
      %dma_wait3A_105 = tpu.memref_slice %arg7[%arg0, %add3A_79, %dma_wait3A] : memref<2x10240x128xf32, #tpu.memory_space<hbm>> -> memref<1x64x128xf32, #tpu.memory_space<hbm>>
      %dma_wait3A_106 = tpu.memref_squeeze %dma_wait3A_105 : memref<1x64x128xf32, #tpu.memory_space<hbm>> -> memref<64x128xf32, #tpu.memory_space<hbm>>
      %dma_wait3A_107 = arith.constant 0 : i32
      %dma_wait3A_108 = tpu.memref_slice %arg11[%add3A_79, %dma_wait3A_107] : memref<10240x128xf32, #tpu.memory_space<vmem_shared>> -> memref<64x128xf32, #tpu.memory_space<vmem_shared>>
      tpu.wait_dma2 semaphore(%run_scoped3A_100 : memref<!tpu.dma_semaphore, #tpu.memory_space<semaphore_mem>>) src(%dma_wait3A_108 : memref<64x128xf32, #tpu.memory_space<vmem_shared>>) dst(%dma_wait3A_106 : memref<64x128xf32, #tpu.memory_space<hbm>>)
      tpu.yield
    }) : () -> ()
    %mul3A_80 = arith.constant 640 : i32
    %mul3A_81 = arith.muli %arg1, %mul3A_80 : i32
    %add3A_82 = arith.constant 320 : i32
    %add3A_83 = arith.addi %mul3A_81, %add3A_82 : i32
    "tpu.region"() ({
      %run_scoped3A_100 = tpu.sem_alloc : memref<!tpu.dma_semaphore, #tpu.memory_space<semaphore_mem>>
      %dma_start3A = arith.constant 0 : i32
      %dma_start3A_101 = tpu.memref_slice %arg7[%arg0, %add3A_83, %dma_start3A] : memref<2x10240x128xf32, #tpu.memory_space<hbm>> -> memref<1x64x128xf32, #tpu.memory_space<hbm>>
      %dma_start3A_102 = tpu.memref_squeeze %dma_start3A_101 : memref<1x64x128xf32, #tpu.memory_space<hbm>> -> memref<64x128xf32, #tpu.memory_space<hbm>>
      %dma_start3A_103 = arith.constant 0 : i32
      %dma_start3A_104 = tpu.memref_slice %arg11[%add3A_83, %dma_start3A_103] : memref<10240x128xf32, #tpu.memory_space<vmem_shared>> -> memref<64x128xf32, #tpu.memory_space<vmem_shared>>
      tpu.enqueue_dma source(%dma_start3A_104 : memref<64x128xf32, #tpu.memory_space<vmem_shared>>) target(%dma_start3A_102 : memref<64x128xf32, #tpu.memory_space<hbm>>) target_semaphore(%run_scoped3A_100 : memref<!tpu.dma_semaphore, #tpu.memory_space<semaphore_mem>>)
      %dma_wait3A = arith.constant 0 : i32
      %dma_wait3A_105 = tpu.memref_slice %arg7[%arg0, %add3A_83, %dma_wait3A] : memref<2x10240x128xf32, #tpu.memory_space<hbm>> -> memref<1x64x128xf32, #tpu.memory_space<hbm>>
      %dma_wait3A_106 = tpu.memref_squeeze %dma_wait3A_105 : memref<1x64x128xf32, #tpu.memory_space<hbm>> -> memref<64x128xf32, #tpu.memory_space<hbm>>
      %dma_wait3A_107 = arith.constant 0 : i32
      %dma_wait3A_108 = tpu.memref_slice %arg11[%add3A_83, %dma_wait3A_107] : memref<10240x128xf32, #tpu.memory_space<vmem_shared>> -> memref<64x128xf32, #tpu.memory_space<vmem_shared>>
      tpu.wait_dma2 semaphore(%run_scoped3A_100 : memref<!tpu.dma_semaphore, #tpu.memory_space<semaphore_mem>>) src(%dma_wait3A_108 : memref<64x128xf32, #tpu.memory_space<vmem_shared>>) dst(%dma_wait3A_106 : memref<64x128xf32, #tpu.memory_space<hbm>>)
      tpu.yield
    }) : () -> ()
    %mul3A_84 = arith.constant 640 : i32
    %mul3A_85 = arith.muli %arg1, %mul3A_84 : i32
    %add3A_86 = arith.constant 384 : i32
    %add3A_87 = arith.addi %mul3A_85, %add3A_86 : i32
    "tpu.region"() ({
      %run_scoped3A_100 = tpu.sem_alloc : memref<!tpu.dma_semaphore, #tpu.memory_space<semaphore_mem>>
      %dma_start3A = arith.constant 0 : i32
      %dma_start3A_101 = tpu.memref_slice %arg7[%arg0, %add3A_87, %dma_start3A] : memref<2x10240x128xf32, #tpu.memory_space<hbm>> -> memref<1x64x128xf32, #tpu.memory_space<hbm>>
      %dma_start3A_102 = tpu.memref_squeeze %dma_start3A_101 : memref<1x64x128xf32, #tpu.memory_space<hbm>> -> memref<64x128xf32, #tpu.memory_space<hbm>>
      %dma_start3A_103 = arith.constant 0 : i32
      %dma_start3A_104 = tpu.memref_slice %arg11[%add3A_87, %dma_start3A_103] : memref<10240x128xf32, #tpu.memory_space<vmem_shared>> -> memref<64x128xf32, #tpu.memory_space<vmem_shared>>
      tpu.enqueue_dma source(%dma_start3A_104 : memref<64x128xf32, #tpu.memory_space<vmem_shared>>) target(%dma_start3A_102 : memref<64x128xf32, #tpu.memory_space<hbm>>) target_semaphore(%run_scoped3A_100 : memref<!tpu.dma_semaphore, #tpu.memory_space<semaphore_mem>>)
      %dma_wait3A = arith.constant 0 : i32
      %dma_wait3A_105 = tpu.memref_slice %arg7[%arg0, %add3A_87, %dma_wait3A] : memref<2x10240x128xf32, #tpu.memory_space<hbm>> -> memref<1x64x128xf32, #tpu.memory_space<hbm>>
      %dma_wait3A_106 = tpu.memref_squeeze %dma_wait3A_105 : memref<1x64x128xf32, #tpu.memory_space<hbm>> -> memref<64x128xf32, #tpu.memory_space<hbm>>
      %dma_wait3A_107 = arith.constant 0 : i32
      %dma_wait3A_108 = tpu.memref_slice %arg11[%add3A_87, %dma_wait3A_107] : memref<10240x128xf32, #tpu.memory_space<vmem_shared>> -> memref<64x128xf32, #tpu.memory_space<vmem_shared>>
      tpu.wait_dma2 semaphore(%run_scoped3A_100 : memref<!tpu.dma_semaphore, #tpu.memory_space<semaphore_mem>>) src(%dma_wait3A_108 : memref<64x128xf32, #tpu.memory_space<vmem_shared>>) dst(%dma_wait3A_106 : memref<64x128xf32, #tpu.memory_space<hbm>>)
      tpu.yield
    }) : () -> ()
    %mul3A_88 = arith.constant 640 : i32
    %mul3A_89 = arith.muli %arg1, %mul3A_88 : i32
    %add3A_90 = arith.constant 448 : i32
    %add3A_91 = arith.addi %mul3A_89, %add3A_90 : i32
    "tpu.region"() ({
      %run_scoped3A_100 = tpu.sem_alloc : memref<!tpu.dma_semaphore, #tpu.memory_space<semaphore_mem>>
      %dma_start3A = arith.constant 0 : i32
      %dma_start3A_101 = tpu.memref_slice %arg7[%arg0, %add3A_91, %dma_start3A] : memref<2x10240x128xf32, #tpu.memory_space<hbm>> -> memref<1x64x128xf32, #tpu.memory_space<hbm>>
      %dma_start3A_102 = tpu.memref_squeeze %dma_start3A_101 : memref<1x64x128xf32, #tpu.memory_space<hbm>> -> memref<64x128xf32, #tpu.memory_space<hbm>>
      %dma_start3A_103 = arith.constant 0 : i32
      %dma_start3A_104 = tpu.memref_slice %arg11[%add3A_91, %dma_start3A_103] : memref<10240x128xf32, #tpu.memory_space<vmem_shared>> -> memref<64x128xf32, #tpu.memory_space<vmem_shared>>
      tpu.enqueue_dma source(%dma_start3A_104 : memref<64x128xf32, #tpu.memory_space<vmem_shared>>) target(%dma_start3A_102 : memref<64x128xf32, #tpu.memory_space<hbm>>) target_semaphore(%run_scoped3A_100 : memref<!tpu.dma_semaphore, #tpu.memory_space<semaphore_mem>>)
      %dma_wait3A = arith.constant 0 : i32
      %dma_wait3A_105 = tpu.memref_slice %arg7[%arg0, %add3A_91, %dma_wait3A] : memref<2x10240x128xf32, #tpu.memory_space<hbm>> -> memref<1x64x128xf32, #tpu.memory_space<hbm>>
      %dma_wait3A_106 = tpu.memref_squeeze %dma_wait3A_105 : memref<1x64x128xf32, #tpu.memory_space<hbm>> -> memref<64x128xf32, #tpu.memory_space<hbm>>
      %dma_wait3A_107 = arith.constant 0 : i32
      %dma_wait3A_108 = tpu.memref_slice %arg11[%add3A_91, %dma_wait3A_107] : memref<10240x128xf32, #tpu.memory_space<vmem_shared>> -> memref<64x128xf32, #tpu.memory_space<vmem_shared>>
      tpu.wait_dma2 semaphore(%run_scoped3A_100 : memref<!tpu.dma_semaphore, #tpu.memory_space<semaphore_mem>>) src(%dma_wait3A_108 : memref<64x128xf32, #tpu.memory_space<vmem_shared>>) dst(%dma_wait3A_106 : memref<64x128xf32, #tpu.memory_space<hbm>>)
      tpu.yield
    }) : () -> ()
    %mul3A_92 = arith.constant 640 : i32
    %mul3A_93 = arith.muli %arg1, %mul3A_92 : i32
    %add3A_94 = arith.constant 512 : i32
    %add3A_95 = arith.addi %mul3A_93, %add3A_94 : i32
    "tpu.region"() ({
      %run_scoped3A_100 = tpu.sem_alloc : memref<!tpu.dma_semaphore, #tpu.memory_space<semaphore_mem>>
      %dma_start3A = arith.constant 0 : i32
      %dma_start3A_101 = tpu.memref_slice %arg7[%arg0, %add3A_95, %dma_start3A] : memref<2x10240x128xf32, #tpu.memory_space<hbm>> -> memref<1x64x128xf32, #tpu.memory_space<hbm>>
      %dma_start3A_102 = tpu.memref_squeeze %dma_start3A_101 : memref<1x64x128xf32, #tpu.memory_space<hbm>> -> memref<64x128xf32, #tpu.memory_space<hbm>>
      %dma_start3A_103 = arith.constant 0 : i32
      %dma_start3A_104 = tpu.memref_slice %arg11[%add3A_95, %dma_start3A_103] : memref<10240x128xf32, #tpu.memory_space<vmem_shared>> -> memref<64x128xf32, #tpu.memory_space<vmem_shared>>
      tpu.enqueue_dma source(%dma_start3A_104 : memref<64x128xf32, #tpu.memory_space<vmem_shared>>) target(%dma_start3A_102 : memref<64x128xf32, #tpu.memory_space<hbm>>) target_semaphore(%run_scoped3A_100 : memref<!tpu.dma_semaphore, #tpu.memory_space<semaphore_mem>>)
      %dma_wait3A = arith.constant 0 : i32
      %dma_wait3A_105 = tpu.memref_slice %arg7[%arg0, %add3A_95, %dma_wait3A] : memref<2x10240x128xf32, #tpu.memory_space<hbm>> -> memref<1x64x128xf32, #tpu.memory_space<hbm>>
      %dma_wait3A_106 = tpu.memref_squeeze %dma_wait3A_105 : memref<1x64x128xf32, #tpu.memory_space<hbm>> -> memref<64x128xf32, #tpu.memory_space<hbm>>
      %dma_wait3A_107 = arith.constant 0 : i32
      %dma_wait3A_108 = tpu.memref_slice %arg11[%add3A_95, %dma_wait3A_107] : memref<10240x128xf32, #tpu.memory_space<vmem_shared>> -> memref<64x128xf32, #tpu.memory_space<vmem_shared>>
      tpu.wait_dma2 semaphore(%run_scoped3A_100 : memref<!tpu.dma_semaphore, #tpu.memory_space<semaphore_mem>>) src(%dma_wait3A_108 : memref<64x128xf32, #tpu.memory_space<vmem_shared>>) dst(%dma_wait3A_106 : memref<64x128xf32, #tpu.memory_space<hbm>>)
      tpu.yield
    }) : () -> ()
    %mul3A_96 = arith.constant 640 : i32
    %mul3A_97 = arith.muli %arg1, %mul3A_96 : i32
    %add3A_98 = arith.constant 576 : i32
    %add3A_99 = arith.addi %mul3A_97, %add3A_98 : i32
    "tpu.region"() ({
      %run_scoped3A_100 = tpu.sem_alloc : memref<!tpu.dma_semaphore, #tpu.memory_space<semaphore_mem>>
      %dma_start3A = arith.constant 0 : i32
      %dma_start3A_101 = tpu.memref_slice %arg7[%arg0, %add3A_99, %dma_start3A] : memref<2x10240x128xf32, #tpu.memory_space<hbm>> -> memref<1x64x128xf32, #tpu.memory_space<hbm>>
      %dma_start3A_102 = tpu.memref_squeeze %dma_start3A_101 : memref<1x64x128xf32, #tpu.memory_space<hbm>> -> memref<64x128xf32, #tpu.memory_space<hbm>>
      %dma_start3A_103 = arith.constant 0 : i32
      %dma_start3A_104 = tpu.memref_slice %arg11[%add3A_99, %dma_start3A_103] : memref<10240x128xf32, #tpu.memory_space<vmem_shared>> -> memref<64x128xf32, #tpu.memory_space<vmem_shared>>
      tpu.enqueue_dma source(%dma_start3A_104 : memref<64x128xf32, #tpu.memory_space<vmem_shared>>) target(%dma_start3A_102 : memref<64x128xf32, #tpu.memory_space<hbm>>) target_semaphore(%run_scoped3A_100 : memref<!tpu.dma_semaphore, #tpu.memory_space<semaphore_mem>>)
      %dma_wait3A = arith.constant 0 : i32
      %dma_wait3A_105 = tpu.memref_slice %arg7[%arg0, %add3A_99, %dma_wait3A] : memref<2x10240x128xf32, #tpu.memory_space<hbm>> -> memref<1x64x128xf32, #tpu.memory_space<hbm>>
      %dma_wait3A_106 = tpu.memref_squeeze %dma_wait3A_105 : memref<1x64x128xf32, #tpu.memory_space<hbm>> -> memref<64x128xf32, #tpu.memory_space<hbm>>
      %dma_wait3A_107 = arith.constant 0 : i32
      %dma_wait3A_108 = tpu.memref_slice %arg11[%add3A_99, %dma_wait3A_107] : memref<10240x128xf32, #tpu.memory_space<vmem_shared>> -> memref<64x128xf32, #tpu.memory_space<vmem_shared>>
      tpu.wait_dma2 semaphore(%run_scoped3A_100 : memref<!tpu.dma_semaphore, #tpu.memory_space<semaphore_mem>>) src(%dma_wait3A_108 : memref<64x128xf32, #tpu.memory_space<vmem_shared>>) dst(%dma_wait3A_106 : memref<64x128xf32, #tpu.memory_space<hbm>>)
      tpu.yield
    }) : () -> ()
    return
  }
}

module attributes {stable_mosaic.version = 14 : i64} {
  func.func @_mm1_body(%arg0: i32, %arg1: memref<2000x128xf32, #tpu.memory_space<vmem>>, %arg2: memref<1x2000x16xf32, #tpu.memory_space<vmem>>, %arg3: memref<1x2000x16xf32, #tpu.memory_space<vmem>>, %arg4: memref<128x128xf32, #tpu.memory_space<vmem>>, %arg5: memref<2000x128xf32, #tpu.memory_space<vmem>>) attributes {dimension_semantics = [#tpu.dimension_semantics<arbitrary>], iteration_bounds = array<i64: 5>, scalar_prefetch = 0 : i64, scratch_operands = 0 : i64, tpu.core_type = #tpu.core_type<tc>, window_params = [{transform_indices = @transform_0, window_bounds = array<i64: 2000, 128>}, {transform_indices = @transform_1, window_bounds = array<i64: 1, 2000, 16>}, {transform_indices = @transform_2, window_bounds = array<i64: 1, 2000, 16>}, {pipeline_mode = #tpu.pipeline_mode<synchronous>, transform_indices = @transform_3, window_bounds = array<i64: 128, 128>}, {transform_indices = @transform_4, window_bounds = array<i64: 2000, 128>}]} {
    %get3A = arith.constant 0 : index
    %get3A_0 = arith.constant 0 : index
    %get3A_1 = arith.constant 0 : index
    %get3A_2 = vector.load %arg2[%get3A, %get3A_0, %get3A_1] : memref<1x2000x16xf32, #tpu.memory_space<vmem>>, vector<1x2000x16xf32>
    %get3A_3 = arith.constant 0 : index
    %get3A_4 = arith.constant 0 : index
    %get3A_5 = arith.constant 0 : index
    %get3A_6 = vector.load %arg3[%get3A_3, %get3A_4, %get3A_5] : memref<1x2000x16xf32, #tpu.memory_space<vmem>>, vector<1x2000x16xf32>
    %squeeze3A = vector.shape_cast %get3A_2 : vector<1x2000x16xf32> to vector<2000x16xf32>
    %slice3A = vector.extract_strided_slice %squeeze3A {offsets = [0, 0], sizes = [2000, 1], strides = [1, 1]} : vector<2000x16xf32> to vector<2000x1xf32>
    %add3A = arith.constant 1.000000e+00 : f32
    %add3A_7 = vector.broadcast %add3A : f32 to vector<2000x1xf32>
    %add3A_8 = arith.addf %add3A_7, %slice3A : vector<2000x1xf32>
    %squeeze3A_9 = vector.shape_cast %get3A_6 : vector<1x2000x16xf32> to vector<2000x16xf32>
    %slice3A_10 = vector.extract_strided_slice %squeeze3A_9 {offsets = [0, 0], sizes = [2000, 1], strides = [1, 1]} : vector<2000x16xf32> to vector<2000x1xf32>
    %add3A_11 = arith.addf %add3A_8, %slice3A_10 : vector<2000x1xf32>
    %rsqrt3A = math.rsqrt %add3A_11 : vector<2000x1xf32>
    %get3A_12 = arith.constant 0 : index
    %get3A_13 = arith.constant 0 : index
    %get3A_14 = vector.load %arg1[%get3A_12, %get3A_13] : memref<2000x128xf32, #tpu.memory_space<vmem>>, vector<2000x128xf32>
    %get3A_15 = arith.constant 0 : index
    %get3A_16 = arith.constant 0 : index
    %get3A_17 = vector.load %arg4[%get3A_15, %get3A_16] : memref<128x128xf32, #tpu.memory_space<vmem>>, vector<128x128xf32>
    %dot_general3A = arith.constant dense<0.000000e+00> : vector<2000x128xf32>
    %dot_general3A_18 = tpu.matmul %get3A_14, %get3A_17, %dot_general3A {dimension_numbers = #tpu.dot_dimension_numbers<[1], [0], [0], [1], [0, 0, 1, 1], [], []>, transpose_lhs_hint = false} : vector<2000x128xf32>, vector<128x128xf32>, vector<2000x128xf32> -> vector<2000x128xf32>
    %mul3A = vector.broadcast %rsqrt3A : vector<2000x1xf32> to vector<2000x128xf32>
    %mul3A_19 = arith.mulf %dot_general3A_18, %mul3A : vector<2000x128xf32>
    %swap3A = arith.constant 0 : index
    %swap3A_20 = arith.constant 0 : index
    %swap3A_21 = vector.load %arg5[%swap3A, %swap3A_20] : memref<2000x128xf32, #tpu.memory_space<vmem>>, vector<2000x128xf32>
    tpu.vector_store %arg5[%swap3A, %swap3A_20], %mul3A_19 {strides = array<i32>} : memref<2000x128xf32, #tpu.memory_space<vmem>>, vector<2000x128xf32>,
    return
  }
  func.func @transform_0(%arg0: i32) -> (i32, i32) {
    %c0_i32 = arith.constant 0 : i32
    %c0_i32_0 = arith.constant 0 : i32
    return %arg0, %c0_i32 : i32, i32
  }
  func.func @transform_1(%arg0: i32) -> (i32, i32, i32) {
    %c0_i32 = arith.constant 0 : i32
    %c0_i32_0 = arith.constant 0 : i32
    %c0_i32_1 = arith.constant 0 : i32
    return %c0_i32, %arg0, %c0_i32_0 : i32, i32, i32
  }
  func.func @transform_2(%arg0: i32) -> (i32, i32, i32) {
    %c1_i32 = arith.constant 1 : i32
    %c0_i32 = arith.constant 0 : i32
    %c0_i32_0 = arith.constant 0 : i32
    return %c1_i32, %arg0, %c0_i32 : i32, i32, i32
  }
  func.func @transform_3(%arg0: i32) -> (i32, i32) {
    %c0_i32 = arith.constant 0 : i32
    %c0_i32_0 = arith.constant 0 : i32
    %c0_i32_1 = arith.constant 0 : i32
    return %c0_i32, %c0_i32_0 : i32, i32
  }
  func.func @transform_4(%arg0: i32) -> (i32, i32) {
    %c0_i32 = arith.constant 0 : i32
    %c0_i32_0 = arith.constant 0 : i32
    return %arg0, %c0_i32 : i32, i32
  }
}

module attributes {stable_mosaic.version = 14 : i64} {
  func.func @_fuse_body(%arg0: i32, %arg1: memref<1x2000x128xf32, #tpu.memory_space<vmem>>, %arg2: memref<1x2000x128xf32, #tpu.memory_space<vmem>>, %arg3: memref<2000x128xf32, #tpu.memory_space<vmem>>, %arg4: memref<1x2000x16xf32, #tpu.memory_space<vmem>>, %arg5: memref<1x2000x16xf32, #tpu.memory_space<vmem>>, %arg6: memref<1x128xf32, #tpu.memory_space<vmem>>, %arg7: memref<128x16xf32, #tpu.memory_space<vmem>>, %arg8: memref<2000x16xf32, #tpu.memory_space<vmem>>) attributes {dimension_semantics = [#tpu.dimension_semantics<arbitrary>], iteration_bounds = array<i64: 5>, scalar_prefetch = 0 : i64, scratch_operands = 0 : i64, tpu.core_type = #tpu.core_type<tc>, window_params = [{transform_indices = @transform_0, window_bounds = array<i64: 1, 2000, 128>}, {transform_indices = @transform_1, window_bounds = array<i64: 1, 2000, 128>}, {transform_indices = @transform_2, window_bounds = array<i64: 2000, 128>}, {transform_indices = @transform_3, window_bounds = array<i64: 1, 2000, 16>}, {transform_indices = @transform_4, window_bounds = array<i64: 1, 2000, 16>}, {pipeline_mode = #tpu.pipeline_mode<synchronous>, transform_indices = @transform_5, window_bounds = array<i64: 1, 128>}, {pipeline_mode = #tpu.pipeline_mode<synchronous>, transform_indices = @transform_6, window_bounds = array<i64: 128, 16>}, {transform_indices = @transform_7, window_bounds = array<i64: 2000, 16>}]} {
    %get3A = arith.constant 0 : index
    %get3A_0 = arith.constant 0 : index
    %get3A_1 = arith.constant 0 : index
    %get3A_2 = vector.load %arg4[%get3A, %get3A_0, %get3A_1] : memref<1x2000x16xf32, #tpu.memory_space<vmem>>, vector<1x2000x16xf32>
    %get3A_3 = arith.constant 0 : index
    %get3A_4 = arith.constant 0 : index
    %get3A_5 = arith.constant 0 : index
    %get3A_6 = vector.load %arg5[%get3A_3, %get3A_4, %get3A_5] : memref<1x2000x16xf32, #tpu.memory_space<vmem>>, vector<1x2000x16xf32>
    %squeeze3A = vector.shape_cast %get3A_2 : vector<1x2000x16xf32> to vector<2000x16xf32>
    %slice3A = vector.extract_strided_slice %squeeze3A {offsets = [0, 0], sizes = [2000, 1], strides = [1, 1]} : vector<2000x16xf32> to vector<2000x1xf32>
    %add3A = arith.constant 1.000000e+00 : f32
    %add3A_7 = vector.broadcast %add3A : f32 to vector<2000x1xf32>
    %add3A_8 = arith.addf %add3A_7, %slice3A : vector<2000x1xf32>
    %squeeze3A_9 = vector.shape_cast %get3A_6 : vector<1x2000x16xf32> to vector<2000x16xf32>
    %slice3A_10 = vector.extract_strided_slice %squeeze3A_9 {offsets = [0, 0], sizes = [2000, 1], strides = [1, 1]} : vector<2000x16xf32> to vector<2000x1xf32>
    %add3A_11 = arith.addf %add3A_8, %slice3A_10 : vector<2000x1xf32>
    %rsqrt3A = math.rsqrt %add3A_11 : vector<2000x1xf32>
    %get3A_12 = arith.constant 0 : index
    %get3A_13 = arith.constant 0 : index
    %get3A_14 = arith.constant 0 : index
    %get3A_15 = vector.load %arg1[%get3A_12, %get3A_13, %get3A_14] : memref<1x2000x128xf32, #tpu.memory_space<vmem>>, vector<1x2000x128xf32>
    %get3A_16 = vector.shape_cast %get3A_15 : vector<1x2000x128xf32> to vector<2000x128xf32>
    %get3A_17 = arith.constant 0 : index
    %get3A_18 = arith.constant 0 : index
    %get3A_19 = arith.constant 0 : index
    %get3A_20 = vector.load %arg2[%get3A_17, %get3A_18, %get3A_19] : memref<1x2000x128xf32, #tpu.memory_space<vmem>>, vector<1x2000x128xf32>
    %get3A_21 = vector.shape_cast %get3A_20 : vector<1x2000x128xf32> to vector<2000x128xf32>
    %add3A_22 = arith.addf %get3A_16, %get3A_21 : vector<2000x128xf32>
    %get3A_23 = arith.constant 0 : index
    %get3A_24 = arith.constant 0 : index
    %get3A_25 = vector.load %arg3[%get3A_23, %get3A_24] : memref<2000x128xf32, #tpu.memory_space<vmem>>, vector<2000x128xf32>
    %add3A_26 = arith.addf %add3A_22, %get3A_25 : vector<2000x128xf32>
    %mul3A = vector.broadcast %rsqrt3A : vector<2000x1xf32> to vector<2000x128xf32>
    %mul3A_27 = arith.mulf %mul3A, %add3A_26 : vector<2000x128xf32>
    %get3A_28 = arith.constant 0 : index
    %get3A_29 = arith.constant 0 : index
    %get3A_30 = vector.load %arg6[%get3A_28, %get3A_29] : memref<1x128xf32, #tpu.memory_space<vmem>>, vector<1x128xf32>
    %add3A_31 = vector.broadcast %get3A_30 : vector<1x128xf32> to vector<2000x128xf32>
    %add3A_32 = arith.addf %mul3A_27, %add3A_31 : vector<2000x128xf32>
    %max3A = arith.constant 0.000000e+00 : f32
    %max3A_33 = vector.broadcast %max3A : f32 to vector<2000x128xf32>
    %max3A_34 = arith.maximumf %add3A_32, %max3A_33 : vector<2000x128xf32>
    %get3A_35 = arith.constant 0 : index
    %get3A_36 = arith.constant 0 : index
    %get3A_37 = vector.load %arg7[%get3A_35, %get3A_36] : memref<128x16xf32, #tpu.memory_space<vmem>>, vector<128x16xf32>
    %dot_general3A = arith.constant dense<0.000000e+00> : vector<2000x16xf32>
    %dot_general3A_38 = tpu.matmul %max3A_34, %get3A_37, %dot_general3A {dimension_numbers = #tpu.dot_dimension_numbers<[1], [0], [0], [1], [0, 0, 1, 1], [], []>, transpose_lhs_hint = false} : vector<2000x128xf32>, vector<128x16xf32>, vector<2000x16xf32> -> vector<2000x16xf32>
    %mul3A_39 = vector.broadcast %rsqrt3A : vector<2000x1xf32> to vector<2000x16xf32>
    %mul3A_40 = arith.mulf %dot_general3A_38, %mul3A_39 : vector<2000x16xf32>
    %swap3A = arith.constant 0 : index
    %swap3A_41 = arith.constant 0 : index
    %swap3A_42 = vector.load %arg8[%swap3A, %swap3A_41] : memref<2000x16xf32, #tpu.memory_space<vmem>>, vector<2000x16xf32>
    tpu.vector_store %arg8[%swap3A, %swap3A_41], %mul3A_40 {strides = array<i32>} : memref<2000x16xf32, #tpu.memory_space<vmem>>, vector<2000x16xf32>,
    return
  }
  func.func @transform_0(%arg0: i32) -> (i32, i32, i32) {
    %c0_i32 = arith.constant 0 : i32
    %c0_i32_0 = arith.constant 0 : i32
    %c0_i32_1 = arith.constant 0 : i32
    return %c0_i32, %arg0, %c0_i32_0 : i32, i32, i32
  }
  func.func @transform_1(%arg0: i32) -> (i32, i32, i32) {
    %c1_i32 = arith.constant 1 : i32
    %c0_i32 = arith.constant 0 : i32
    %c0_i32_0 = arith.constant 0 : i32
    return %c1_i32, %arg0, %c0_i32 : i32, i32, i32
  }
  func.func @transform_2(%arg0: i32) -> (i32, i32) {
    %c0_i32 = arith.constant 0 : i32
    %c0_i32_0 = arith.constant 0 : i32
    return %arg0, %c0_i32 : i32, i32
  }
  func.func @transform_3(%arg0: i32) -> (i32, i32, i32) {
    %c0_i32 = arith.constant 0 : i32
    %c0_i32_0 = arith.constant 0 : i32
    %c0_i32_1 = arith.constant 0 : i32
    return %c0_i32, %arg0, %c0_i32_0 : i32, i32, i32
  }
  func.func @transform_4(%arg0: i32) -> (i32, i32, i32) {
    %c1_i32 = arith.constant 1 : i32
    %c0_i32 = arith.constant 0 : i32
    %c0_i32_0 = arith.constant 0 : i32
    return %c1_i32, %arg0, %c0_i32 : i32, i32, i32
  }
  func.func @transform_5(%arg0: i32) -> (i32, i32) {
    %c0_i32 = arith.constant 0 : i32
    %c0_i32_0 = arith.constant 0 : i32
    %c0_i32_1 = arith.constant 0 : i32
    return %c0_i32, %c0_i32_0 : i32, i32
  }
  func.func @transform_6(%arg0: i32) -> (i32, i32) {
    %c0_i32 = arith.constant 0 : i32
    %c0_i32_0 = arith.constant 0 : i32
    %c0_i32_1 = arith.constant 0 : i32
    return %c0_i32, %c0_i32_0 : i32, i32
  }
  func.func @transform_7(%arg0: i32) -> (i32, i32) {
    %c0_i32 = arith.constant 0 : i32
    %c0_i32_0 = arith.constant 0 : i32
    return %arg0, %c0_i32 : i32, i32
  }
}

module attributes {stable_mosaic.version = 14 : i64} {
  func.func @_fin_body(%arg0: i32, %arg1: memref<1x2000x16xf32, #tpu.memory_space<vmem>>, %arg2: memref<1x2000x16xf32, #tpu.memory_space<vmem>>, %arg3: memref<2000x16xf32, #tpu.memory_space<vmem>>, %arg4: memref<1x2000x16xf32, #tpu.memory_space<vmem>>, %arg5: memref<1x2000x16xf32, #tpu.memory_space<vmem>>, %arg6: memref<1x16xf32, #tpu.memory_space<vmem>>, %arg7: memref<2000x16xf32, #tpu.memory_space<vmem>>) attributes {dimension_semantics = [#tpu.dimension_semantics<arbitrary>], iteration_bounds = array<i64: 5>, scalar_prefetch = 0 : i64, scratch_operands = 0 : i64, tpu.core_type = #tpu.core_type<tc>, window_params = [{transform_indices = @transform_0, window_bounds = array<i64: 1, 2000, 16>}, {transform_indices = @transform_1, window_bounds = array<i64: 1, 2000, 16>}, {transform_indices = @transform_2, window_bounds = array<i64: 2000, 16>}, {transform_indices = @transform_3, window_bounds = array<i64: 1, 2000, 16>}, {transform_indices = @transform_4, window_bounds = array<i64: 1, 2000, 16>}, {pipeline_mode = #tpu.pipeline_mode<synchronous>, transform_indices = @transform_5, window_bounds = array<i64: 1, 16>}, {transform_indices = @transform_6, window_bounds = array<i64: 2000, 16>}]} {
    %get3A = arith.constant 0 : index
    %get3A_0 = arith.constant 0 : index
    %get3A_1 = arith.constant 0 : index
    %get3A_2 = vector.load %arg4[%get3A, %get3A_0, %get3A_1] : memref<1x2000x16xf32, #tpu.memory_space<vmem>>, vector<1x2000x16xf32>
    %get3A_3 = arith.constant 0 : index
    %get3A_4 = arith.constant 0 : index
    %get3A_5 = arith.constant 0 : index
    %get3A_6 = vector.load %arg5[%get3A_3, %get3A_4, %get3A_5] : memref<1x2000x16xf32, #tpu.memory_space<vmem>>, vector<1x2000x16xf32>
    %squeeze3A = vector.shape_cast %get3A_2 : vector<1x2000x16xf32> to vector<2000x16xf32>
    %slice3A = vector.extract_strided_slice %squeeze3A {offsets = [0, 0], sizes = [2000, 1], strides = [1, 1]} : vector<2000x16xf32> to vector<2000x1xf32>
    %add3A = arith.constant 1.000000e+00 : f32
    %add3A_7 = vector.broadcast %add3A : f32 to vector<2000x1xf32>
    %add3A_8 = arith.addf %add3A_7, %slice3A : vector<2000x1xf32>
    %squeeze3A_9 = vector.shape_cast %get3A_6 : vector<1x2000x16xf32> to vector<2000x16xf32>
    %slice3A_10 = vector.extract_strided_slice %squeeze3A_9 {offsets = [0, 0], sizes = [2000, 1], strides = [1, 1]} : vector<2000x16xf32> to vector<2000x1xf32>
    %add3A_11 = arith.addf %add3A_8, %slice3A_10 : vector<2000x1xf32>
    %rsqrt3A = math.rsqrt %add3A_11 : vector<2000x1xf32>
    %get3A_12 = arith.constant 0 : index
    %get3A_13 = arith.constant 0 : index
    %get3A_14 = arith.constant 0 : index
    %get3A_15 = vector.load %arg1[%get3A_12, %get3A_13, %get3A_14] : memref<1x2000x16xf32, #tpu.memory_space<vmem>>, vector<1x2000x16xf32>
    %get3A_16 = vector.shape_cast %get3A_15 : vector<1x2000x16xf32> to vector<2000x16xf32>
    %get3A_17 = arith.constant 0 : index
    %get3A_18 = arith.constant 0 : index
    %get3A_19 = arith.constant 0 : index
    %get3A_20 = vector.load %arg2[%get3A_17, %get3A_18, %get3A_19] : memref<1x2000x16xf32, #tpu.memory_space<vmem>>, vector<1x2000x16xf32>
    %get3A_21 = vector.shape_cast %get3A_20 : vector<1x2000x16xf32> to vector<2000x16xf32>
    %add3A_22 = arith.addf %get3A_16, %get3A_21 : vector<2000x16xf32>
    %get3A_23 = arith.constant 0 : index
    %get3A_24 = arith.constant 0 : index
    %get3A_25 = vector.load %arg3[%get3A_23, %get3A_24] : memref<2000x16xf32, #tpu.memory_space<vmem>>, vector<2000x16xf32>
    %add3A_26 = arith.addf %add3A_22, %get3A_25 : vector<2000x16xf32>
    %mul3A = vector.broadcast %rsqrt3A : vector<2000x1xf32> to vector<2000x16xf32>
    %mul3A_27 = arith.mulf %mul3A, %add3A_26 : vector<2000x16xf32>
    %get3A_28 = arith.constant 0 : index
    %get3A_29 = arith.constant 0 : index
    %get3A_30 = vector.load %arg6[%get3A_28, %get3A_29] : memref<1x16xf32, #tpu.memory_space<vmem>>, vector<1x16xf32>
    %add3A_31 = vector.broadcast %get3A_30 : vector<1x16xf32> to vector<2000x16xf32>
    %add3A_32 = arith.addf %mul3A_27, %add3A_31 : vector<2000x16xf32>
    %swap3A = arith.constant 0 : index
    %swap3A_33 = arith.constant 0 : index
    %swap3A_34 = vector.load %arg7[%swap3A, %swap3A_33] : memref<2000x16xf32, #tpu.memory_space<vmem>>, vector<2000x16xf32>
    tpu.vector_store %arg7[%swap3A, %swap3A_33], %add3A_32 {strides = array<i32>} : memref<2000x16xf32, #tpu.memory_space<vmem>>, vector<2000x16xf32>,
    return
  }
  func.func @transform_0(%arg0: i32) -> (i32, i32, i32) {
    %c0_i32 = arith.constant 0 : i32
    %c0_i32_0 = arith.constant 0 : i32
    %c0_i32_1 = arith.constant 0 : i32
    return %c0_i32, %arg0, %c0_i32_0 : i32, i32, i32
  }
  func.func @transform_1(%arg0: i32) -> (i32, i32, i32) {
    %c1_i32 = arith.constant 1 : i32
    %c0_i32 = arith.constant 0 : i32
    %c0_i32_0 = arith.constant 0 : i32
    return %c1_i32, %arg0, %c0_i32 : i32, i32, i32
  }
  func.func @transform_2(%arg0: i32) -> (i32, i32) {
    %c0_i32 = arith.constant 0 : i32
    %c0_i32_0 = arith.constant 0 : i32
    return %arg0, %c0_i32 : i32, i32
  }
  func.func @transform_3(%arg0: i32) -> (i32, i32, i32) {
    %c0_i32 = arith.constant 0 : i32
    %c0_i32_0 = arith.constant 0 : i32
    %c0_i32_1 = arith.constant 0 : i32
    return %c0_i32, %arg0, %c0_i32_0 : i32, i32, i32
  }
  func.func @transform_4(%arg0: i32) -> (i32, i32, i32) {
    %c1_i32 = arith.constant 1 : i32
    %c0_i32 = arith.constant 0 : i32
    %c0_i32_0 = arith.constant 0 : i32
    return %c1_i32, %arg0, %c0_i32 : i32, i32, i32
  }
  func.func @transform_5(%arg0: i32) -> (i32, i32) {
    %c0_i32 = arith.constant 0 : i32
    %c0_i32_0 = arith.constant 0 : i32
    %c0_i32_1 = arith.constant 0 : i32
    return %c0_i32, %c0_i32_0 : i32, i32
  }
  func.func @transform_6(%arg0: i32) -> (i32, i32) {
    %c0_i32 = arith.constant 0 : i32
    %c0_i32_0 = arith.constant 0 : i32
    return %arg0, %c0_i32 : i32, i32
  }
}

</mosaic_0001>

<sc_bundles>
// kernel: kernel.11.cloned.1.call-start
scs
__scs_entry_jumppad:
0x0: {  	(pc) =	sbr.rel $0x88, $3  }
0x1: {  	(tag) =	ssettag $0x0;
	lr =	simm.s32 $0x1  }
0x2: {  	[smem:$0x3F9B] =	sst lr;
	_ =	strace $0xD0000000  }
0x3: {  	_ = 	snop  }
0x4: {  	_ = 	snop  }
0x5: {  	_ = 	snop  }
0x6: {  	_ = 	snop  }
0x7: {  	_ = 	snop  }
__scs_overlays_trampoline_lowered:
0x8: {  	[smem:$0x3FAA] =	sst s0  }
0x9: {  	[smem:$0x3FAB] =	sst s1  }
0xa: {  	[smem:$0x3FAC] =	sst s2  }
0xb: {  	[smem:$0x3FAD] =	sst s3  }
0xc: {  	[smem:$0x3FAE] =	sst s4  }
0xd: {  	[smem:$0x3FAF] =	sst s5  }
0xe: {  	[smem:$0x3FB0] =	sst s6  }
0xf: {  	[smem:$0x3FB1] =	sst s7  }
0x10: {  	[smem:$0x3FB2] =	sst s8  }
0x11: {  	[smem:$0x3FB3] =	sst s9;
	s0 =	simm.s32 @!p0 $0x0  }
0x12: {  	s1 =	sld [smem:$0x3F99];
	s0 =	simm.s32 @p0 $0x1  }
0x13: {  	[smem:$0x3FB4] =	sst s0;
	s0 =	simm.s32 @!p1 $0x0  }
0x14: {  	s2 =	sld [smem:$0x3F98];
	s0 =	simm.s32 @p1 $0x1  }
0x15: {  	[smem:$0x3FB5] =	sst s0;
	s0 =	simm.s32 @!p2 $0x0  }
0x16: {  	s3 =	sld [smem:$0x3FDB];
	s0 =	simm.s32 @p2 $0x1  }
0x17: {  	s4 =	simm.s32 $0x1BF5;
	[smem:$0x3FB7] =	sst s0  }
0x18: {  	s0 =	sld [smem:$0x3F9A];
	_ =	swait.ge [sflag:s4], $0x0  }
0x19: {  	s7 =	sld [smem:$0x3F9B]  }
0x1a: {  	s8 =	sadd.s32 $0xFFFFE003, lr  }
0x1b: {  	s9 =	sadd.s32 $0xFFFFFEF7, lr;
	s5 =	simm.s32 $0xFFFFFFFF;
	p2 =	slt.u32 s8, $0xFFFFF086  }
0x1c: {  	p1 =	slt.u32 s9, $0xF7A;
	s5 =	simm.s32 @!p2 $0x0  }
0x1d: {  	s5 =	simm.s32 @p1 $0x1;
	p0 =	seq.s32 s7, s2  }
0x1e: {  	s7 =	smul.u32 @!p0 $0xF7A, s2;
	p2 =	seq.s32 @!p0 s5, $0x0  }
0x1f: {  	s9 =	smul.u32 $0xF7A, s1;
	s8 =	simm.s32 @!p0 $0x1BF5;
	p2 =	por !p2, p0  }
0x20: {  	[sflag:s8] =	ssyncset.s32 @!p0 $0xFFFFF086;
	s6 =	sadd.s32 @!p0 s3, s7;
	s7 =	simm.s32 @!p0 $0x108  }
0x21: {  	s3 =	sadd.s32 s3, s9;
	s6 =	sadd.s32 @!p0 $0x88, s6;
	s7 =	simm.s32 @p2 $0x1082  }
0x22: {  	[simem:s7], [sflag:s8] =	dma.local @!p0 [hbm:s6], $0xF7A  }
0x23: {  	s9 =	sor.u32 $0xD0000000, s2;
	s6 =	simm.s32 $0x108;
	_ =	swait.ge @!p0 [sflag:s8], $0x0  }
0x24: {  	s3 =	sadd.s32 $0x88, s3;
	s6 =	simm.s32 @!p1 $0x1082;
	[sflag:s4] =	ssyncset.s32 $0xFFFFF086  }
0x25: {  	[simem:s6], [sflag:s4] =	dma.local [hbm:s3], $0xF7A  }
0x26: {  	[smem:$0x3F9B] =	sst s1;
	(tag) =	ssettag s2;
	_ =	strace s9  }
0x27: {  	s1 =	sld [smem:$0x3FAB]  }
0x28: {  	s2 =	sld [smem:$0x3FAC]  }
0x29: {  	s4 =	sld [smem:$0x3FAE]  }
0x2a: {  	p0 =	seq.s32 s5, $0x0;
	s5 =	sld [smem:$0x3FAF]  }
0x2b: {  	s6 =	sld [smem:$0x3FB0]  }
0x2c: {  	s7 =	sld [smem:$0x3FB1]  }
0x2d: {  	s3 =	simm.s32 $0x108;
	s8 =	sld [smem:$0x3FB2]  }
0x2e: {  	s3 =	simm.s32 @!p0 $0x1082;
	s9 =	sld [smem:$0x3FB3]  }
0x2f: {  	lr =	sadd.s32 s0, s3;
	s0 =	sld [smem:$0x3FAA]  }
0x30: {  	s3 =	sld [smem:$0x3FAD]  }
0x31: {  	[smem:$0x3FB6] =	sst s10  }
0x32: {  	s10 =	sld [smem:$0x3FB4];
	_ =	sdelay $0x3  }
0x33: {  	p0 =	seq.s32 s10, $0x1;
	s10 =	sld [smem:$0x3FB6];
	_ =	sdelay $0x3  }
0x34: {  	[smem:$0x3FB6] =	sst s10  }
0x35: {  	s10 =	sld [smem:$0x3FB5];
	_ =	sdelay $0x3  }
0x36: {  	p1 =	seq.s32 s10, $0x1;
	s10 =	sld [smem:$0x3FB6];
	_ =	sdelay $0x3  }
0x37: {  	[smem:$0x3FB6] =	sst s10  }
0x38: {  	s10 =	sld [smem:$0x3FB7]  }
0x39: {  	_ = 	snop;
	(pc) =	sbr.ind lr, $3  }
0x3a: {  	_ = 	snop  }
0x3b: {  	_ = 	snop  }
0x3c: {  	p2 =	seq.s32 s10, $0x1;
	s10 =	sld [smem:$0x3FB6]  }
0x3d: {  	_ =	shalt  }
0x3e: {  	_ =	shalt  }
0x3f: {  	_ =	shalt  }
0x40: {  	_ =	shalt  }
0x41: {  	_ =	shalt  }
0x42: {  	_ =	shalt  }
0x43: {  	_ =	shalt  }
0x44: {  	_ =	shalt  }
0x45: {  	_ =	shalt  }
0x46: {  	_ =	shalt  }
0x47: {  	_ =	shalt  }
0x48: {  	_ =	shalt  }
0x49: {  	_ =	shalt  }
0x4a: {  	_ =	shalt  }
0x4b: {  	_ =	shalt  }
0x4c: {  	_ =	shalt  }
0x4d: {  	_ =	shalt  }
0x4e: {  	_ =	shalt  }
0x4f: {  	_ =	shalt  }
0x50: {  	_ =	shalt  }
0x51: {  	_ =	shalt  }
0x52: {  	_ =	shalt  }
0x53: {  	_ =	shalt  }
0x54: {  	_ =	shalt  }
0x55: {  	_ =	shalt  }
0x56: {  	_ =	shalt  }
0x57: {  	_ =	shalt  }
0x58: {  	_ =	shalt  }
0x59: {  	_ =	shalt  }
0x5a: {  	_ =	shalt  }
0x5b: {  	_ =	shalt  }
0x5c: {  	_ =	shalt  }
0x5d: {  	_ =	shalt  }
0x5e: {  	_ =	shalt  }
0x5f: {  	_ =	shalt  }
0x60: {  	_ =	shalt  }
0x61: {  	_ =	shalt  }
0x62: {  	_ =	shalt  }
0x63: {  	_ =	shalt  }
0x64: {  	_ =	shalt  }
0x65: {  	_ =	shalt  }
0x66: {  	_ =	shalt  }
0x67: {  	_ =	shalt  }
0x68: {  	_ =	shalt  }
0x69: {  	_ =	shalt  }
0x6a: {  	_ =	shalt  }
0x6b: {  	_ =	shalt  }
0x6c: {  	_ =	shalt  }
0x6d: {  	_ =	shalt  }
0x6e: {  	_ =	shalt  }
0x6f: {  	_ =	shalt  }
0x70: {  	_ =	shalt  }
0x71: {  	_ =	shalt  }
0x72: {  	_ =	shalt  }
0x73: {  	_ =	shalt  }
0x74: {  	_ =	shalt  }
0x75: {  	_ =	shalt  }
0x76: {  	_ =	shalt  }
0x77: {  	_ =	shalt  }
0x78: {  	_ =	shalt  }
0x79: {  	_ =	shalt  }
0x7a: {  	_ =	shalt  }
0x7b: {  	_ =	shalt  }
0x7c: {  	_ =	shalt  }
0x7d: {  	_ =	shalt  }
0x7e: {  	_ =	shalt  }
0x7f: {  	_ =	shalt  }
0x80: {  	_ =	shalt  }
0x81: {  	_ =	shalt  }
0x82: {  	_ =	shalt  }
0x83: {  	_ =	shalt  }
0x84: {  	_ =	shalt  }
0x85: {  	_ =	shalt  }
0x86: {  	_ =	shalt  }
0x87: {  	_ =	shalt  }
.Lfunc_end0:
.L_simem_size_0:
called_computation.1_lowered:
.L_overlay_start_0:
0x88: {  	s2 =	sld [smem:$0x3FD9]  }
0x89: {  	s3 =	sld [smem:$0x3FFE];
	_ =	sdelay $0x1  }
0x8a: {  	s1 =	srdreg.scid  }
0x8b: {  	s0 =	sand.u32 $0x1, s1  }
0x8c: {  	s17 =	sshll.u32 s0, $0xA;
	s2 =	sadd.s32 s3, s2  }
0x8d: {  	s2 =	sadd.s32 s2, s17  }
0x8e: {  	[smem:$0x3FC2] =	sst s2  }
0x8f: {  	_ = 	snop  }
0x90: {  	s2 =	sld [smem:$0x3FD0];
	(tm) =	ssettm $0x1  }
0x91: {  	s18 =	sld [smem:$0x3FFB];
	_ =	sdelay $0x3  }
0x92: {  	_ =	strace s18  }
0x93: {  	s3 =	sld [smem:$0x3FFC];
	_ =	sdelay $0x3  }
0x94: {  	_ =	strace s3  }
0x95: {  	s3 =	sld [smem:$0x3FFD];
	_ =	sdelay $0x3  }
0x96: {  	_ =	strace s3  }
0x97: {  	_ =	strace $0x8FFFFFFF  }
0x98: {  	s19 =	sld [smem:$0x3FDB];
	_ =	sdelay $0x1  }
0x99: {  	s4 =	simm.s32 $_scs_section_size  }
0x9a: {  	s5 =	simm.s32 $_size__tile_overlayer_lowered;
	s6 =	simm.s32 $_tile_overlayer_lowered  }
0x9b: {  	s22 =	simm.s32 $0x1BFF;
	s21 =	sshll.u32 s6, $0x1;
	s3 =	sadd.s32 s4, s19  }
0x9c: {  	s7 =	simm.s32 $0x0;
	s20 =	sshll.u32 s5, $0x1;
	s5 =	sadd.s32 s21, s3  }
0x9d: {  	[timem:s7], [sflag:s22] =	dma.local [hbm:s5], s20  }
0x9e: {  	_ =	swait.ge [sflag:s22], s20  }
0x9f: {  	s4 =	ssub.s32 $0x0, s20;
	[sflag:s22] =	ssyncset.done $0x0  }
0xa0: {  	[sflag:s22] =	ssyncadd.s32 s4;
	_ =	sdelay $0x1  }
0xa1: {  	s23 =	simm.s32 $0x1B8B  }
0xa2: {  	_ =	swait.ge [sflag:s23], $0x1  }
0xa3: {  	[sflag:s23] =	ssyncset.done $0x0  }
0xa4: {  	s25 =	simm.s32 $0x1B8E;
	s24 =	sld [smem:$0x3FFE];
	[sflag:s23] =	ssyncadd.s32 $0xFFFFFFFF  }
0xa5: {  	s26 =	simm.s32 $execute0_lowered;
	[smem:$0x3FD2] =	sst s25  }
0xa6: {  	s5 =	sshll.u32 s26, $0x1;
	_ =	strace $0x80000049;
	[dreg:$0x1] =	wrdreg $0xFFFFFFFF  }
0xa7: {  	s28 =	simm.s32 $_size_execute0_lowered;
	s3 =	sadd.s32 s3, s5;
	[dreg:$0x0] =	wrdreg $0x0  }
0xa8: {  	s5 =	sshll.u32 s28, $0x1;
	[dreg:$0x2] =	wrdreg s3  }
0xa9: {  	[dreg:$0x3] =	wrdreg s5  }
0xaa: {  	[dreg:$0x4] =	wrdreg $0xC0  }
0xab: {  	_ =	task [dreg:s7], $0x5FFFF  }
0xac: {  	[dreg:$0x1] =	wrdreg $0xFFFFFFFF  }
0xad: {  	[dreg:$0x0] =	wrdreg $0x60  }
0xae: {  	[dreg:$0x2] =	wrdreg s24  }
0xaf: {  	[dreg:$0x3] =	wrdreg s2  }
0xb0: {  	[dreg:$0x4] =	wrdreg $0xB6000  }
0xb1: {  	[dreg:$0x5] =	wrdreg $0x9  }
0xb2: {  	_ =	task.clear_ibuf [dreg:s7], $0x6FFFF;
	_ =	strace $0x90000049  }
0xb3: {  	s29 =	simm.s32 $0x9;
	_ =	strace $0x8000004B  }
0xb4: {  	_ =	swait.ge [sflag:s29], $0x1  }
0xb5: {  	[sflag:s29] =	ssyncadd.s32 $0xFFFFFFFF  }
0xb6: {  	_ =	strace $0x9000004B  }
0xb7: {  	_ =	sfence  }
0xb8: {  	s30 =	sld [smem:$0x0];
	_ =	sdelay $0x2  }
0xb9: {  	s31 =	sshll.u32 s1, $0xD;
	s1 =	sshrl.u32 s1, $0x2  }
0xba: {  	s3 =	sand.u32 $0x4000, s31;
	s1 =	sadd.s32 s1, s30  }
0xbb: {  	s0 =	sor.u32 s3, s0;
	s1 =	sshll.u32 s1, $0x11  }
0xbc: {  	s0 =	sor.u32 s1, s0  }
0xbd: {  	s0 =	sadd.s32 $0x8F2B, s0  }
0xbe: {  	[sflag:s0] =	ssyncadd.remote.s32 $0x1  }
0xbf: {  	_ =	sfence.sel $0xFFFF  }
0xc0: {  	[dreg:$0x0] =	wrdreg $0xFFFFFFFF;
	(pc) =	sbr.abs _section_cstart, $3  }
0xc1: {  	[dreg:$0x1] =	wrdreg $0xFFFFFFFF  }
0xc2: {  	_ =	task.clear_ibuf [dreg:s7], $0x2FFFF;
	_ =	strace $0x9FFFFFFF  }
0xc3: {  	(tm) =	ssettm $0x7FFFFFFF  }
tec
execute0_lowered:
.L_overlay_start_1:
0x0: {  	(tag) =	ssettag $0x1  }
0x1: {  	s0 =	srdreg.scid  }
0x2: {  	s1 =	rddreg [dreg:$0x0];
	s17 =	stileid.u32  }
0x3: {  	s4 =	simm.s32 $0x0;
	s31 =	simm.s32 $0x7600;
	s28 =	simm.s32 $0x2  }
0x4: {  	s29 =	simm.s32 $0x0;
	s2 =	sand.u32 $0x1, s0;
	s3 =	smul.u32 $0x14000, s17  }
0x5: {  	[smem:$0x7FF] =	sst s4;
	s11 =	sadd.s32 $0x9EA00, s1;
	s0 =	ssub.s32 $0x2, s2  }
0x6: {  	s12 =	smul.u32 $0x140000, s2;
	p0 =	sne.s32 s2, $0x0;
	s8 =	sshrl.u32 s0, $0x1  }
0x7: {  	s14 =	sor.u32 $0x2000, s3;
	s18 =	sadd.s32 $0x4000, s3;
	s19 =	sadd.s32 $0x6000, s3  }
0x8: {  	s20 =	sadd.s32 $0x8000, s3;
	s21 =	sadd.s32 $0xA000, s3;
	s22 =	sadd.s32 $0xC000, s3  }
0x9: {  	s23 =	sadd.s32 $0xE000, s3;
	s24 =	sadd.s32 $0x10000, s3;
	s25 =	sadd.s32 $0x12000, s3  }
0xa: {  	s0 =	ssub.s32 s0, s8;
	s9 =	sadd.s32 s3, s12;
	s5 =	sadd.s32 s12, s14  }
0xb: {  	s6 =	sadd.s32 s12, s18;
	s15 =	sadd.s32 s12, s19;
	s16 =	sadd.s32 s12, s20  }
0xc: {  	s7 =	sadd.s32 s12, s21;
	s8 =	sadd.s32 s12, s22;
	s4 =	sshrl.u32 s9, $0x3  }
0xd: {  	s5 =	sshrl.u32 s5, $0x3;
	s6 =	sshrl.u32 s6, $0x3;
	s7 =	sshrl.u32 s7, $0x3  }
0xe: {  	s9 =	sadd.s32 s12, s23;
	s8 =	sshrl.u32 s8, $0x3;
	s30 =	smax.u32 s0, $0x1  }
0xf: {  	s0 =	simm.s32 $0x9600;
	s4 =	sadd.s32 s11, s4;
	s10 =	sadd.s32 s11, s5  }
0x10: {  	s13 =	sadd.s32 s11, s6;
	s5 =	sshrl.u32 s15, $0x3;
	s15 =	rddreg [dreg:$0x1]  }
0x11: {  	s6 =	sshrl.u32 s16, $0x3;
	s7 =	sadd.s32 s11, s7;
	[dreg:$0x4] =	wrdreg s4  }
0x12: {  	s9 =	sshrl.u32 s9, $0x3;
	s16 =	smul.u32 $0x760, s17;
	[dreg:$0x5] =	wrdreg s10  }
0x13: {  	s8 =	sadd.s32 s11, s8;
	s17 =	smul.u32 $0x270, s17;
	[dreg:$0x6] =	wrdreg s13  }
0x14: {  	s5 =	sadd.s32 s11, s5;
	s6 =	sadd.s32 s11, s6;
	s10 =	sadd.s32 s12, s24  }
0x15: {  	s9 =	sadd.s32 s11, s9;
	s12 =	sadd.s32 s12, s25;
	s10 =	sshrl.u32 s10, $0x3  }
0x16: {  	s13 =	sshrl.u32 s12, $0x3;
	s12 =	rddreg [dreg:$0x2];
	_ =	strace $0x8000004A  }
0x17: {  	s2 =	sadd.s32 s16, s1;
	s26 =	sadd.s32 s15, s17;
	s4 =	sadd.s32 s17, s1  }
0x18: {  	s15 =	sadd.s32 $0x77800, s1;
	s10 =	sadd.s32 s11, s10;
	s13 =	sadd.s32 s11, s13  }
0x19: {  	[dreg:$0x7] =	wrdreg s26;
	s16 =	sadd.s32 s3, s12;
	s17 =	sadd.s32 s14, s12  }
0x1a: {  	s18 =	sadd.s32 s18, s12;
	s19 =	sadd.s32 s19, s12;
	s20 =	sadd.s32 s20, s12  }
.Ltmp0:
0x1b: {  	s21 =	sadd.s32 s21, s12;
	s11 =	sadd.s32 $0x16400, s4;
	(pc) =	sbr.rel .LBB2_1-.Ltmp0, $4  }
0x1c: {  	s22 =	sadd.s32 s22, s12;
	s14 =	sadd.s32 $0x20200, s2;
	[dreg:$0x8] =	wrdreg s11  }
0x1d: {  	s23 =	sadd.s32 s23, s12;
	s26 =	sadd.s32 $0x18C00, s2;
	[dreg:$0x9] =	wrdreg s14  }
0x1e: {  	s24 =	sadd.s32 s24, s12;
	s25 =	sadd.s32 s25, s12;
	[dreg:$0xa] =	wrdreg s26  }
0x1f: {  	v0 =	vimm.f32 $0.0e+00;
	s11 =	simm.s32 $0x3;
	s14 =	simm.s32 $0x40;
	s26 =	simm.s32 $0x1  }
.LBB2_6:
0x20: {  	[tilespmem:s0], [sflag:$0x2] =	stream.indirect.gather [hbm4b:s15+s14], $0x80, s2, s14, $0xb8;
	[tilespmem:$0x1F600] =	vst v63  }
0x21: {  	s1 =	simm.s32 $0x75C0;
	s2 =	simm.s32 $0x7580  }
.LBB2_10:
0x22: {  	_ =	swait.ge [sflag:s26], $0x2000  }
0x23: {  	[sflag:s26] =	ssyncset.done $0x0  }
0x24: {  	[sflag:s26] =	ssyncadd.s32 $0xFFFFE000  }
0x25: {  	[spmem:s12] =	stream.indirect.scatter.add.f32 [tilespmem:s31], [sflag:$0x3], $0x80, s2, s14, $0xb8;
	[tilespmem:$0x1F600] =	vst v63  }
0x26: {  	_ =	swait.ge [sflag:s11], $0x2000  }
0x27: {  	[sflag:s11] =	ssyncset.done $0x0  }
0x28: {  	[sflag:s11] =	ssyncadd.s32 $0xFFFFE000  }
0x29: {  	_ =	swait.ge [sflag:s28], $0x2000  }
0x2a: {  	[sflag:s28] =	ssyncset.done $0x0  }
0x2b: {  	[sflag:s28] =	ssyncadd.s32 $0xFFFFE000  }
0x2c: {  	[spmem:s12] =	stream.indirect.scatter.add.f32 [tilespmem:s0], [sflag:$0x3], $0x80, s1, s14, $0xb8;
	[tilespmem:$0x1F600] =	vst v63  }
0x2d: {  	_ =	swait.ge [sflag:s11], $0x2000  }
0x2e: {  	[sflag:s11] =	ssyncset.done $0x0  }
0x2f: {  	s3 =	stileid.u32;
	[sflag:s11] =	ssyncadd.s32 $0xFFFFE000  }
0x30: {  	s1 =	sshll.u32 s3, $0x6;
	[bflag:$0x0] =	sbarrier.arrive $0xFFFF  }
0x31: {  	s4 =	sshrl.u32 s16, $0x3;
	s1 =	sor.u32 $0x1C03, s1;
	s3 =	rddreg [dreg:$0x4]  }
0x32: {  	[hbm:s3], [sflag:s1] =	dma.local [spmem:s4], $0x400  }
0x33: {  	_ =	swait.ge [sflag:s11], $0x400  }
0x34: {  	[sflag:s11] =	ssyncset.done $0x0  }
0x35: {  	s3 =	sshrl.u32 s17, $0x3;
	s4 =	rddreg [dreg:$0x5];
	[sflag:s11] =	ssyncadd.s32 $0xFFFFFC00  }
0x36: {  	[hbm:s4], [sflag:s1] =	dma.local [spmem:s3], $0x400  }
0x37: {  	_ =	swait.ge [sflag:s11], $0x400  }
0x38: {  	[sflag:s11] =	ssyncset.done $0x0  }
0x39: {  	s3 =	sshrl.u32 s18, $0x3;
	s4 =	rddreg [dreg:$0x6];
	[sflag:s11] =	ssyncadd.s32 $0xFFFFFC00  }
0x3a: {  	[hbm:s4], [sflag:s1] =	dma.local [spmem:s3], $0x400  }
0x3b: {  	_ =	swait.ge [sflag:s11], $0x400  }
0x3c: {  	[sflag:s11] =	ssyncset.done $0x0  }
0x3d: {  	s4 =	sshrl.u32 s19, $0x3;
	[sflag:s11] =	ssyncadd.s32 $0xFFFFFC00  }
0x3e: {  	[hbm:s5], [sflag:s1] =	dma.local [spmem:s4], $0x400  }
0x3f: {  	_ =	swait.ge [sflag:s11], $0x400  }
0x40: {  	[sflag:s11] =	ssyncset.done $0x0  }
0x41: {  	s3 =	sshrl.u32 s20, $0x3;
	[sflag:s11] =	ssyncadd.s32 $0xFFFFFC00  }
0x42: {  	[hbm:s6], [sflag:s1] =	dma.local [spmem:s3], $0x400  }
0x43: {  	_ =	swait.ge [sflag:s11], $0x400  }
0x44: {  	[sflag:s11] =	ssyncset.done $0x0  }
0x45: {  	s4 =	sshrl.u32 s21, $0x3;
	[sflag:s11] =	ssyncadd.s32 $0xFFFFFC00  }
0x46: {  	[hbm:s7], [sflag:s1] =	dma.local [spmem:s4], $0x400  }
0x47: {  	_ =	swait.ge [sflag:s11], $0x400  }
0x48: {  	[sflag:s11] =	ssyncset.done $0x0  }
0x49: {  	s3 =	sshrl.u32 s22, $0x3;
	[sflag:s11] =	ssyncadd.s32 $0xFFFFFC00  }
0x4a: {  	[hbm:s8], [sflag:s1] =	dma.local [spmem:s3], $0x400  }
0x4b: {  	_ =	swait.ge [sflag:s11], $0x400  }
0x4c: {  	[sflag:s11] =	ssyncset.done $0x0  }
0x4d: {  	s4 =	sshrl.u32 s23, $0x3;
	[sflag:s11] =	ssyncadd.s32 $0xFFFFFC00  }
0x4e: {  	[hbm:s9], [sflag:s1] =	dma.local [spmem:s4], $0x400  }
0x4f: {  	_ =	swait.ge [sflag:s11], $0x400  }
0x50: {  	[sflag:s11] =	ssyncset.done $0x0  }
0x51: {  	s3 =	sshrl.u32 s24, $0x3;
	[sflag:s11] =	ssyncadd.s32 $0xFFFFFC00  }
0x52: {  	[hbm:s10], [sflag:s1] =	dma.local [spmem:s3], $0x400  }
0x53: {  	s29 =	sadd.s32 $0x1, s29;
	_ =	swait.ge [sflag:s11], $0x400  }
0x54: {  	p1 =	sne.s32 s29, s30;
	[sflag:s11] =	ssyncset.done $0x0  }
.Ltmp1:
0x55: {  	s4 =	sshrl.u32 s25, $0x3;
	[sflag:s11] =	ssyncadd.s32 $0xFFFFFC00;
	(pc) =	sbr.rel @!p1 .LBB2_11-.Ltmp1, $4  }
0x56: {  	[hbm:s13], [sflag:s1] =	dma.local [spmem:s4], $0x400  }
0x57: {  	_ =	swait.ge [sflag:s11], $0x400  }
0x58: {  	[sflag:s11] =	ssyncset.done $0x0  }
0x59: {  	[sflag:s11] =	ssyncadd.s32 $0xFFFFFC00  }
.LBB2_1:
0x5a: {  	s2 =	simm.s32 $0x0  }
0x5b: {  	s1 =	sand.u32 $0x7E00, s2  }
0x5c: {  	s2 =	sand.u32 $0x70, s2;
	s3 =	sshrl.u32 s1, $0x2  }
0x5d: {  	s1 =	simm.s32 $0x40;
	s3 =	sor.u32 s2, s3;
	s2 =	simm.s32 $0x0  }
.LBB2_2:
0x5e: {  	p1 =	sne.s32 s1, $0x7FC0  }
0x5f: {  	[tilespmem:s3+$0x7600] =	vst v0;
	s2 =	sadd.s32 $0x10, s2;
	s3 =	smov.u32 s1;
	s1 =	sadd.s32 $0x40, s1  }
.Ltmp2:
0x60: {  	(pc) =	sbr.rel @p1 .LBB2_2-.Ltmp2, $4  }
0x61: {  	_ = 	snop  }
0x62: {  	s3 =	sand.u32 $0x7E00, s3  }
0x63: {  	s4 =	sand.u32 $0x70, s2;
	s3 =	sshrl.u32 s3, $0x2  }
0x64: {  	s3 =	sor.u32 s4, s3  }
0x65: {  	[tilespmem:s3+$0x7600] =	vst v0  }
0x66: {  	[spmem:s16] =	stream.linear.scatter [tilespmem:s31], [sflag:$0x3], $0x2000, $0x38;
	[tilespmem:$0x1F600] =	vst v63  }
0x67: {  	_ =	swait.ge [sflag:s11], $0x2000  }
0x68: {  	[sflag:s11] =	ssyncset.done $0x0  }
0x69: {  	[sflag:s11] =	ssyncadd.s32 $0xFFFFE000  }
0x6a: {  	[spmem:s17] =	stream.linear.scatter [tilespmem:s31], [sflag:$0x3], $0x2000, $0x38;
	[tilespmem:$0x1F600] =	vst v63  }
0x6b: {  	_ =	swait.ge [sflag:s11], $0x2000  }
0x6c: {  	[sflag:s11] =	ssyncset.done $0x0  }
0x6d: {  	[sflag:s11] =	ssyncadd.s32 $0xFFFFE000  }
0x6e: {  	[spmem:s18] =	stream.linear.scatter [tilespmem:s31], [sflag:$0x3], $0x2000, $0x38;
	[tilespmem:$0x1F600] =	vst v63  }
0x6f: {  	_ =	swait.ge [sflag:s11], $0x2000  }
0x70: {  	[sflag:s11] =	ssyncset.done $0x0  }
0x71: {  	[sflag:s11] =	ssyncadd.s32 $0xFFFFE000  }
0x72: {  	[spmem:s19] =	stream.linear.scatter [tilespmem:s31], [sflag:$0x3], $0x2000, $0x38;
	[tilespmem:$0x1F600] =	vst v63  }
0x73: {  	_ =	swait.ge [sflag:s11], $0x2000  }
0x74: {  	[sflag:s11] =	ssyncset.done $0x0  }
0x75: {  	[sflag:s11] =	ssyncadd.s32 $0xFFFFE000  }
0x76: {  	[spmem:s20] =	stream.linear.scatter [tilespmem:s31], [sflag:$0x3], $0x2000, $0x38;
	[tilespmem:$0x1F600] =	vst v63  }
0x77: {  	_ =	swait.ge [sflag:s11], $0x2000  }
0x78: {  	[sflag:s11] =	ssyncset.done $0x0  }
0x79: {  	[sflag:s11] =	ssyncadd.s32 $0xFFFFE000  }
0x7a: {  	[spmem:s21] =	stream.linear.scatter [tilespmem:s31], [sflag:$0x3], $0x2000, $0x38;
	[tilespmem:$0x1F600] =	vst v63  }
0x7b: {  	_ =	swait.ge [sflag:s11], $0x2000  }
0x7c: {  	[sflag:s11] =	ssyncset.done $0x0  }
0x7d: {  	[sflag:s11] =	ssyncadd.s32 $0xFFFFE000  }
0x7e: {  	[spmem:s22] =	stream.linear.scatter [tilespmem:s31], [sflag:$0x3], $0x2000, $0x38;
	[tilespmem:$0x1F600] =	vst v63  }
0x7f: {  	_ =	swait.ge [sflag:s11], $0x2000  }
0x80: {  	[sflag:s11] =	ssyncset.done $0x0  }
0x81: {  	[sflag:s11] =	ssyncadd.s32 $0xFFFFE000  }
0x82: {  	[spmem:s23] =	stream.linear.scatter [tilespmem:s31], [sflag:$0x3], $0x2000, $0x38;
	[tilespmem:$0x1F600] =	vst v63  }
0x83: {  	_ =	swait.ge [sflag:s11], $0x2000  }
0x84: {  	[sflag:s11] =	ssyncset.done $0x0  }
0x85: {  	[sflag:s11] =	ssyncadd.s32 $0xFFFFE000  }
0x86: {  	[spmem:s24] =	stream.linear.scatter [tilespmem:s31], [sflag:$0x3], $0x2000, $0x38;
	[tilespmem:$0x1F600] =	vst v63  }
0x87: {  	_ =	swait.ge [sflag:s11], $0x2000  }
0x88: {  	[sflag:s11] =	ssyncset.done $0x0  }
0x89: {  	[sflag:s11] =	ssyncadd.s32 $0xFFFFE000  }
0x8a: {  	[spmem:s25] =	stream.linear.scatter [tilespmem:s31], [sflag:$0x3], $0x2000, $0x38;
	[tilespmem:$0x1F600] =	vst v63  }
.Ltmp3:
0x8b: {  	_ =	swait.ge [sflag:s11], $0x2000;
	(pc) =	sbr.rel @p0 .LBB2_7-.Ltmp3, $4  }
0x8c: {  	[sflag:s11] =	ssyncset.done $0x0  }
0x8d: {  	[sflag:s11] =	ssyncadd.s32 $0xFFFFE000  }
0x8e: {  	[bflag:$0x0] =	sbarrier.arrive $0xFFFF  }
0x8f: {  	s1 =	simm.s32 $0x0  }
0x90: {  	s2 =	rddreg [dreg:$0x9]  }
0x91: {  	[tilespmem:s1], [sflag:$0x3] =	stream.linear.gather [hbm4b:s2+s1], $0x3B00, $0x38;
	[tilespmem:$0x1F600] =	vst v63  }
0x92: {  	_ =	swait.ge [sflag:s11], $0x3B00  }
0x93: {  	[sflag:s11] =	ssyncset.done $0x0  }
0x94: {  	s3 =	simm.s32 $0x3B00;
	s4 =	rddreg [dreg:$0xa];
	[sflag:s11] =	ssyncadd.s32 $0xFFFFC500  }
0x95: {  	[tilespmem:s3], [sflag:$0x3] =	stream.linear.gather [hbm4b:s4+s1], $0x3B00, $0x38;
	[tilespmem:$0x1F600] =	vst v63  }
0x96: {  	_ =	swait.ge [sflag:s11], $0x3B00  }
0x97: {  	[sflag:s11] =	ssyncset.done $0x0  }
0x98: {  	[sflag:s11] =	ssyncadd.s32 $0xFFFFC500  }
0x99: {  	[tilespmem:s31], [sflag:$0x1] =	stream.indirect.gather [hbm4b:s15+s14], $0x80, s1, s14, $0xb8;
	[tilespmem:$0x1F600] =	vst v63  }
0x9a: {  	_ = 	snop  }
0x9b: {  	[tilespmem:s0], [sflag:$0x2] =	stream.indirect.gather [hbm4b:s15+s14], $0x80, s14, s14, $0xb8;
	[tilespmem:$0x1F600] =	vst v63  }
0x9c: {  	_ =	swait.ge [sflag:s26], $0x2000  }
0x9d: {  	[sflag:s26] =	ssyncset.done $0x0  }
0x9e: {  	s2 =	simm.s32 $0x3B00;
	[sflag:s26] =	ssyncadd.s32 $0xFFFFE000  }
0x9f: {  	[spmem:s12] =	stream.indirect.scatter.add.f32 [tilespmem:s31], [sflag:$0x3], $0x80, s2, s14, $0xb8;
	[tilespmem:$0x1F600] =	vst v63  }
0xa0: {  	_ =	swait.ge [sflag:s11], $0x2000  }
0xa1: {  	[sflag:s11] =	ssyncset.done $0x0  }
0xa2: {  	s3 =	simm.s32 $0x80;
	[sflag:s11] =	ssyncadd.s32 $0xFFFFE000  }
0xa3: {  	[tilespmem:s31], [sflag:$0x1] =	stream.indirect.gather [hbm4b:s15+s14], $0x80, s3, s14, $0xb8;
	[tilespmem:$0x1F600] =	vst v63  }
0xa4: {  	_ =	swait.ge [sflag:s28], $0x2000  }
0xa5: {  	p1 =	por $0x0, $0x0;
	[sflag:s28] =	ssyncset.done $0x0  }
.Ltmp4:
0xa6: {  	s4 =	simm.s32 $0x3B40;
	[sflag:s28] =	ssyncadd.s32 $0xFFFFE000;
	(pc) =	sbr.rel @p1 .LBB2_6-.Ltmp4, $4  }
0xa7: {  	[spmem:s12] =	stream.indirect.scatter.add.f32 [tilespmem:s0], [sflag:$0x3], $0x80, s4, s14, $0xb8;
	[tilespmem:$0x1F600] =	vst v63  }
0xa8: {  	_ =	swait.ge [sflag:s11], $0x2000  }
0xa9: {  	[sflag:s11] =	ssyncset.done $0x0  }
0xaa: {  	s1 =	simm.s32 $0x200;
	s2 =	simm.s32 $0xC0;
	[sflag:s11] =	ssyncadd.s32 $0xFFFFE000  }
.LBB2_5:
0xab: {  	[tilespmem:s0], [sflag:$0x2] =	stream.indirect.gather [hbm4b:s15+s14], $0x80, s2, s14, $0xb8;
	[tilespmem:$0x1F600] =	vst v63  }
0xac: {  	s2 =	smov.u32 s1  }
0xad: {  	p1 =	seq.s32 s1, $0xE800;
	s1 =	sadd.s32 $0x200, s1;
	_ =	swait.ge [sflag:s26], $0x2000  }
0xae: {  	s2 =	sshra.s32 s2, $0x2;
	[sflag:s26] =	ssyncset.done $0x0  }
0xaf: {  	s3 =	sadd.s32 $0x3B00, s2;
	[sflag:s26] =	ssyncadd.s32 $0xFFFFE000  }
0xb0: {  	[spmem:s12] =	stream.indirect.scatter.add.f32 [tilespmem:s31], [sflag:$0x3], $0x80, s3, s14, $0xb8;
	[tilespmem:$0x1F600] =	vst v63  }
0xb1: {  	_ =	swait.ge [sflag:s11], $0x2000  }
0xb2: {  	[sflag:s11] =	ssyncset.done $0x0  }
0xb3: {  	s3 =	sadd.s32 $0x80, s2;
	[sflag:s11] =	ssyncadd.s32 $0xFFFFE000  }
0xb4: {  	[tilespmem:s31], [sflag:$0x1] =	stream.indirect.gather [hbm4b:s15+s14], $0x80, s3, s14, $0xb8;
	[tilespmem:$0x1F600] =	vst v63  }
0xb5: {  	_ =	swait.ge [sflag:s28], $0x2000  }
0xb6: {  	[sflag:s28] =	ssyncset.done $0x0  }
.Ltmp5:
0xb7: {  	s3 =	sadd.s32 $0x3B40, s2;
	[sflag:s28] =	ssyncadd.s32 $0xFFFFE000;
	(pc) =	sbr.rel @!p1 .LBB2_5-.Ltmp5, $4  }
0xb8: {  	[spmem:s12] =	stream.indirect.scatter.add.f32 [tilespmem:s0], [sflag:$0x3], $0x80, s3, s14, $0xb8;
	[tilespmem:$0x1F600] =	vst v63  }
0xb9: {  	_ =	swait.ge [sflag:s11], $0x2000  }
0xba: {  	[sflag:s11] =	ssyncset.done $0x0  }
0xbb: {  	s2 =	sadd.s32 $0xC0, s2;
	[sflag:s11] =	ssyncadd.s32 $0xFFFFE000  }
.Ltmp6:
0xbc: {  	_ = 	snop;
	(pc) =	sbr.rel .LBB2_6-.Ltmp6, $1  }
0xbd: {  	_ =	sdelay $0x3  }
.LBB2_7:
0xbe: {  	s2 =	rddreg [dreg:$0x7]  }
0xbf: {  	[tilespmem:s1], [sflag:$0x3] =	stream.linear.gather [hbm4b:s2+s1], $0x1380, $0x38;
	[tilespmem:$0x1F600] =	vst v63  }
0xc0: {  	_ =	swait.ge [sflag:s11], $0x1380  }
0xc1: {  	[sflag:s11] =	ssyncset.done $0x0  }
0xc2: {  	s3 =	simm.s32 $0x3B00;
	s4 =	rddreg [dreg:$0x8];
	[sflag:s11] =	ssyncadd.s32 $0xFFFFEC80  }
0xc3: {  	[tilespmem:s3], [sflag:$0x3] =	stream.linear.gather [hbm4b:s4+s1], $0x1380, $0x38;
	[tilespmem:$0x1F600] =	vst v63  }
0xc4: {  	_ =	swait.ge [sflag:s11], $0x1380  }
0xc5: {  	[sflag:s11] =	ssyncset.done $0x0  }
0xc6: {  	[sflag:s11] =	ssyncadd.s32 $0xFFFFEC80  }
0xc7: {  	[tilespmem:s31], [sflag:$0x1] =	stream.indirect.gather [hbm4b:s15+s14], $0x80, s1, s14, $0xb8;
	[tilespmem:$0x1F600] =	vst v63  }
0xc8: {  	_ = 	snop  }
0xc9: {  	[tilespmem:s0], [sflag:$0x2] =	stream.indirect.gather [hbm4b:s15+s14], $0x80, s14, s14, $0xb8;
	[tilespmem:$0x1F600] =	vst v63  }
0xca: {  	_ =	swait.ge [sflag:s26], $0x2000  }
0xcb: {  	[sflag:s26] =	ssyncset.done $0x0  }
0xcc: {  	s2 =	simm.s32 $0x3B00;
	[sflag:s26] =	ssyncadd.s32 $0xFFFFE000  }
0xcd: {  	[spmem:s12] =	stream.indirect.scatter.add.f32 [tilespmem:s31], [sflag:$0x3], $0x80, s2, s14, $0xb8;
	[tilespmem:$0x1F600] =	vst v63  }
0xce: {  	_ =	swait.ge [sflag:s11], $0x2000  }
0xcf: {  	[sflag:s11] =	ssyncset.done $0x0  }
0xd0: {  	s3 =	simm.s32 $0x80;
	[sflag:s11] =	ssyncadd.s32 $0xFFFFE000  }
0xd1: {  	[tilespmem:s31], [sflag:$0x1] =	stream.indirect.gather [hbm4b:s15+s14], $0x80, s3, s14, $0xb8;
	[tilespmem:$0x1F600] =	vst v63  }
0xd2: {  	_ =	swait.ge [sflag:s28], $0x2000  }
0xd3: {  	[sflag:s28] =	ssyncset.done $0x0  }
0xd4: {  	s4 =	simm.s32 $0x3B40;
	[sflag:s28] =	ssyncadd.s32 $0xFFFFE000  }
0xd5: {  	[spmem:s12] =	stream.indirect.scatter.add.f32 [tilespmem:s0], [sflag:$0x3], $0x80, s4, s14, $0xb8;
	[tilespmem:$0x1F600] =	vst v63  }
0xd6: {  	_ =	swait.ge [sflag:s11], $0x2000  }
0xd7: {  	[sflag:s11] =	ssyncset.done $0x0  }
0xd8: {  	s1 =	simm.s32 $0x200;
	s2 =	simm.s32 $0xC0;
	[sflag:s11] =	ssyncadd.s32 $0xFFFFE000  }
.LBB2_8:
0xd9: {  	[tilespmem:s0], [sflag:$0x2] =	stream.indirect.gather [hbm4b:s15+s14], $0x80, s2, s14, $0xb8;
	[tilespmem:$0x1F600] =	vst v63  }
0xda: {  	s2 =	smov.u32 s1  }
0xdb: {  	p1 =	sne.s32 s1, $0x4A00;
	s1 =	sadd.s32 $0x200, s1;
	_ =	swait.ge [sflag:s26], $0x2000  }
0xdc: {  	s2 =	sshra.s32 s2, $0x2;
	[sflag:s26] =	ssyncset.done $0x0  }
0xdd: {  	s3 =	sadd.s32 $0x3B00, s2;
	[sflag:s26] =	ssyncadd.s32 $0xFFFFE000  }
0xde: {  	[spmem:s12] =	stream.indirect.scatter.add.f32 [tilespmem:s31], [sflag:$0x3], $0x80, s3, s14, $0xb8;
	[tilespmem:$0x1F600] =	vst v63  }
0xdf: {  	_ =	swait.ge [sflag:s11], $0x2000  }
0xe0: {  	[sflag:s11] =	ssyncset.done $0x0  }
0xe1: {  	s3 =	sadd.s32 $0x80, s2;
	[sflag:s11] =	ssyncadd.s32 $0xFFFFE000  }
0xe2: {  	[tilespmem:s31], [sflag:$0x1] =	stream.indirect.gather [hbm4b:s15+s14], $0x80, s3, s14, $0xb8;
	[tilespmem:$0x1F600] =	vst v63  }
0xe3: {  	_ =	swait.ge [sflag:s28], $0x2000  }
0xe4: {  	[sflag:s28] =	ssyncset.done $0x0  }
.Ltmp7:
0xe5: {  	s3 =	sadd.s32 $0x3B40, s2;
	[sflag:s28] =	ssyncadd.s32 $0xFFFFE000;
	(pc) =	sbr.rel @p1 .LBB2_8-.Ltmp7, $4  }
0xe6: {  	[spmem:s12] =	stream.indirect.scatter.add.f32 [tilespmem:s0], [sflag:$0x3], $0x80, s3, s14, $0xb8;
	[tilespmem:$0x1F600] =	vst v63  }
0xe7: {  	_ =	swait.ge [sflag:s11], $0x2000  }
0xe8: {  	[sflag:s11] =	ssyncset.done $0x0  }
0xe9: {  	s2 =	sadd.s32 $0xC0, s2;
	[sflag:s11] =	ssyncadd.s32 $0xFFFFE000  }
.Ltmp8:
0xea: {  	(pc) =	sbr.rel .LBB2_10-.Ltmp8, $3  }
0xeb: {  	_ =	sdelay $0x1  }
0xec: {  	[tilespmem:s0], [sflag:$0x2] =	stream.indirect.gather [hbm4b:s15+s14], $0x80, s2, s14, $0xb8;
	[tilespmem:$0x1F600] =	vst v63  }
0xed: {  	s1 =	simm.s32 $0x4E40;
	s2 =	simm.s32 $0x4E00  }
.LBB2_11:
0xee: {  	_ =	sfence.sel $0x180000  }
0xef: {  	[bflag:$0x0] =	sbarrier.arrive $0xFFFF  }
0xf0: {  	_ =	strace $0x9000004A  }
0xf1: {  	s0 =	stileid.u32;
	[bflag:$0x2] =	sbarrier.arrive $0xFFFF  }
0xf2: {  	p0 =	sne.s32 s0, $0x0;
	s0 =	rddreg [dreg:$0x3]  }
0xf3: {  	s0 =	sadd.s32 @!p0 $0x100000, s0  }
0xf4: {  	[sflag:s0] =	ssyncadd.tile.s32 @!p0 $0x1;
	_ =	shalt  }
.Lfunc_end2:
_tile_overlayer_lowered:
.L_overlay_start_2:
0xf5: {  	(tag) =	ssettag $0x2  }
0xf6: {  	s0 =	rddreg [dreg:$0x0];
	s2 =	stileid.u32  }
0xf7: {  	s1 =	rddreg [dreg:$0x1];
	p0 =	sne.s32 s2, $0x0  }
0xf8: {  	s3 =	rddreg [dreg:$0x2];
	[bflag:$0x3] =	sbarrier.arrive $0xFFFF;
	s2 =	simm.s32 @!p0 $0x1C03  }
0xf9: {  	[timem:s3], [sflag:s2] =	dma.local @!p0 [hbm:s0], s1  }
0xfa: {  	s0 =	simm.s32 @!p0 $0x3  }
0xfb: {  	_ =	swait.ge @!p0 [sflag:s0], s1  }
0xfc: {  	s1 =	ssub.s32 @!p0 $0x0, s1;
	[sflag:s0] =	ssyncset.done @!p0 $0x0  }
0xfd: {  	[sflag:s0] =	ssyncadd.s32 @!p0 s1  }
0xfe: {  	[bflag:$0x3] =	sbarrier.arrive $0xFFFF  }
0xff: {  	_ =	shalt  }

// kernel: kernel.14.cloned.1.call-start
scs
__scs_entry_jumppad:
0x0: {  	(pc) =	sbr.rel $0x88, $3  }
0x1: {  	(tag) =	ssettag $0x0;
	lr =	simm.s32 $0x1  }
0x2: {  	[smem:$0x3F9B] =	sst lr;
	_ =	strace $0xD0000000  }
0x3: {  	_ = 	snop  }
0x4: {  	_ = 	snop  }
0x5: {  	_ = 	snop  }
0x6: {  	_ = 	snop  }
0x7: {  	_ = 	snop  }
__scs_overlays_trampoline_lowered:
0x8: {  	[smem:$0x3FAA] =	sst s0  }
0x9: {  	[smem:$0x3FAB] =	sst s1  }
0xa: {  	[smem:$0x3FAC] =	sst s2  }
0xb: {  	[smem:$0x3FAD] =	sst s3  }
0xc: {  	[smem:$0x3FAE] =	sst s4  }
0xd: {  	[smem:$0x3FAF] =	sst s5  }
0xe: {  	[smem:$0x3FB0] =	sst s6  }
0xf: {  	[smem:$0x3FB1] =	sst s7  }
0x10: {  	[smem:$0x3FB2] =	sst s8  }
0x11: {  	[smem:$0x3FB3] =	sst s9;
	s0 =	simm.s32 @!p0 $0x0  }
0x12: {  	s1 =	sld [smem:$0x3F99];
	s0 =	simm.s32 @p0 $0x1  }
0x13: {  	[smem:$0x3FB4] =	sst s0;
	s0 =	simm.s32 @!p1 $0x0  }
0x14: {  	s2 =	sld [smem:$0x3F98];
	s0 =	simm.s32 @p1 $0x1  }
0x15: {  	[smem:$0x3FB5] =	sst s0;
	s0 =	simm.s32 @!p2 $0x0  }
0x16: {  	s3 =	sld [smem:$0x3FDB];
	s0 =	simm.s32 @p2 $0x1  }
0x17: {  	s4 =	simm.s32 $0x1BF5;
	[smem:$0x3FB7] =	sst s0  }
0x18: {  	s0 =	sld [smem:$0x3F9A];
	_ =	swait.ge [sflag:s4], $0x0  }
0x19: {  	s7 =	sld [smem:$0x3F9B]  }
0x1a: {  	s8 =	sadd.s32 $0xFFFFE003, lr  }
0x1b: {  	s9 =	sadd.s32 $0xFFFFFEF7, lr;
	s5 =	simm.s32 $0xFFFFFFFF;
	p2 =	slt.u32 s8, $0xFFFFF086  }
0x1c: {  	p1 =	slt.u32 s9, $0xF7A;
	s5 =	simm.s32 @!p2 $0x0  }
0x1d: {  	s5 =	simm.s32 @p1 $0x1;
	p0 =	seq.s32 s7, s2  }
0x1e: {  	s7 =	smul.u32 @!p0 $0xF7A, s2;
	p2 =	seq.s32 @!p0 s5, $0x0  }
0x1f: {  	s9 =	smul.u32 $0xF7A, s1;
	s8 =	simm.s32 @!p0 $0x1BF5;
	p2 =	por !p2, p0  }
0x20: {  	[sflag:s8] =	ssyncset.s32 @!p0 $0xFFFFF086;
	s6 =	sadd.s32 @!p0 s3, s7;
	s7 =	simm.s32 @!p0 $0x108  }
0x21: {  	s3 =	sadd.s32 s3, s9;
	s6 =	sadd.s32 @!p0 $0x88, s6;
	s7 =	simm.s32 @p2 $0x1082  }
0x22: {  	[simem:s7], [sflag:s8] =	dma.local @!p0 [hbm:s6], $0xF7A  }
0x23: {  	s9 =	sor.u32 $0xD0000000, s2;
	s6 =	simm.s32 $0x108;
	_ =	swait.ge @!p0 [sflag:s8], $0x0  }
0x24: {  	s3 =	sadd.s32 $0x88, s3;
	s6 =	simm.s32 @!p1 $0x1082;
	[sflag:s4] =	ssyncset.s32 $0xFFFFF086  }
0x25: {  	[simem:s6], [sflag:s4] =	dma.local [hbm:s3], $0xF7A  }
0x26: {  	[smem:$0x3F9B] =	sst s1;
	(tag) =	ssettag s2;
	_ =	strace s9  }
0x27: {  	s1 =	sld [smem:$0x3FAB]  }
0x28: {  	s2 =	sld [smem:$0x3FAC]  }
0x29: {  	s4 =	sld [smem:$0x3FAE]  }
0x2a: {  	p0 =	seq.s32 s5, $0x0;
	s5 =	sld [smem:$0x3FAF]  }
0x2b: {  	s6 =	sld [smem:$0x3FB0]  }
0x2c: {  	s7 =	sld [smem:$0x3FB1]  }
0x2d: {  	s3 =	simm.s32 $0x108;
	s8 =	sld [smem:$0x3FB2]  }
0x2e: {  	s3 =	simm.s32 @!p0 $0x1082;
	s9 =	sld [smem:$0x3FB3]  }
0x2f: {  	lr =	sadd.s32 s0, s3;
	s0 =	sld [smem:$0x3FAA]  }
0x30: {  	s3 =	sld [smem:$0x3FAD]  }
0x31: {  	[smem:$0x3FB6] =	sst s10  }
0x32: {  	s10 =	sld [smem:$0x3FB4];
	_ =	sdelay $0x3  }
0x33: {  	p0 =	seq.s32 s10, $0x1;
	s10 =	sld [smem:$0x3FB6];
	_ =	sdelay $0x3  }
0x34: {  	[smem:$0x3FB6] =	sst s10  }
0x35: {  	s10 =	sld [smem:$0x3FB5];
	_ =	sdelay $0x3  }
0x36: {  	p1 =	seq.s32 s10, $0x1;
	s10 =	sld [smem:$0x3FB6];
	_ =	sdelay $0x3  }
0x37: {  	[smem:$0x3FB6] =	sst s10  }
0x38: {  	s10 =	sld [smem:$0x3FB7]  }
0x39: {  	_ = 	snop;
	(pc) =	sbr.ind lr, $3  }
0x3a: {  	_ = 	snop  }
0x3b: {  	_ = 	snop  }
0x3c: {  	p2 =	seq.s32 s10, $0x1;
	s10 =	sld [smem:$0x3FB6]  }
0x3d: {  	_ =	shalt  }
0x3e: {  	_ =	shalt  }
0x3f: {  	_ =	shalt  }
0x40: {  	_ =	shalt  }
0x41: {  	_ =	shalt  }
0x42: {  	_ =	shalt  }
0x43: {  	_ =	shalt  }
0x44: {  	_ =	shalt  }
0x45: {  	_ =	shalt  }
0x46: {  	_ =	shalt  }
0x47: {  	_ =	shalt  }
0x48: {  	_ =	shalt  }
0x49: {  	_ =	shalt  }
0x4a: {  	_ =	shalt  }
0x4b: {  	_ =	shalt  }
0x4c: {  	_ =	shalt  }
0x4d: {  	_ =	shalt  }
0x4e: {  	_ =	shalt  }
0x4f: {  	_ =	shalt  }
0x50: {  	_ =	shalt  }
0x51: {  	_ =	shalt  }
0x52: {  	_ =	shalt  }
0x53: {  	_ =	shalt  }
0x54: {  	_ =	shalt  }
0x55: {  	_ =	shalt  }
0x56: {  	_ =	shalt  }
0x57: {  	_ =	shalt  }
0x58: {  	_ =	shalt  }
0x59: {  	_ =	shalt  }
0x5a: {  	_ =	shalt  }
0x5b: {  	_ =	shalt  }
0x5c: {  	_ =	shalt  }
0x5d: {  	_ =	shalt  }
0x5e: {  	_ =	shalt  }
0x5f: {  	_ =	shalt  }
0x60: {  	_ =	shalt  }
0x61: {  	_ =	shalt  }
0x62: {  	_ =	shalt  }
0x63: {  	_ =	shalt  }
0x64: {  	_ =	shalt  }
0x65: {  	_ =	shalt  }
0x66: {  	_ =	shalt  }
0x67: {  	_ =	shalt  }
0x68: {  	_ =	shalt  }
0x69: {  	_ =	shalt  }
0x6a: {  	_ =	shalt  }
0x6b: {  	_ =	shalt  }
0x6c: {  	_ =	shalt  }
0x6d: {  	_ =	shalt  }
0x6e: {  	_ =	shalt  }
0x6f: {  	_ =	shalt  }
0x70: {  	_ =	shalt  }
0x71: {  	_ =	shalt  }
0x72: {  	_ =	shalt  }
0x73: {  	_ =	shalt  }
0x74: {  	_ =	shalt  }
0x75: {  	_ =	shalt  }
0x76: {  	_ =	shalt  }
0x77: {  	_ =	shalt  }
0x78: {  	_ =	shalt  }
0x79: {  	_ =	shalt  }
0x7a: {  	_ =	shalt  }
0x7b: {  	_ =	shalt  }
0x7c: {  	_ =	shalt  }
0x7d: {  	_ =	shalt  }
0x7e: {  	_ =	shalt  }
0x7f: {  	_ =	shalt  }
0x80: {  	_ =	shalt  }
0x81: {  	_ =	shalt  }
0x82: {  	_ =	shalt  }
0x83: {  	_ =	shalt  }
0x84: {  	_ =	shalt  }
0x85: {  	_ =	shalt  }
0x86: {  	_ =	shalt  }
0x87: {  	_ =	shalt  }
.Lfunc_end0:
.L_simem_size_0:
called_computation.2_lowered:
.L_overlay_start_0:
0x88: {  	s2 =	sld [smem:$0x3FD9]  }
0x89: {  	s3 =	sld [smem:$0x3FFE];
	_ =	sdelay $0x1  }
0x8a: {  	s1 =	srdreg.scid  }
0x8b: {  	s0 =	sand.u32 $0x1, s1  }
0x8c: {  	s17 =	sshll.u32 s0, $0xA;
	s2 =	sadd.s32 s3, s2  }
0x8d: {  	s2 =	sadd.s32 s2, s17  }
0x8e: {  	[smem:$0x3FC2] =	sst s2  }
0x8f: {  	_ = 	snop  }
0x90: {  	s2 =	sld [smem:$0x3FD0];
	(tm) =	ssettm $0x1  }
0x91: {  	s18 =	sld [smem:$0x3FFB];
	_ =	sdelay $0x3  }
0x92: {  	_ =	strace s18  }
0x93: {  	s3 =	sld [smem:$0x3FFC];
	_ =	sdelay $0x3  }
0x94: {  	_ =	strace s3  }
0x95: {  	s3 =	sld [smem:$0x3FFD];
	_ =	sdelay $0x3  }
0x96: {  	_ =	strace s3  }
0x97: {  	_ =	strace $0x8FFFFFFF  }
0x98: {  	s19 =	sld [smem:$0x3FDB];
	_ =	sdelay $0x1  }
0x99: {  	s4 =	simm.s32 $_scs_section_size  }
0x9a: {  	s5 =	simm.s32 $_size__tile_overlayer_lowered;
	s6 =	simm.s32 $_tile_overlayer_lowered  }
0x9b: {  	s22 =	simm.s32 $0x1BFF;
	s21 =	sshll.u32 s6, $0x1;
	s3 =	sadd.s32 s4, s19  }
0x9c: {  	s7 =	simm.s32 $0x0;
	s20 =	sshll.u32 s5, $0x1;
	s5 =	sadd.s32 s21, s3  }
0x9d: {  	[timem:s7], [sflag:s22] =	dma.local [hbm:s5], s20  }
0x9e: {  	_ =	swait.ge [sflag:s22], s20  }
0x9f: {  	s4 =	ssub.s32 $0x0, s20;
	[sflag:s22] =	ssyncset.done $0x0  }
0xa0: {  	[sflag:s22] =	ssyncadd.s32 s4;
	_ =	sdelay $0x1  }
0xa1: {  	s23 =	simm.s32 $0x1B8B  }
0xa2: {  	_ =	swait.ge [sflag:s23], $0x1  }
0xa3: {  	[sflag:s23] =	ssyncset.done $0x0  }
0xa4: {  	s25 =	simm.s32 $0x1B8E;
	s24 =	sld [smem:$0x3FFE];
	[sflag:s23] =	ssyncadd.s32 $0xFFFFFFFF  }
0xa5: {  	s26 =	simm.s32 $execute0_lowered;
	[smem:$0x3FD2] =	sst s25  }
0xa6: {  	s5 =	sshll.u32 s26, $0x1;
	_ =	strace $0x8000004C;
	[dreg:$0x1] =	wrdreg $0xFFFFFFFF  }
0xa7: {  	s28 =	simm.s32 $_size_execute0_lowered;
	s3 =	sadd.s32 s3, s5;
	[dreg:$0x0] =	wrdreg $0x0  }
0xa8: {  	s5 =	sshll.u32 s28, $0x1;
	[dreg:$0x2] =	wrdreg s3  }
0xa9: {  	[dreg:$0x3] =	wrdreg s5  }
0xaa: {  	[dreg:$0x4] =	wrdreg $0xC0  }
0xab: {  	_ =	task [dreg:s7], $0x5FFFF  }
0xac: {  	[dreg:$0x1] =	wrdreg $0xFFFFFFFF  }
0xad: {  	[dreg:$0x0] =	wrdreg $0x60  }
0xae: {  	[dreg:$0x2] =	wrdreg s2  }
0xaf: {  	[dreg:$0x3] =	wrdreg s24  }
0xb0: {  	[dreg:$0x4] =	wrdreg $0xA4000  }
0xb1: {  	[dreg:$0x5] =	wrdreg $0x9  }
0xb2: {  	_ =	task.clear_ibuf [dreg:s7], $0x6FFFF;
	_ =	strace $0x9000004C  }
0xb3: {  	s29 =	simm.s32 $0x9;
	_ =	strace $0x8000004E  }
0xb4: {  	_ =	swait.ge [sflag:s29], $0x1  }
0xb5: {  	[sflag:s29] =	ssyncadd.s32 $0xFFFFFFFF  }
0xb6: {  	_ =	strace $0x9000004E  }
0xb7: {  	_ =	sfence  }
0xb8: {  	s30 =	sld [smem:$0x0];
	_ =	sdelay $0x2  }
0xb9: {  	s31 =	sshll.u32 s1, $0xD;
	s1 =	sshrl.u32 s1, $0x2  }
0xba: {  	s3 =	sand.u32 $0x4000, s31;
	s1 =	sadd.s32 s1, s30  }
0xbb: {  	s0 =	sor.u32 s3, s0;
	s1 =	sshll.u32 s1, $0x11  }
0xbc: {  	s0 =	sor.u32 s1, s0  }
0xbd: {  	s0 =	sadd.s32 $0x8F2B, s0  }
0xbe: {  	[sflag:s0] =	ssyncadd.remote.s32 $0x1  }
0xbf: {  	_ =	sfence.sel $0xFFFF  }
0xc0: {  	[dreg:$0x0] =	wrdreg $0xFFFFFFFF;
	(pc) =	sbr.abs _section_cstart, $3  }
0xc1: {  	[dreg:$0x1] =	wrdreg $0xFFFFFFFF  }
0xc2: {  	_ =	task.clear_ibuf [dreg:s7], $0x2FFFF;
	_ =	strace $0x9FFFFFFF  }
0xc3: {  	(tm) =	ssettm $0x7FFFFFFF  }
tec
execute0_lowered:
.L_overlay_start_1:
0x0: {  	(tag) =	ssettag $0x1  }
0x1: {  	s1 =	rddreg [dreg:$0x0]  }
0x2: {  	s0 =	rddreg [dreg:$0x1]  }
0x3: {  	s3 =	rddreg [dreg:$0x2]  }
0x4: {  	s4 =	simm.s32 $0x0;
	s2 =	stileid.u32;
	s6 =	srdreg.scid  }
0x5: {  	s28 =	simm.s32 $0x180;
	s29 =	simm.s32 $0x9C00;
	s5 =	smul.u32 $0x840, s2  }
0x6: {  	s30 =	simm.s32 $0x1;
	s31 =	simm.s32 $0x2;
	s7 =	smul.u32 $0x1C0, s2  }
0x7: {  	[smem:$0x7FF] =	sst s4;
	s10 =	sand.u32 $0x1, s6;
	s12 =	smul.u32 $0x2800, s2  }
0x8: {  	_ =	strace $0x8000004D;
	s20 =	ssub.s32 $0x2, s10;
	p0 =	sne.s32 s10, $0x0  }
0x9: {  	s11 =	sadd.s32 s5, s0;
	s13 =	sadd.s32 s7, s0;
	s0 =	sadd.s32 $0xE200, s0  }
0xa: {  	s21 =	sshrl.u32 s20, $0x1;
	s14 =	sadd.s32 $0x800, s12;
	s16 =	sadd.s32 $0x1000, s12  }
0xb: {  	s5 =	sadd.s32 s12, s3;
	s17 =	sadd.s32 $0x1800, s12;
	s18 =	sadd.s32 $0x2000, s12  }
0xc: {  	s19 =	ssub.s32 s20, s21;
	s6 =	sadd.s32 s14, s3;
	s7 =	sadd.s32 s16, s3  }
0xd: {  	s20 =	smul.u32 $0x28000, s10;
	s8 =	sadd.s32 s17, s3;
	s15 =	sadd.s32 $0x2600, s13  }
0xe: {  	s9 =	sadd.s32 s18, s3;
	s13 =	sadd.s32 $0x4200, s13;
	[dreg:$0x4] =	wrdreg s15  }
0xf: {  	s23 =	sadd.s32 $0xEEA00, s11;
	s11 =	sadd.s32 $0x5E00, s11;
	[dreg:$0x5] =	wrdreg s13  }
0x10: {  	s21 =	simm.s32 $0x5;
	s10 =	simm.s32 $0x4;
	[dreg:$0x6] =	wrdreg s23  }
0x11: {  	[dreg:$0x7] =	wrdreg s11;
	s19 =	smax.u32 s19, $0x1;
	s23 =	simm.s32 $0x80  }
0x12: {  	s12 =	sadd.s32 s12, s20;
	s22 =	sadd.s32 s20, s14;
	s24 =	sadd.s32 s20, s16  }
0x13: {  	s25 =	sadd.s32 s20, s17;
	s26 =	sadd.s32 s20, s18;
	s20 =	simm.s32 $0x8400  }
.Ltmp0:
0x14: {  	s12 =	sshrl.u32 s12, $0x3;
	s13 =	sshrl.u32 s22, $0x3;
	(pc) =	sbr.rel .LBB2_1-.Ltmp0, $4  }
0x15: {  	s11 =	sshrl.u32 s24, $0x3;
	s24 =	simm.s32 $0x8C00;
	s14 =	sadd.s32 s0, s12  }
0x16: {  	s15 =	sadd.s32 s0, s13;
	s12 =	sshrl.u32 s25, $0x3;
	s13 =	sshrl.u32 s26, $0x3  }
0x17: {  	s16 =	sadd.s32 s0, s11;
	s25 =	simm.s32 $0x100;
	s26 =	simm.s32 $0x9400  }
0x18: {  	v0 =	vimm.f32 $0.0e+00;
	s17 =	sadd.s32 s0, s12;
	s18 =	sadd.s32 s0, s13;
	s0 =	simm.s32 $0x3  }
.LBB2_6:
0x19: {  	[tilespmem:s29], [sflag:$0x4] =	stream.indirect.gather [hbm4b:s1+s23], $0x10, s12, s23, $0xb8;
	[tilespmem:$0xCC00] =	vst v63  }
0x1a: {  	s11 =	simm.s32 $0x8380  }
0x1b: {  	s12 =	simm.s32 $0x8300;
	s13 =	simm.s32 $0x8280;
	s22 =	simm.s32 $0x8200  }
.LBB2_10:
0x1c: {  	_ =	swait.ge [sflag:s30], $0x800  }
0x1d: {  	[sflag:s30] =	ssyncset.done $0x0  }
0x1e: {  	[sflag:s30] =	ssyncadd.s32 $0xFFFFF800  }
0x1f: {  	[spmem:s3] =	stream.indirect.scatter.add.f32 [tilespmem:s20], [sflag:$0x5], $0x10, s22, s23, $0xb8;
	[tilespmem:$0xCC00] =	vst v63  }
0x20: {  	_ =	swait.ge [sflag:s21], $0x800  }
0x21: {  	[sflag:s21] =	ssyncset.done $0x0  }
0x22: {  	[sflag:s21] =	ssyncadd.s32 $0xFFFFF800  }
0x23: {  	_ =	swait.ge [sflag:s31], $0x800  }
0x24: {  	[sflag:s31] =	ssyncset.done $0x0  }
0x25: {  	[sflag:s31] =	ssyncadd.s32 $0xFFFFF800  }
0x26: {  	[spmem:s3] =	stream.indirect.scatter.add.f32 [tilespmem:s24], [sflag:$0x5], $0x10, s13, s23, $0xb8;
	[tilespmem:$0xCC00] =	vst v63  }
0x27: {  	_ =	swait.ge [sflag:s21], $0x800  }
0x28: {  	[sflag:s21] =	ssyncset.done $0x0  }
0x29: {  	[sflag:s21] =	ssyncadd.s32 $0xFFFFF800  }
0x2a: {  	_ =	swait.ge [sflag:s0], $0x800  }
0x2b: {  	[sflag:s0] =	ssyncset.done $0x0  }
0x2c: {  	[sflag:s0] =	ssyncadd.s32 $0xFFFFF800  }
0x2d: {  	[spmem:s3] =	stream.indirect.scatter.add.f32 [tilespmem:s26], [sflag:$0x5], $0x10, s12, s23, $0xb8;
	[tilespmem:$0xCC00] =	vst v63  }
0x2e: {  	_ =	swait.ge [sflag:s21], $0x800  }
0x2f: {  	[sflag:s21] =	ssyncset.done $0x0  }
0x30: {  	[sflag:s21] =	ssyncadd.s32 $0xFFFFF800  }
0x31: {  	_ =	swait.ge [sflag:s10], $0x800  }
0x32: {  	[sflag:s10] =	ssyncset.done $0x0  }
0x33: {  	[sflag:s10] =	ssyncadd.s32 $0xFFFFF800  }
0x34: {  	[spmem:s3] =	stream.indirect.scatter.add.f32 [tilespmem:s29], [sflag:$0x5], $0x10, s11, s23, $0xb8;
	[tilespmem:$0xCC00] =	vst v63  }
0x35: {  	_ =	swait.ge [sflag:s21], $0x800  }
0x36: {  	[sflag:s21] =	ssyncset.done $0x0  }
0x37: {  	s13 =	sshll.u32 s2, $0x6;
	[sflag:s21] =	ssyncadd.s32 $0xFFFFF800  }
0x38: {  	s22 =	sshrl.u32 s5, $0x3;
	s11 =	sor.u32 $0x1C05, s13;
	[bflag:$0x0] =	sbarrier.arrive $0xFFFF  }
0x39: {  	[hbm:s14], [sflag:s11] =	dma.local [spmem:s22], $0x100  }
0x3a: {  	_ =	swait.ge [sflag:s21], $0x100  }
0x3b: {  	[sflag:s21] =	ssyncset.done $0x0  }
0x3c: {  	s13 =	sshrl.u32 s6, $0x3;
	[sflag:s21] =	ssyncadd.s32 $0xFFFFFF00  }
0x3d: {  	[hbm:s15], [sflag:s11] =	dma.local [spmem:s13], $0x100  }
0x3e: {  	_ =	swait.ge [sflag:s21], $0x100  }
0x3f: {  	[sflag:s21] =	ssyncset.done $0x0  }
0x40: {  	s22 =	sshrl.u32 s7, $0x3;
	[sflag:s21] =	ssyncadd.s32 $0xFFFFFF00  }
0x41: {  	[hbm:s16], [sflag:s11] =	dma.local [spmem:s22], $0x100  }
0x42: {  	_ =	swait.ge [sflag:s21], $0x100  }
0x43: {  	[sflag:s21] =	ssyncset.done $0x0  }
0x44: {  	s13 =	sshrl.u32 s8, $0x3;
	[sflag:s21] =	ssyncadd.s32 $0xFFFFFF00  }
0x45: {  	[hbm:s17], [sflag:s11] =	dma.local [spmem:s13], $0x100  }
0x46: {  	s4 =	sadd.s32 $0x1, s4;
	_ =	swait.ge [sflag:s21], $0x100  }
0x47: {  	p1 =	sne.s32 s4, s19;
	[sflag:s21] =	ssyncset.done $0x0  }
.Ltmp1:
0x48: {  	s22 =	sshrl.u32 s9, $0x3;
	[sflag:s21] =	ssyncadd.s32 $0xFFFFFF00;
	(pc) =	sbr.rel @!p1 .LBB2_11-.Ltmp1, $4  }
0x49: {  	[hbm:s18], [sflag:s11] =	dma.local [spmem:s22], $0x100  }
0x4a: {  	_ =	swait.ge [sflag:s21], $0x100  }
0x4b: {  	[sflag:s21] =	ssyncset.done $0x0  }
0x4c: {  	[sflag:s21] =	ssyncadd.s32 $0xFFFFFF00  }
.LBB2_1:
0x4d: {  	s11 =	simm.s32 $0x40;
	s12 =	simm.s32 $0x0  }
.LBB2_2:
0x4e: {  	p1 =	sne.s32 s11, $0x1FC0;
	[tilespmem:s12+$0x8400] =	vst v0;
	s12 =	smov.u32 s11;
	s11 =	sadd.s32 $0x40, s11  }
.Ltmp2:
0x4f: {  	(pc) =	sbr.rel @p1 .LBB2_2-.Ltmp2, $2  }
0x50: {  	_ =	sdelay $0x2  }
0x51: {  	s12 =	sshra.s32 s12, $0x2  }
0x52: {  	[tilespmem:s12+$0x8400] =	vst v0  }
0x53: {  	[spmem:s5] =	stream.linear.scatter [tilespmem:s20], [sflag:$0x5], $0x800, $0x38;
	[tilespmem:$0xCC00] =	vst v63  }
0x54: {  	_ =	swait.ge [sflag:s21], $0x800  }
0x55: {  	[sflag:s21] =	ssyncset.done $0x0  }
0x56: {  	[sflag:s21] =	ssyncadd.s32 $0xFFFFF800  }
0x57: {  	[spmem:s6] =	stream.linear.scatter [tilespmem:s20], [sflag:$0x5], $0x800, $0x38;
	[tilespmem:$0xCC00] =	vst v63  }
0x58: {  	_ =	swait.ge [sflag:s21], $0x800  }
0x59: {  	[sflag:s21] =	ssyncset.done $0x0  }
0x5a: {  	[sflag:s21] =	ssyncadd.s32 $0xFFFFF800  }
0x5b: {  	[spmem:s7] =	stream.linear.scatter [tilespmem:s20], [sflag:$0x5], $0x800, $0x38;
	[tilespmem:$0xCC00] =	vst v63  }
0x5c: {  	_ =	swait.ge [sflag:s21], $0x800  }
0x5d: {  	[sflag:s21] =	ssyncset.done $0x0  }
0x5e: {  	[sflag:s21] =	ssyncadd.s32 $0xFFFFF800  }
0x5f: {  	[spmem:s8] =	stream.linear.scatter [tilespmem:s20], [sflag:$0x5], $0x800, $0x38;
	[tilespmem:$0xCC00] =	vst v63  }
0x60: {  	_ =	swait.ge [sflag:s21], $0x800  }
0x61: {  	[sflag:s21] =	ssyncset.done $0x0  }
0x62: {  	[sflag:s21] =	ssyncadd.s32 $0xFFFFF800  }
0x63: {  	[spmem:s9] =	stream.linear.scatter [tilespmem:s20], [sflag:$0x5], $0x800, $0x38;
	[tilespmem:$0xCC00] =	vst v63  }
.Ltmp3:
0x64: {  	_ =	swait.ge [sflag:s21], $0x800;
	(pc) =	sbr.rel @p0 .LBB2_7-.Ltmp3, $4  }
0x65: {  	[sflag:s21] =	ssyncset.done $0x0  }
0x66: {  	[sflag:s21] =	ssyncadd.s32 $0xFFFFF800  }
0x67: {  	[bflag:$0x0] =	sbarrier.arrive $0xFFFF  }
0x68: {  	s11 =	simm.s32 $0x0  }
0x69: {  	s12 =	rddreg [dreg:$0x6]  }
0x6a: {  	[tilespmem:s11], [sflag:$0x5] =	stream.linear.gather [hbm4b:s12+s11], $0x4200, $0x38;
	[tilespmem:$0xCC00] =	vst v63  }
0x6b: {  	_ =	swait.ge [sflag:s21], $0x4200  }
0x6c: {  	[sflag:s21] =	ssyncset.done $0x0  }
0x6d: {  	s13 =	simm.s32 $0x4200;
	s22 =	rddreg [dreg:$0x7];
	[sflag:s21] =	ssyncadd.s32 $0xFFFFBE00  }
0x6e: {  	[tilespmem:s13], [sflag:$0x5] =	stream.linear.gather [hbm4b:s22+s11], $0x4200, $0x38;
	[tilespmem:$0xCC00] =	vst v63  }
0x6f: {  	_ =	swait.ge [sflag:s21], $0x4200  }
0x70: {  	[sflag:s21] =	ssyncset.done $0x0  }
0x71: {  	[sflag:s21] =	ssyncadd.s32 $0xFFFFBE00  }
0x72: {  	[tilespmem:s20], [sflag:$0x1] =	stream.indirect.gather [hbm4b:s1+s23], $0x10, s11, s23, $0xb8;
	[tilespmem:$0xCC00] =	vst v63  }
0x73: {  	_ = 	snop  }
0x74: {  	[tilespmem:s24], [sflag:$0x2] =	stream.indirect.gather [hbm4b:s1+s23], $0x10, s23, s23, $0xb8;
	[tilespmem:$0xCC00] =	vst v63  }
0x75: {  	_ = 	snop  }
0x76: {  	[tilespmem:s26], [sflag:$0x3] =	stream.indirect.gather [hbm4b:s1+s23], $0x10, s25, s23, $0xb8;
	[tilespmem:$0xCC00] =	vst v63  }
0x77: {  	_ = 	snop  }
0x78: {  	[tilespmem:s29], [sflag:$0x4] =	stream.indirect.gather [hbm4b:s1+s23], $0x10, s28, s23, $0xb8;
	[tilespmem:$0xCC00] =	vst v63  }
0x79: {  	_ =	swait.ge [sflag:s30], $0x800  }
0x7a: {  	[sflag:s30] =	ssyncset.done $0x0  }
0x7b: {  	s22 =	simm.s32 $0x4200;
	[sflag:s30] =	ssyncadd.s32 $0xFFFFF800  }
0x7c: {  	[spmem:s3] =	stream.indirect.scatter.add.f32 [tilespmem:s20], [sflag:$0x5], $0x10, s22, s23, $0xb8;
	[tilespmem:$0xCC00] =	vst v63  }
0x7d: {  	_ =	swait.ge [sflag:s21], $0x800  }
0x7e: {  	[sflag:s21] =	ssyncset.done $0x0  }
0x7f: {  	s12 =	simm.s32 $0x200;
	[sflag:s21] =	ssyncadd.s32 $0xFFFFF800  }
0x80: {  	[tilespmem:s20], [sflag:$0x1] =	stream.indirect.gather [hbm4b:s1+s23], $0x10, s12, s23, $0xb8;
	[tilespmem:$0xCC00] =	vst v63  }
0x81: {  	_ =	swait.ge [sflag:s31], $0x800  }
0x82: {  	[sflag:s31] =	ssyncset.done $0x0  }
0x83: {  	s13 =	simm.s32 $0x4280;
	[sflag:s31] =	ssyncadd.s32 $0xFFFFF800  }
0x84: {  	[spmem:s3] =	stream.indirect.scatter.add.f32 [tilespmem:s24], [sflag:$0x5], $0x10, s13, s23, $0xb8;
	[tilespmem:$0xCC00] =	vst v63  }
0x85: {  	_ =	swait.ge [sflag:s21], $0x800  }
0x86: {  	[sflag:s21] =	ssyncset.done $0x0  }
0x87: {  	s22 =	simm.s32 $0x280;
	[sflag:s21] =	ssyncadd.s32 $0xFFFFF800  }
0x88: {  	[tilespmem:s24], [sflag:$0x2] =	stream.indirect.gather [hbm4b:s1+s23], $0x10, s22, s23, $0xb8;
	[tilespmem:$0xCC00] =	vst v63  }
0x89: {  	_ =	swait.ge [sflag:s0], $0x800  }
0x8a: {  	[sflag:s0] =	ssyncset.done $0x0  }
0x8b: {  	s12 =	simm.s32 $0x4300;
	[sflag:s0] =	ssyncadd.s32 $0xFFFFF800  }
0x8c: {  	[spmem:s3] =	stream.indirect.scatter.add.f32 [tilespmem:s26], [sflag:$0x5], $0x10, s12, s23, $0xb8;
	[tilespmem:$0xCC00] =	vst v63  }
0x8d: {  	_ =	swait.ge [sflag:s21], $0x800  }
0x8e: {  	[sflag:s21] =	ssyncset.done $0x0  }
0x8f: {  	s13 =	simm.s32 $0x300;
	[sflag:s21] =	ssyncadd.s32 $0xFFFFF800  }
0x90: {  	[tilespmem:s26], [sflag:$0x3] =	stream.indirect.gather [hbm4b:s1+s23], $0x10, s13, s23, $0xb8;
	[tilespmem:$0xCC00] =	vst v63  }
0x91: {  	_ =	swait.ge [sflag:s10], $0x800  }
0x92: {  	p1 =	por $0x0, $0x0;
	[sflag:s10] =	ssyncset.done $0x0  }
.Ltmp4:
0x93: {  	s22 =	simm.s32 $0x4380;
	[sflag:s10] =	ssyncadd.s32 $0xFFFFF800;
	(pc) =	sbr.rel @p1 .LBB2_6-.Ltmp4, $4  }
0x94: {  	[spmem:s3] =	stream.indirect.scatter.add.f32 [tilespmem:s29], [sflag:$0x5], $0x10, s22, s23, $0xb8;
	[tilespmem:$0xCC00] =	vst v63  }
0x95: {  	_ =	swait.ge [sflag:s21], $0x800  }
0x96: {  	[sflag:s21] =	ssyncset.done $0x0  }
0x97: {  	s11 =	simm.s32 $0x800;
	s12 =	simm.s32 $0x380;
	[sflag:s21] =	ssyncadd.s32 $0xFFFFF800  }
.LBB2_5:
0x98: {  	[tilespmem:s29], [sflag:$0x4] =	stream.indirect.gather [hbm4b:s1+s23], $0x10, s12, s23, $0xb8;
	[tilespmem:$0xCC00] =	vst v63  }
0x99: {  	s12 =	smov.u32 s11  }
0x9a: {  	p1 =	seq.s32 s11, $0xF800;
	s11 =	sadd.s32 $0x800, s11;
	_ =	swait.ge [sflag:s30], $0x800  }
0x9b: {  	s12 =	sshra.s32 s12, $0x2;
	[sflag:s30] =	ssyncset.done $0x0  }
0x9c: {  	s13 =	sadd.s32 $0x4200, s12;
	[sflag:s30] =	ssyncadd.s32 $0xFFFFF800  }
0x9d: {  	[spmem:s3] =	stream.indirect.scatter.add.f32 [tilespmem:s20], [sflag:$0x5], $0x10, s13, s23, $0xb8;
	[tilespmem:$0xCC00] =	vst v63  }
0x9e: {  	_ =	swait.ge [sflag:s21], $0x800  }
0x9f: {  	[sflag:s21] =	ssyncset.done $0x0  }
0xa0: {  	s13 =	sadd.s32 $0x200, s12;
	[sflag:s21] =	ssyncadd.s32 $0xFFFFF800  }
0xa1: {  	[tilespmem:s20], [sflag:$0x1] =	stream.indirect.gather [hbm4b:s1+s23], $0x10, s13, s23, $0xb8;
	[tilespmem:$0xCC00] =	vst v63  }
0xa2: {  	_ =	swait.ge [sflag:s31], $0x800  }
0xa3: {  	[sflag:s31] =	ssyncset.done $0x0  }
0xa4: {  	s13 =	sadd.s32 $0x4280, s12;
	[sflag:s31] =	ssyncadd.s32 $0xFFFFF800  }
0xa5: {  	[spmem:s3] =	stream.indirect.scatter.add.f32 [tilespmem:s24], [sflag:$0x5], $0x10, s13, s23, $0xb8;
	[tilespmem:$0xCC00] =	vst v63  }
0xa6: {  	_ =	swait.ge [sflag:s21], $0x800  }
0xa7: {  	[sflag:s21] =	ssyncset.done $0x0  }
0xa8: {  	s13 =	sadd.s32 $0x280, s12;
	[sflag:s21] =	ssyncadd.s32 $0xFFFFF800  }
0xa9: {  	[tilespmem:s24], [sflag:$0x2] =	stream.indirect.gather [hbm4b:s1+s23], $0x10, s13, s23, $0xb8;
	[tilespmem:$0xCC00] =	vst v63  }
0xaa: {  	_ =	swait.ge [sflag:s0], $0x800  }
0xab: {  	[sflag:s0] =	ssyncset.done $0x0  }
0xac: {  	s13 =	sadd.s32 $0x4300, s12;
	[sflag:s0] =	ssyncadd.s32 $0xFFFFF800  }
0xad: {  	[spmem:s3] =	stream.indirect.scatter.add.f32 [tilespmem:s26], [sflag:$0x5], $0x10, s13, s23, $0xb8;
	[tilespmem:$0xCC00] =	vst v63  }
0xae: {  	_ =	swait.ge [sflag:s21], $0x800  }
0xaf: {  	[sflag:s21] =	ssyncset.done $0x0  }
0xb0: {  	s13 =	sadd.s32 $0x300, s12;
	[sflag:s21] =	ssyncadd.s32 $0xFFFFF800  }
0xb1: {  	[tilespmem:s26], [sflag:$0x3] =	stream.indirect.gather [hbm4b:s1+s23], $0x10, s13, s23, $0xb8;
	[tilespmem:$0xCC00] =	vst v63  }
0xb2: {  	_ =	swait.ge [sflag:s10], $0x800  }
0xb3: {  	[sflag:s10] =	ssyncset.done $0x0  }
.Ltmp5:
0xb4: {  	s13 =	sadd.s32 $0x4380, s12;
	[sflag:s10] =	ssyncadd.s32 $0xFFFFF800;
	(pc) =	sbr.rel @!p1 .LBB2_5-.Ltmp5, $4  }
0xb5: {  	[spmem:s3] =	stream.indirect.scatter.add.f32 [tilespmem:s29], [sflag:$0x5], $0x10, s13, s23, $0xb8;
	[tilespmem:$0xCC00] =	vst v63  }
0xb6: {  	_ =	swait.ge [sflag:s21], $0x800  }
0xb7: {  	[sflag:s21] =	ssyncset.done $0x0  }
0xb8: {  	s12 =	sadd.s32 $0x380, s12;
	[sflag:s21] =	ssyncadd.s32 $0xFFFFF800  }
.Ltmp6:
0xb9: {  	_ = 	snop;
	(pc) =	sbr.rel .LBB2_6-.Ltmp6, $1  }
0xba: {  	_ =	sdelay $0x3  }
.LBB2_7:
0xbb: {  	s12 =	rddreg [dreg:$0x4]  }
0xbc: {  	[tilespmem:s11], [sflag:$0x5] =	stream.linear.gather [hbm4b:s12+s11], $0xE00, $0x38;
	[tilespmem:$0xCC00] =	vst v63  }
0xbd: {  	_ =	swait.ge [sflag:s21], $0xE00  }
0xbe: {  	[sflag:s21] =	ssyncset.done $0x0  }
0xbf: {  	s13 =	simm.s32 $0x4200;
	s22 =	rddreg [dreg:$0x5];
	[sflag:s21] =	ssyncadd.s32 $0xFFFFF200  }
0xc0: {  	[tilespmem:s13], [sflag:$0x5] =	stream.linear.gather [hbm4b:s22+s11], $0xE00, $0x38;
	[tilespmem:$0xCC00] =	vst v63  }
0xc1: {  	_ =	swait.ge [sflag:s21], $0xE00  }
0xc2: {  	[sflag:s21] =	ssyncset.done $0x0  }
0xc3: {  	[sflag:s21] =	ssyncadd.s32 $0xFFFFF200  }
0xc4: {  	[tilespmem:s20], [sflag:$0x1] =	stream.indirect.gather [hbm4b:s1+s23], $0x10, s11, s23, $0xb8;
	[tilespmem:$0xCC00] =	vst v63  }
0xc5: {  	_ = 	snop  }
0xc6: {  	[tilespmem:s24], [sflag:$0x2] =	stream.indirect.gather [hbm4b:s1+s23], $0x10, s23, s23, $0xb8;
	[tilespmem:$0xCC00] =	vst v63  }
0xc7: {  	_ = 	snop  }
0xc8: {  	[tilespmem:s26], [sflag:$0x3] =	stream.indirect.gather [hbm4b:s1+s23], $0x10, s25, s23, $0xb8;
	[tilespmem:$0xCC00] =	vst v63  }
0xc9: {  	_ = 	snop  }
0xca: {  	[tilespmem:s29], [sflag:$0x4] =	stream.indirect.gather [hbm4b:s1+s23], $0x10, s28, s23, $0xb8;
	[tilespmem:$0xCC00] =	vst v63  }
0xcb: {  	_ =	swait.ge [sflag:s30], $0x800  }
0xcc: {  	[sflag:s30] =	ssyncset.done $0x0  }
0xcd: {  	s22 =	simm.s32 $0x4200;
	[sflag:s30] =	ssyncadd.s32 $0xFFFFF800  }
0xce: {  	[spmem:s3] =	stream.indirect.scatter.add.f32 [tilespmem:s20], [sflag:$0x5], $0x10, s22, s23, $0xb8;
	[tilespmem:$0xCC00] =	vst v63  }
0xcf: {  	_ =	swait.ge [sflag:s21], $0x800  }
0xd0: {  	[sflag:s21] =	ssyncset.done $0x0  }
0xd1: {  	s12 =	simm.s32 $0x200;
	[sflag:s21] =	ssyncadd.s32 $0xFFFFF800  }
0xd2: {  	[tilespmem:s20], [sflag:$0x1] =	stream.indirect.gather [hbm4b:s1+s23], $0x10, s12, s23, $0xb8;
	[tilespmem:$0xCC00] =	vst v63  }
0xd3: {  	_ =	swait.ge [sflag:s31], $0x800  }
0xd4: {  	[sflag:s31] =	ssyncset.done $0x0  }
0xd5: {  	s13 =	simm.s32 $0x4280;
	[sflag:s31] =	ssyncadd.s32 $0xFFFFF800  }
0xd6: {  	[spmem:s3] =	stream.indirect.scatter.add.f32 [tilespmem:s24], [sflag:$0x5], $0x10, s13, s23, $0xb8;
	[tilespmem:$0xCC00] =	vst v63  }
0xd7: {  	_ =	swait.ge [sflag:s21], $0x800  }
0xd8: {  	[sflag:s21] =	ssyncset.done $0x0  }
0xd9: {  	s22 =	simm.s32 $0x280;
	[sflag:s21] =	ssyncadd.s32 $0xFFFFF800  }
0xda: {  	[tilespmem:s24], [sflag:$0x2] =	stream.indirect.gather [hbm4b:s1+s23], $0x10, s22, s23, $0xb8;
	[tilespmem:$0xCC00] =	vst v63  }
0xdb: {  	_ =	swait.ge [sflag:s0], $0x800  }
0xdc: {  	[sflag:s0] =	ssyncset.done $0x0  }
0xdd: {  	s12 =	simm.s32 $0x4300;
	[sflag:s0] =	ssyncadd.s32 $0xFFFFF800  }
0xde: {  	[spmem:s3] =	stream.indirect.scatter.add.f32 [tilespmem:s26], [sflag:$0x5], $0x10, s12, s23, $0xb8;
	[tilespmem:$0xCC00] =	vst v63  }
0xdf: {  	_ =	swait.ge [sflag:s21], $0x800  }
0xe0: {  	[sflag:s21] =	ssyncset.done $0x0  }
0xe1: {  	s13 =	simm.s32 $0x300;
	[sflag:s21] =	ssyncadd.s32 $0xFFFFF800  }
0xe2: {  	[tilespmem:s26], [sflag:$0x3] =	stream.indirect.gather [hbm4b:s1+s23], $0x10, s13, s23, $0xb8;
	[tilespmem:$0xCC00] =	vst v63  }
0xe3: {  	_ =	swait.ge [sflag:s10], $0x800  }
0xe4: {  	[sflag:s10] =	ssyncset.done $0x0  }
0xe5: {  	s22 =	simm.s32 $0x4380;
	[sflag:s10] =	ssyncadd.s32 $0xFFFFF800  }
0xe6: {  	[spmem:s3] =	stream.indirect.scatter.add.f32 [tilespmem:s29], [sflag:$0x5], $0x10, s22, s23, $0xb8;
	[tilespmem:$0xCC00] =	vst v63  }
0xe7: {  	_ =	swait.ge [sflag:s21], $0x800  }
0xe8: {  	[sflag:s21] =	ssyncset.done $0x0  }
0xe9: {  	s11 =	simm.s32 $0x800;
	s12 =	simm.s32 $0x380;
	[sflag:s21] =	ssyncadd.s32 $0xFFFFF800  }
.LBB2_8:
0xea: {  	[tilespmem:s29], [sflag:$0x4] =	stream.indirect.gather [hbm4b:s1+s23], $0x10, s12, s23, $0xb8;
	[tilespmem:$0xCC00] =	vst v63  }
0xeb: {  	s12 =	smov.u32 s11  }
0xec: {  	p1 =	sne.s32 s11, $0x2800;
	s11 =	sadd.s32 $0x800, s11;
	_ =	swait.ge [sflag:s30], $0x800  }
0xed: {  	s12 =	sshra.s32 s12, $0x2;
	[sflag:s30] =	ssyncset.done $0x0  }
0xee: {  	s13 =	sadd.s32 $0x4200, s12;
	[sflag:s30] =	ssyncadd.s32 $0xFFFFF800  }
0xef: {  	[spmem:s3] =	stream.indirect.scatter.add.f32 [tilespmem:s20], [sflag:$0x5], $0x10, s13, s23, $0xb8;
	[tilespmem:$0xCC00] =	vst v63  }
0xf0: {  	_ =	swait.ge [sflag:s21], $0x800  }
0xf1: {  	[sflag:s21] =	ssyncset.done $0x0  }
0xf2: {  	s13 =	sadd.s32 $0x200, s12;
	[sflag:s21] =	ssyncadd.s32 $0xFFFFF800  }
0xf3: {  	[tilespmem:s20], [sflag:$0x1] =	stream.indirect.gather [hbm4b:s1+s23], $0x10, s13, s23, $0xb8;
	[tilespmem:$0xCC00] =	vst v63  }
0xf4: {  	_ =	swait.ge [sflag:s31], $0x800  }
0xf5: {  	[sflag:s31] =	ssyncset.done $0x0  }
0xf6: {  	s13 =	sadd.s32 $0x4280, s12;
	[sflag:s31] =	ssyncadd.s32 $0xFFFFF800  }
0xf7: {  	[spmem:s3] =	stream.indirect.scatter.add.f32 [tilespmem:s24], [sflag:$0x5], $0x10, s13, s23, $0xb8;
	[tilespmem:$0xCC00] =	vst v63  }
0xf8: {  	_ =	swait.ge [sflag:s21], $0x800  }
0xf9: {  	[sflag:s21] =	ssyncset.done $0x0  }
0xfa: {  	s13 =	sadd.s32 $0x280, s12;
	[sflag:s21] =	ssyncadd.s32 $0xFFFFF800  }
0xfb: {  	[tilespmem:s24], [sflag:$0x2] =	stream.indirect.gather [hbm4b:s1+s23], $0x10, s13, s23, $0xb8;
	[tilespmem:$0xCC00] =	vst v63  }
0xfc: {  	_ =	swait.ge [sflag:s0], $0x800  }
0xfd: {  	[sflag:s0] =	ssyncset.done $0x0  }
0xfe: {  	s13 =	sadd.s32 $0x4300, s12;
	[sflag:s0] =	ssyncadd.s32 $0xFFFFF800  }
0xff: {  	[spmem:s3] =	stream.indirect.scatter.add.f32 [tilespmem:s26], [sflag:$0x5], $0x10, s13, s23, $0xb8;
	[tilespmem:$0xCC00] =	vst v63  }
0x100: {  	_ =	swait.ge [sflag:s21], $0x800  }
0x101: {  	[sflag:s21] =	ssyncset.done $0x0  }
0x102: {  	s13 =	sadd.s32 $0x300, s12;
	[sflag:s21] =	ssyncadd.s32 $0xFFFFF800  }
0x103: {  	[tilespmem:s26], [sflag:$0x3] =	stream.indirect.gather [hbm4b:s1+s23], $0x10, s13, s23, $0xb8;
	[tilespmem:$0xCC00] =	vst v63  }
0x104: {  	_ =	swait.ge [sflag:s10], $0x800  }
0x105: {  	[sflag:s10] =	ssyncset.done $0x0  }
.Ltmp7:
0x106: {  	s13 =	sadd.s32 $0x4380, s12;
	[sflag:s10] =	ssyncadd.s32 $0xFFFFF800;
	(pc) =	sbr.rel @p1 .LBB2_8-.Ltmp7, $4  }
0x107: {  	[spmem:s3] =	stream.indirect.scatter.add.f32 [tilespmem:s29], [sflag:$0x5], $0x10, s13, s23, $0xb8;
	[tilespmem:$0xCC00] =	vst v63  }
0x108: {  	_ =	swait.ge [sflag:s21], $0x800  }
0x109: {  	[sflag:s21] =	ssyncset.done $0x0  }
0x10a: {  	s12 =	sadd.s32 $0x380, s12;
	[sflag:s21] =	ssyncadd.s32 $0xFFFFF800  }
.Ltmp8:
0x10b: {  	(pc) =	sbr.rel .LBB2_10-.Ltmp8, $4  }
0x10c: {  	_ = 	snop  }
0x10d: {  	[tilespmem:s29], [sflag:$0x4] =	stream.indirect.gather [hbm4b:s1+s23], $0x10, s12, s23, $0xb8;
	[tilespmem:$0xCC00] =	vst v63  }
0x10e: {  	s11 =	simm.s32 $0x4F80  }
0x10f: {  	s12 =	simm.s32 $0x4F00;
	s13 =	simm.s32 $0x4E80;
	s22 =	simm.s32 $0x4E00  }
.LBB2_11:
0x110: {  	_ =	sfence.sel $0x180000  }
0x111: {  	[bflag:$0x0] =	sbarrier.arrive $0xFFFF  }
0x112: {  	_ =	strace $0x9000004D  }
0x113: {  	[bflag:$0x2] =	sbarrier.arrive $0xFFFF  }
0x114: {  	p0 =	sne.s32 s2, $0x0;
	s0 =	rddreg [dreg:$0x3]  }
0x115: {  	s0 =	sadd.s32 @!p0 $0x100000, s0  }
0x116: {  	[sflag:s0] =	ssyncadd.tile.s32 @!p0 $0x1;
	_ =	shalt  }
.Lfunc_end2:
_tile_overlayer_lowered:
.L_overlay_start_2:
0x117: {  	(tag) =	ssettag $0x2  }
0x118: {  	s0 =	rddreg [dreg:$0x0];
	s2 =	stileid.u32  }
0x119: {  	s1 =	rddreg [dreg:$0x1];
	p0 =	sne.s32 s2, $0x0  }
0x11a: {  	s3 =	rddreg [dreg:$0x2];
	[bflag:$0x3] =	sbarrier.arrive $0xFFFF;
	s2 =	simm.s32 @!p0 $0x1C05  }
0x11b: {  	[timem:s3], [sflag:s2] =	dma.local @!p0 [hbm:s0], s1  }
0x11c: {  	s0 =	simm.s32 @!p0 $0x5  }
0x11d: {  	_ =	swait.ge @!p0 [sflag:s0], s1  }
0x11e: {  	s1 =	ssub.s32 @!p0 $0x0, s1;
	[sflag:s0] =	ssyncset.done @!p0 $0x0  }
0x11f: {  	[sflag:s0] =	ssyncadd.s32 @!p0 s1  }
0x120: {  	[bflag:$0x3] =	sbarrier.arrive $0xFFFF  }
0x121: {  	_ =	shalt  }

// kernel: kernel.8.cloned.1.call-start
scs
__scs_entry_jumppad:
0x0: {  	(pc) =	sbr.rel $0x88, $3  }
0x1: {  	(tag) =	ssettag $0x0;
	lr =	simm.s32 $0x1  }
0x2: {  	[smem:$0x3F9B] =	sst lr;
	_ =	strace $0xD0000000  }
0x3: {  	_ = 	snop  }
0x4: {  	_ = 	snop  }
0x5: {  	_ = 	snop  }
0x6: {  	_ = 	snop  }
0x7: {  	_ = 	snop  }
__scs_overlays_trampoline_lowered:
0x8: {  	[smem:$0x3FAA] =	sst s0  }
0x9: {  	[smem:$0x3FAB] =	sst s1  }
0xa: {  	[smem:$0x3FAC] =	sst s2  }
0xb: {  	[smem:$0x3FAD] =	sst s3  }
0xc: {  	[smem:$0x3FAE] =	sst s4  }
0xd: {  	[smem:$0x3FAF] =	sst s5  }
0xe: {  	[smem:$0x3FB0] =	sst s6  }
0xf: {  	[smem:$0x3FB1] =	sst s7  }
0x10: {  	[smem:$0x3FB2] =	sst s8  }
0x11: {  	[smem:$0x3FB3] =	sst s9;
	s0 =	simm.s32 @!p0 $0x0  }
0x12: {  	s1 =	sld [smem:$0x3F99];
	s0 =	simm.s32 @p0 $0x1  }
0x13: {  	[smem:$0x3FB4] =	sst s0;
	s0 =	simm.s32 @!p1 $0x0  }
0x14: {  	s2 =	sld [smem:$0x3F98];
	s0 =	simm.s32 @p1 $0x1  }
0x15: {  	[smem:$0x3FB5] =	sst s0;
	s0 =	simm.s32 @!p2 $0x0  }
0x16: {  	s3 =	sld [smem:$0x3FDB];
	s0 =	simm.s32 @p2 $0x1  }
0x17: {  	s4 =	simm.s32 $0x1BF5;
	[smem:$0x3FB7] =	sst s0  }
0x18: {  	s0 =	sld [smem:$0x3F9A];
	_ =	swait.ge [sflag:s4], $0x0  }
0x19: {  	s7 =	sld [smem:$0x3F9B]  }
0x1a: {  	s8 =	sadd.s32 $0xFFFFE003, lr  }
0x1b: {  	s9 =	sadd.s32 $0xFFFFFEF7, lr;
	s5 =	simm.s32 $0xFFFFFFFF;
	p2 =	slt.u32 s8, $0xFFFFF086  }
0x1c: {  	p1 =	slt.u32 s9, $0xF7A;
	s5 =	simm.s32 @!p2 $0x0  }
0x1d: {  	s5 =	simm.s32 @p1 $0x1;
	p0 =	seq.s32 s7, s2  }
0x1e: {  	s7 =	smul.u32 @!p0 $0xF7A, s2;
	p2 =	seq.s32 @!p0 s5, $0x0  }
0x1f: {  	s9 =	smul.u32 $0xF7A, s1;
	s8 =	simm.s32 @!p0 $0x1BF5;
	p2 =	por !p2, p0  }
0x20: {  	[sflag:s8] =	ssyncset.s32 @!p0 $0xFFFFF086;
	s6 =	sadd.s32 @!p0 s3, s7;
	s7 =	simm.s32 @!p0 $0x108  }
0x21: {  	s3 =	sadd.s32 s3, s9;
	s6 =	sadd.s32 @!p0 $0x88, s6;
	s7 =	simm.s32 @p2 $0x1082  }
0x22: {  	[simem:s7], [sflag:s8] =	dma.local @!p0 [hbm:s6], $0xF7A  }
0x23: {  	s9 =	sor.u32 $0xD0000000, s2;
	s6 =	simm.s32 $0x108;
	_ =	swait.ge @!p0 [sflag:s8], $0x0  }
0x24: {  	s3 =	sadd.s32 $0x88, s3;
	s6 =	simm.s32 @!p1 $0x1082;
	[sflag:s4] =	ssyncset.s32 $0xFFFFF086  }
0x25: {  	[simem:s6], [sflag:s4] =	dma.local [hbm:s3], $0xF7A  }
0x26: {  	[smem:$0x3F9B] =	sst s1;
	(tag) =	ssettag s2;
	_ =	strace s9  }
0x27: {  	s1 =	sld [smem:$0x3FAB]  }
0x28: {  	s2 =	sld [smem:$0x3FAC]  }
0x29: {  	s4 =	sld [smem:$0x3FAE]  }
0x2a: {  	p0 =	seq.s32 s5, $0x0;
	s5 =	sld [smem:$0x3FAF]  }
0x2b: {  	s6 =	sld [smem:$0x3FB0]  }
0x2c: {  	s7 =	sld [smem:$0x3FB1]  }
0x2d: {  	s3 =	simm.s32 $0x108;
	s8 =	sld [smem:$0x3FB2]  }
0x2e: {  	s3 =	simm.s32 @!p0 $0x1082;
	s9 =	sld [smem:$0x3FB3]  }
0x2f: {  	lr =	sadd.s32 s0, s3;
	s0 =	sld [smem:$0x3FAA]  }
0x30: {  	s3 =	sld [smem:$0x3FAD]  }
0x31: {  	[smem:$0x3FB6] =	sst s10  }
0x32: {  	s10 =	sld [smem:$0x3FB4];
	_ =	sdelay $0x3  }
0x33: {  	p0 =	seq.s32 s10, $0x1;
	s10 =	sld [smem:$0x3FB6];
	_ =	sdelay $0x3  }
0x34: {  	[smem:$0x3FB6] =	sst s10  }
0x35: {  	s10 =	sld [smem:$0x3FB5];
	_ =	sdelay $0x3  }
0x36: {  	p1 =	seq.s32 s10, $0x1;
	s10 =	sld [smem:$0x3FB6];
	_ =	sdelay $0x3  }
0x37: {  	[smem:$0x3FB6] =	sst s10  }
0x38: {  	s10 =	sld [smem:$0x3FB7]  }
0x39: {  	_ = 	snop;
	(pc) =	sbr.ind lr, $3  }
0x3a: {  	_ = 	snop  }
0x3b: {  	_ = 	snop  }
0x3c: {  	p2 =	seq.s32 s10, $0x1;
	s10 =	sld [smem:$0x3FB6]  }
0x3d: {  	_ =	shalt  }
0x3e: {  	_ =	shalt  }
0x3f: {  	_ =	shalt  }
0x40: {  	_ =	shalt  }
0x41: {  	_ =	shalt  }
0x42: {  	_ =	shalt  }
0x43: {  	_ =	shalt  }
0x44: {  	_ =	shalt  }
0x45: {  	_ =	shalt  }
0x46: {  	_ =	shalt  }
0x47: {  	_ =	shalt  }
0x48: {  	_ =	shalt  }
0x49: {  	_ =	shalt  }
0x4a: {  	_ =	shalt  }
0x4b: {  	_ =	shalt  }
0x4c: {  	_ =	shalt  }
0x4d: {  	_ =	shalt  }
0x4e: {  	_ =	shalt  }
0x4f: {  	_ =	shalt  }
0x50: {  	_ =	shalt  }
0x51: {  	_ =	shalt  }
0x52: {  	_ =	shalt  }
0x53: {  	_ =	shalt  }
0x54: {  	_ =	shalt  }
0x55: {  	_ =	shalt  }
0x56: {  	_ =	shalt  }
0x57: {  	_ =	shalt  }
0x58: {  	_ =	shalt  }
0x59: {  	_ =	shalt  }
0x5a: {  	_ =	shalt  }
0x5b: {  	_ =	shalt  }
0x5c: {  	_ =	shalt  }
0x5d: {  	_ =	shalt  }
0x5e: {  	_ =	shalt  }
0x5f: {  	_ =	shalt  }
0x60: {  	_ =	shalt  }
0x61: {  	_ =	shalt  }
0x62: {  	_ =	shalt  }
0x63: {  	_ =	shalt  }
0x64: {  	_ =	shalt  }
0x65: {  	_ =	shalt  }
0x66: {  	_ =	shalt  }
0x67: {  	_ =	shalt  }
0x68: {  	_ =	shalt  }
0x69: {  	_ =	shalt  }
0x6a: {  	_ =	shalt  }
0x6b: {  	_ =	shalt  }
0x6c: {  	_ =	shalt  }
0x6d: {  	_ =	shalt  }
0x6e: {  	_ =	shalt  }
0x6f: {  	_ =	shalt  }
0x70: {  	_ =	shalt  }
0x71: {  	_ =	shalt  }
0x72: {  	_ =	shalt  }
0x73: {  	_ =	shalt  }
0x74: {  	_ =	shalt  }
0x75: {  	_ =	shalt  }
0x76: {  	_ =	shalt  }
0x77: {  	_ =	shalt  }
0x78: {  	_ =	shalt  }
0x79: {  	_ =	shalt  }
0x7a: {  	_ =	shalt  }
0x7b: {  	_ =	shalt  }
0x7c: {  	_ =	shalt  }
0x7d: {  	_ =	shalt  }
0x7e: {  	_ =	shalt  }
0x7f: {  	_ =	shalt  }
0x80: {  	_ =	shalt  }
0x81: {  	_ =	shalt  }
0x82: {  	_ =	shalt  }
0x83: {  	_ =	shalt  }
0x84: {  	_ =	shalt  }
0x85: {  	_ =	shalt  }
0x86: {  	_ =	shalt  }
0x87: {  	_ =	shalt  }
.Lfunc_end0:
.L_simem_size_0:
called_computation_lowered:
.L_overlay_start_0:
0x88: {  	s2 =	sld [smem:$0x3FD9]  }
0x89: {  	s3 =	sld [smem:$0x3FFE];
	_ =	sdelay $0x1  }
0x8a: {  	s1 =	srdreg.scid  }
0x8b: {  	s0 =	sand.u32 $0x1, s1  }
0x8c: {  	s16 =	sshll.u32 s0, $0xA;
	s2 =	sadd.s32 s3, s2  }
0x8d: {  	s2 =	sadd.s32 s2, s16  }
0x8e: {  	[smem:$0x3FC2] =	sst s2  }
0x8f: {  	_ = 	snop  }
0x90: {  	(tm) =	ssettm $0x1  }
0x91: {  	s17 =	sld [smem:$0x3FFB];
	_ =	sdelay $0x3  }
0x92: {  	_ =	strace s17  }
0x93: {  	s2 =	sld [smem:$0x3FFC];
	_ =	sdelay $0x3  }
0x94: {  	_ =	strace s2  }
0x95: {  	s2 =	sld [smem:$0x3FFD];
	_ =	sdelay $0x3  }
0x96: {  	_ =	strace s2  }
0x97: {  	_ =	strace $0x8FFFFFFF  }
0x98: {  	s18 =	sld [smem:$0x3FDB];
	_ =	sdelay $0x1  }
0x99: {  	s19 =	simm.s32 $_scs_section_size  }
0x9a: {  	s4 =	simm.s32 $_size__tile_overlayer_lowered;
	s5 =	simm.s32 $_tile_overlayer_lowered  }
0x9b: {  	s22 =	simm.s32 $0x1BFF;
	s21 =	sshll.u32 s5, $0x1;
	s2 =	sadd.s32 s19, s18  }
0x9c: {  	s6 =	simm.s32 $0x0;
	s20 =	sshll.u32 s4, $0x1;
	s4 =	sadd.s32 s21, s2  }
0x9d: {  	[timem:s6], [sflag:s22] =	dma.local [hbm:s4], s20  }
0x9e: {  	_ =	swait.ge [sflag:s22], s20  }
0x9f: {  	s3 =	ssub.s32 $0x0, s20;
	[sflag:s22] =	ssyncset.done $0x0  }
0xa0: {  	[sflag:s22] =	ssyncadd.s32 s3;
	_ =	sdelay $0x1  }
0xa1: {  	s23 =	simm.s32 $0x1B8B  }
0xa2: {  	_ =	swait.ge [sflag:s23], $0x1  }
0xa3: {  	[sflag:s23] =	ssyncset.done $0x0  }
0xa4: {  	s25 =	simm.s32 $0x1B8E;
	s24 =	sld [smem:$0x3FFE];
	[sflag:s23] =	ssyncadd.s32 $0xFFFFFFFF  }
0xa5: {  	s26 =	simm.s32 $execute0_lowered;
	[smem:$0x3FD2] =	sst s25  }
0xa6: {  	s4 =	sshll.u32 s26, $0x1;
	_ =	strace $0x80000046;
	[dreg:$0x1] =	wrdreg $0xFFFFFFFF  }
0xa7: {  	s28 =	simm.s32 $_size_execute0_lowered;
	s2 =	sadd.s32 s2, s4;
	[dreg:$0x0] =	wrdreg $0x0  }
0xa8: {  	s4 =	sshll.u32 s28, $0x1;
	[dreg:$0x2] =	wrdreg s2  }
0xa9: {  	[dreg:$0x3] =	wrdreg s4  }
0xaa: {  	[dreg:$0x4] =	wrdreg $0xC0  }
0xab: {  	_ =	task [dreg:s6], $0x5FFFF  }
0xac: {  	[dreg:$0x1] =	wrdreg $0xFFFFFFFF  }
0xad: {  	[dreg:$0x0] =	wrdreg $0x60  }
0xae: {  	[dreg:$0x2] =	wrdreg s24  }
0xaf: {  	[dreg:$0x3] =	wrdreg $0x2F800  }
0xb0: {  	[dreg:$0x4] =	wrdreg $0x9  }
0xb1: {  	_ =	task.clear_ibuf [dreg:s6], $0x5FFFF;
	_ =	strace $0x90000046  }
0xb2: {  	s29 =	simm.s32 $0x9;
	_ =	strace $0x80000048  }
0xb3: {  	_ =	swait.ge [sflag:s29], $0x1  }
0xb4: {  	[sflag:s29] =	ssyncadd.s32 $0xFFFFFFFF  }
0xb5: {  	_ =	strace $0x90000048  }
0xb6: {  	_ =	sfence  }
0xb7: {  	s30 =	sld [smem:$0x0];
	_ =	sdelay $0x2  }
0xb8: {  	s31 =	sshll.u32 s1, $0xD;
	s1 =	sshrl.u32 s1, $0x2  }
0xb9: {  	s3 =	sand.u32 $0x4000, s31;
	s1 =	sadd.s32 s1, s30  }
0xba: {  	s0 =	sor.u32 s3, s0;
	s1 =	sshll.u32 s1, $0x11  }
0xbb: {  	s0 =	sor.u32 s1, s0  }
0xbc: {  	s0 =	sadd.s32 $0x8F2B, s0  }
0xbd: {  	[sflag:s0] =	ssyncadd.remote.s32 $0x1  }
0xbe: {  	_ =	sfence.sel $0xFFFF  }
0xbf: {  	[dreg:$0x0] =	wrdreg $0xFFFFFFFF;
	(pc) =	sbr.abs _section_cstart, $3  }
0xc0: {  	[dreg:$0x1] =	wrdreg $0xFFFFFFFF  }
0xc1: {  	_ =	task.clear_ibuf [dreg:s6], $0x2FFFF;
	_ =	strace $0x9FFFFFFF  }
0xc2: {  	(tm) =	ssettm $0x7FFFFFFF  }
0xc3: {  	_ =	shalt  }
tec
execute0_lowered:
.L_overlay_start_1:
0x0: {  	(tag) =	ssettag $0x1  }
0x1: {  	s4 =	rddreg [dreg:$0x0]  }
0x2: {  	s0 =	srdreg.scid;
	s2 =	rddreg [dreg:$0x1]  }
0x3: {  	s3 =	simm.s32 $0x0;
	s6 =	sand.u32 $0x1, s0;
	s0 =	stileid.u32  }
0x4: {  	[smem:$0x7FF] =	sst s3;
	s14 =	sadd.s32 $0xC400, s4;
	s9 =	smul.u32 $0x2800, s0  }
0x5: {  	s1 =	sshll.u32 s6, $0x4;
	s29 =	ssub.s32 $0x2, s6;
	s16 =	smul.u32 $0x28000, s6  }
0x6: {  	s5 =	sor.u32 s0, s1;
	s1 =	rddreg [dreg:$0x2];
	_ =	strace $0x80000047  }
0x7: {  	s30 =	sshrl.u32 s29, $0x1;
	s5 =	smul.u32 $0x4F0, s5;
	s11 =	sadd.s32 $0x800, s9  }
0x8: {  	s15 =	ssub.s32 s29, s30;
	s12 =	sadd.s32 $0x1000, s9;
	s13 =	sadd.s32 $0x1800, s9  }
0x9: {  	s17 =	sadd.s32 $0x2000, s9;
	s18 =	sadd.s32 s9, s16;
	s6 =	sadd.s32 s12, s2  }
0xa: {  	s7 =	sadd.s32 s13, s2;
	s8 =	sadd.s32 s17, s2;
	s31 =	sshrl.u32 s18, $0x3  }
0xb: {  	s12 =	sadd.s32 s16, s12;
	s13 =	sadd.s32 s16, s13;
	s15 =	smax.u32 s15, $0x1  }
0xc: {  	s18 =	simm.s32 $0x80;
	s10 =	sadd.s32 s5, s4;
	s4 =	sadd.s32 s9, s2  }
0xd: {  	s5 =	sadd.s32 s11, s2;
	s11 =	sadd.s32 s16, s11;
	s12 =	sshrl.u32 s12, $0x3  }
0xe: {  	s16 =	sadd.s32 s16, s17;
	s13 =	sshrl.u32 s13, $0x3;
	s17 =	simm.s32 $0x1  }
0xf: {  	s9 =	sadd.s32 $0x2600, s10;
	s11 =	sshrl.u32 s11, $0x3;
	s10 =	sadd.s32 s14, s31  }
0x10: {  	s12 =	sadd.s32 s14, s12;
	s16 =	sshrl.u32 s16, $0x3;
	s13 =	sadd.s32 s14, s13  }
0x11: {  	v0 =	vimm.f32 $0.0e+00;
	v1 =	vimm.f32 $1.000000000e+00;
	s11 =	sadd.s32 s14, s11;
	s14 =	sadd.s32 s14, s16;
	s16 =	simm.s32 $0x2780  }
.LBB2_1:
0x12: {  	s19 =	simm.s32 $0x40;
	s20 =	simm.s32 $0x0  }
.LBB2_2:
0x13: {  	p0 =	sne.s32 s19, $0x1FC0;
	[tilespmem:s20+$0x2780] =	vst v0;
	s20 =	smov.u32 s19;
	s19 =	sadd.s32 $0x40, s19  }
.Ltmp0:
0x14: {  	(pc) =	sbr.rel @p0 .LBB2_2-.Ltmp0, $2  }
0x15: {  	_ =	sdelay $0x2  }
0x16: {  	s20 =	sshra.s32 s20, $0x2  }
0x17: {  	[tilespmem:s20+$0x2780] =	vst v0  }
0x18: {  	[spmem:s4] =	stream.linear.scatter [tilespmem:s16], [sflag:$0x1], $0x800, $0x38;
	[tilespmem:$0x5780] =	vst v63  }
0x19: {  	_ =	swait.ge [sflag:s17], $0x800  }
0x1a: {  	[sflag:s17] =	ssyncset.done $0x0  }
0x1b: {  	[sflag:s17] =	ssyncadd.s32 $0xFFFFF800  }
0x1c: {  	[spmem:s5] =	stream.linear.scatter [tilespmem:s16], [sflag:$0x1], $0x800, $0x38;
	[tilespmem:$0x5780] =	vst v63  }
0x1d: {  	_ =	swait.ge [sflag:s17], $0x800  }
0x1e: {  	[sflag:s17] =	ssyncset.done $0x0  }
0x1f: {  	[sflag:s17] =	ssyncadd.s32 $0xFFFFF800  }
0x20: {  	[spmem:s6] =	stream.linear.scatter [tilespmem:s16], [sflag:$0x1], $0x800, $0x38;
	[tilespmem:$0x5780] =	vst v63  }
0x21: {  	_ =	swait.ge [sflag:s17], $0x800  }
0x22: {  	[sflag:s17] =	ssyncset.done $0x0  }
0x23: {  	[sflag:s17] =	ssyncadd.s32 $0xFFFFF800  }
0x24: {  	[spmem:s7] =	stream.linear.scatter [tilespmem:s16], [sflag:$0x1], $0x800, $0x38;
	[tilespmem:$0x5780] =	vst v63  }
0x25: {  	_ =	swait.ge [sflag:s17], $0x800  }
0x26: {  	[sflag:s17] =	ssyncset.done $0x0  }
0x27: {  	[sflag:s17] =	ssyncadd.s32 $0xFFFFF800  }
0x28: {  	[spmem:s8] =	stream.linear.scatter [tilespmem:s16], [sflag:$0x1], $0x800, $0x38;
	[tilespmem:$0x5780] =	vst v63  }
0x29: {  	_ =	swait.ge [sflag:s17], $0x800  }
0x2a: {  	[sflag:s17] =	ssyncset.done $0x0  }
0x2b: {  	s19 =	simm.s32 $0x40;
	s20 =	simm.s32 $0x0;
	[sflag:s17] =	ssyncadd.s32 $0xFFFFF800  }
.LBB2_4:
0x2c: {  	p0 =	sne.s32 s19, $0x1FC0;
	[tilespmem:s20+$0x2780] =	vst v1;
	s20 =	smov.u32 s19;
	s19 =	sadd.s32 $0x40, s19  }
.Ltmp1:
0x2d: {  	(pc) =	sbr.rel @p0 .LBB2_4-.Ltmp1, $2  }
0x2e: {  	_ =	sdelay $0x2  }
0x2f: {  	s20 =	sshra.s32 s20, $0x2  }
0x30: {  	[tilespmem:s20+$0x2780] =	vst v1;
	s19 =	simm.s32 $0x0  }
0x31: {  	[tilespmem:s19], [sflag:$0x1] =	stream.linear.gather [hbm4b:s9+s19], $0x2780, $0x38;
	[tilespmem:$0x5780] =	vst v63  }
0x32: {  	_ =	swait.ge [sflag:s17], $0x2780  }
0x33: {  	[sflag:s17] =	ssyncset.done $0x0  }
0x34: {  	[sflag:s17] =	ssyncadd.s32 $0xFFFFD880  }
0x35: {  	s31 =	simm.s32 $0x0;
	[bflag:$0x0] =	sbarrier.arrive $0xFFFF  }
0x36: {  	[spmem:s2] =	stream.indirect.scatter.add.f32 [tilespmem:s16], [sflag:$0x1], $0x10, s31, s18, $0xb8;
	[tilespmem:$0x5780] =	vst v63  }
0x37: {  	_ =	swait.ge [sflag:s17], $0x800  }
0x38: {  	s19 =	simm.s32 $0x200;
	[sflag:s17] =	ssyncset.done $0x0  }
.LBB2_6:
0x39: {  	s20 =	sshra.s32 s19, $0x2;
	[sflag:s17] =	ssyncadd.s32 $0xFFFFF800;
	p0 =	sne.s32 s19, $0x9C00  }
0x3a: {  	[spmem:s2] =	stream.indirect.scatter.add.f32 [tilespmem:s16], [sflag:$0x1], $0x10, s20, s18, $0xb8;
	[tilespmem:$0x5780] =	vst v63  }
.Ltmp2:
0x3b: {  	_ = 	snop;
	(pc) =	sbr.rel @p0 .LBB2_6-.Ltmp2, $4  }
0x3c: {  	_ = 	snop  }
0x3d: {  	s19 =	sadd.s32 $0x200, s19  }
0x3e: {  	_ =	swait.ge [sflag:s17], $0x800  }
0x3f: {  	[sflag:s17] =	ssyncset.done $0x0  }
0x40: {  	[sflag:s17] =	ssyncadd.s32 $0xFFFFF800;
	s19 =	sshll.u32 s0, $0x6  }
0x41: {  	s20 =	sshrl.u32 s4, $0x3;
	[bflag:$0x0] =	sbarrier.arrive $0xFFFF;
	s19 =	sor.u32 $0x1C01, s19  }
0x42: {  	[hbm:s10], [sflag:s19] =	dma.local [spmem:s20], $0x100  }
0x43: {  	_ =	swait.ge [sflag:s17], $0x100  }
0x44: {  	[sflag:s17] =	ssyncset.done $0x0  }
0x45: {  	s28 =	sshrl.u32 s5, $0x3;
	[sflag:s17] =	ssyncadd.s32 $0xFFFFFF00  }
0x46: {  	[hbm:s11], [sflag:s19] =	dma.local [spmem:s28], $0x100  }
0x47: {  	_ =	swait.ge [sflag:s17], $0x100  }
0x48: {  	[sflag:s17] =	ssyncset.done $0x0  }
0x49: {  	s29 =	sshrl.u32 s6, $0x3;
	[sflag:s17] =	ssyncadd.s32 $0xFFFFFF00  }
0x4a: {  	[hbm:s12], [sflag:s19] =	dma.local [spmem:s29], $0x100  }
0x4b: {  	_ =	swait.ge [sflag:s17], $0x100  }
0x4c: {  	[sflag:s17] =	ssyncset.done $0x0  }
0x4d: {  	s30 =	sshrl.u32 s7, $0x3;
	[sflag:s17] =	ssyncadd.s32 $0xFFFFFF00  }
0x4e: {  	[hbm:s13], [sflag:s19] =	dma.local [spmem:s30], $0x100  }
0x4f: {  	s3 =	sadd.s32 $0x1, s3;
	_ =	swait.ge [sflag:s17], $0x100  }
0x50: {  	p0 =	sne.s32 s3, s15;
	[sflag:s17] =	ssyncset.done $0x0  }
.Ltmp3:
0x51: {  	s31 =	sshrl.u32 s8, $0x3;
	[sflag:s17] =	ssyncadd.s32 $0xFFFFFF00;
	(pc) =	sbr.rel @p0 .LBB2_1-.Ltmp3, $4  }
0x52: {  	[hbm:s14], [sflag:s19] =	dma.local [spmem:s31], $0x100  }
0x53: {  	_ =	swait.ge [sflag:s17], $0x100  }
0x54: {  	[sflag:s17] =	ssyncset.done $0x0  }
0x55: {  	[sflag:s17] =	ssyncadd.s32 $0xFFFFFF00  }
0x56: {  	_ =	sfence.sel $0x180000  }
0x57: {  	[bflag:$0x0] =	sbarrier.arrive $0xFFFF  }
0x58: {  	p0 =	sne.s32 s0, $0x0;
	_ =	strace $0x90000047  }
0x59: {  	s0 =	sadd.s32 @!p0 $0x100000, s1;
	[bflag:$0x2] =	sbarrier.arrive $0xFFFF  }
0x5a: {  	[sflag:s0] =	ssyncadd.tile.s32 @!p0 $0x1;
	_ =	shalt  }
.Lfunc_end2:
_tile_overlayer_lowered:
.L_overlay_start_2:
0x5b: {  	(tag) =	ssettag $0x2  }
0x5c: {  	s0 =	rddreg [dreg:$0x0];
	s2 =	stileid.u32  }
0x5d: {  	s1 =	rddreg [dreg:$0x1];
	p0 =	sne.s32 s2, $0x0  }
0x5e: {  	s3 =	rddreg [dreg:$0x2];
	[bflag:$0x3] =	sbarrier.arrive $0xFFFF;
	s2 =	simm.s32 @!p0 $0x1C01  }
0x5f: {  	[timem:s3], [sflag:s2] =	dma.local @!p0 [hbm:s0], s1  }
0x60: {  	s0 =	simm.s32 @!p0 $0x1  }
0x61: {  	_ =	swait.ge @!p0 [sflag:s0], s1  }
0x62: {  	s1 =	ssub.s32 @!p0 $0x0, s1;
	[sflag:s0] =	ssyncset.done @!p0 $0x0  }
0x63: {  	[sflag:s0] =	ssyncadd.s32 @!p0 s1  }
0x64: {  	[bflag:$0x3] =	sbarrier.arrive $0xFFFF  }
0x65: {  	_ =	shalt  }

</sc_bundles>
